<compile_context>
chip_gen: v7x
topology: tpu7x:2x2x1
jax: 0.10.2.dev20260603
libtpu: 0.0.44.dev20260713+nightly
codegen_flags: <defaults>
</compile_context>

<pallas_src>
import functools

import jax
import jax.numpy as jnp
from jax import lax
from jax.experimental import pallas as pl
from jax.experimental.pallas import tpu as pltpu
from jax.experimental.pallas import tpu_sc as plsc

H = 128
N = 10240
E = 163840
ED = 16
G = 40
VOCAB = 256

EDGE_BLK = 2048
N_BLK = 2048


def _layer0_body(rowm_ref, colm_ref, eaT_ref, emb_ref, encW_ref, encb_ref,
                 eW1_ref, eb1_ref, eW2_ref, eb2_ref,
                 nW1_ref, nb1_ref, nW2_ref, nb2_ref,
                 zW_ref, zb_ref,
                 z_ref, msg_ref):
    rowm = lax.rem(rowm_ref[0, 0, :], VOCAB)
    colm = lax.rem(colm_ref[0, 0, :], VOCAB)
    ids = lax.broadcasted_iota(jnp.int32, (EDGE_BLK, VOCAB), 1)
    oh_r = (ids == rowm[:, None]).astype(jnp.float32)
    oh_c = (ids == colm[:, None]).astype(jnp.float32)
    emb = emb_ref[...]
    xr = jnp.dot(oh_r, emb, preferred_element_type=jnp.float32)
    xc = jnp.dot(oh_c, emb, preferred_element_type=jnp.float32)
    e0 = lax.dot_general(eaT_ref[...], encW_ref[...], (((0,), (0,)), ((), ())),
                         preferred_element_type=jnp.float32) + encb_ref[...]
    W1 = eW1_ref[...]
    h = (jnp.dot(xr, W1[0:H], preferred_element_type=jnp.float32)
         + jnp.dot(xc, W1[H:2 * H], preferred_element_type=jnp.float32)
         + jnp.dot(e0, W1[2 * H:3 * H], preferred_element_type=jnp.float32)
         + eb1_ref[...])
    h = jnp.maximum(h, 0.0)
    e1 = jnp.dot(h, eW2_ref[...], preferred_element_type=jnp.float32) + eb2_ref[...]
    nW1 = nW1_ref[...]
    m = (jnp.dot(xr, nW1[0:H], preferred_element_type=jnp.float32)
         + jnp.dot(e1, nW1[H:2 * H], preferred_element_type=jnp.float32)
         + nb1_ref[...])
    m = jnp.maximum(m, 0.0)
    msg = jnp.dot(m, nW2_ref[...], preferred_element_type=jnp.float32) + nb2_ref[...]
    z = jnp.dot(e1, zW_ref[...], preferred_element_type=jnp.float32) + zb_ref[...]
    z_ref[...] = z.astype(jnp.bfloat16)
    msg_ref[...] = msg


def _layer1_body(yr_ref, z_ref, nW2_ref, nb2_ref, msg_ref):
    m = jnp.maximum(yr_ref[...].astype(jnp.float32) + z_ref[...].astype(jnp.float32), 0.0)
    msg_ref[...] = jnp.dot(m, nW2_ref[...], preferred_element_type=jnp.float32) + nb2_ref[...]


def _head_body(ga_ref, gb_ref, gc_ref, gd_ref,
               rW1_ref, rb1_ref, rW2_ref, rb2_ref, out_ref):
    g = ga_ref[...] + gb_ref[...] + gc_ref[...] + gd_ref[...]
    hmid = jnp.maximum(jnp.dot(g, rW1_ref[...], preferred_element_type=jnp.float32)
                       + rb1_ref[...], 0.0)
    out_ref[...] = jnp.dot(hmid, rW2_ref[...], preferred_element_type=jnp.float32) + rb2_ref[...]


NW = 32
EPW = E // NW
K = 128
CHUNKS = EPW // K
S_BLKR = 128
S_SUB = S_BLKR // K
S_GROUPS = EPW // S_BLKR
G_BLKR = 256
G_SUB = G_BLKR // K
G_GROUPS = EPW // G_BLKR
NPS = N // 16


def _sc_mesh():
    return plsc.VectorSubcoreMesh(core_axis_name="c", subcore_axis_name="s")


def _scatter_call(msg, col3, zrows):
    epw = msg.shape[0] // NW
    sgroups = epw // S_BLKR

    @functools.partial(
        pl.kernel,
        out_type=jax.ShapeDtypeStruct((2, N, H), jnp.float32),
        mesh=_sc_mesh(),
        scratch_types=[
            pltpu.VMEM((2, S_SUB, K), jnp.int32),
            pltpu.VMEM((2, S_BLKR, H), jnp.float32),
            pltpu.VMEM_SHARED((N, H), jnp.float32),
            pltpu.SemaphoreType.DMA,
            pltpu.SemaphoreType.DMA,
            pltpu.SemaphoreType.DMA,
        ],
    )
    def k(msg_hbm, col_hbm, z_hbm, out_hbm, idx_v, rows_v, shared, sf0, sf1, ss):
        cid = lax.axis_index("c")
        sid = lax.axis_index("s")
        wid = sid * 2 + cid
        base_e = wid * epw
        sf = (sf0, sf1)

        pltpu.async_copy(col_hbm.at[wid, pl.ds(0, S_SUB)], idx_v.at[0], sf0)
        pltpu.async_copy(msg_hbm.at[pl.ds(base_e, S_BLKR)], rows_v.at[0], sf0)
        pltpu.sync_copy(z_hbm, shared.at[pl.ds(sid * NPS, NPS)])
        plsc.subcore_barrier()

        @pl.loop(0, sgroups, step=2)
        def _(g):
            for b in range(2):
                gg = g + b
                nb = 1 - b
                pltpu.make_async_copy(col_hbm.at[wid, pl.ds(0, S_SUB)],
                                      idx_v.at[b], sf[b]).wait()
                pltpu.make_async_copy(msg_hbm.at[pl.ds(base_e, S_BLKR)],
                                      rows_v.at[b], sf[b]).wait()

                @pl.when(gg + 1 < sgroups)
                def _():
                    pltpu.async_copy(col_hbm.at[wid, pl.ds((gg + 1) * S_SUB, S_SUB)],
                                     idx_v.at[nb], sf[nb])
                    pltpu.async_copy(
                        msg_hbm.at[pl.ds(base_e + (gg + 1) * S_BLKR, S_BLKR)],
                        rows_v.at[nb], sf[nb])

                for j in range(S_SUB):
                    pltpu.async_copy(rows_v.at[b, pl.ds(j * K, K)],
                                     shared.at[idx_v.at[b, j]], ss, add=True)
                for j in range(S_SUB):
                    pltpu.make_async_copy(rows_v.at[b, pl.ds(j * K, K)],
                                          shared.at[pl.ds(0, K)], ss).wait()

        plsc.subcore_barrier()
        pltpu.sync_copy(shared.at[pl.ds(sid * NPS, NPS)],
                        out_hbm.at[cid, pl.ds(sid * NPS, NPS)])

    return k(msg, col3, zrows)


def _pool_scatter_call(msg, col3, batch, zrows):
    epw = msg.shape[0] // NW
    sgroups = epw // S_BLKR

    @functools.partial(
        pl.kernel,
        out_type=jax.ShapeDtypeStruct((2, G, H), jnp.float32),
        mesh=_sc_mesh(),
        scratch_types=[
            pltpu.VMEM((2, S_SUB, K), jnp.int32),
            pltpu.VMEM((2, S_SUB, K), jnp.int32),
            pltpu.VMEM((2, S_BLKR, H), jnp.float32),
            pltpu.VMEM_SHARED((G, H), jnp.float32),
            pltpu.SemaphoreType.DMA,
            pltpu.SemaphoreType.DMA,
            pltpu.SemaphoreType.DMA,
            pltpu.SemaphoreType.DMA,
            pltpu.SemaphoreType.DMA,
        ],
    )
    def k(msg_hbm, col_hbm, b_hbm, z_hbm, out_hbm,
          idx_v, bc_v, rows_v, gacc, sf0, sf1, sb0, sb1, ss):
        cid = lax.axis_index("c")
        sid = lax.axis_index("s")
        wid = sid * 2 + cid
        base_e = wid * epw
        sf = (sf0, sf1)
        sb = (sb0, sb1)

        pltpu.async_copy(col_hbm.at[wid, pl.ds(0, S_SUB)], idx_v.at[0], sf0)
        pltpu.async_copy(msg_hbm.at[pl.ds(base_e, S_BLKR)], rows_v.at[0], sf0)

        @pl.when(sid == 0)
        def _():
            pltpu.sync_copy(z_hbm.at[pl.ds(0, G)], gacc)

        plsc.subcore_barrier()

        @pl.loop(0, sgroups, step=2)
        def _(g):
            for b in range(2):
                gg = g + b
                nb = 1 - b
                pltpu.make_async_copy(col_hbm.at[wid, pl.ds(0, S_SUB)],
                                      idx_v.at[b], sf[b]).wait()
                pltpu.make_async_copy(msg_hbm.at[pl.ds(base_e, S_BLKR)],
                                      rows_v.at[b], sf[b]).wait()

                for j in range(S_SUB):
                    pltpu.async_copy(b_hbm.at[idx_v.at[b, j]], bc_v.at[b, j], sb[b])

                @pl.when(gg + 1 < sgroups)
                def _():
                    pltpu.async_copy(col_hbm.at[wid, pl.ds((gg + 1) * S_SUB, S_SUB)],
                                     idx_v.at[nb], sf[nb])
                    pltpu.async_copy(
                        msg_hbm.at[pl.ds(base_e + (gg + 1) * S_BLKR, S_BLKR)],
                        rows_v.at[nb], sf[nb])

                for j in range(S_SUB):
                    pltpu.make_async_copy(b_hbm.at[pl.ds(0, K)],
                                          bc_v.at[b, j], sb[b]).wait()
                for j in range(S_SUB):
                    pltpu.async_copy(rows_v.at[b, pl.ds(j * K, K)],
                                     gacc.at[bc_v.at[b, j]], ss, add=True)
                for j in range(S_SUB):
                    pltpu.make_async_copy(msg_hbm.at[pl.ds(0, K)],
                                          rows_v.at[b, pl.ds(j * K, K)], ss).wait()

        plsc.subcore_barrier()

        @pl.when(sid == 0)
        def _():
            pltpu.sync_copy(gacc, out_hbm.at[cid])

    return k(msg, col3, batch, zrows)


def _gather_call(x1, row3):
    nE = row3.shape[0] * row3.shape[1] * row3.shape[2]
    epw = nE // NW
    ggroups = epw // G_BLKR

    @functools.partial(
        pl.kernel,
        out_type=jax.ShapeDtypeStruct((nE, H), jnp.float32),
        mesh=_sc_mesh(),
        scratch_types=[
            pltpu.VMEM((2, G_SUB, K), jnp.int32),
            pltpu.VMEM((2, G_BLKR, H), jnp.float32),
            pltpu.SemaphoreType.DMA,
            pltpu.SemaphoreType.DMA,
            pltpu.SemaphoreType.DMA,
            pltpu.SemaphoreType.DMA,
            pltpu.SemaphoreType.DMA,
        ],
    )
    def k(x_hbm, row_hbm, out_hbm, idx_v, rows_v, si0, si1, sg, so0, so1):
        cid = lax.axis_index("c")
        sid = lax.axis_index("s")
        wid = sid * 2 + cid
        base_e = wid * epw
        si = (si0, si1)
        so = (so0, so1)

        pltpu.async_copy(row_hbm.at[wid, pl.ds(0, G_SUB)], idx_v.at[0], si0)

        @pl.loop(0, ggroups, step=2)
        def _(g):
            for b in range(2):
                gg = g + b
                nb = 1 - b
                pltpu.make_async_copy(row_hbm.at[wid, pl.ds(0, G_SUB)],
                                      idx_v.at[b], si[b]).wait()

                @pl.when(gg + 1 < ggroups)
                def _():
                    pltpu.async_copy(row_hbm.at[wid, pl.ds((gg + 1) * G_SUB, G_SUB)],
                                     idx_v.at[nb], si[nb])

                @pl.when(gg >= 2)
                def _():
                    pltpu.make_async_copy(rows_v.at[b],
                                          out_hbm.at[pl.ds(0, G_BLKR)], so[b]).wait()

                for j in range(G_SUB):
                    pltpu.async_copy(x_hbm.at[idx_v.at[b, j]],
                                     rows_v.at[b, pl.ds(j * K, K)], sg)
                for j in range(G_SUB):
                    pltpu.make_async_copy(x_hbm.at[pl.ds(0, K)],
                                          rows_v.at[b, pl.ds(j * K, K)], sg).wait()
                pltpu.async_copy(rows_v.at[b],
                                 out_hbm.at[pl.ds(base_e + gg * G_BLKR, G_BLKR)], so[b])

        for b in range(2):
            pltpu.make_async_copy(rows_v.at[b],
                                  out_hbm.at[pl.ds(0, G_BLKR)], so[b]).wait()

    return k(x1, row3)


def _combine_body(a_ref, b_ref, c_ref, d_ref, dW_ref, y_ref):
    y_ref[...] = jnp.dot(a_ref[...] + b_ref[...] + c_ref[...] + d_ref[...],
                         dW_ref[...], preferred_element_type=jnp.float32)


def _combine_call(pa, pb, dW):
    grid = (N // N_BLK,)
    nblk = pl.BlockSpec((N_BLK, H), lambda i: (i, 0))
    return pl.pallas_call(
        _combine_body,
        grid=grid,
        in_specs=[nblk, nblk, nblk, nblk, _full((H, H))],
        out_specs=nblk,
        out_shape=jax.ShapeDtypeStruct((N, H), jnp.float32),
    )(pa[0], pa[1], pb[0], pb[1], dW)


def _full(shape):
    return pl.BlockSpec(shape, lambda i: (0,) * len(shape))


def _eblk(width):
    return pl.BlockSpec((EDGE_BLK, width), lambda i: (i, 0))


def _idxblk(width):
    return pl.BlockSpec((1, 1, width), lambda i: (i, 0, 0))


def _layer0_call(rowm, colm, eaT, emb, encW, encb, eW1, eb1, eW2, eb2,
                 nW1, nb1, nW2, nb2, zW, zb):
    nE = eaT.shape[1]
    grid = (nE // EDGE_BLK,)
    return pl.pallas_call(
        _layer0_body,
        grid=grid,
        in_specs=[
            _idxblk(EDGE_BLK), _idxblk(EDGE_BLK),
            pl.BlockSpec((ED, EDGE_BLK), lambda i: (0, i)),
            _full((VOCAB, H)), _full((ED, H)), _full((1, H)),
            _full((3 * H, H)), _full((1, H)), _full((H, H)), _full((1, H)),
            _full((2 * H, H)), _full((1, H)), _full((H, H)), _full((1, H)),
            _full((H, H)), _full((1, H)),
        ],
        out_specs=[_eblk(H), _eblk(H)],
        out_shape=[jax.ShapeDtypeStruct((nE, H), jnp.bfloat16),
                   jax.ShapeDtypeStruct((nE, H), jnp.float32)],
    )(rowm, colm, eaT, emb, encW, encb, eW1, eb1, eW2, eb2, nW1, nb1, nW2, nb2,
      zW, zb)


def _layer1_call(yr, z, nW2, nb2):
    nE = yr.shape[0]
    grid = (nE // EDGE_BLK,)
    return pl.pallas_call(
        _layer1_body,
        grid=grid,
        in_specs=[
            _eblk(H), _eblk(H),
            _full((H, H)), _full((1, H)),
        ],
        out_specs=_eblk(H),
        out_shape=jax.ShapeDtypeStruct((nE, H), jnp.float32),
    )(yr, z, nW2, nb2)


def _head_call(ga, gb, gc, gd, rW1, rb1, rW2, rb2):
    return pl.pallas_call(
        _head_body,
        in_specs=[
            pl.BlockSpec((G, H), lambda: (0, 0)),
            pl.BlockSpec((G, H), lambda: (0, 0)),
            pl.BlockSpec((G, H), lambda: (0, 0)),
            pl.BlockSpec((G, H), lambda: (0, 0)),
            pl.BlockSpec((H, H), lambda: (0, 0)),
            pl.BlockSpec((1, H), lambda: (0, 0)),
            pl.BlockSpec((H, 1), lambda: (0, 0)),
            pl.BlockSpec((1, 1), lambda: (0, 0)),
        ],
        out_specs=pl.BlockSpec((G, 1), lambda: (0, 0)),
        out_shape=jax.ShapeDtypeStruct((G, 1), jnp.float32),
    )(ga, gb, gc, gd, rW1, rb1, rW2, rb2)


def kernel(edge_index, edge_attr, batch, n_items, n_locs, emb, enc_W, enc_b,
           edge_W1, edge_b1, edge_W2, edge_b2,
           node_W1, node_b1, node_W2, node_b2,
           reg_W1, reg_b1, reg_W2, reg_b2):
    row = edge_index[0]
    col = edge_index[1]
    r2 = lambda b: b.reshape(1, H)
    E2 = E // 2

    eaT = edge_attr.T
    coli = col.astype(jnp.int32)
    rowi = row.astype(jnp.int32)
    zrows = jnp.zeros((NPS, H), jnp.float32)
    bi = batch.astype(jnp.int32)

    def idx3(a):
        return a.reshape(a.shape[0] // EDGE_BLK, 1, EDGE_BLK)

    def sc3(a):
        return a.reshape(NW, a.shape[0] // (NW * K), K)

    l0_args = (emb, enc_W, r2(enc_b),
               edge_W1[0], r2(edge_b1[0]), edge_W2[0], r2(edge_b2[0]),
               node_W1[0], r2(node_b1[0]), node_W2[0], r2(node_b2[0]),
               node_W1[1][H:2 * H], r2(node_b1[1]))

    za, msg0a = _layer0_call(idx3(rowi[:E2]), idx3(coli[:E2]), eaT[:, :E2],
                             *l0_args)
    pa = _scatter_call(msg0a, sc3(coli[:E2]), zrows)
    zb, msg0b = _layer0_call(idx3(rowi[E2:]), idx3(coli[E2:]), eaT[:, E2:],
                             *l0_args)
    pb = _scatter_call(msg0b, sc3(coli[E2:]), zrows)

    y = _combine_call(pa, pb, node_W1[1][0:H])

    yra = _gather_call(y, sc3(rowi[:E2]))
    msg1a = _layer1_call(yra, za, node_W2[1], r2(node_b2[1]))
    yrb = _gather_call(y, sc3(rowi[E2:]))
    ga = _pool_scatter_call(msg1a, sc3(coli[:E2]), bi, zrows)
    msg1b = _layer1_call(yrb, zb, node_W2[1], r2(node_b2[1]))
    gb = _pool_scatter_call(msg1b, sc3(coli[E2:]), bi, zrows)

    out = _head_call(ga[0], ga[1], gb[0], gb[1], reg_W1, r2(reg_b1), reg_W2,
                     reg_b2.reshape(1, 1))
    return out.squeeze(-1)

# --- scband reference (transcript-rebuilt; emitter-appended) ---
"""Pipeline reference for scband-graph-regression-model-79748952752475 (READ-ONLY COPY).

The authoritative reference and input builder live on the scoring server;
editing this copy changes nothing except your own understanding.
"""

import jax, jax.numpy as jnp
import numpy as np

H = 128
N = 10240
E = 163840
ED = 16
G = 40
NUM_LAYERS = 1
L = 2 * NUM_LAYERS  # sublayers: [edge_then_node, node_then_edge] per block


def mlp2(h, W1, b1, W2, b2):
    return jnp.maximum(h @ W1 + b1, 0.0) @ W2 + b2


def setup_inputs(seed: int = 0) -> dict:
    key = jax.random.key(seed)
    ks = jax.random.split(key, 24)
    edge_index = jax.random.randint(ks[0], (2, E), 0, N)
    edge_attr = jax.random.normal(ks[1], (E, ED), dtype=jnp.float32)
    batch = jnp.sort(jax.random.randint(ks[2], (N,), 0, G))
    emb = jax.random.normal(ks[3], (256, H), dtype=jnp.float32) * 0.02
    enc_W = jax.random.normal(ks[4], (ED, H), dtype=jnp.float32) * 0.05
    enc_b = jnp.zeros((H,), dtype=jnp.float32)
    edge_W1 = jax.random.normal(ks[5], (L, 3 * H, H), dtype=jnp.float32) * 0.05
    edge_b1 = jnp.zeros((L, H), dtype=jnp.float32)
    edge_W2 = jax.random.normal(ks[6], (L, H, H), dtype=jnp.float32) * 0.05
    edge_b2 = jnp.zeros((L, H), dtype=jnp.float32)
    node_W1 = jax.random.normal(ks[7], (L, 2 * H, H), dtype=jnp.float32) * 0.05
    node_b1 = jnp.zeros((L, H), dtype=jnp.float32)
    node_W2 = jax.random.normal(ks[8], (L, H, H), dtype=jnp.float32) * 0.05
    node_b2 = jnp.zeros((L, H), dtype=jnp.float32)
    reg_W1 = jax.random.normal(ks[9], (H, H), dtype=jnp.float32) * 0.05
    reg_b1 = jnp.zeros((H,), dtype=jnp.float32)
    reg_W2 = jax.random.normal(ks[10], (H, 1), dtype=jnp.float32) * 0.05
    reg_b2 = jnp.zeros((1,), dtype=jnp.float32)
    return {
        "edge_index": edge_index, "edge_attr": edge_attr, "batch": batch,
        "n_items": 128, "n_locs": 128,
        "emb": emb, "enc_W": enc_W, "enc_b": enc_b,
        "edge_W1": edge_W1, "edge_b1": edge_b1, "edge_W2": edge_W2, "edge_b2": edge_b2,
        "node_W1": node_W1, "node_b1": node_b1, "node_W2": node_W2, "node_b2": node_b2,
        "reg_W1": reg_W1, "reg_b1": reg_b1, "reg_W2": reg_W2, "reg_b2": reg_b2,
    }


def reference(edge_index, edge_attr, batch, n_items, n_locs,
              emb, enc_W, enc_b,
              edge_W1, edge_b1, edge_W2, edge_b2,
              node_W1, node_b1, node_W2, node_b2,
              reg_W1, reg_b1, reg_W2, reg_b2):
    nodes_per_graph = n_items + n_locs  # 256 == embedding vocab
    node_ids = jnp.arange(N, dtype=jnp.int32) % nodes_per_graph
    x = jnp.take(emb, node_ids, axis=0)
    e = edge_attr @ enc_W + enc_b
    row, col = edge_index[0], edge_index[1]
    for i in range(L):
        if i % 2 == 0:
            # EdgeThenNodeLayer: update edges first, then aggregate messages
            e = mlp2(jnp.concatenate([x[row], x[col], e], axis=1),
                     edge_W1[i], edge_b1[i], edge_W2[i], edge_b2[i])
            msg = mlp2(jnp.concatenate([x[row], e], axis=1),
                       node_W1[i], node_b1[i], node_W2[i], node_b2[i])
            x = jax.ops.segment_sum(msg, col, num_segments=N)
        else:
            # NodeThenEdgeLayer: aggregate messages first, then update edges
            msg = mlp2(jnp.concatenate([x[row], e], axis=1),
                       node_W1[i], node_b1[i], node_W2[i], node_b2[i])
            x = jax.ops.segment_sum(msg, col, num_segments=N)
            e = mlp2(jnp.concatenate([x[row], x[col], e], axis=1),
                     edge_W1[i], edge_b1[i], edge_W2[i], edge_b2[i])
    g = jax.ops.segment_sum(x, batch, num_segments=G)  # global_add_pool
    out = jnp.maximum(g @ reg_W1 + reg_b1, 0.0) @ reg_W2 + reg_b2
    return out.squeeze(-1)

if __name__ == "__main__":
    import jax
    _d = setup_inputs()
    print(jax.jit(kernel)(*tuple(_d.values())))

</pallas_src>

<mosaic_0001>
#map = affine_map<(d0, d1) -> (0, 0)>
#map1 = affine_map<(d0, d1) -> (0, 0, 0)>
module attributes {stable_mosaic.version = 14 : i64} {
  func.func @k(%arg0: i32, %arg1: i32, %arg2: memref<81920x128xf32, #tpu.memory_space<hbm>>, %arg3: memref<32x20x128xi32, #tpu.memory_space<hbm>>, %arg4: memref<640x128xf32, #tpu.memory_space<hbm>>, %arg5: memref<2x10240x128xf32, #tpu.memory_space<hbm>>, %arg6: memref<2x1x128xi32, #tpu.memory_space<vmem>>, %arg7: memref<2x128x128xf32, #tpu.memory_space<vmem>>, %arg8: memref<10240x128xf32, #tpu.memory_space<vmem_shared>>, %arg9: memref<!tpu.dma_semaphore, #tpu.memory_space<semaphore_mem>>, %arg10: memref<!tpu.dma_semaphore, #tpu.memory_space<semaphore_mem>>, %arg11: memref<!tpu.dma_semaphore, #tpu.memory_space<semaphore_mem>>) attributes {dimension_semantics = [#tpu.dimension_semantics<core_parallel>, #tpu.dimension_semantics<subcore_parallel>], iteration_bounds = array<i64: 2, 16>, scalar_prefetch = 0 : i64, scratch_operands = 6 : i64, tpu.core_type = #tpu.core_type<sc_vector_subcore>, window_params = [{transform_indices = #map}, {transform_indices = #map1}, {transform_indices = #map}, {transform_indices = #map1}]} {
    %mul3A = arith.constant 2 : i32
    %mul3A_0 = arith.muli %arg1, %mul3A : i32
    %add3A = arith.addi %mul3A_0, %arg0 : i32
    %mul3A_1 = arith.constant 2560 : i32
    %mul3A_2 = arith.muli %add3A, %mul3A_1 : i32
    %dma_start3A = arith.constant 0 : i32
    %dma_start3A_3 = arith.constant 0 : i32
    %dma_start3A_4 = arith.constant 0 : i32
    %dma_start3A_5 = tpu.memref_slice %arg6[%dma_start3A, %dma_start3A_3, %dma_start3A_4] : memref<2x1x128xi32, #tpu.memory_space<vmem>> -> memref<1x1x128xi32, #tpu.memory_space<vmem>>
    %dma_start3A_6 = tpu.memref_squeeze %dma_start3A_5 : memref<1x1x128xi32, #tpu.memory_space<vmem>> -> memref<1x128xi32, #tpu.memory_space<vmem>>
    %dma_start3A_7 = arith.constant 0 : i32
    %dma_start3A_8 = arith.constant 0 : i32
    %dma_start3A_9 = tpu.memref_slice %arg3[%add3A, %dma_start3A_7, %dma_start3A_8] : memref<32x20x128xi32, #tpu.memory_space<hbm>> -> memref<1x1x128xi32, #tpu.memory_space<hbm>>
    %dma_start3A_10 = tpu.memref_squeeze %dma_start3A_9 : memref<1x1x128xi32, #tpu.memory_space<hbm>> -> memref<1x128xi32, #tpu.memory_space<hbm>>
    %dma_start3A_11 = arith.constant 0 : i32
    %dma_start3A_12 = arith.constant 0 : i32
    %dma_start3A_13 = tpu.memref_slice %arg6[%dma_start3A, %dma_start3A_11, %dma_start3A_12] : memref<2x1x128xi32, #tpu.memory_space<vmem>> -> memref<1x1x128xi32, #tpu.memory_space<vmem>>
    %dma_start3A_14 = tpu.memref_squeeze %dma_start3A_13 : memref<1x1x128xi32, #tpu.memory_space<vmem>> -> memref<1x128xi32, #tpu.memory_space<vmem>>
    %dma_start3A_15 = arith.constant 0 : i32
    %dma_start3A_16 = arith.constant 0 : i32
    %dma_start3A_17 = tpu.memref_slice %arg3[%add3A, %dma_start3A_15, %dma_start3A_16] : memref<32x20x128xi32, #tpu.memory_space<hbm>> -> memref<1x1x128xi32, #tpu.memory_space<hbm>>
    %dma_start3A_18 = tpu.memref_squeeze %dma_start3A_17 : memref<1x1x128xi32, #tpu.memory_space<hbm>> -> memref<1x128xi32, #tpu.memory_space<hbm>>
    tpu.enqueue_dma source(%dma_start3A_18 : memref<1x128xi32, #tpu.memory_space<hbm>>) target(%dma_start3A_14 : memref<1x128xi32, #tpu.memory_space<vmem>>) target_semaphore(%arg9 : memref<!tpu.dma_semaphore, #tpu.memory_space<semaphore_mem>>)
    %dma_start3A_19 = arith.constant 0 : i32
    %dma_start3A_20 = arith.constant 0 : i32
    %dma_start3A_21 = arith.constant 0 : i32
    %dma_start3A_22 = tpu.memref_slice %arg7[%dma_start3A_19, %dma_start3A_20, %dma_start3A_21] : memref<2x128x128xf32, #tpu.memory_space<vmem>> -> memref<1x128x128xf32, #tpu.memory_space<vmem>>
    %dma_start3A_23 = tpu.memref_squeeze %dma_start3A_22 : memref<1x128x128xf32, #tpu.memory_space<vmem>> -> memref<128x128xf32, #tpu.memory_space<vmem>>
    %dma_start3A_24 = arith.constant 0 : i32
    %dma_start3A_25 = tpu.memref_slice %arg2[%mul3A_2, %dma_start3A_24] : memref<81920x128xf32, #tpu.memory_space<hbm>> -> memref<128x128xf32, #tpu.memory_space<hbm>>
    %dma_start3A_26 = arith.constant 0 : i32
    %dma_start3A_27 = arith.constant 0 : i32
    %dma_start3A_28 = tpu.memref_slice %arg7[%dma_start3A_19, %dma_start3A_26, %dma_start3A_27] : memref<2x128x128xf32, #tpu.memory_space<vmem>> -> memref<1x128x128xf32, #tpu.memory_space<vmem>>
    %dma_start3A_29 = tpu.memref_squeeze %dma_start3A_28 : memref<1x128x128xf32, #tpu.memory_space<vmem>> -> memref<128x128xf32, #tpu.memory_space<vmem>>
    %dma_start3A_30 = arith.constant 0 : i32
    %dma_start3A_31 = tpu.memref_slice %arg2[%mul3A_2, %dma_start3A_30] : memref<81920x128xf32, #tpu.memory_space<hbm>> -> memref<128x128xf32, #tpu.memory_space<hbm>>
    tpu.enqueue_dma source(%dma_start3A_31 : memref<128x128xf32, #tpu.memory_space<hbm>>) target(%dma_start3A_29 : memref<128x128xf32, #tpu.memory_space<vmem>>) target_semaphore(%arg9 : memref<!tpu.dma_semaphore, #tpu.memory_space<semaphore_mem>>)
    %mul3A_32 = arith.constant 640 : i32
    %mul3A_33 = arith.muli %arg1, %mul3A_32 : i32
    "tpu.region"() ({
      %run_scoped3A = tpu.sem_alloc : memref<!tpu.dma_semaphore, #tpu.memory_space<semaphore_mem>>
      %dma_start3A_43 = arith.constant 0 : i32
      %dma_start3A_44 = tpu.memref_slice %arg8[%mul3A_33, %dma_start3A_43] : memref<10240x128xf32, #tpu.memory_space<vmem_shared>> -> memref<640x128xf32, #tpu.memory_space<vmem_shared>>
      tpu.enqueue_dma source(%arg4 : memref<640x128xf32, #tpu.memory_space<hbm>>) target(%dma_start3A_44 : memref<640x128xf32, #tpu.memory_space<vmem_shared>>) target_semaphore(%run_scoped3A : memref<!tpu.dma_semaphore, #tpu.memory_space<semaphore_mem>>)
      %dma_wait3A = arith.constant 0 : i32
      %dma_wait3A_45 = tpu.memref_slice %arg8[%mul3A_33, %dma_wait3A] : memref<10240x128xf32, #tpu.memory_space<vmem_shared>> -> memref<640x128xf32, #tpu.memory_space<vmem_shared>>
      tpu.wait_dma2 semaphore(%run_scoped3A : memref<!tpu.dma_semaphore, #tpu.memory_space<semaphore_mem>>) src(%arg4 : memref<640x128xf32, #tpu.memory_space<hbm>>) dst(%dma_wait3A_45 : memref<640x128xf32, #tpu.memory_space<vmem_shared>>)
      tpu.yield
    }) : () -> ()
    %barrier3A = arith.constant 0 : index
    tpu.barrier barrier_id(%barrier3A)
    %scan3A = arith.constant 0 : i32
    %scan3A_34 = arith.constant 10 : i32
    %scan3A_35 = arith.addi %scan3A, %scan3A_34 : i32
    %scan3A_36 = arith.constant 1 : i32
    scf.for %scan3A_43 = %scan3A to %scan3A_35 step %scan3A_36  : i32 {
      %mul3A_44 = arith.constant 2 : i32
      %mul3A_45 = arith.muli %scan3A_43, %mul3A_44 : i32
      %add3A_46 = arith.constant 0 : i32
      %add3A_47 = arith.addi %add3A_46, %mul3A_45 : i32
      %add3A_48 = arith.constant 0 : i32
      %add3A_49 = arith.addi %add3A_47, %add3A_48 : i32
      %dma_wait3A = arith.constant 0 : i32
      %dma_wait3A_50 = arith.constant 0 : i32
      %dma_wait3A_51 = arith.constant 0 : i32
      %dma_wait3A_52 = tpu.memref_slice %arg6[%dma_wait3A, %dma_wait3A_50, %dma_wait3A_51] : memref<2x1x128xi32, #tpu.memory_space<vmem>> -> memref<1x1x128xi32, #tpu.memory_space<vmem>>
      %dma_wait3A_53 = tpu.memref_squeeze %dma_wait3A_52 : memref<1x1x128xi32, #tpu.memory_space<vmem>> -> memref<1x128xi32, #tpu.memory_space<vmem>>
      %dma_wait3A_54 = arith.constant 0 : i32
      %dma_wait3A_55 = arith.constant 0 : i32
      %dma_wait3A_56 = tpu.memref_slice %arg3[%add3A, %dma_wait3A_54, %dma_wait3A_55] : memref<32x20x128xi32, #tpu.memory_space<hbm>> -> memref<1x1x128xi32, #tpu.memory_space<hbm>>
      %dma_wait3A_57 = tpu.memref_squeeze %dma_wait3A_56 : memref<1x1x128xi32, #tpu.memory_space<hbm>> -> memref<1x128xi32, #tpu.memory_space<hbm>>
      %dma_wait3A_58 = arith.constant 0 : i32
      %dma_wait3A_59 = arith.constant 0 : i32
      %dma_wait3A_60 = tpu.memref_slice %arg6[%dma_wait3A, %dma_wait3A_58, %dma_wait3A_59] : memref<2x1x128xi32, #tpu.memory_space<vmem>> -> memref<1x1x128xi32, #tpu.memory_space<vmem>>
      %dma_wait3A_61 = tpu.memref_squeeze %dma_wait3A_60 : memref<1x1x128xi32, #tpu.memory_space<vmem>> -> memref<1x128xi32, #tpu.memory_space<vmem>>
      %dma_wait3A_62 = arith.constant 0 : i32
      %dma_wait3A_63 = arith.constant 0 : i32
      %dma_wait3A_64 = tpu.memref_slice %arg3[%add3A, %dma_wait3A_62, %dma_wait3A_63] : memref<32x20x128xi32, #tpu.memory_space<hbm>> -> memref<1x1x128xi32, #tpu.memory_space<hbm>>
      %dma_wait3A_65 = tpu.memref_squeeze %dma_wait3A_64 : memref<1x1x128xi32, #tpu.memory_space<hbm>> -> memref<1x128xi32, #tpu.memory_space<hbm>>
      tpu.wait_dma2 semaphore(%arg9 : memref<!tpu.dma_semaphore, #tpu.memory_space<semaphore_mem>>) src(%dma_wait3A_65 : memref<1x128xi32, #tpu.memory_space<hbm>>) dst(%dma_wait3A_61 : memref<1x128xi32, #tpu.memory_space<vmem>>)
      %dma_wait3A_66 = arith.constant 0 : i32
      %dma_wait3A_67 = arith.constant 0 : i32
      %dma_wait3A_68 = arith.constant 0 : i32
      %dma_wait3A_69 = tpu.memref_slice %arg7[%dma_wait3A_66, %dma_wait3A_67, %dma_wait3A_68] : memref<2x128x128xf32, #tpu.memory_space<vmem>> -> memref<1x128x128xf32, #tpu.memory_space<vmem>>
      %dma_wait3A_70 = tpu.memref_squeeze %dma_wait3A_69 : memref<1x128x128xf32, #tpu.memory_space<vmem>> -> memref<128x128xf32, #tpu.memory_space<vmem>>
      %dma_wait3A_71 = arith.constant 0 : i32
      %dma_wait3A_72 = tpu.memref_slice %arg2[%mul3A_2, %dma_wait3A_71] : memref<81920x128xf32, #tpu.memory_space<hbm>> -> memref<128x128xf32, #tpu.memory_space<hbm>>
      %dma_wait3A_73 = arith.constant 0 : i32
      %dma_wait3A_74 = arith.constant 0 : i32
      %dma_wait3A_75 = tpu.memref_slice %arg7[%dma_wait3A_66, %dma_wait3A_73, %dma_wait3A_74] : memref<2x128x128xf32, #tpu.memory_space<vmem>> -> memref<1x128x128xf32, #tpu.memory_space<vmem>>
      %dma_wait3A_76 = tpu.memref_squeeze %dma_wait3A_75 : memref<1x128x128xf32, #tpu.memory_space<vmem>> -> memref<128x128xf32, #tpu.memory_space<vmem>>
      %dma_wait3A_77 = arith.constant 0 : i32
      %dma_wait3A_78 = tpu.memref_slice %arg2[%mul3A_2, %dma_wait3A_77] : memref<81920x128xf32, #tpu.memory_space<hbm>> -> memref<128x128xf32, #tpu.memory_space<hbm>>
      tpu.wait_dma2 semaphore(%arg9 : memref<!tpu.dma_semaphore, #tpu.memory_space<semaphore_mem>>) src(%dma_wait3A_78 : memref<128x128xf32, #tpu.memory_space<hbm>>) dst(%dma_wait3A_76 : memref<128x128xf32, #tpu.memory_space<vmem>>)
      %add3A_79 = arith.constant 1 : i32
      %add3A_80 = arith.addi %add3A_49, %add3A_79 : i32
      %lt3A = arith.constant 20 : i32
      %lt3A_81 = arith.cmpi slt, %add3A_80, %lt3A : i32
      %convert_element_type3A = arith.extui %lt3A_81 : i1 to i32
      %cond3A = arith.constant 0 : i32
      %cond3A_82 = arith.cmpi ne, %convert_element_type3A, %cond3A : i32
      scf.if %cond3A_82 {
        %add3A_178 = arith.constant 1 : i32
        %add3A_179 = arith.addi %add3A_49, %add3A_178 : i32
        %mul3A_180 = arith.constant 1 : i32
        %mul3A_181 = arith.muli %add3A_179, %mul3A_180 : i32
        %dma_start3A_182 = arith.constant 1 : i32
        %dma_start3A_183 = arith.constant 0 : i32
        %dma_start3A_184 = arith.constant 0 : i32
        %dma_start3A_185 = tpu.memref_slice %arg6[%dma_start3A_182, %dma_start3A_183, %dma_start3A_184] : memref<2x1x128xi32, #tpu.memory_space<vmem>> -> memref<1x1x128xi32, #tpu.memory_space<vmem>>
        %dma_start3A_186 = tpu.memref_squeeze %dma_start3A_185 : memref<1x1x128xi32, #tpu.memory_space<vmem>> -> memref<1x128xi32, #tpu.memory_space<vmem>>
        %dma_start3A_187 = arith.constant 0 : i32
        %dma_start3A_188 = tpu.memref_slice %arg3[%add3A, %mul3A_181, %dma_start3A_187] : memref<32x20x128xi32, #tpu.memory_space<hbm>> -> memref<1x1x128xi32, #tpu.memory_space<hbm>>
        %dma_start3A_189 = tpu.memref_squeeze %dma_start3A_188 : memref<1x1x128xi32, #tpu.memory_space<hbm>> -> memref<1x128xi32, #tpu.memory_space<hbm>>
        %dma_start3A_190 = arith.constant 0 : i32
        %dma_start3A_191 = arith.constant 0 : i32
        %dma_start3A_192 = tpu.memref_slice %arg6[%dma_start3A_182, %dma_start3A_190, %dma_start3A_191] : memref<2x1x128xi32, #tpu.memory_space<vmem>> -> memref<1x1x128xi32, #tpu.memory_space<vmem>>
        %dma_start3A_193 = tpu.memref_squeeze %dma_start3A_192 : memref<1x1x128xi32, #tpu.memory_space<vmem>> -> memref<1x128xi32, #tpu.memory_space<vmem>>
        %dma_start3A_194 = arith.constant 0 : i32
        %dma_start3A_195 = tpu.memref_slice %arg3[%add3A, %mul3A_181, %dma_start3A_194] : memref<32x20x128xi32, #tpu.memory_space<hbm>> -> memref<1x1x128xi32, #tpu.memory_space<hbm>>
        %dma_start3A_196 = tpu.memref_squeeze %dma_start3A_195 : memref<1x1x128xi32, #tpu.memory_space<hbm>> -> memref<1x128xi32, #tpu.memory_space<hbm>>
        tpu.enqueue_dma source(%dma_start3A_196 : memref<1x128xi32, #tpu.memory_space<hbm>>) target(%dma_start3A_193 : memref<1x128xi32, #tpu.memory_space<vmem>>) target_semaphore(%arg10 : memref<!tpu.dma_semaphore, #tpu.memory_space<semaphore_mem>>)
        %add3A_197 = arith.constant 1 : i32
        %add3A_198 = arith.addi %add3A_49, %add3A_197 : i32
        %mul3A_199 = arith.constant 128 : i32
        %mul3A_200 = arith.muli %add3A_198, %mul3A_199 : i32
        %add3A_201 = arith.addi %mul3A_2, %mul3A_200 : i32
        %dma_start3A_202 = arith.constant 1 : i32
        %dma_start3A_203 = arith.constant 0 : i32
        %dma_start3A_204 = arith.constant 0 : i32
        %dma_start3A_205 = tpu.memref_slice %arg7[%dma_start3A_202, %dma_start3A_203, %dma_start3A_204] : memref<2x128x128xf32, #tpu.memory_space<vmem>> -> memref<1x128x128xf32, #tpu.memory_space<vmem>>
        %dma_start3A_206 = tpu.memref_squeeze %dma_start3A_205 : memref<1x128x128xf32, #tpu.memory_space<vmem>> -> memref<128x128xf32, #tpu.memory_space<vmem>>
        %dma_start3A_207 = arith.constant 0 : i32
        %dma_start3A_208 = tpu.memref_slice %arg2[%add3A_201, %dma_start3A_207] : memref<81920x128xf32, #tpu.memory_space<hbm>> -> memref<128x128xf32, #tpu.memory_space<hbm>>
        %dma_start3A_209 = arith.constant 0 : i32
        %dma_start3A_210 = arith.constant 0 : i32
        %dma_start3A_211 = tpu.memref_slice %arg7[%dma_start3A_202, %dma_start3A_209, %dma_start3A_210] : memref<2x128x128xf32, #tpu.memory_space<vmem>> -> memref<1x128x128xf32, #tpu.memory_space<vmem>>
        %dma_start3A_212 = tpu.memref_squeeze %dma_start3A_211 : memref<1x128x128xf32, #tpu.memory_space<vmem>> -> memref<128x128xf32, #tpu.memory_space<vmem>>
        %dma_start3A_213 = arith.constant 0 : i32
        %dma_start3A_214 = tpu.memref_slice %arg2[%add3A_201, %dma_start3A_213] : memref<81920x128xf32, #tpu.memory_space<hbm>> -> memref<128x128xf32, #tpu.memory_space<hbm>>
        tpu.enqueue_dma source(%dma_start3A_214 : memref<128x128xf32, #tpu.memory_space<hbm>>) target(%dma_start3A_212 : memref<128x128xf32, #tpu.memory_space<vmem>>) target_semaphore(%arg10 : memref<!tpu.dma_semaphore, #tpu.memory_space<semaphore_mem>>)
      } else {
      }
      %dma_start3A_83 = arith.constant 0 : i32
      %dma_start3A_84 = arith.constant 0 : i32
      %dma_start3A_85 = arith.constant 0 : i32
      %dma_start3A_86 = arith.constant 0 : i32
      %dma_start3A_87 = arith.constant 0 : i32
      %dma_start3A_88 = tpu.memref_slice %arg7[%dma_start3A_83, %dma_start3A_86, %dma_start3A_87] : memref<2x128x128xf32, #tpu.memory_space<vmem>> -> memref<1x128x128xf32, #tpu.memory_space<vmem>>
      %dma_start3A_89 = tpu.memref_squeeze %dma_start3A_88 : memref<1x128x128xf32, #tpu.memory_space<vmem>> -> memref<128x128xf32, #tpu.memory_space<vmem>>
      %dma_start3A_90 = arith.constant 0 : i32
      %dma_start3A_91 = tpu.memref_slice %arg6[%dma_start3A_84, %dma_start3A_85, %dma_start3A_90] : memref<2x1x128xi32, #tpu.memory_space<vmem>> -> memref<1x1x128xi32, #tpu.memory_space<vmem>>
      %dma_start3A_92 = tpu.memref_squeeze %dma_start3A_91 : memref<1x1x128xi32, #tpu.memory_space<vmem>> -> memref<128xi32, #tpu.memory_space<vmem>>
      %dma_start3A_93 = arith.constant 0 : i32
      %dma_start3A_94 = arith.constant 0 : i32
      %dma_start3A_95 = tpu.memref_slice %arg8[%dma_start3A_93, %dma_start3A_94] : memref<10240x128xf32, #tpu.memory_space<vmem_shared>> -> memref<10240x128xf32, #tpu.memory_space<vmem_shared>>
      tpu.enqueue_indirect_dma source(%dma_start3A_89 : memref<128x128xf32, #tpu.memory_space<vmem>>) target(%dma_start3A_95 : memref<10240x128xf32, #tpu.memory_space<vmem_shared>>) offsets(%dma_start3A_92 : memref<128xi32, #tpu.memory_space<vmem>>) semaphore(%arg11 : memref<!tpu.dma_semaphore, #tpu.memory_space<semaphore_mem>>) {add = true}
      %dma_wait3A_96 = arith.constant 0 : i32
      %dma_wait3A_97 = arith.constant 0 : i32
      %dma_wait3A_98 = arith.constant 0 : i32
      %dma_wait3A_99 = tpu.memref_slice %arg7[%dma_wait3A_96, %dma_wait3A_97, %dma_wait3A_98] : memref<2x128x128xf32, #tpu.memory_space<vmem>> -> memref<1x128x128xf32, #tpu.memory_space<vmem>>
      %dma_wait3A_100 = tpu.memref_squeeze %dma_wait3A_99 : memref<1x128x128xf32, #tpu.memory_space<vmem>> -> memref<128x128xf32, #tpu.memory_space<vmem>>
      %dma_wait3A_101 = arith.constant 0 : i32
      %dma_wait3A_102 = arith.constant 0 : i32
      %dma_wait3A_103 = tpu.memref_slice %arg8[%dma_wait3A_101, %dma_wait3A_102] : memref<10240x128xf32, #tpu.memory_space<vmem_shared>> -> memref<128x128xf32, #tpu.memory_space<vmem_shared>>
      %dma_wait3A_104 = arith.constant 0 : i32
      %dma_wait3A_105 = arith.constant 0 : i32
      %dma_wait3A_106 = tpu.memref_slice %arg8[%dma_wait3A_104, %dma_wait3A_105] : memref<10240x128xf32, #tpu.memory_space<vmem_shared>> -> memref<128x128xf32, #tpu.memory_space<vmem_shared>>
      %dma_wait3A_107 = arith.constant 0 : i32
      %dma_wait3A_108 = arith.constant 0 : i32
      %dma_wait3A_109 = tpu.memref_slice %arg7[%dma_wait3A_96, %dma_wait3A_107, %dma_wait3A_108] : memref<2x128x128xf32, #tpu.memory_space<vmem>> -> memref<1x128x128xf32, #tpu.memory_space<vmem>>
      %dma_wait3A_110 = tpu.memref_squeeze %dma_wait3A_109 : memref<1x128x128xf32, #tpu.memory_space<vmem>> -> memref<128x128xf32, #tpu.memory_space<vmem>>
      tpu.wait_dma2 semaphore(%arg11 : memref<!tpu.dma_semaphore, #tpu.memory_space<semaphore_mem>>) src(%dma_wait3A_110 : memref<128x128xf32, #tpu.memory_space<vmem>>) dst(%dma_wait3A_106 : memref<128x128xf32, #tpu.memory_space<vmem_shared>>)
      %add3A_111 = arith.constant 1 : i32
      %add3A_112 = arith.addi %add3A_47, %add3A_111 : i32
      %dma_wait3A_113 = arith.constant 1 : i32
      %dma_wait3A_114 = arith.constant 0 : i32
      %dma_wait3A_115 = arith.constant 0 : i32
      %dma_wait3A_116 = tpu.memref_slice %arg6[%dma_wait3A_113, %dma_wait3A_114, %dma_wait3A_115] : memref<2x1x128xi32, #tpu.memory_space<vmem>> -> memref<1x1x128xi32, #tpu.memory_space<vmem>>
      %dma_wait3A_117 = tpu.memref_squeeze %dma_wait3A_116 : memref<1x1x128xi32, #tpu.memory_space<vmem>> -> memref<1x128xi32, #tpu.memory_space<vmem>>
      %dma_wait3A_118 = arith.constant 0 : i32
      %dma_wait3A_119 = arith.constant 0 : i32
      %dma_wait3A_120 = tpu.memref_slice %arg3[%add3A, %dma_wait3A_118, %dma_wait3A_119] : memref<32x20x128xi32, #tpu.memory_space<hbm>> -> memref<1x1x128xi32, #tpu.memory_space<hbm>>
      %dma_wait3A_121 = tpu.memref_squeeze %dma_wait3A_120 : memref<1x1x128xi32, #tpu.memory_space<hbm>> -> memref<1x128xi32, #tpu.memory_space<hbm>>
      %dma_wait3A_122 = arith.constant 0 : i32
      %dma_wait3A_123 = arith.constant 0 : i32
      %dma_wait3A_124 = tpu.memref_slice %arg6[%dma_wait3A_113, %dma_wait3A_122, %dma_wait3A_123] : memref<2x1x128xi32, #tpu.memory_space<vmem>> -> memref<1x1x128xi32, #tpu.memory_space<vmem>>
      %dma_wait3A_125 = tpu.memref_squeeze %dma_wait3A_124 : memref<1x1x128xi32, #tpu.memory_space<vmem>> -> memref<1x128xi32, #tpu.memory_space<vmem>>
      %dma_wait3A_126 = arith.constant 0 : i32
      %dma_wait3A_127 = arith.constant 0 : i32
      %dma_wait3A_128 = tpu.memref_slice %arg3[%add3A, %dma_wait3A_126, %dma_wait3A_127] : memref<32x20x128xi32, #tpu.memory_space<hbm>> -> memref<1x1x128xi32, #tpu.memory_space<hbm>>
      %dma_wait3A_129 = tpu.memref_squeeze %dma_wait3A_128 : memref<1x1x128xi32, #tpu.memory_space<hbm>> -> memref<1x128xi32, #tpu.memory_space<hbm>>
      tpu.wait_dma2 semaphore(%arg10 : memref<!tpu.dma_semaphore, #tpu.memory_space<semaphore_mem>>) src(%dma_wait3A_129 : memref<1x128xi32, #tpu.memory_space<hbm>>) dst(%dma_wait3A_125 : memref<1x128xi32, #tpu.memory_space<vmem>>)
      %dma_wait3A_130 = arith.constant 1 : i32
      %dma_wait3A_131 = arith.constant 0 : i32
      %dma_wait3A_132 = arith.constant 0 : i32
      %dma_wait3A_133 = tpu.memref_slice %arg7[%dma_wait3A_130, %dma_wait3A_131, %dma_wait3A_132] : memref<2x128x128xf32, #tpu.memory_space<vmem>> -> memref<1x128x128xf32, #tpu.memory_space<vmem>>
      %dma_wait3A_134 = tpu.memref_squeeze %dma_wait3A_133 : memref<1x128x128xf32, #tpu.memory_space<vmem>> -> memref<128x128xf32, #tpu.memory_space<vmem>>
      %dma_wait3A_135 = arith.constant 0 : i32
      %dma_wait3A_136 = tpu.memref_slice %arg2[%mul3A_2, %dma_wait3A_135] : memref<81920x128xf32, #tpu.memory_space<hbm>> -> memref<128x128xf32, #tpu.memory_space<hbm>>
      %dma_wait3A_137 = arith.constant 0 : i32
      %dma_wait3A_138 = arith.constant 0 : i32
      %dma_wait3A_139 = tpu.memref_slice %arg7[%dma_wait3A_130, %dma_wait3A_137, %dma_wait3A_138] : memref<2x128x128xf32, #tpu.memory_space<vmem>> -> memref<1x128x128xf32, #tpu.memory_space<vmem>>
      %dma_wait3A_140 = tpu.memref_squeeze %dma_wait3A_139 : memref<1x128x128xf32, #tpu.memory_space<vmem>> -> memref<128x128xf32, #tpu.memory_space<vmem>>
      %dma_wait3A_141 = arith.constant 0 : i32
      %dma_wait3A_142 = tpu.memref_slice %arg2[%mul3A_2, %dma_wait3A_141] : memref<81920x128xf32, #tpu.memory_space<hbm>> -> memref<128x128xf32, #tpu.memory_space<hbm>>
      tpu.wait_dma2 semaphore(%arg10 : memref<!tpu.dma_semaphore, #tpu.memory_space<semaphore_mem>>) src(%dma_wait3A_142 : memref<128x128xf32, #tpu.memory_space<hbm>>) dst(%dma_wait3A_140 : memref<128x128xf32, #tpu.memory_space<vmem>>)
      %add3A_143 = arith.constant 1 : i32
      %add3A_144 = arith.addi %add3A_112, %add3A_143 : i32
      %lt3A_145 = arith.constant 20 : i32
      %lt3A_146 = arith.cmpi slt, %add3A_144, %lt3A_145 : i32
      %convert_element_type3A_147 = arith.extui %lt3A_146 : i1 to i32
      %cond3A_148 = arith.constant 0 : i32
      %cond3A_149 = arith.cmpi ne, %convert_element_type3A_147, %cond3A_148 : i32
      scf.if %cond3A_149 {
        %add3A_178 = arith.constant 1 : i32
        %add3A_179 = arith.addi %add3A_112, %add3A_178 : i32
        %mul3A_180 = arith.constant 1 : i32
        %mul3A_181 = arith.muli %add3A_179, %mul3A_180 : i32
        %dma_start3A_182 = arith.constant 0 : i32
        %dma_start3A_183 = arith.constant 0 : i32
        %dma_start3A_184 = arith.constant 0 : i32
        %dma_start3A_185 = tpu.memref_slice %arg6[%dma_start3A_182, %dma_start3A_183, %dma_start3A_184] : memref<2x1x128xi32, #tpu.memory_space<vmem>> -> memref<1x1x128xi32, #tpu.memory_space<vmem>>
        %dma_start3A_186 = tpu.memref_squeeze %dma_start3A_185 : memref<1x1x128xi32, #tpu.memory_space<vmem>> -> memref<1x128xi32, #tpu.memory_space<vmem>>
        %dma_start3A_187 = arith.constant 0 : i32
        %dma_start3A_188 = tpu.memref_slice %arg3[%add3A, %mul3A_181, %dma_start3A_187] : memref<32x20x128xi32, #tpu.memory_space<hbm>> -> memref<1x1x128xi32, #tpu.memory_space<hbm>>
        %dma_start3A_189 = tpu.memref_squeeze %dma_start3A_188 : memref<1x1x128xi32, #tpu.memory_space<hbm>> -> memref<1x128xi32, #tpu.memory_space<hbm>>
        %dma_start3A_190 = arith.constant 0 : i32
        %dma_start3A_191 = arith.constant 0 : i32
        %dma_start3A_192 = tpu.memref_slice %arg6[%dma_start3A_182, %dma_start3A_190, %dma_start3A_191] : memref<2x1x128xi32, #tpu.memory_space<vmem>> -> memref<1x1x128xi32, #tpu.memory_space<vmem>>
        %dma_start3A_193 = tpu.memref_squeeze %dma_start3A_192 : memref<1x1x128xi32, #tpu.memory_space<vmem>> -> memref<1x128xi32, #tpu.memory_space<vmem>>
        %dma_start3A_194 = arith.constant 0 : i32
        %dma_start3A_195 = tpu.memref_slice %arg3[%add3A, %mul3A_181, %dma_start3A_194] : memref<32x20x128xi32, #tpu.memory_space<hbm>> -> memref<1x1x128xi32, #tpu.memory_space<hbm>>
        %dma_start3A_196 = tpu.memref_squeeze %dma_start3A_195 : memref<1x1x128xi32, #tpu.memory_space<hbm>> -> memref<1x128xi32, #tpu.memory_space<hbm>>
        tpu.enqueue_dma source(%dma_start3A_196 : memref<1x128xi32, #tpu.memory_space<hbm>>) target(%dma_start3A_193 : memref<1x128xi32, #tpu.memory_space<vmem>>) target_semaphore(%arg9 : memref<!tpu.dma_semaphore, #tpu.memory_space<semaphore_mem>>)
        %add3A_197 = arith.constant 1 : i32
        %add3A_198 = arith.addi %add3A_112, %add3A_197 : i32
        %mul3A_199 = arith.constant 128 : i32
        %mul3A_200 = arith.muli %add3A_198, %mul3A_199 : i32
        %add3A_201 = arith.addi %mul3A_2, %mul3A_200 : i32
        %dma_start3A_202 = arith.constant 0 : i32
        %dma_start3A_203 = arith.constant 0 : i32
        %dma_start3A_204 = arith.constant 0 : i32
        %dma_start3A_205 = tpu.memref_slice %arg7[%dma_start3A_202, %dma_start3A_203, %dma_start3A_204] : memref<2x128x128xf32, #tpu.memory_space<vmem>> -> memref<1x128x128xf32, #tpu.memory_space<vmem>>
        %dma_start3A_206 = tpu.memref_squeeze %dma_start3A_205 : memref<1x128x128xf32, #tpu.memory_space<vmem>> -> memref<128x128xf32, #tpu.memory_space<vmem>>
        %dma_start3A_207 = arith.constant 0 : i32
        %dma_start3A_208 = tpu.memref_slice %arg2[%add3A_201, %dma_start3A_207] : memref<81920x128xf32, #tpu.memory_space<hbm>> -> memref<128x128xf32, #tpu.memory_space<hbm>>
        %dma_start3A_209 = arith.constant 0 : i32
        %dma_start3A_210 = arith.constant 0 : i32
        %dma_start3A_211 = tpu.memref_slice %arg7[%dma_start3A_202, %dma_start3A_209, %dma_start3A_210] : memref<2x128x128xf32, #tpu.memory_space<vmem>> -> memref<1x128x128xf32, #tpu.memory_space<vmem>>
        %dma_start3A_212 = tpu.memref_squeeze %dma_start3A_211 : memref<1x128x128xf32, #tpu.memory_space<vmem>> -> memref<128x128xf32, #tpu.memory_space<vmem>>
        %dma_start3A_213 = arith.constant 0 : i32
        %dma_start3A_214 = tpu.memref_slice %arg2[%add3A_201, %dma_start3A_213] : memref<81920x128xf32, #tpu.memory_space<hbm>> -> memref<128x128xf32, #tpu.memory_space<hbm>>
        tpu.enqueue_dma source(%dma_start3A_214 : memref<128x128xf32, #tpu.memory_space<hbm>>) target(%dma_start3A_212 : memref<128x128xf32, #tpu.memory_space<vmem>>) target_semaphore(%arg9 : memref<!tpu.dma_semaphore, #tpu.memory_space<semaphore_mem>>)
      } else {
      }
      %dma_start3A_150 = arith.constant 1 : i32
      %dma_start3A_151 = arith.constant 1 : i32
      %dma_start3A_152 = arith.constant 0 : i32
      %dma_start3A_153 = arith.constant 0 : i32
      %dma_start3A_154 = arith.constant 0 : i32
      %dma_start3A_155 = tpu.memref_slice %arg7[%dma_start3A_150, %dma_start3A_153, %dma_start3A_154] : memref<2x128x128xf32, #tpu.memory_space<vmem>> -> memref<1x128x128xf32, #tpu.memory_space<vmem>>
      %dma_start3A_156 = tpu.memref_squeeze %dma_start3A_155 : memref<1x128x128xf32, #tpu.memory_space<vmem>> -> memref<128x128xf32, #tpu.memory_space<vmem>>
      %dma_start3A_157 = arith.constant 0 : i32
      %dma_start3A_158 = tpu.memref_slice %arg6[%dma_start3A_151, %dma_start3A_152, %dma_start3A_157] : memref<2x1x128xi32, #tpu.memory_space<vmem>> -> memref<1x1x128xi32, #tpu.memory_space<vmem>>
      %dma_start3A_159 = tpu.memref_squeeze %dma_start3A_158 : memref<1x1x128xi32, #tpu.memory_space<vmem>> -> memref<128xi32, #tpu.memory_space<vmem>>
      %dma_start3A_160 = arith.constant 0 : i32
      %dma_start3A_161 = arith.constant 0 : i32
      %dma_start3A_162 = tpu.memref_slice %arg8[%dma_start3A_160, %dma_start3A_161] : memref<10240x128xf32, #tpu.memory_space<vmem_shared>> -> memref<10240x128xf32, #tpu.memory_space<vmem_shared>>
      tpu.enqueue_indirect_dma source(%dma_start3A_156 : memref<128x128xf32, #tpu.memory_space<vmem>>) target(%dma_start3A_162 : memref<10240x128xf32, #tpu.memory_space<vmem_shared>>) offsets(%dma_start3A_159 : memref<128xi32, #tpu.memory_space<vmem>>) semaphore(%arg11 : memref<!tpu.dma_semaphore, #tpu.memory_space<semaphore_mem>>) {add = true}
      %dma_wait3A_163 = arith.constant 1 : i32
      %dma_wait3A_164 = arith.constant 0 : i32
      %dma_wait3A_165 = arith.constant 0 : i32
      %dma_wait3A_166 = tpu.memref_slice %arg7[%dma_wait3A_163, %dma_wait3A_164, %dma_wait3A_165] : memref<2x128x128xf32, #tpu.memory_space<vmem>> -> memref<1x128x128xf32, #tpu.memory_space<vmem>>
      %dma_wait3A_167 = tpu.memref_squeeze %dma_wait3A_166 : memref<1x128x128xf32, #tpu.memory_space<vmem>> -> memref<128x128xf32, #tpu.memory_space<vmem>>
      %dma_wait3A_168 = arith.constant 0 : i32
      %dma_wait3A_169 = arith.constant 0 : i32
      %dma_wait3A_170 = tpu.memref_slice %arg8[%dma_wait3A_168, %dma_wait3A_169] : memref<10240x128xf32, #tpu.memory_space<vmem_shared>> -> memref<128x128xf32, #tpu.memory_space<vmem_shared>>
      %dma_wait3A_171 = arith.constant 0 : i32
      %dma_wait3A_172 = arith.constant 0 : i32
      %dma_wait3A_173 = tpu.memref_slice %arg8[%dma_wait3A_171, %dma_wait3A_172] : memref<10240x128xf32, #tpu.memory_space<vmem_shared>> -> memref<128x128xf32, #tpu.memory_space<vmem_shared>>
      %dma_wait3A_174 = arith.constant 0 : i32
      %dma_wait3A_175 = arith.constant 0 : i32
      %dma_wait3A_176 = tpu.memref_slice %arg7[%dma_wait3A_163, %dma_wait3A_174, %dma_wait3A_175] : memref<2x128x128xf32, #tpu.memory_space<vmem>> -> memref<1x128x128xf32, #tpu.memory_space<vmem>>
      %dma_wait3A_177 = tpu.memref_squeeze %dma_wait3A_176 : memref<1x128x128xf32, #tpu.memory_space<vmem>> -> memref<128x128xf32, #tpu.memory_space<vmem>>
      tpu.wait_dma2 semaphore(%arg11 : memref<!tpu.dma_semaphore, #tpu.memory_space<semaphore_mem>>) src(%dma_wait3A_177 : memref<128x128xf32, #tpu.memory_space<vmem>>) dst(%dma_wait3A_173 : memref<128x128xf32, #tpu.memory_space<vmem_shared>>)
    }
    %scan3A_37 = arith.constant 10 : i32
    %barrier3A_38 = arith.constant 0 : index
    tpu.barrier barrier_id(%barrier3A_38)
    %mul3A_39 = arith.constant 640 : i32
    %mul3A_40 = arith.muli %arg1, %mul3A_39 : i32
    %mul3A_41 = arith.constant 640 : i32
    %mul3A_42 = arith.muli %arg1, %mul3A_41 : i32
    "tpu.region"() ({
      %run_scoped3A = tpu.sem_alloc : memref<!tpu.dma_semaphore, #tpu.memory_space<semaphore_mem>>
      %dma_start3A_43 = arith.constant 0 : i32
      %dma_start3A_44 = tpu.memref_slice %arg5[%arg0, %mul3A_42, %dma_start3A_43] : memref<2x10240x128xf32, #tpu.memory_space<hbm>> -> memref<1x640x128xf32, #tpu.memory_space<hbm>>
      %dma_start3A_45 = tpu.memref_squeeze %dma_start3A_44 : memref<1x640x128xf32, #tpu.memory_space<hbm>> -> memref<640x128xf32, #tpu.memory_space<hbm>>
      %dma_start3A_46 = arith.constant 0 : i32
      %dma_start3A_47 = tpu.memref_slice %arg8[%mul3A_40, %dma_start3A_46] : memref<10240x128xf32, #tpu.memory_space<vmem_shared>> -> memref<640x128xf32, #tpu.memory_space<vmem_shared>>
      tpu.enqueue_dma source(%dma_start3A_47 : memref<640x128xf32, #tpu.memory_space<vmem_shared>>) target(%dma_start3A_45 : memref<640x128xf32, #tpu.memory_space<hbm>>) target_semaphore(%run_scoped3A : memref<!tpu.dma_semaphore, #tpu.memory_space<semaphore_mem>>)
      %dma_wait3A = arith.constant 0 : i32
      %dma_wait3A_48 = tpu.memref_slice %arg5[%arg0, %mul3A_42, %dma_wait3A] : memref<2x10240x128xf32, #tpu.memory_space<hbm>> -> memref<1x640x128xf32, #tpu.memory_space<hbm>>
      %dma_wait3A_49 = tpu.memref_squeeze %dma_wait3A_48 : memref<1x640x128xf32, #tpu.memory_space<hbm>> -> memref<640x128xf32, #tpu.memory_space<hbm>>
      %dma_wait3A_50 = arith.constant 0 : i32
      %dma_wait3A_51 = tpu.memref_slice %arg8[%mul3A_40, %dma_wait3A_50] : memref<10240x128xf32, #tpu.memory_space<vmem_shared>> -> memref<640x128xf32, #tpu.memory_space<vmem_shared>>
      tpu.wait_dma2 semaphore(%run_scoped3A : memref<!tpu.dma_semaphore, #tpu.memory_space<semaphore_mem>>) src(%dma_wait3A_51 : memref<640x128xf32, #tpu.memory_space<vmem_shared>>) dst(%dma_wait3A_49 : memref<640x128xf32, #tpu.memory_space<hbm>>)
      tpu.yield
    }) : () -> ()
    return
  }
}

#map = affine_map<(d0, d1) -> (0, 0)>
#map1 = affine_map<(d0, d1) -> (0, 0, 0)>
module attributes {stable_mosaic.version = 14 : i64} {
  func.func @k(%arg0: i32, %arg1: i32, %arg2: memref<81920x128xf32, #tpu.memory_space<hbm>>, %arg3: memref<32x20x128xi32, #tpu.memory_space<hbm>>, %arg4: memref<640x128xf32, #tpu.memory_space<hbm>>, %arg5: memref<2x10240x128xf32, #tpu.memory_space<hbm>>, %arg6: memref<2x1x128xi32, #tpu.memory_space<vmem>>, %arg7: memref<2x128x128xf32, #tpu.memory_space<vmem>>, %arg8: memref<10240x128xf32, #tpu.memory_space<vmem_shared>>, %arg9: memref<!tpu.dma_semaphore, #tpu.memory_space<semaphore_mem>>, %arg10: memref<!tpu.dma_semaphore, #tpu.memory_space<semaphore_mem>>, %arg11: memref<!tpu.dma_semaphore, #tpu.memory_space<semaphore_mem>>) attributes {dimension_semantics = [#tpu.dimension_semantics<core_parallel>, #tpu.dimension_semantics<subcore_parallel>], iteration_bounds = array<i64: 2, 16>, scalar_prefetch = 0 : i64, scratch_operands = 6 : i64, tpu.core_type = #tpu.core_type<sc_vector_subcore>, window_params = [{transform_indices = #map}, {transform_indices = #map1}, {transform_indices = #map}, {transform_indices = #map1}]} {
    %mul3A = arith.constant 2 : i32
    %mul3A_0 = arith.muli %arg1, %mul3A : i32
    %add3A = arith.addi %mul3A_0, %arg0 : i32
    %mul3A_1 = arith.constant 2560 : i32
    %mul3A_2 = arith.muli %add3A, %mul3A_1 : i32
    %dma_start3A = arith.constant 0 : i32
    %dma_start3A_3 = arith.constant 0 : i32
    %dma_start3A_4 = arith.constant 0 : i32
    %dma_start3A_5 = tpu.memref_slice %arg6[%dma_start3A, %dma_start3A_3, %dma_start3A_4] : memref<2x1x128xi32, #tpu.memory_space<vmem>> -> memref<1x1x128xi32, #tpu.memory_space<vmem>>
    %dma_start3A_6 = tpu.memref_squeeze %dma_start3A_5 : memref<1x1x128xi32, #tpu.memory_space<vmem>> -> memref<1x128xi32, #tpu.memory_space<vmem>>
    %dma_start3A_7 = arith.constant 0 : i32
    %dma_start3A_8 = arith.constant 0 : i32
    %dma_start3A_9 = tpu.memref_slice %arg3[%add3A, %dma_start3A_7, %dma_start3A_8] : memref<32x20x128xi32, #tpu.memory_space<hbm>> -> memref<1x1x128xi32, #tpu.memory_space<hbm>>
    %dma_start3A_10 = tpu.memref_squeeze %dma_start3A_9 : memref<1x1x128xi32, #tpu.memory_space<hbm>> -> memref<1x128xi32, #tpu.memory_space<hbm>>
    %dma_start3A_11 = arith.constant 0 : i32
    %dma_start3A_12 = arith.constant 0 : i32
    %dma_start3A_13 = tpu.memref_slice %arg6[%dma_start3A, %dma_start3A_11, %dma_start3A_12] : memref<2x1x128xi32, #tpu.memory_space<vmem>> -> memref<1x1x128xi32, #tpu.memory_space<vmem>>
    %dma_start3A_14 = tpu.memref_squeeze %dma_start3A_13 : memref<1x1x128xi32, #tpu.memory_space<vmem>> -> memref<1x128xi32, #tpu.memory_space<vmem>>
    %dma_start3A_15 = arith.constant 0 : i32
    %dma_start3A_16 = arith.constant 0 : i32
    %dma_start3A_17 = tpu.memref_slice %arg3[%add3A, %dma_start3A_15, %dma_start3A_16] : memref<32x20x128xi32, #tpu.memory_space<hbm>> -> memref<1x1x128xi32, #tpu.memory_space<hbm>>
    %dma_start3A_18 = tpu.memref_squeeze %dma_start3A_17 : memref<1x1x128xi32, #tpu.memory_space<hbm>> -> memref<1x128xi32, #tpu.memory_space<hbm>>
    tpu.enqueue_dma source(%dma_start3A_18 : memref<1x128xi32, #tpu.memory_space<hbm>>) target(%dma_start3A_14 : memref<1x128xi32, #tpu.memory_space<vmem>>) target_semaphore(%arg9 : memref<!tpu.dma_semaphore, #tpu.memory_space<semaphore_mem>>)
    %dma_start3A_19 = arith.constant 0 : i32
    %dma_start3A_20 = arith.constant 0 : i32
    %dma_start3A_21 = arith.constant 0 : i32
    %dma_start3A_22 = tpu.memref_slice %arg7[%dma_start3A_19, %dma_start3A_20, %dma_start3A_21] : memref<2x128x128xf32, #tpu.memory_space<vmem>> -> memref<1x128x128xf32, #tpu.memory_space<vmem>>
    %dma_start3A_23 = tpu.memref_squeeze %dma_start3A_22 : memref<1x128x128xf32, #tpu.memory_space<vmem>> -> memref<128x128xf32, #tpu.memory_space<vmem>>
    %dma_start3A_24 = arith.constant 0 : i32
    %dma_start3A_25 = tpu.memref_slice %arg2[%mul3A_2, %dma_start3A_24] : memref<81920x128xf32, #tpu.memory_space<hbm>> -> memref<128x128xf32, #tpu.memory_space<hbm>>
    %dma_start3A_26 = arith.constant 0 : i32
    %dma_start3A_27 = arith.constant 0 : i32
    %dma_start3A_28 = tpu.memref_slice %arg7[%dma_start3A_19, %dma_start3A_26, %dma_start3A_27] : memref<2x128x128xf32, #tpu.memory_space<vmem>> -> memref<1x128x128xf32, #tpu.memory_space<vmem>>
    %dma_start3A_29 = tpu.memref_squeeze %dma_start3A_28 : memref<1x128x128xf32, #tpu.memory_space<vmem>> -> memref<128x128xf32, #tpu.memory_space<vmem>>
    %dma_start3A_30 = arith.constant 0 : i32
    %dma_start3A_31 = tpu.memref_slice %arg2[%mul3A_2, %dma_start3A_30] : memref<81920x128xf32, #tpu.memory_space<hbm>> -> memref<128x128xf32, #tpu.memory_space<hbm>>
    tpu.enqueue_dma source(%dma_start3A_31 : memref<128x128xf32, #tpu.memory_space<hbm>>) target(%dma_start3A_29 : memref<128x128xf32, #tpu.memory_space<vmem>>) target_semaphore(%arg9 : memref<!tpu.dma_semaphore, #tpu.memory_space<semaphore_mem>>)
    %mul3A_32 = arith.constant 640 : i32
    %mul3A_33 = arith.muli %arg1, %mul3A_32 : i32
    "tpu.region"() ({
      %run_scoped3A = tpu.sem_alloc : memref<!tpu.dma_semaphore, #tpu.memory_space<semaphore_mem>>
      %dma_start3A_43 = arith.constant 0 : i32
      %dma_start3A_44 = tpu.memref_slice %arg8[%mul3A_33, %dma_start3A_43] : memref<10240x128xf32, #tpu.memory_space<vmem_shared>> -> memref<640x128xf32, #tpu.memory_space<vmem_shared>>
      tpu.enqueue_dma source(%arg4 : memref<640x128xf32, #tpu.memory_space<hbm>>) target(%dma_start3A_44 : memref<640x128xf32, #tpu.memory_space<vmem_shared>>) target_semaphore(%run_scoped3A : memref<!tpu.dma_semaphore, #tpu.memory_space<semaphore_mem>>)
      %dma_wait3A = arith.constant 0 : i32
      %dma_wait3A_45 = tpu.memref_slice %arg8[%mul3A_33, %dma_wait3A] : memref<10240x128xf32, #tpu.memory_space<vmem_shared>> -> memref<640x128xf32, #tpu.memory_space<vmem_shared>>
      tpu.wait_dma2 semaphore(%run_scoped3A : memref<!tpu.dma_semaphore, #tpu.memory_space<semaphore_mem>>) src(%arg4 : memref<640x128xf32, #tpu.memory_space<hbm>>) dst(%dma_wait3A_45 : memref<640x128xf32, #tpu.memory_space<vmem_shared>>)
      tpu.yield
    }) : () -> ()
    %barrier3A = arith.constant 0 : index
    tpu.barrier barrier_id(%barrier3A)
    %scan3A = arith.constant 0 : i32
    %scan3A_34 = arith.constant 10 : i32
    %scan3A_35 = arith.addi %scan3A, %scan3A_34 : i32
    %scan3A_36 = arith.constant 1 : i32
    scf.for %scan3A_43 = %scan3A to %scan3A_35 step %scan3A_36  : i32 {
      %mul3A_44 = arith.constant 2 : i32
      %mul3A_45 = arith.muli %scan3A_43, %mul3A_44 : i32
      %add3A_46 = arith.constant 0 : i32
      %add3A_47 = arith.addi %add3A_46, %mul3A_45 : i32
      %add3A_48 = arith.constant 0 : i32
      %add3A_49 = arith.addi %add3A_47, %add3A_48 : i32
      %dma_wait3A = arith.constant 0 : i32
      %dma_wait3A_50 = arith.constant 0 : i32
      %dma_wait3A_51 = arith.constant 0 : i32
      %dma_wait3A_52 = tpu.memref_slice %arg6[%dma_wait3A, %dma_wait3A_50, %dma_wait3A_51] : memref<2x1x128xi32, #tpu.memory_space<vmem>> -> memref<1x1x128xi32, #tpu.memory_space<vmem>>
      %dma_wait3A_53 = tpu.memref_squeeze %dma_wait3A_52 : memref<1x1x128xi32, #tpu.memory_space<vmem>> -> memref<1x128xi32, #tpu.memory_space<vmem>>
      %dma_wait3A_54 = arith.constant 0 : i32
      %dma_wait3A_55 = arith.constant 0 : i32
      %dma_wait3A_56 = tpu.memref_slice %arg3[%add3A, %dma_wait3A_54, %dma_wait3A_55] : memref<32x20x128xi32, #tpu.memory_space<hbm>> -> memref<1x1x128xi32, #tpu.memory_space<hbm>>
      %dma_wait3A_57 = tpu.memref_squeeze %dma_wait3A_56 : memref<1x1x128xi32, #tpu.memory_space<hbm>> -> memref<1x128xi32, #tpu.memory_space<hbm>>
      %dma_wait3A_58 = arith.constant 0 : i32
      %dma_wait3A_59 = arith.constant 0 : i32
      %dma_wait3A_60 = tpu.memref_slice %arg6[%dma_wait3A, %dma_wait3A_58, %dma_wait3A_59] : memref<2x1x128xi32, #tpu.memory_space<vmem>> -> memref<1x1x128xi32, #tpu.memory_space<vmem>>
      %dma_wait3A_61 = tpu.memref_squeeze %dma_wait3A_60 : memref<1x1x128xi32, #tpu.memory_space<vmem>> -> memref<1x128xi32, #tpu.memory_space<vmem>>
      %dma_wait3A_62 = arith.constant 0 : i32
      %dma_wait3A_63 = arith.constant 0 : i32
      %dma_wait3A_64 = tpu.memref_slice %arg3[%add3A, %dma_wait3A_62, %dma_wait3A_63] : memref<32x20x128xi32, #tpu.memory_space<hbm>> -> memref<1x1x128xi32, #tpu.memory_space<hbm>>
      %dma_wait3A_65 = tpu.memref_squeeze %dma_wait3A_64 : memref<1x1x128xi32, #tpu.memory_space<hbm>> -> memref<1x128xi32, #tpu.memory_space<hbm>>
      tpu.wait_dma2 semaphore(%arg9 : memref<!tpu.dma_semaphore, #tpu.memory_space<semaphore_mem>>) src(%dma_wait3A_65 : memref<1x128xi32, #tpu.memory_space<hbm>>) dst(%dma_wait3A_61 : memref<1x128xi32, #tpu.memory_space<vmem>>)
      %dma_wait3A_66 = arith.constant 0 : i32
      %dma_wait3A_67 = arith.constant 0 : i32
      %dma_wait3A_68 = arith.constant 0 : i32
      %dma_wait3A_69 = tpu.memref_slice %arg7[%dma_wait3A_66, %dma_wait3A_67, %dma_wait3A_68] : memref<2x128x128xf32, #tpu.memory_space<vmem>> -> memref<1x128x128xf32, #tpu.memory_space<vmem>>
      %dma_wait3A_70 = tpu.memref_squeeze %dma_wait3A_69 : memref<1x128x128xf32, #tpu.memory_space<vmem>> -> memref<128x128xf32, #tpu.memory_space<vmem>>
      %dma_wait3A_71 = arith.constant 0 : i32
      %dma_wait3A_72 = tpu.memref_slice %arg2[%mul3A_2, %dma_wait3A_71] : memref<81920x128xf32, #tpu.memory_space<hbm>> -> memref<128x128xf32, #tpu.memory_space<hbm>>
      %dma_wait3A_73 = arith.constant 0 : i32
      %dma_wait3A_74 = arith.constant 0 : i32
      %dma_wait3A_75 = tpu.memref_slice %arg7[%dma_wait3A_66, %dma_wait3A_73, %dma_wait3A_74] : memref<2x128x128xf32, #tpu.memory_space<vmem>> -> memref<1x128x128xf32, #tpu.memory_space<vmem>>
      %dma_wait3A_76 = tpu.memref_squeeze %dma_wait3A_75 : memref<1x128x128xf32, #tpu.memory_space<vmem>> -> memref<128x128xf32, #tpu.memory_space<vmem>>
      %dma_wait3A_77 = arith.constant 0 : i32
      %dma_wait3A_78 = tpu.memref_slice %arg2[%mul3A_2, %dma_wait3A_77] : memref<81920x128xf32, #tpu.memory_space<hbm>> -> memref<128x128xf32, #tpu.memory_space<hbm>>
      tpu.wait_dma2 semaphore(%arg9 : memref<!tpu.dma_semaphore, #tpu.memory_space<semaphore_mem>>) src(%dma_wait3A_78 : memref<128x128xf32, #tpu.memory_space<hbm>>) dst(%dma_wait3A_76 : memref<128x128xf32, #tpu.memory_space<vmem>>)
      %add3A_79 = arith.constant 1 : i32
      %add3A_80 = arith.addi %add3A_49, %add3A_79 : i32
      %lt3A = arith.constant 20 : i32
      %lt3A_81 = arith.cmpi slt, %add3A_80, %lt3A : i32
      %convert_element_type3A = arith.extui %lt3A_81 : i1 to i32
      %cond3A = arith.constant 0 : i32
      %cond3A_82 = arith.cmpi ne, %convert_element_type3A, %cond3A : i32
      scf.if %cond3A_82 {
        %add3A_178 = arith.constant 1 : i32
        %add3A_179 = arith.addi %add3A_49, %add3A_178 : i32
        %mul3A_180 = arith.constant 1 : i32
        %mul3A_181 = arith.muli %add3A_179, %mul3A_180 : i32
        %dma_start3A_182 = arith.constant 1 : i32
        %dma_start3A_183 = arith.constant 0 : i32
        %dma_start3A_184 = arith.constant 0 : i32
        %dma_start3A_185 = tpu.memref_slice %arg6[%dma_start3A_182, %dma_start3A_183, %dma_start3A_184] : memref<2x1x128xi32, #tpu.memory_space<vmem>> -> memref<1x1x128xi32, #tpu.memory_space<vmem>>
        %dma_start3A_186 = tpu.memref_squeeze %dma_start3A_185 : memref<1x1x128xi32, #tpu.memory_space<vmem>> -> memref<1x128xi32, #tpu.memory_space<vmem>>
        %dma_start3A_187 = arith.constant 0 : i32
        %dma_start3A_188 = tpu.memref_slice %arg3[%add3A, %mul3A_181, %dma_start3A_187] : memref<32x20x128xi32, #tpu.memory_space<hbm>> -> memref<1x1x128xi32, #tpu.memory_space<hbm>>
        %dma_start3A_189 = tpu.memref_squeeze %dma_start3A_188 : memref<1x1x128xi32, #tpu.memory_space<hbm>> -> memref<1x128xi32, #tpu.memory_space<hbm>>
        %dma_start3A_190 = arith.constant 0 : i32
        %dma_start3A_191 = arith.constant 0 : i32
        %dma_start3A_192 = tpu.memref_slice %arg6[%dma_start3A_182, %dma_start3A_190, %dma_start3A_191] : memref<2x1x128xi32, #tpu.memory_space<vmem>> -> memref<1x1x128xi32, #tpu.memory_space<vmem>>
        %dma_start3A_193 = tpu.memref_squeeze %dma_start3A_192 : memref<1x1x128xi32, #tpu.memory_space<vmem>> -> memref<1x128xi32, #tpu.memory_space<vmem>>
        %dma_start3A_194 = arith.constant 0 : i32
        %dma_start3A_195 = tpu.memref_slice %arg3[%add3A, %mul3A_181, %dma_start3A_194] : memref<32x20x128xi32, #tpu.memory_space<hbm>> -> memref<1x1x128xi32, #tpu.memory_space<hbm>>
        %dma_start3A_196 = tpu.memref_squeeze %dma_start3A_195 : memref<1x1x128xi32, #tpu.memory_space<hbm>> -> memref<1x128xi32, #tpu.memory_space<hbm>>
        tpu.enqueue_dma source(%dma_start3A_196 : memref<1x128xi32, #tpu.memory_space<hbm>>) target(%dma_start3A_193 : memref<1x128xi32, #tpu.memory_space<vmem>>) target_semaphore(%arg10 : memref<!tpu.dma_semaphore, #tpu.memory_space<semaphore_mem>>)
        %add3A_197 = arith.constant 1 : i32
        %add3A_198 = arith.addi %add3A_49, %add3A_197 : i32
        %mul3A_199 = arith.constant 128 : i32
        %mul3A_200 = arith.muli %add3A_198, %mul3A_199 : i32
        %add3A_201 = arith.addi %mul3A_2, %mul3A_200 : i32
        %dma_start3A_202 = arith.constant 1 : i32
        %dma_start3A_203 = arith.constant 0 : i32
        %dma_start3A_204 = arith.constant 0 : i32
        %dma_start3A_205 = tpu.memref_slice %arg7[%dma_start3A_202, %dma_start3A_203, %dma_start3A_204] : memref<2x128x128xf32, #tpu.memory_space<vmem>> -> memref<1x128x128xf32, #tpu.memory_space<vmem>>
        %dma_start3A_206 = tpu.memref_squeeze %dma_start3A_205 : memref<1x128x128xf32, #tpu.memory_space<vmem>> -> memref<128x128xf32, #tpu.memory_space<vmem>>
        %dma_start3A_207 = arith.constant 0 : i32
        %dma_start3A_208 = tpu.memref_slice %arg2[%add3A_201, %dma_start3A_207] : memref<81920x128xf32, #tpu.memory_space<hbm>> -> memref<128x128xf32, #tpu.memory_space<hbm>>
        %dma_start3A_209 = arith.constant 0 : i32
        %dma_start3A_210 = arith.constant 0 : i32
        %dma_start3A_211 = tpu.memref_slice %arg7[%dma_start3A_202, %dma_start3A_209, %dma_start3A_210] : memref<2x128x128xf32, #tpu.memory_space<vmem>> -> memref<1x128x128xf32, #tpu.memory_space<vmem>>
        %dma_start3A_212 = tpu.memref_squeeze %dma_start3A_211 : memref<1x128x128xf32, #tpu.memory_space<vmem>> -> memref<128x128xf32, #tpu.memory_space<vmem>>
        %dma_start3A_213 = arith.constant 0 : i32
        %dma_start3A_214 = tpu.memref_slice %arg2[%add3A_201, %dma_start3A_213] : memref<81920x128xf32, #tpu.memory_space<hbm>> -> memref<128x128xf32, #tpu.memory_space<hbm>>
        tpu.enqueue_dma source(%dma_start3A_214 : memref<128x128xf32, #tpu.memory_space<hbm>>) target(%dma_start3A_212 : memref<128x128xf32, #tpu.memory_space<vmem>>) target_semaphore(%arg10 : memref<!tpu.dma_semaphore, #tpu.memory_space<semaphore_mem>>)
      } else {
      }
      %dma_start3A_83 = arith.constant 0 : i32
      %dma_start3A_84 = arith.constant 0 : i32
      %dma_start3A_85 = arith.constant 0 : i32
      %dma_start3A_86 = arith.constant 0 : i32
      %dma_start3A_87 = arith.constant 0 : i32
      %dma_start3A_88 = tpu.memref_slice %arg7[%dma_start3A_83, %dma_start3A_86, %dma_start3A_87] : memref<2x128x128xf32, #tpu.memory_space<vmem>> -> memref<1x128x128xf32, #tpu.memory_space<vmem>>
      %dma_start3A_89 = tpu.memref_squeeze %dma_start3A_88 : memref<1x128x128xf32, #tpu.memory_space<vmem>> -> memref<128x128xf32, #tpu.memory_space<vmem>>
      %dma_start3A_90 = arith.constant 0 : i32
      %dma_start3A_91 = tpu.memref_slice %arg6[%dma_start3A_84, %dma_start3A_85, %dma_start3A_90] : memref<2x1x128xi32, #tpu.memory_space<vmem>> -> memref<1x1x128xi32, #tpu.memory_space<vmem>>
      %dma_start3A_92 = tpu.memref_squeeze %dma_start3A_91 : memref<1x1x128xi32, #tpu.memory_space<vmem>> -> memref<128xi32, #tpu.memory_space<vmem>>
      %dma_start3A_93 = arith.constant 0 : i32
      %dma_start3A_94 = arith.constant 0 : i32
      %dma_start3A_95 = tpu.memref_slice %arg8[%dma_start3A_93, %dma_start3A_94] : memref<10240x128xf32, #tpu.memory_space<vmem_shared>> -> memref<10240x128xf32, #tpu.memory_space<vmem_shared>>
      tpu.enqueue_indirect_dma source(%dma_start3A_89 : memref<128x128xf32, #tpu.memory_space<vmem>>) target(%dma_start3A_95 : memref<10240x128xf32, #tpu.memory_space<vmem_shared>>) offsets(%dma_start3A_92 : memref<128xi32, #tpu.memory_space<vmem>>) semaphore(%arg11 : memref<!tpu.dma_semaphore, #tpu.memory_space<semaphore_mem>>) {add = true}
      %dma_wait3A_96 = arith.constant 0 : i32
      %dma_wait3A_97 = arith.constant 0 : i32
      %dma_wait3A_98 = arith.constant 0 : i32
      %dma_wait3A_99 = tpu.memref_slice %arg7[%dma_wait3A_96, %dma_wait3A_97, %dma_wait3A_98] : memref<2x128x128xf32, #tpu.memory_space<vmem>> -> memref<1x128x128xf32, #tpu.memory_space<vmem>>
      %dma_wait3A_100 = tpu.memref_squeeze %dma_wait3A_99 : memref<1x128x128xf32, #tpu.memory_space<vmem>> -> memref<128x128xf32, #tpu.memory_space<vmem>>
      %dma_wait3A_101 = arith.constant 0 : i32
      %dma_wait3A_102 = arith.constant 0 : i32
      %dma_wait3A_103 = tpu.memref_slice %arg8[%dma_wait3A_101, %dma_wait3A_102] : memref<10240x128xf32, #tpu.memory_space<vmem_shared>> -> memref<128x128xf32, #tpu.memory_space<vmem_shared>>
      %dma_wait3A_104 = arith.constant 0 : i32
      %dma_wait3A_105 = arith.constant 0 : i32
      %dma_wait3A_106 = tpu.memref_slice %arg8[%dma_wait3A_104, %dma_wait3A_105] : memref<10240x128xf32, #tpu.memory_space<vmem_shared>> -> memref<128x128xf32, #tpu.memory_space<vmem_shared>>
      %dma_wait3A_107 = arith.constant 0 : i32
      %dma_wait3A_108 = arith.constant 0 : i32
      %dma_wait3A_109 = tpu.memref_slice %arg7[%dma_wait3A_96, %dma_wait3A_107, %dma_wait3A_108] : memref<2x128x128xf32, #tpu.memory_space<vmem>> -> memref<1x128x128xf32, #tpu.memory_space<vmem>>
      %dma_wait3A_110 = tpu.memref_squeeze %dma_wait3A_109 : memref<1x128x128xf32, #tpu.memory_space<vmem>> -> memref<128x128xf32, #tpu.memory_space<vmem>>
      tpu.wait_dma2 semaphore(%arg11 : memref<!tpu.dma_semaphore, #tpu.memory_space<semaphore_mem>>) src(%dma_wait3A_110 : memref<128x128xf32, #tpu.memory_space<vmem>>) dst(%dma_wait3A_106 : memref<128x128xf32, #tpu.memory_space<vmem_shared>>)
      %add3A_111 = arith.constant 1 : i32
      %add3A_112 = arith.addi %add3A_47, %add3A_111 : i32
      %dma_wait3A_113 = arith.constant 1 : i32
      %dma_wait3A_114 = arith.constant 0 : i32
      %dma_wait3A_115 = arith.constant 0 : i32
      %dma_wait3A_116 = tpu.memref_slice %arg6[%dma_wait3A_113, %dma_wait3A_114, %dma_wait3A_115] : memref<2x1x128xi32, #tpu.memory_space<vmem>> -> memref<1x1x128xi32, #tpu.memory_space<vmem>>
      %dma_wait3A_117 = tpu.memref_squeeze %dma_wait3A_116 : memref<1x1x128xi32, #tpu.memory_space<vmem>> -> memref<1x128xi32, #tpu.memory_space<vmem>>
      %dma_wait3A_118 = arith.constant 0 : i32
      %dma_wait3A_119 = arith.constant 0 : i32
      %dma_wait3A_120 = tpu.memref_slice %arg3[%add3A, %dma_wait3A_118, %dma_wait3A_119] : memref<32x20x128xi32, #tpu.memory_space<hbm>> -> memref<1x1x128xi32, #tpu.memory_space<hbm>>
      %dma_wait3A_121 = tpu.memref_squeeze %dma_wait3A_120 : memref<1x1x128xi32, #tpu.memory_space<hbm>> -> memref<1x128xi32, #tpu.memory_space<hbm>>
      %dma_wait3A_122 = arith.constant 0 : i32
      %dma_wait3A_123 = arith.constant 0 : i32
      %dma_wait3A_124 = tpu.memref_slice %arg6[%dma_wait3A_113, %dma_wait3A_122, %dma_wait3A_123] : memref<2x1x128xi32, #tpu.memory_space<vmem>> -> memref<1x1x128xi32, #tpu.memory_space<vmem>>
      %dma_wait3A_125 = tpu.memref_squeeze %dma_wait3A_124 : memref<1x1x128xi32, #tpu.memory_space<vmem>> -> memref<1x128xi32, #tpu.memory_space<vmem>>
      %dma_wait3A_126 = arith.constant 0 : i32
      %dma_wait3A_127 = arith.constant 0 : i32
      %dma_wait3A_128 = tpu.memref_slice %arg3[%add3A, %dma_wait3A_126, %dma_wait3A_127] : memref<32x20x128xi32, #tpu.memory_space<hbm>> -> memref<1x1x128xi32, #tpu.memory_space<hbm>>
      %dma_wait3A_129 = tpu.memref_squeeze %dma_wait3A_128 : memref<1x1x128xi32, #tpu.memory_space<hbm>> -> memref<1x128xi32, #tpu.memory_space<hbm>>
      tpu.wait_dma2 semaphore(%arg10 : memref<!tpu.dma_semaphore, #tpu.memory_space<semaphore_mem>>) src(%dma_wait3A_129 : memref<1x128xi32, #tpu.memory_space<hbm>>) dst(%dma_wait3A_125 : memref<1x128xi32, #tpu.memory_space<vmem>>)
      %dma_wait3A_130 = arith.constant 1 : i32
      %dma_wait3A_131 = arith.constant 0 : i32
      %dma_wait3A_132 = arith.constant 0 : i32
      %dma_wait3A_133 = tpu.memref_slice %arg7[%dma_wait3A_130, %dma_wait3A_131, %dma_wait3A_132] : memref<2x128x128xf32, #tpu.memory_space<vmem>> -> memref<1x128x128xf32, #tpu.memory_space<vmem>>
      %dma_wait3A_134 = tpu.memref_squeeze %dma_wait3A_133 : memref<1x128x128xf32, #tpu.memory_space<vmem>> -> memref<128x128xf32, #tpu.memory_space<vmem>>
      %dma_wait3A_135 = arith.constant 0 : i32
      %dma_wait3A_136 = tpu.memref_slice %arg2[%mul3A_2, %dma_wait3A_135] : memref<81920x128xf32, #tpu.memory_space<hbm>> -> memref<128x128xf32, #tpu.memory_space<hbm>>
      %dma_wait3A_137 = arith.constant 0 : i32
      %dma_wait3A_138 = arith.constant 0 : i32
      %dma_wait3A_139 = tpu.memref_slice %arg7[%dma_wait3A_130, %dma_wait3A_137, %dma_wait3A_138] : memref<2x128x128xf32, #tpu.memory_space<vmem>> -> memref<1x128x128xf32, #tpu.memory_space<vmem>>
      %dma_wait3A_140 = tpu.memref_squeeze %dma_wait3A_139 : memref<1x128x128xf32, #tpu.memory_space<vmem>> -> memref<128x128xf32, #tpu.memory_space<vmem>>
      %dma_wait3A_141 = arith.constant 0 : i32
      %dma_wait3A_142 = tpu.memref_slice %arg2[%mul3A_2, %dma_wait3A_141] : memref<81920x128xf32, #tpu.memory_space<hbm>> -> memref<128x128xf32, #tpu.memory_space<hbm>>
      tpu.wait_dma2 semaphore(%arg10 : memref<!tpu.dma_semaphore, #tpu.memory_space<semaphore_mem>>) src(%dma_wait3A_142 : memref<128x128xf32, #tpu.memory_space<hbm>>) dst(%dma_wait3A_140 : memref<128x128xf32, #tpu.memory_space<vmem>>)
      %add3A_143 = arith.constant 1 : i32
      %add3A_144 = arith.addi %add3A_112, %add3A_143 : i32
      %lt3A_145 = arith.constant 20 : i32
      %lt3A_146 = arith.cmpi slt, %add3A_144, %lt3A_145 : i32
      %convert_element_type3A_147 = arith.extui %lt3A_146 : i1 to i32
      %cond3A_148 = arith.constant 0 : i32
      %cond3A_149 = arith.cmpi ne, %convert_element_type3A_147, %cond3A_148 : i32
      scf.if %cond3A_149 {
        %add3A_178 = arith.constant 1 : i32
        %add3A_179 = arith.addi %add3A_112, %add3A_178 : i32
        %mul3A_180 = arith.constant 1 : i32
        %mul3A_181 = arith.muli %add3A_179, %mul3A_180 : i32
        %dma_start3A_182 = arith.constant 0 : i32
        %dma_start3A_183 = arith.constant 0 : i32
        %dma_start3A_184 = arith.constant 0 : i32
        %dma_start3A_185 = tpu.memref_slice %arg6[%dma_start3A_182, %dma_start3A_183, %dma_start3A_184] : memref<2x1x128xi32, #tpu.memory_space<vmem>> -> memref<1x1x128xi32, #tpu.memory_space<vmem>>
        %dma_start3A_186 = tpu.memref_squeeze %dma_start3A_185 : memref<1x1x128xi32, #tpu.memory_space<vmem>> -> memref<1x128xi32, #tpu.memory_space<vmem>>
        %dma_start3A_187 = arith.constant 0 : i32
        %dma_start3A_188 = tpu.memref_slice %arg3[%add3A, %mul3A_181, %dma_start3A_187] : memref<32x20x128xi32, #tpu.memory_space<hbm>> -> memref<1x1x128xi32, #tpu.memory_space<hbm>>
        %dma_start3A_189 = tpu.memref_squeeze %dma_start3A_188 : memref<1x1x128xi32, #tpu.memory_space<hbm>> -> memref<1x128xi32, #tpu.memory_space<hbm>>
        %dma_start3A_190 = arith.constant 0 : i32
        %dma_start3A_191 = arith.constant 0 : i32
        %dma_start3A_192 = tpu.memref_slice %arg6[%dma_start3A_182, %dma_start3A_190, %dma_start3A_191] : memref<2x1x128xi32, #tpu.memory_space<vmem>> -> memref<1x1x128xi32, #tpu.memory_space<vmem>>
        %dma_start3A_193 = tpu.memref_squeeze %dma_start3A_192 : memref<1x1x128xi32, #tpu.memory_space<vmem>> -> memref<1x128xi32, #tpu.memory_space<vmem>>
        %dma_start3A_194 = arith.constant 0 : i32
        %dma_start3A_195 = tpu.memref_slice %arg3[%add3A, %mul3A_181, %dma_start3A_194] : memref<32x20x128xi32, #tpu.memory_space<hbm>> -> memref<1x1x128xi32, #tpu.memory_space<hbm>>
        %dma_start3A_196 = tpu.memref_squeeze %dma_start3A_195 : memref<1x1x128xi32, #tpu.memory_space<hbm>> -> memref<1x128xi32, #tpu.memory_space<hbm>>
        tpu.enqueue_dma source(%dma_start3A_196 : memref<1x128xi32, #tpu.memory_space<hbm>>) target(%dma_start3A_193 : memref<1x128xi32, #tpu.memory_space<vmem>>) target_semaphore(%arg9 : memref<!tpu.dma_semaphore, #tpu.memory_space<semaphore_mem>>)
        %add3A_197 = arith.constant 1 : i32
        %add3A_198 = arith.addi %add3A_112, %add3A_197 : i32
        %mul3A_199 = arith.constant 128 : i32
        %mul3A_200 = arith.muli %add3A_198, %mul3A_199 : i32
        %add3A_201 = arith.addi %mul3A_2, %mul3A_200 : i32
        %dma_start3A_202 = arith.constant 0 : i32
        %dma_start3A_203 = arith.constant 0 : i32
        %dma_start3A_204 = arith.constant 0 : i32
        %dma_start3A_205 = tpu.memref_slice %arg7[%dma_start3A_202, %dma_start3A_203, %dma_start3A_204] : memref<2x128x128xf32, #tpu.memory_space<vmem>> -> memref<1x128x128xf32, #tpu.memory_space<vmem>>
        %dma_start3A_206 = tpu.memref_squeeze %dma_start3A_205 : memref<1x128x128xf32, #tpu.memory_space<vmem>> -> memref<128x128xf32, #tpu.memory_space<vmem>>
        %dma_start3A_207 = arith.constant 0 : i32
        %dma_start3A_208 = tpu.memref_slice %arg2[%add3A_201, %dma_start3A_207] : memref<81920x128xf32, #tpu.memory_space<hbm>> -> memref<128x128xf32, #tpu.memory_space<hbm>>
        %dma_start3A_209 = arith.constant 0 : i32
        %dma_start3A_210 = arith.constant 0 : i32
        %dma_start3A_211 = tpu.memref_slice %arg7[%dma_start3A_202, %dma_start3A_209, %dma_start3A_210] : memref<2x128x128xf32, #tpu.memory_space<vmem>> -> memref<1x128x128xf32, #tpu.memory_space<vmem>>
        %dma_start3A_212 = tpu.memref_squeeze %dma_start3A_211 : memref<1x128x128xf32, #tpu.memory_space<vmem>> -> memref<128x128xf32, #tpu.memory_space<vmem>>
        %dma_start3A_213 = arith.constant 0 : i32
        %dma_start3A_214 = tpu.memref_slice %arg2[%add3A_201, %dma_start3A_213] : memref<81920x128xf32, #tpu.memory_space<hbm>> -> memref<128x128xf32, #tpu.memory_space<hbm>>
        tpu.enqueue_dma source(%dma_start3A_214 : memref<128x128xf32, #tpu.memory_space<hbm>>) target(%dma_start3A_212 : memref<128x128xf32, #tpu.memory_space<vmem>>) target_semaphore(%arg9 : memref<!tpu.dma_semaphore, #tpu.memory_space<semaphore_mem>>)
      } else {
      }
      %dma_start3A_150 = arith.constant 1 : i32
      %dma_start3A_151 = arith.constant 1 : i32
      %dma_start3A_152 = arith.constant 0 : i32
      %dma_start3A_153 = arith.constant 0 : i32
      %dma_start3A_154 = arith.constant 0 : i32
      %dma_start3A_155 = tpu.memref_slice %arg7[%dma_start3A_150, %dma_start3A_153, %dma_start3A_154] : memref<2x128x128xf32, #tpu.memory_space<vmem>> -> memref<1x128x128xf32, #tpu.memory_space<vmem>>
      %dma_start3A_156 = tpu.memref_squeeze %dma_start3A_155 : memref<1x128x128xf32, #tpu.memory_space<vmem>> -> memref<128x128xf32, #tpu.memory_space<vmem>>
      %dma_start3A_157 = arith.constant 0 : i32
      %dma_start3A_158 = tpu.memref_slice %arg6[%dma_start3A_151, %dma_start3A_152, %dma_start3A_157] : memref<2x1x128xi32, #tpu.memory_space<vmem>> -> memref<1x1x128xi32, #tpu.memory_space<vmem>>
      %dma_start3A_159 = tpu.memref_squeeze %dma_start3A_158 : memref<1x1x128xi32, #tpu.memory_space<vmem>> -> memref<128xi32, #tpu.memory_space<vmem>>
      %dma_start3A_160 = arith.constant 0 : i32
      %dma_start3A_161 = arith.constant 0 : i32
      %dma_start3A_162 = tpu.memref_slice %arg8[%dma_start3A_160, %dma_start3A_161] : memref<10240x128xf32, #tpu.memory_space<vmem_shared>> -> memref<10240x128xf32, #tpu.memory_space<vmem_shared>>
      tpu.enqueue_indirect_dma source(%dma_start3A_156 : memref<128x128xf32, #tpu.memory_space<vmem>>) target(%dma_start3A_162 : memref<10240x128xf32, #tpu.memory_space<vmem_shared>>) offsets(%dma_start3A_159 : memref<128xi32, #tpu.memory_space<vmem>>) semaphore(%arg11 : memref<!tpu.dma_semaphore, #tpu.memory_space<semaphore_mem>>) {add = true}
      %dma_wait3A_163 = arith.constant 1 : i32
      %dma_wait3A_164 = arith.constant 0 : i32
      %dma_wait3A_165 = arith.constant 0 : i32
      %dma_wait3A_166 = tpu.memref_slice %arg7[%dma_wait3A_163, %dma_wait3A_164, %dma_wait3A_165] : memref<2x128x128xf32, #tpu.memory_space<vmem>> -> memref<1x128x128xf32, #tpu.memory_space<vmem>>
      %dma_wait3A_167 = tpu.memref_squeeze %dma_wait3A_166 : memref<1x128x128xf32, #tpu.memory_space<vmem>> -> memref<128x128xf32, #tpu.memory_space<vmem>>
      %dma_wait3A_168 = arith.constant 0 : i32
      %dma_wait3A_169 = arith.constant 0 : i32
      %dma_wait3A_170 = tpu.memref_slice %arg8[%dma_wait3A_168, %dma_wait3A_169] : memref<10240x128xf32, #tpu.memory_space<vmem_shared>> -> memref<128x128xf32, #tpu.memory_space<vmem_shared>>
      %dma_wait3A_171 = arith.constant 0 : i32
      %dma_wait3A_172 = arith.constant 0 : i32
      %dma_wait3A_173 = tpu.memref_slice %arg8[%dma_wait3A_171, %dma_wait3A_172] : memref<10240x128xf32, #tpu.memory_space<vmem_shared>> -> memref<128x128xf32, #tpu.memory_space<vmem_shared>>
      %dma_wait3A_174 = arith.constant 0 : i32
      %dma_wait3A_175 = arith.constant 0 : i32
      %dma_wait3A_176 = tpu.memref_slice %arg7[%dma_wait3A_163, %dma_wait3A_174, %dma_wait3A_175] : memref<2x128x128xf32, #tpu.memory_space<vmem>> -> memref<1x128x128xf32, #tpu.memory_space<vmem>>
      %dma_wait3A_177 = tpu.memref_squeeze %dma_wait3A_176 : memref<1x128x128xf32, #tpu.memory_space<vmem>> -> memref<128x128xf32, #tpu.memory_space<vmem>>
      tpu.wait_dma2 semaphore(%arg11 : memref<!tpu.dma_semaphore, #tpu.memory_space<semaphore_mem>>) src(%dma_wait3A_177 : memref<128x128xf32, #tpu.memory_space<vmem>>) dst(%dma_wait3A_173 : memref<128x128xf32, #tpu.memory_space<vmem_shared>>)
    }
    %scan3A_37 = arith.constant 10 : i32
    %barrier3A_38 = arith.constant 0 : index
    tpu.barrier barrier_id(%barrier3A_38)
    %mul3A_39 = arith.constant 640 : i32
    %mul3A_40 = arith.muli %arg1, %mul3A_39 : i32
    %mul3A_41 = arith.constant 640 : i32
    %mul3A_42 = arith.muli %arg1, %mul3A_41 : i32
    "tpu.region"() ({
      %run_scoped3A = tpu.sem_alloc : memref<!tpu.dma_semaphore, #tpu.memory_space<semaphore_mem>>
      %dma_start3A_43 = arith.constant 0 : i32
      %dma_start3A_44 = tpu.memref_slice %arg5[%arg0, %mul3A_42, %dma_start3A_43] : memref<2x10240x128xf32, #tpu.memory_space<hbm>> -> memref<1x640x128xf32, #tpu.memory_space<hbm>>
      %dma_start3A_45 = tpu.memref_squeeze %dma_start3A_44 : memref<1x640x128xf32, #tpu.memory_space<hbm>> -> memref<640x128xf32, #tpu.memory_space<hbm>>
      %dma_start3A_46 = arith.constant 0 : i32
      %dma_start3A_47 = tpu.memref_slice %arg8[%mul3A_40, %dma_start3A_46] : memref<10240x128xf32, #tpu.memory_space<vmem_shared>> -> memref<640x128xf32, #tpu.memory_space<vmem_shared>>
      tpu.enqueue_dma source(%dma_start3A_47 : memref<640x128xf32, #tpu.memory_space<vmem_shared>>) target(%dma_start3A_45 : memref<640x128xf32, #tpu.memory_space<hbm>>) target_semaphore(%run_scoped3A : memref<!tpu.dma_semaphore, #tpu.memory_space<semaphore_mem>>)
      %dma_wait3A = arith.constant 0 : i32
      %dma_wait3A_48 = tpu.memref_slice %arg5[%arg0, %mul3A_42, %dma_wait3A] : memref<2x10240x128xf32, #tpu.memory_space<hbm>> -> memref<1x640x128xf32, #tpu.memory_space<hbm>>
      %dma_wait3A_49 = tpu.memref_squeeze %dma_wait3A_48 : memref<1x640x128xf32, #tpu.memory_space<hbm>> -> memref<640x128xf32, #tpu.memory_space<hbm>>
      %dma_wait3A_50 = arith.constant 0 : i32
      %dma_wait3A_51 = tpu.memref_slice %arg8[%mul3A_40, %dma_wait3A_50] : memref<10240x128xf32, #tpu.memory_space<vmem_shared>> -> memref<640x128xf32, #tpu.memory_space<vmem_shared>>
      tpu.wait_dma2 semaphore(%run_scoped3A : memref<!tpu.dma_semaphore, #tpu.memory_space<semaphore_mem>>) src(%dma_wait3A_51 : memref<640x128xf32, #tpu.memory_space<vmem_shared>>) dst(%dma_wait3A_49 : memref<640x128xf32, #tpu.memory_space<hbm>>)
      tpu.yield
    }) : () -> ()
    return
  }
}

#map = affine_map<(d0, d1) -> (0, 0)>
#map1 = affine_map<(d0, d1) -> (0, 0, 0)>
module attributes {stable_mosaic.version = 14 : i64} {
  func.func @k(%arg0: i32, %arg1: i32, %arg2: memref<10240x128xf32, #tpu.memory_space<hbm>>, %arg3: memref<32x20x128xi32, #tpu.memory_space<hbm>>, %arg4: memref<81920x128xf32, #tpu.memory_space<hbm>>, %arg5: memref<2x2x128xi32, #tpu.memory_space<vmem>>, %arg6: memref<2x256x128xf32, #tpu.memory_space<vmem>>, %arg7: memref<!tpu.dma_semaphore, #tpu.memory_space<semaphore_mem>>, %arg8: memref<!tpu.dma_semaphore, #tpu.memory_space<semaphore_mem>>, %arg9: memref<!tpu.dma_semaphore, #tpu.memory_space<semaphore_mem>>, %arg10: memref<!tpu.dma_semaphore, #tpu.memory_space<semaphore_mem>>, %arg11: memref<!tpu.dma_semaphore, #tpu.memory_space<semaphore_mem>>) attributes {dimension_semantics = [#tpu.dimension_semantics<core_parallel>, #tpu.dimension_semantics<subcore_parallel>], iteration_bounds = array<i64: 2, 16>, scalar_prefetch = 0 : i64, scratch_operands = 7 : i64, tpu.core_type = #tpu.core_type<sc_vector_subcore>, window_params = [{transform_indices = #map}, {transform_indices = #map1}, {transform_indices = #map}]} {
    %mul3A = arith.constant 2 : i32
    %mul3A_0 = arith.muli %arg1, %mul3A : i32
    %add3A = arith.addi %mul3A_0, %arg0 : i32
    %mul3A_1 = arith.constant 2560 : i32
    %mul3A_2 = arith.muli %add3A, %mul3A_1 : i32
    %dma_start3A = arith.constant 0 : i32
    %dma_start3A_3 = arith.constant 0 : i32
    %dma_start3A_4 = arith.constant 0 : i32
    %dma_start3A_5 = tpu.memref_slice %arg5[%dma_start3A, %dma_start3A_3, %dma_start3A_4] : memref<2x2x128xi32, #tpu.memory_space<vmem>> -> memref<1x2x128xi32, #tpu.memory_space<vmem>>
    %dma_start3A_6 = tpu.memref_squeeze %dma_start3A_5 : memref<1x2x128xi32, #tpu.memory_space<vmem>> -> memref<2x128xi32, #tpu.memory_space<vmem>>
    %dma_start3A_7 = arith.constant 0 : i32
    %dma_start3A_8 = arith.constant 0 : i32
    %dma_start3A_9 = tpu.memref_slice %arg3[%add3A, %dma_start3A_7, %dma_start3A_8] : memref<32x20x128xi32, #tpu.memory_space<hbm>> -> memref<1x2x128xi32, #tpu.memory_space<hbm>>
    %dma_start3A_10 = tpu.memref_squeeze %dma_start3A_9 : memref<1x2x128xi32, #tpu.memory_space<hbm>> -> memref<2x128xi32, #tpu.memory_space<hbm>>
    %dma_start3A_11 = arith.constant 0 : i32
    %dma_start3A_12 = arith.constant 0 : i32
    %dma_start3A_13 = tpu.memref_slice %arg5[%dma_start3A, %dma_start3A_11, %dma_start3A_12] : memref<2x2x128xi32, #tpu.memory_space<vmem>> -> memref<1x2x128xi32, #tpu.memory_space<vmem>>
    %dma_start3A_14 = tpu.memref_squeeze %dma_start3A_13 : memref<1x2x128xi32, #tpu.memory_space<vmem>> -> memref<2x128xi32, #tpu.memory_space<vmem>>
    %dma_start3A_15 = arith.constant 0 : i32
    %dma_start3A_16 = arith.constant 0 : i32
    %dma_start3A_17 = tpu.memref_slice %arg3[%add3A, %dma_start3A_15, %dma_start3A_16] : memref<32x20x128xi32, #tpu.memory_space<hbm>> -> memref<1x2x128xi32, #tpu.memory_space<hbm>>
    %dma_start3A_18 = tpu.memref_squeeze %dma_start3A_17 : memref<1x2x128xi32, #tpu.memory_space<hbm>> -> memref<2x128xi32, #tpu.memory_space<hbm>>
    tpu.enqueue_dma source(%dma_start3A_18 : memref<2x128xi32, #tpu.memory_space<hbm>>) target(%dma_start3A_14 : memref<2x128xi32, #tpu.memory_space<vmem>>) target_semaphore(%arg7 : memref<!tpu.dma_semaphore, #tpu.memory_space<semaphore_mem>>)
    %scan3A = arith.constant 0 : i32
    %scan3A_19 = arith.constant 5 : i32
    %scan3A_20 = arith.addi %scan3A, %scan3A_19 : i32
    %scan3A_21 = arith.constant 1 : i32
    scf.for %scan3A_52 = %scan3A to %scan3A_20 step %scan3A_21  : i32 {
      %mul3A_53 = arith.constant 2 : i32
      %mul3A_54 = arith.muli %scan3A_52, %mul3A_53 : i32
      %add3A_55 = arith.constant 0 : i32
      %add3A_56 = arith.addi %add3A_55, %mul3A_54 : i32
      %add3A_57 = arith.constant 0 : i32
      %add3A_58 = arith.addi %add3A_56, %add3A_57 : i32
      %dma_wait3A_59 = arith.constant 0 : i32
      %dma_wait3A_60 = arith.constant 0 : i32
      %dma_wait3A_61 = arith.constant 0 : i32
      %dma_wait3A_62 = tpu.memref_slice %arg5[%dma_wait3A_59, %dma_wait3A_60, %dma_wait3A_61] : memref<2x2x128xi32, #tpu.memory_space<vmem>> -> memref<1x2x128xi32, #tpu.memory_space<vmem>>
      %dma_wait3A_63 = tpu.memref_squeeze %dma_wait3A_62 : memref<1x2x128xi32, #tpu.memory_space<vmem>> -> memref<2x128xi32, #tpu.memory_space<vmem>>
      %dma_wait3A_64 = arith.constant 0 : i32
      %dma_wait3A_65 = arith.constant 0 : i32
      %dma_wait3A_66 = tpu.memref_slice %arg3[%add3A, %dma_wait3A_64, %dma_wait3A_65] : memref<32x20x128xi32, #tpu.memory_space<hbm>> -> memref<1x2x128xi32, #tpu.memory_space<hbm>>
      %dma_wait3A_67 = tpu.memref_squeeze %dma_wait3A_66 : memref<1x2x128xi32, #tpu.memory_space<hbm>> -> memref<2x128xi32, #tpu.memory_space<hbm>>
      %dma_wait3A_68 = arith.constant 0 : i32
      %dma_wait3A_69 = arith.constant 0 : i32
      %dma_wait3A_70 = tpu.memref_slice %arg5[%dma_wait3A_59, %dma_wait3A_68, %dma_wait3A_69] : memref<2x2x128xi32, #tpu.memory_space<vmem>> -> memref<1x2x128xi32, #tpu.memory_space<vmem>>
      %dma_wait3A_71 = tpu.memref_squeeze %dma_wait3A_70 : memref<1x2x128xi32, #tpu.memory_space<vmem>> -> memref<2x128xi32, #tpu.memory_space<vmem>>
      %dma_wait3A_72 = arith.constant 0 : i32
      %dma_wait3A_73 = arith.constant 0 : i32
      %dma_wait3A_74 = tpu.memref_slice %arg3[%add3A, %dma_wait3A_72, %dma_wait3A_73] : memref<32x20x128xi32, #tpu.memory_space<hbm>> -> memref<1x2x128xi32, #tpu.memory_space<hbm>>
      %dma_wait3A_75 = tpu.memref_squeeze %dma_wait3A_74 : memref<1x2x128xi32, #tpu.memory_space<hbm>> -> memref<2x128xi32, #tpu.memory_space<hbm>>
      tpu.wait_dma2 semaphore(%arg7 : memref<!tpu.dma_semaphore, #tpu.memory_space<semaphore_mem>>) src(%dma_wait3A_75 : memref<2x128xi32, #tpu.memory_space<hbm>>) dst(%dma_wait3A_71 : memref<2x128xi32, #tpu.memory_space<vmem>>)
      %add3A_76 = arith.constant 1 : i32
      %add3A_77 = arith.addi %add3A_58, %add3A_76 : i32
      %lt3A = arith.constant 10 : i32
      %lt3A_78 = arith.cmpi slt, %add3A_77, %lt3A : i32
      %convert_element_type3A = arith.extui %lt3A_78 : i1 to i32
      %cond3A = arith.constant 0 : i32
      %cond3A_79 = arith.cmpi ne, %convert_element_type3A, %cond3A : i32
      scf.if %cond3A_79 {
        %add3A_259 = arith.constant 1 : i32
        %add3A_260 = arith.addi %add3A_58, %add3A_259 : i32
        %mul3A_261 = arith.constant 2 : i32
        %mul3A_262 = arith.muli %add3A_260, %mul3A_261 : i32
        %dma_start3A_263 = arith.constant 1 : i32
        %dma_start3A_264 = arith.constant 0 : i32
        %dma_start3A_265 = arith.constant 0 : i32
        %dma_start3A_266 = tpu.memref_slice %arg5[%dma_start3A_263, %dma_start3A_264, %dma_start3A_265] : memref<2x2x128xi32, #tpu.memory_space<vmem>> -> memref<1x2x128xi32, #tpu.memory_space<vmem>>
        %dma_start3A_267 = tpu.memref_squeeze %dma_start3A_266 : memref<1x2x128xi32, #tpu.memory_space<vmem>> -> memref<2x128xi32, #tpu.memory_space<vmem>>
        %dma_start3A_268 = arith.constant 0 : i32
        %dma_start3A_269 = tpu.memref_slice %arg3[%add3A, %mul3A_262, %dma_start3A_268] : memref<32x20x128xi32, #tpu.memory_space<hbm>> -> memref<1x2x128xi32, #tpu.memory_space<hbm>>
        %dma_start3A_270 = tpu.memref_squeeze %dma_start3A_269 : memref<1x2x128xi32, #tpu.memory_space<hbm>> -> memref<2x128xi32, #tpu.memory_space<hbm>>
        %dma_start3A_271 = arith.constant 0 : i32
        %dma_start3A_272 = arith.constant 0 : i32
        %dma_start3A_273 = tpu.memref_slice %arg5[%dma_start3A_263, %dma_start3A_271, %dma_start3A_272] : memref<2x2x128xi32, #tpu.memory_space<vmem>> -> memref<1x2x128xi32, #tpu.memory_space<vmem>>
        %dma_start3A_274 = tpu.memref_squeeze %dma_start3A_273 : memref<1x2x128xi32, #tpu.memory_space<vmem>> -> memref<2x128xi32, #tpu.memory_space<vmem>>
        %dma_start3A_275 = arith.constant 0 : i32
        %dma_start3A_276 = tpu.memref_slice %arg3[%add3A, %mul3A_262, %dma_start3A_275] : memref<32x20x128xi32, #tpu.memory_space<hbm>> -> memref<1x2x128xi32, #tpu.memory_space<hbm>>
        %dma_start3A_277 = tpu.memref_squeeze %dma_start3A_276 : memref<1x2x128xi32, #tpu.memory_space<hbm>> -> memref<2x128xi32, #tpu.memory_space<hbm>>
        tpu.enqueue_dma source(%dma_start3A_277 : memref<2x128xi32, #tpu.memory_space<hbm>>) target(%dma_start3A_274 : memref<2x128xi32, #tpu.memory_space<vmem>>) target_semaphore(%arg8 : memref<!tpu.dma_semaphore, #tpu.memory_space<semaphore_mem>>)
      } else {
      }
      %ge3A = arith.constant 2 : i32
      %ge3A_80 = arith.cmpi sge, %add3A_58, %ge3A : i32
      %convert_element_type3A_81 = arith.extui %ge3A_80 : i1 to i32
      %cond3A_82 = arith.constant 0 : i32
      %cond3A_83 = arith.cmpi ne, %convert_element_type3A_81, %cond3A_82 : i32
      scf.if %cond3A_83 {
        %dma_wait3A_259 = arith.constant 0 : i32
        %dma_wait3A_260 = arith.constant 0 : i32
        %dma_wait3A_261 = arith.constant 0 : i32
        %dma_wait3A_262 = tpu.memref_slice %arg6[%dma_wait3A_259, %dma_wait3A_260, %dma_wait3A_261] : memref<2x256x128xf32, #tpu.memory_space<vmem>> -> memref<1x256x128xf32, #tpu.memory_space<vmem>>
        %dma_wait3A_263 = tpu.memref_squeeze %dma_wait3A_262 : memref<1x256x128xf32, #tpu.memory_space<vmem>> -> memref<256x128xf32, #tpu.memory_space<vmem>>
        %dma_wait3A_264 = arith.constant 0 : i32
        %dma_wait3A_265 = arith.constant 0 : i32
        %dma_wait3A_266 = tpu.memref_slice %arg4[%dma_wait3A_264, %dma_wait3A_265] : memref<81920x128xf32, #tpu.memory_space<hbm>> -> memref<256x128xf32, #tpu.memory_space<hbm>>
        %dma_wait3A_267 = arith.constant 0 : i32
        %dma_wait3A_268 = arith.constant 0 : i32
        %dma_wait3A_269 = tpu.memref_slice %arg4[%dma_wait3A_267, %dma_wait3A_268] : memref<81920x128xf32, #tpu.memory_space<hbm>> -> memref<256x128xf32, #tpu.memory_space<hbm>>
        %dma_wait3A_270 = arith.constant 0 : i32
        %dma_wait3A_271 = arith.constant 0 : i32
        %dma_wait3A_272 = tpu.memref_slice %arg6[%dma_wait3A_259, %dma_wait3A_270, %dma_wait3A_271] : memref<2x256x128xf32, #tpu.memory_space<vmem>> -> memref<1x256x128xf32, #tpu.memory_space<vmem>>
        %dma_wait3A_273 = tpu.memref_squeeze %dma_wait3A_272 : memref<1x256x128xf32, #tpu.memory_space<vmem>> -> memref<256x128xf32, #tpu.memory_space<vmem>>
        tpu.wait_dma2 semaphore(%arg10 : memref<!tpu.dma_semaphore, #tpu.memory_space<semaphore_mem>>) src(%dma_wait3A_273 : memref<256x128xf32, #tpu.memory_space<vmem>>) dst(%dma_wait3A_269 : memref<256x128xf32, #tpu.memory_space<hbm>>)
      } else {
      }
      %dma_start3A_84 = arith.constant 0 : i32
      %dma_start3A_85 = arith.constant 0 : i32
      %dma_start3A_86 = arith.constant 0 : i32
      %dma_start3A_87 = arith.constant 0 : i32
      %dma_start3A_88 = arith.constant 0 : i32
      %dma_start3A_89 = tpu.memref_slice %arg6[%dma_start3A_86, %dma_start3A_87, %dma_start3A_88] : memref<2x256x128xf32, #tpu.memory_space<vmem>> -> memref<1x128x128xf32, #tpu.memory_space<vmem>>
      %dma_start3A_90 = tpu.memref_squeeze %dma_start3A_89 : memref<1x128x128xf32, #tpu.memory_space<vmem>> -> memref<128x128xf32, #tpu.memory_space<vmem>>
      %dma_start3A_91 = arith.constant 0 : i32
      %dma_start3A_92 = tpu.memref_slice %arg5[%dma_start3A_84, %dma_start3A_85, %dma_start3A_91] : memref<2x2x128xi32, #tpu.memory_space<vmem>> -> memref<1x1x128xi32, #tpu.memory_space<vmem>>
      %dma_start3A_93 = tpu.memref_squeeze %dma_start3A_92 : memref<1x1x128xi32, #tpu.memory_space<vmem>> -> memref<128xi32, #tpu.memory_space<vmem>>
      %dma_start3A_94 = arith.constant 0 : i32
      %dma_start3A_95 = arith.constant 0 : i32
      %dma_start3A_96 = tpu.memref_slice %arg2[%dma_start3A_94, %dma_start3A_95] : memref<10240x128xf32, #tpu.memory_space<hbm>> -> memref<10240x128xf32, #tpu.memory_space<hbm>>
      tpu.enqueue_indirect_dma source(%dma_start3A_96 : memref<10240x128xf32, #tpu.memory_space<hbm>>) target(%dma_start3A_90 : memref<128x128xf32, #tpu.memory_space<vmem>>) offsets(%dma_start3A_93 : memref<128xi32, #tpu.memory_space<vmem>>) semaphore(%arg9 : memref<!tpu.dma_semaphore, #tpu.memory_space<semaphore_mem>>)
      %dma_start3A_97 = arith.constant 0 : i32
      %dma_start3A_98 = arith.constant 1 : i32
      %dma_start3A_99 = arith.constant 0 : i32
      %dma_start3A_100 = arith.constant 128 : i32
      %dma_start3A_101 = arith.constant 0 : i32
      %dma_start3A_102 = tpu.memref_slice %arg6[%dma_start3A_99, %dma_start3A_100, %dma_start3A_101] : memref<2x256x128xf32, #tpu.memory_space<vmem>> -> memref<1x128x128xf32, #tpu.memory_space<vmem>>
      %dma_start3A_103 = tpu.memref_squeeze %dma_start3A_102 : memref<1x128x128xf32, #tpu.memory_space<vmem>> -> memref<128x128xf32, #tpu.memory_space<vmem>>
      %dma_start3A_104 = arith.constant 0 : i32
      %dma_start3A_105 = tpu.memref_slice %arg5[%dma_start3A_97, %dma_start3A_98, %dma_start3A_104] : memref<2x2x128xi32, #tpu.memory_space<vmem>> -> memref<1x1x128xi32, #tpu.memory_space<vmem>>
      %dma_start3A_106 = tpu.memref_squeeze %dma_start3A_105 : memref<1x1x128xi32, #tpu.memory_space<vmem>> -> memref<128xi32, #tpu.memory_space<vmem>>
      %dma_start3A_107 = arith.constant 0 : i32
      %dma_start3A_108 = arith.constant 0 : i32
      %dma_start3A_109 = tpu.memref_slice %arg2[%dma_start3A_107, %dma_start3A_108] : memref<10240x128xf32, #tpu.memory_space<hbm>> -> memref<10240x128xf32, #tpu.memory_space<hbm>>
      tpu.enqueue_indirect_dma source(%dma_start3A_109 : memref<10240x128xf32, #tpu.memory_space<hbm>>) target(%dma_start3A_103 : memref<128x128xf32, #tpu.memory_space<vmem>>) offsets(%dma_start3A_106 : memref<128xi32, #tpu.memory_space<vmem>>) semaphore(%arg9 : memref<!tpu.dma_semaphore, #tpu.memory_space<semaphore_mem>>)
      %dma_wait3A_110 = arith.constant 0 : i32
      %dma_wait3A_111 = arith.constant 0 : i32
      %dma_wait3A_112 = arith.constant 0 : i32
      %dma_wait3A_113 = tpu.memref_slice %arg6[%dma_wait3A_110, %dma_wait3A_111, %dma_wait3A_112] : memref<2x256x128xf32, #tpu.memory_space<vmem>> -> memref<1x128x128xf32, #tpu.memory_space<vmem>>
      %dma_wait3A_114 = tpu.memref_squeeze %dma_wait3A_113 : memref<1x128x128xf32, #tpu.memory_space<vmem>> -> memref<128x128xf32, #tpu.memory_space<vmem>>
      %dma_wait3A_115 = arith.constant 0 : i32
      %dma_wait3A_116 = arith.constant 0 : i32
      %dma_wait3A_117 = tpu.memref_slice %arg2[%dma_wait3A_115, %dma_wait3A_116] : memref<10240x128xf32, #tpu.memory_space<hbm>> -> memref<128x128xf32, #tpu.memory_space<hbm>>
      %dma_wait3A_118 = arith.constant 0 : i32
      %dma_wait3A_119 = arith.constant 0 : i32
      %dma_wait3A_120 = tpu.memref_slice %arg6[%dma_wait3A_110, %dma_wait3A_118, %dma_wait3A_119] : memref<2x256x128xf32, #tpu.memory_space<vmem>> -> memref<1x128x128xf32, #tpu.memory_space<vmem>>
      %dma_wait3A_121 = tpu.memref_squeeze %dma_wait3A_120 : memref<1x128x128xf32, #tpu.memory_space<vmem>> -> memref<128x128xf32, #tpu.memory_space<vmem>>
      %dma_wait3A_122 = arith.constant 0 : i32
      %dma_wait3A_123 = arith.constant 0 : i32
      %dma_wait3A_124 = tpu.memref_slice %arg2[%dma_wait3A_122, %dma_wait3A_123] : memref<10240x128xf32, #tpu.memory_space<hbm>> -> memref<128x128xf32, #tpu.memory_space<hbm>>
      tpu.wait_dma2 semaphore(%arg9 : memref<!tpu.dma_semaphore, #tpu.memory_space<semaphore_mem>>) src(%dma_wait3A_124 : memref<128x128xf32, #tpu.memory_space<hbm>>) dst(%dma_wait3A_121 : memref<128x128xf32, #tpu.memory_space<vmem>>)
      %dma_wait3A_125 = arith.constant 0 : i32
      %dma_wait3A_126 = arith.constant 128 : i32
      %dma_wait3A_127 = arith.constant 0 : i32
      %dma_wait3A_128 = tpu.memref_slice %arg6[%dma_wait3A_125, %dma_wait3A_126, %dma_wait3A_127] : memref<2x256x128xf32, #tpu.memory_space<vmem>> -> memref<1x128x128xf32, #tpu.memory_space<vmem>>
      %dma_wait3A_129 = tpu.memref_squeeze %dma_wait3A_128 : memref<1x128x128xf32, #tpu.memory_space<vmem>> -> memref<128x128xf32, #tpu.memory_space<vmem>>
      %dma_wait3A_130 = arith.constant 0 : i32
      %dma_wait3A_131 = arith.constant 0 : i32
      %dma_wait3A_132 = tpu.memref_slice %arg2[%dma_wait3A_130, %dma_wait3A_131] : memref<10240x128xf32, #tpu.memory_space<hbm>> -> memref<128x128xf32, #tpu.memory_space<hbm>>
      %dma_wait3A_133 = arith.constant 128 : i32
      %dma_wait3A_134 = arith.constant 0 : i32
      %dma_wait3A_135 = tpu.memref_slice %arg6[%dma_wait3A_125, %dma_wait3A_133, %dma_wait3A_134] : memref<2x256x128xf32, #tpu.memory_space<vmem>> -> memref<1x128x128xf32, #tpu.memory_space<vmem>>
      %dma_wait3A_136 = tpu.memref_squeeze %dma_wait3A_135 : memref<1x128x128xf32, #tpu.memory_space<vmem>> -> memref<128x128xf32, #tpu.memory_space<vmem>>
      %dma_wait3A_137 = arith.constant 0 : i32
      %dma_wait3A_138 = arith.constant 0 : i32
      %dma_wait3A_139 = tpu.memref_slice %arg2[%dma_wait3A_137, %dma_wait3A_138] : memref<10240x128xf32, #tpu.memory_space<hbm>> -> memref<128x128xf32, #tpu.memory_space<hbm>>
      tpu.wait_dma2 semaphore(%arg9 : memref<!tpu.dma_semaphore, #tpu.memory_space<semaphore_mem>>) src(%dma_wait3A_139 : memref<128x128xf32, #tpu.memory_space<hbm>>) dst(%dma_wait3A_136 : memref<128x128xf32, #tpu.memory_space<vmem>>)
      %mul3A_140 = arith.constant 256 : i32
      %mul3A_141 = arith.muli %add3A_58, %mul3A_140 : i32
      %add3A_142 = arith.addi %mul3A_2, %mul3A_141 : i32
      %dma_start3A_143 = arith.constant 0 : i32
      %dma_start3A_144 = arith.constant 0 : i32
      %dma_start3A_145 = arith.constant 0 : i32
      %dma_start3A_146 = tpu.memref_slice %arg6[%dma_start3A_143, %dma_start3A_144, %dma_start3A_145] : memref<2x256x128xf32, #tpu.memory_space<vmem>> -> memref<1x256x128xf32, #tpu.memory_space<vmem>>
      %dma_start3A_147 = tpu.memref_squeeze %dma_start3A_146 : memref<1x256x128xf32, #tpu.memory_space<vmem>> -> memref<256x128xf32, #tpu.memory_space<vmem>>
      %dma_start3A_148 = arith.constant 0 : i32
      %dma_start3A_149 = tpu.memref_slice %arg4[%add3A_142, %dma_start3A_148] : memref<81920x128xf32, #tpu.memory_space<hbm>> -> memref<256x128xf32, #tpu.memory_space<hbm>>
      %dma_start3A_150 = arith.constant 0 : i32
      %dma_start3A_151 = tpu.memref_slice %arg4[%add3A_142, %dma_start3A_150] : memref<81920x128xf32, #tpu.memory_space<hbm>> -> memref<256x128xf32, #tpu.memory_space<hbm>>
      %dma_start3A_152 = arith.constant 0 : i32
      %dma_start3A_153 = arith.constant 0 : i32
      %dma_start3A_154 = tpu.memref_slice %arg6[%dma_start3A_143, %dma_start3A_152, %dma_start3A_153] : memref<2x256x128xf32, #tpu.memory_space<vmem>> -> memref<1x256x128xf32, #tpu.memory_space<vmem>>
      %dma_start3A_155 = tpu.memref_squeeze %dma_start3A_154 : memref<1x256x128xf32, #tpu.memory_space<vmem>> -> memref<256x128xf32, #tpu.memory_space<vmem>>
      tpu.enqueue_dma source(%dma_start3A_155 : memref<256x128xf32, #tpu.memory_space<vmem>>) target(%dma_start3A_151 : memref<256x128xf32, #tpu.memory_space<hbm>>) target_semaphore(%arg10 : memref<!tpu.dma_semaphore, #tpu.memory_space<semaphore_mem>>)
      %add3A_156 = arith.constant 1 : i32
      %add3A_157 = arith.addi %add3A_56, %add3A_156 : i32
      %dma_wait3A_158 = arith.constant 1 : i32
      %dma_wait3A_159 = arith.constant 0 : i32
      %dma_wait3A_160 = arith.constant 0 : i32
      %dma_wait3A_161 = tpu.memref_slice %arg5[%dma_wait3A_158, %dma_wait3A_159, %dma_wait3A_160] : memref<2x2x128xi32, #tpu.memory_space<vmem>> -> memref<1x2x128xi32, #tpu.memory_space<vmem>>
      %dma_wait3A_162 = tpu.memref_squeeze %dma_wait3A_161 : memref<1x2x128xi32, #tpu.memory_space<vmem>> -> memref<2x128xi32, #tpu.memory_space<vmem>>
      %dma_wait3A_163 = arith.constant 0 : i32
      %dma_wait3A_164 = arith.constant 0 : i32
      %dma_wait3A_165 = tpu.memref_slice %arg3[%add3A, %dma_wait3A_163, %dma_wait3A_164] : memref<32x20x128xi32, #tpu.memory_space<hbm>> -> memref<1x2x128xi32, #tpu.memory_space<hbm>>
      %dma_wait3A_166 = tpu.memref_squeeze %dma_wait3A_165 : memref<1x2x128xi32, #tpu.memory_space<hbm>> -> memref<2x128xi32, #tpu.memory_space<hbm>>
      %dma_wait3A_167 = arith.constant 0 : i32
      %dma_wait3A_168 = arith.constant 0 : i32
      %dma_wait3A_169 = tpu.memref_slice %arg5[%dma_wait3A_158, %dma_wait3A_167, %dma_wait3A_168] : memref<2x2x128xi32, #tpu.memory_space<vmem>> -> memref<1x2x128xi32, #tpu.memory_space<vmem>>
      %dma_wait3A_170 = tpu.memref_squeeze %dma_wait3A_169 : memref<1x2x128xi32, #tpu.memory_space<vmem>> -> memref<2x128xi32, #tpu.memory_space<vmem>>
      %dma_wait3A_171 = arith.constant 0 : i32
      %dma_wait3A_172 = arith.constant 0 : i32
      %dma_wait3A_173 = tpu.memref_slice %arg3[%add3A, %dma_wait3A_171, %dma_wait3A_172] : memref<32x20x128xi32, #tpu.memory_space<hbm>> -> memref<1x2x128xi32, #tpu.memory_space<hbm>>
      %dma_wait3A_174 = tpu.memref_squeeze %dma_wait3A_173 : memref<1x2x128xi32, #tpu.memory_space<hbm>> -> memref<2x128xi32, #tpu.memory_space<hbm>>
      tpu.wait_dma2 semaphore(%arg8 : memref<!tpu.dma_semaphore, #tpu.memory_space<semaphore_mem>>) src(%dma_wait3A_174 : memref<2x128xi32, #tpu.memory_space<hbm>>) dst(%dma_wait3A_170 : memref<2x128xi32, #tpu.memory_space<vmem>>)
      %add3A_175 = arith.constant 1 : i32
      %add3A_176 = arith.addi %add3A_157, %add3A_175 : i32
      %lt3A_177 = arith.constant 10 : i32
      %lt3A_178 = arith.cmpi slt, %add3A_176, %lt3A_177 : i32
      %convert_element_type3A_179 = arith.extui %lt3A_178 : i1 to i32
      %cond3A_180 = arith.constant 0 : i32
      %cond3A_181 = arith.cmpi ne, %convert_element_type3A_179, %cond3A_180 : i32
      scf.if %cond3A_181 {
        %add3A_259 = arith.constant 1 : i32
        %add3A_260 = arith.addi %add3A_157, %add3A_259 : i32
        %mul3A_261 = arith.constant 2 : i32
        %mul3A_262 = arith.muli %add3A_260, %mul3A_261 : i32
        %dma_start3A_263 = arith.constant 0 : i32
        %dma_start3A_264 = arith.constant 0 : i32
        %dma_start3A_265 = arith.constant 0 : i32
        %dma_start3A_266 = tpu.memref_slice %arg5[%dma_start3A_263, %dma_start3A_264, %dma_start3A_265] : memref<2x2x128xi32, #tpu.memory_space<vmem>> -> memref<1x2x128xi32, #tpu.memory_space<vmem>>
        %dma_start3A_267 = tpu.memref_squeeze %dma_start3A_266 : memref<1x2x128xi32, #tpu.memory_space<vmem>> -> memref<2x128xi32, #tpu.memory_space<vmem>>
        %dma_start3A_268 = arith.constant 0 : i32
        %dma_start3A_269 = tpu.memref_slice %arg3[%add3A, %mul3A_262, %dma_start3A_268] : memref<32x20x128xi32, #tpu.memory_space<hbm>> -> memref<1x2x128xi32, #tpu.memory_space<hbm>>
        %dma_start3A_270 = tpu.memref_squeeze %dma_start3A_269 : memref<1x2x128xi32, #tpu.memory_space<hbm>> -> memref<2x128xi32, #tpu.memory_space<hbm>>
        %dma_start3A_271 = arith.constant 0 : i32
        %dma_start3A_272 = arith.constant 0 : i32
        %dma_start3A_273 = tpu.memref_slice %arg5[%dma_start3A_263, %dma_start3A_271, %dma_start3A_272] : memref<2x2x128xi32, #tpu.memory_space<vmem>> -> memref<1x2x128xi32, #tpu.memory_space<vmem>>
        %dma_start3A_274 = tpu.memref_squeeze %dma_start3A_273 : memref<1x2x128xi32, #tpu.memory_space<vmem>> -> memref<2x128xi32, #tpu.memory_space<vmem>>
        %dma_start3A_275 = arith.constant 0 : i32
        %dma_start3A_276 = tpu.memref_slice %arg3[%add3A, %mul3A_262, %dma_start3A_275] : memref<32x20x128xi32, #tpu.memory_space<hbm>> -> memref<1x2x128xi32, #tpu.memory_space<hbm>>
        %dma_start3A_277 = tpu.memref_squeeze %dma_start3A_276 : memref<1x2x128xi32, #tpu.memory_space<hbm>> -> memref<2x128xi32, #tpu.memory_space<hbm>>
        tpu.enqueue_dma source(%dma_start3A_277 : memref<2x128xi32, #tpu.memory_space<hbm>>) target(%dma_start3A_274 : memref<2x128xi32, #tpu.memory_space<vmem>>) target_semaphore(%arg7 : memref<!tpu.dma_semaphore, #tpu.memory_space<semaphore_mem>>)
      } else {
      }
      %ge3A_182 = arith.constant 2 : i32
      %ge3A_183 = arith.cmpi sge, %add3A_157, %ge3A_182 : i32
      %convert_element_type3A_184 = arith.extui %ge3A_183 : i1 to i32
      %cond3A_185 = arith.constant 0 : i32
      %cond3A_186 = arith.cmpi ne, %convert_element_type3A_184, %cond3A_185 : i32
      scf.if %cond3A_186 {
        %dma_wait3A_259 = arith.constant 1 : i32
        %dma_wait3A_260 = arith.constant 0 : i32
        %dma_wait3A_261 = arith.constant 0 : i32
        %dma_wait3A_262 = tpu.memref_slice %arg6[%dma_wait3A_259, %dma_wait3A_260, %dma_wait3A_261] : memref<2x256x128xf32, #tpu.memory_space<vmem>> -> memref<1x256x128xf32, #tpu.memory_space<vmem>>
        %dma_wait3A_263 = tpu.memref_squeeze %dma_wait3A_262 : memref<1x256x128xf32, #tpu.memory_space<vmem>> -> memref<256x128xf32, #tpu.memory_space<vmem>>
        %dma_wait3A_264 = arith.constant 0 : i32
        %dma_wait3A_265 = arith.constant 0 : i32
        %dma_wait3A_266 = tpu.memref_slice %arg4[%dma_wait3A_264, %dma_wait3A_265] : memref<81920x128xf32, #tpu.memory_space<hbm>> -> memref<256x128xf32, #tpu.memory_space<hbm>>
        %dma_wait3A_267 = arith.constant 0 : i32
        %dma_wait3A_268 = arith.constant 0 : i32
        %dma_wait3A_269 = tpu.memref_slice %arg4[%dma_wait3A_267, %dma_wait3A_268] : memref<81920x128xf32, #tpu.memory_space<hbm>> -> memref<256x128xf32, #tpu.memory_space<hbm>>
        %dma_wait3A_270 = arith.constant 0 : i32
        %dma_wait3A_271 = arith.constant 0 : i32
        %dma_wait3A_272 = tpu.memref_slice %arg6[%dma_wait3A_259, %dma_wait3A_270, %dma_wait3A_271] : memref<2x256x128xf32, #tpu.memory_space<vmem>> -> memref<1x256x128xf32, #tpu.memory_space<vmem>>
        %dma_wait3A_273 = tpu.memref_squeeze %dma_wait3A_272 : memref<1x256x128xf32, #tpu.memory_space<vmem>> -> memref<256x128xf32, #tpu.memory_space<vmem>>
        tpu.wait_dma2 semaphore(%arg11 : memref<!tpu.dma_semaphore, #tpu.memory_space<semaphore_mem>>) src(%dma_wait3A_273 : memref<256x128xf32, #tpu.memory_space<vmem>>) dst(%dma_wait3A_269 : memref<256x128xf32, #tpu.memory_space<hbm>>)
      } else {
      }
      %dma_start3A_187 = arith.constant 1 : i32
      %dma_start3A_188 = arith.constant 0 : i32
      %dma_start3A_189 = arith.constant 1 : i32
      %dma_start3A_190 = arith.constant 0 : i32
      %dma_start3A_191 = arith.constant 0 : i32
      %dma_start3A_192 = tpu.memref_slice %arg6[%dma_start3A_189, %dma_start3A_190, %dma_start3A_191] : memref<2x256x128xf32, #tpu.memory_space<vmem>> -> memref<1x128x128xf32, #tpu.memory_space<vmem>>
      %dma_start3A_193 = tpu.memref_squeeze %dma_start3A_192 : memref<1x128x128xf32, #tpu.memory_space<vmem>> -> memref<128x128xf32, #tpu.memory_space<vmem>>
      %dma_start3A_194 = arith.constant 0 : i32
      %dma_start3A_195 = tpu.memref_slice %arg5[%dma_start3A_187, %dma_start3A_188, %dma_start3A_194] : memref<2x2x128xi32, #tpu.memory_space<vmem>> -> memref<1x1x128xi32, #tpu.memory_space<vmem>>
      %dma_start3A_196 = tpu.memref_squeeze %dma_start3A_195 : memref<1x1x128xi32, #tpu.memory_space<vmem>> -> memref<128xi32, #tpu.memory_space<vmem>>
      %dma_start3A_197 = arith.constant 0 : i32
      %dma_start3A_198 = arith.constant 0 : i32
      %dma_start3A_199 = tpu.memref_slice %arg2[%dma_start3A_197, %dma_start3A_198] : memref<10240x128xf32, #tpu.memory_space<hbm>> -> memref<10240x128xf32, #tpu.memory_space<hbm>>
      tpu.enqueue_indirect_dma source(%dma_start3A_199 : memref<10240x128xf32, #tpu.memory_space<hbm>>) target(%dma_start3A_193 : memref<128x128xf32, #tpu.memory_space<vmem>>) offsets(%dma_start3A_196 : memref<128xi32, #tpu.memory_space<vmem>>) semaphore(%arg9 : memref<!tpu.dma_semaphore, #tpu.memory_space<semaphore_mem>>)
      %dma_start3A_200 = arith.constant 1 : i32
      %dma_start3A_201 = arith.constant 1 : i32
      %dma_start3A_202 = arith.constant 1 : i32
      %dma_start3A_203 = arith.constant 128 : i32
      %dma_start3A_204 = arith.constant 0 : i32
      %dma_start3A_205 = tpu.memref_slice %arg6[%dma_start3A_202, %dma_start3A_203, %dma_start3A_204] : memref<2x256x128xf32, #tpu.memory_space<vmem>> -> memref<1x128x128xf32, #tpu.memory_space<vmem>>
      %dma_start3A_206 = tpu.memref_squeeze %dma_start3A_205 : memref<1x128x128xf32, #tpu.memory_space<vmem>> -> memref<128x128xf32, #tpu.memory_space<vmem>>
      %dma_start3A_207 = arith.constant 0 : i32
      %dma_start3A_208 = tpu.memref_slice %arg5[%dma_start3A_200, %dma_start3A_201, %dma_start3A_207] : memref<2x2x128xi32, #tpu.memory_space<vmem>> -> memref<1x1x128xi32, #tpu.memory_space<vmem>>
      %dma_start3A_209 = tpu.memref_squeeze %dma_start3A_208 : memref<1x1x128xi32, #tpu.memory_space<vmem>> -> memref<128xi32, #tpu.memory_space<vmem>>
      %dma_start3A_210 = arith.constant 0 : i32
      %dma_start3A_211 = arith.constant 0 : i32
      %dma_start3A_212 = tpu.memref_slice %arg2[%dma_start3A_210, %dma_start3A_211] : memref<10240x128xf32, #tpu.memory_space<hbm>> -> memref<10240x128xf32, #tpu.memory_space<hbm>>
      tpu.enqueue_indirect_dma source(%dma_start3A_212 : memref<10240x128xf32, #tpu.memory_space<hbm>>) target(%dma_start3A_206 : memref<128x128xf32, #tpu.memory_space<vmem>>) offsets(%dma_start3A_209 : memref<128xi32, #tpu.memory_space<vmem>>) semaphore(%arg9 : memref<!tpu.dma_semaphore, #tpu.memory_space<semaphore_mem>>)
      %dma_wait3A_213 = arith.constant 1 : i32
      %dma_wait3A_214 = arith.constant 0 : i32
      %dma_wait3A_215 = arith.constant 0 : i32
      %dma_wait3A_216 = tpu.memref_slice %arg6[%dma_wait3A_213, %dma_wait3A_214, %dma_wait3A_215] : memref<2x256x128xf32, #tpu.memory_space<vmem>> -> memref<1x128x128xf32, #tpu.memory_space<vmem>>
      %dma_wait3A_217 = tpu.memref_squeeze %dma_wait3A_216 : memref<1x128x128xf32, #tpu.memory_space<vmem>> -> memref<128x128xf32, #tpu.memory_space<vmem>>
      %dma_wait3A_218 = arith.constant 0 : i32
      %dma_wait3A_219 = arith.constant 0 : i32
      %dma_wait3A_220 = tpu.memref_slice %arg2[%dma_wait3A_218, %dma_wait3A_219] : memref<10240x128xf32, #tpu.memory_space<hbm>> -> memref<128x128xf32, #tpu.memory_space<hbm>>
      %dma_wait3A_221 = arith.constant 0 : i32
      %dma_wait3A_222 = arith.constant 0 : i32
      %dma_wait3A_223 = tpu.memref_slice %arg6[%dma_wait3A_213, %dma_wait3A_221, %dma_wait3A_222] : memref<2x256x128xf32, #tpu.memory_space<vmem>> -> memref<1x128x128xf32, #tpu.memory_space<vmem>>
      %dma_wait3A_224 = tpu.memref_squeeze %dma_wait3A_223 : memref<1x128x128xf32, #tpu.memory_space<vmem>> -> memref<128x128xf32, #tpu.memory_space<vmem>>
      %dma_wait3A_225 = arith.constant 0 : i32
      %dma_wait3A_226 = arith.constant 0 : i32
      %dma_wait3A_227 = tpu.memref_slice %arg2[%dma_wait3A_225, %dma_wait3A_226] : memref<10240x128xf32, #tpu.memory_space<hbm>> -> memref<128x128xf32, #tpu.memory_space<hbm>>
      tpu.wait_dma2 semaphore(%arg9 : memref<!tpu.dma_semaphore, #tpu.memory_space<semaphore_mem>>) src(%dma_wait3A_227 : memref<128x128xf32, #tpu.memory_space<hbm>>) dst(%dma_wait3A_224 : memref<128x128xf32, #tpu.memory_space<vmem>>)
      %dma_wait3A_228 = arith.constant 1 : i32
      %dma_wait3A_229 = arith.constant 128 : i32
      %dma_wait3A_230 = arith.constant 0 : i32
      %dma_wait3A_231 = tpu.memref_slice %arg6[%dma_wait3A_228, %dma_wait3A_229, %dma_wait3A_230] : memref<2x256x128xf32, #tpu.memory_space<vmem>> -> memref<1x128x128xf32, #tpu.memory_space<vmem>>
      %dma_wait3A_232 = tpu.memref_squeeze %dma_wait3A_231 : memref<1x128x128xf32, #tpu.memory_space<vmem>> -> memref<128x128xf32, #tpu.memory_space<vmem>>
      %dma_wait3A_233 = arith.constant 0 : i32
      %dma_wait3A_234 = arith.constant 0 : i32
      %dma_wait3A_235 = tpu.memref_slice %arg2[%dma_wait3A_233, %dma_wait3A_234] : memref<10240x128xf32, #tpu.memory_space<hbm>> -> memref<128x128xf32, #tpu.memory_space<hbm>>
      %dma_wait3A_236 = arith.constant 128 : i32
      %dma_wait3A_237 = arith.constant 0 : i32
      %dma_wait3A_238 = tpu.memref_slice %arg6[%dma_wait3A_228, %dma_wait3A_236, %dma_wait3A_237] : memref<2x256x128xf32, #tpu.memory_space<vmem>> -> memref<1x128x128xf32, #tpu.memory_space<vmem>>
      %dma_wait3A_239 = tpu.memref_squeeze %dma_wait3A_238 : memref<1x128x128xf32, #tpu.memory_space<vmem>> -> memref<128x128xf32, #tpu.memory_space<vmem>>
      %dma_wait3A_240 = arith.constant 0 : i32
      %dma_wait3A_241 = arith.constant 0 : i32
      %dma_wait3A_242 = tpu.memref_slice %arg2[%dma_wait3A_240, %dma_wait3A_241] : memref<10240x128xf32, #tpu.memory_space<hbm>> -> memref<128x128xf32, #tpu.memory_space<hbm>>
      tpu.wait_dma2 semaphore(%arg9 : memref<!tpu.dma_semaphore, #tpu.memory_space<semaphore_mem>>) src(%dma_wait3A_242 : memref<128x128xf32, #tpu.memory_space<hbm>>) dst(%dma_wait3A_239 : memref<128x128xf32, #tpu.memory_space<vmem>>)
      %mul3A_243 = arith.constant 256 : i32
      %mul3A_244 = arith.muli %add3A_157, %mul3A_243 : i32
      %add3A_245 = arith.addi %mul3A_2, %mul3A_244 : i32
      %dma_start3A_246 = arith.constant 1 : i32
      %dma_start3A_247 = arith.constant 0 : i32
      %dma_start3A_248 = arith.constant 0 : i32
      %dma_start3A_249 = tpu.memref_slice %arg6[%dma_start3A_246, %dma_start3A_247, %dma_start3A_248] : memref<2x256x128xf32, #tpu.memory_space<vmem>> -> memref<1x256x128xf32, #tpu.memory_space<vmem>>
      %dma_start3A_250 = tpu.memref_squeeze %dma_start3A_249 : memref<1x256x128xf32, #tpu.memory_space<vmem>> -> memref<256x128xf32, #tpu.memory_space<vmem>>
      %dma_start3A_251 = arith.constant 0 : i32
      %dma_start3A_252 = tpu.memref_slice %arg4[%add3A_245, %dma_start3A_251] : memref<81920x128xf32, #tpu.memory_space<hbm>> -> memref<256x128xf32, #tpu.memory_space<hbm>>
      %dma_start3A_253 = arith.constant 0 : i32
      %dma_start3A_254 = tpu.memref_slice %arg4[%add3A_245, %dma_start3A_253] : memref<81920x128xf32, #tpu.memory_space<hbm>> -> memref<256x128xf32, #tpu.memory_space<hbm>>
      %dma_start3A_255 = arith.constant 0 : i32
      %dma_start3A_256 = arith.constant 0 : i32
      %dma_start3A_257 = tpu.memref_slice %arg6[%dma_start3A_246, %dma_start3A_255, %dma_start3A_256] : memref<2x256x128xf32, #tpu.memory_space<vmem>> -> memref<1x256x128xf32, #tpu.memory_space<vmem>>
      %dma_start3A_258 = tpu.memref_squeeze %dma_start3A_257 : memref<1x256x128xf32, #tpu.memory_space<vmem>> -> memref<256x128xf32, #tpu.memory_space<vmem>>
      tpu.enqueue_dma source(%dma_start3A_258 : memref<256x128xf32, #tpu.memory_space<vmem>>) target(%dma_start3A_254 : memref<256x128xf32, #tpu.memory_space<hbm>>) target_semaphore(%arg11 : memref<!tpu.dma_semaphore, #tpu.memory_space<semaphore_mem>>)
    }
    %scan3A_22 = arith.constant 5 : i32
    %dma_wait3A = arith.constant 0 : i32
    %dma_wait3A_23 = arith.constant 0 : i32
    %dma_wait3A_24 = arith.constant 0 : i32
    %dma_wait3A_25 = tpu.memref_slice %arg6[%dma_wait3A, %dma_wait3A_23, %dma_wait3A_24] : memref<2x256x128xf32, #tpu.memory_space<vmem>> -> memref<1x256x128xf32, #tpu.memory_space<vmem>>
    %dma_wait3A_26 = tpu.memref_squeeze %dma_wait3A_25 : memref<1x256x128xf32, #tpu.memory_space<vmem>> -> memref<256x128xf32, #tpu.memory_space<vmem>>
    %dma_wait3A_27 = arith.constant 0 : i32
    %dma_wait3A_28 = arith.constant 0 : i32
    %dma_wait3A_29 = tpu.memref_slice %arg4[%dma_wait3A_27, %dma_wait3A_28] : memref<81920x128xf32, #tpu.memory_space<hbm>> -> memref<256x128xf32, #tpu.memory_space<hbm>>
    %dma_wait3A_30 = arith.constant 0 : i32
    %dma_wait3A_31 = arith.constant 0 : i32
    %dma_wait3A_32 = tpu.memref_slice %arg4[%dma_wait3A_30, %dma_wait3A_31] : memref<81920x128xf32, #tpu.memory_space<hbm>> -> memref<256x128xf32, #tpu.memory_space<hbm>>
    %dma_wait3A_33 = arith.constant 0 : i32
    %dma_wait3A_34 = arith.constant 0 : i32
    %dma_wait3A_35 = tpu.memref_slice %arg6[%dma_wait3A, %dma_wait3A_33, %dma_wait3A_34] : memref<2x256x128xf32, #tpu.memory_space<vmem>> -> memref<1x256x128xf32, #tpu.memory_space<vmem>>
    %dma_wait3A_36 = tpu.memref_squeeze %dma_wait3A_35 : memref<1x256x128xf32, #tpu.memory_space<vmem>> -> memref<256x128xf32, #tpu.memory_space<vmem>>
    tpu.wait_dma2 semaphore(%arg10 : memref<!tpu.dma_semaphore, #tpu.memory_space<semaphore_mem>>) src(%dma_wait3A_36 : memref<256x128xf32, #tpu.memory_space<vmem>>) dst(%dma_wait3A_32 : memref<256x128xf32, #tpu.memory_space<hbm>>)
    %dma_wait3A_37 = arith.constant 1 : i32
    %dma_wait3A_38 = arith.constant 0 : i32
    %dma_wait3A_39 = arith.constant 0 : i32
    %dma_wait3A_40 = tpu.memref_slice %arg6[%dma_wait3A_37, %dma_wait3A_38, %dma_wait3A_39] : memref<2x256x128xf32, #tpu.memory_space<vmem>> -> memref<1x256x128xf32, #tpu.memory_space<vmem>>
    %dma_wait3A_41 = tpu.memref_squeeze %dma_wait3A_40 : memref<1x256x128xf32, #tpu.memory_space<vmem>> -> memref<256x128xf32, #tpu.memory_space<vmem>>
    %dma_wait3A_42 = arith.constant 0 : i32
    %dma_wait3A_43 = arith.constant 0 : i32
    %dma_wait3A_44 = tpu.memref_slice %arg4[%dma_wait3A_42, %dma_wait3A_43] : memref<81920x128xf32, #tpu.memory_space<hbm>> -> memref<256x128xf32, #tpu.memory_space<hbm>>
    %dma_wait3A_45 = arith.constant 0 : i32
    %dma_wait3A_46 = arith.constant 0 : i32
    %dma_wait3A_47 = tpu.memref_slice %arg4[%dma_wait3A_45, %dma_wait3A_46] : memref<81920x128xf32, #tpu.memory_space<hbm>> -> memref<256x128xf32, #tpu.memory_space<hbm>>
    %dma_wait3A_48 = arith.constant 0 : i32
    %dma_wait3A_49 = arith.constant 0 : i32
    %dma_wait3A_50 = tpu.memref_slice %arg6[%dma_wait3A_37, %dma_wait3A_48, %dma_wait3A_49] : memref<2x256x128xf32, #tpu.memory_space<vmem>> -> memref<1x256x128xf32, #tpu.memory_space<vmem>>
    %dma_wait3A_51 = tpu.memref_squeeze %dma_wait3A_50 : memref<1x256x128xf32, #tpu.memory_space<vmem>> -> memref<256x128xf32, #tpu.memory_space<vmem>>
    tpu.wait_dma2 semaphore(%arg11 : memref<!tpu.dma_semaphore, #tpu.memory_space<semaphore_mem>>) src(%dma_wait3A_51 : memref<256x128xf32, #tpu.memory_space<vmem>>) dst(%dma_wait3A_47 : memref<256x128xf32, #tpu.memory_space<hbm>>)
    return
  }
}

#map = affine_map<(d0, d1) -> (0, 0)>
#map1 = affine_map<(d0, d1) -> (0, 0, 0)>
module attributes {stable_mosaic.version = 14 : i64} {
  func.func @k(%arg0: i32, %arg1: i32, %arg2: memref<10240x128xf32, #tpu.memory_space<hbm>>, %arg3: memref<32x20x128xi32, #tpu.memory_space<hbm>>, %arg4: memref<81920x128xf32, #tpu.memory_space<hbm>>, %arg5: memref<2x2x128xi32, #tpu.memory_space<vmem>>, %arg6: memref<2x256x128xf32, #tpu.memory_space<vmem>>, %arg7: memref<!tpu.dma_semaphore, #tpu.memory_space<semaphore_mem>>, %arg8: memref<!tpu.dma_semaphore, #tpu.memory_space<semaphore_mem>>, %arg9: memref<!tpu.dma_semaphore, #tpu.memory_space<semaphore_mem>>, %arg10: memref<!tpu.dma_semaphore, #tpu.memory_space<semaphore_mem>>, %arg11: memref<!tpu.dma_semaphore, #tpu.memory_space<semaphore_mem>>) attributes {dimension_semantics = [#tpu.dimension_semantics<core_parallel>, #tpu.dimension_semantics<subcore_parallel>], iteration_bounds = array<i64: 2, 16>, scalar_prefetch = 0 : i64, scratch_operands = 7 : i64, tpu.core_type = #tpu.core_type<sc_vector_subcore>, window_params = [{transform_indices = #map}, {transform_indices = #map1}, {transform_indices = #map}]} {
    %mul3A = arith.constant 2 : i32
    %mul3A_0 = arith.muli %arg1, %mul3A : i32
    %add3A = arith.addi %mul3A_0, %arg0 : i32
    %mul3A_1 = arith.constant 2560 : i32
    %mul3A_2 = arith.muli %add3A, %mul3A_1 : i32
    %dma_start3A = arith.constant 0 : i32
    %dma_start3A_3 = arith.constant 0 : i32
    %dma_start3A_4 = arith.constant 0 : i32
    %dma_start3A_5 = tpu.memref_slice %arg5[%dma_start3A, %dma_start3A_3, %dma_start3A_4] : memref<2x2x128xi32, #tpu.memory_space<vmem>> -> memref<1x2x128xi32, #tpu.memory_space<vmem>>
    %dma_start3A_6 = tpu.memref_squeeze %dma_start3A_5 : memref<1x2x128xi32, #tpu.memory_space<vmem>> -> memref<2x128xi32, #tpu.memory_space<vmem>>
    %dma_start3A_7 = arith.constant 0 : i32
    %dma_start3A_8 = arith.constant 0 : i32
    %dma_start3A_9 = tpu.memref_slice %arg3[%add3A, %dma_start3A_7, %dma_start3A_8] : memref<32x20x128xi32, #tpu.memory_space<hbm>> -> memref<1x2x128xi32, #tpu.memory_space<hbm>>
    %dma_start3A_10 = tpu.memref_squeeze %dma_start3A_9 : memref<1x2x128xi32, #tpu.memory_space<hbm>> -> memref<2x128xi32, #tpu.memory_space<hbm>>
    %dma_start3A_11 = arith.constant 0 : i32
    %dma_start3A_12 = arith.constant 0 : i32
    %dma_start3A_13 = tpu.memref_slice %arg5[%dma_start3A, %dma_start3A_11, %dma_start3A_12] : memref<2x2x128xi32, #tpu.memory_space<vmem>> -> memref<1x2x128xi32, #tpu.memory_space<vmem>>
    %dma_start3A_14 = tpu.memref_squeeze %dma_start3A_13 : memref<1x2x128xi32, #tpu.memory_space<vmem>> -> memref<2x128xi32, #tpu.memory_space<vmem>>
    %dma_start3A_15 = arith.constant 0 : i32
    %dma_start3A_16 = arith.constant 0 : i32
    %dma_start3A_17 = tpu.memref_slice %arg3[%add3A, %dma_start3A_15, %dma_start3A_16] : memref<32x20x128xi32, #tpu.memory_space<hbm>> -> memref<1x2x128xi32, #tpu.memory_space<hbm>>
    %dma_start3A_18 = tpu.memref_squeeze %dma_start3A_17 : memref<1x2x128xi32, #tpu.memory_space<hbm>> -> memref<2x128xi32, #tpu.memory_space<hbm>>
    tpu.enqueue_dma source(%dma_start3A_18 : memref<2x128xi32, #tpu.memory_space<hbm>>) target(%dma_start3A_14 : memref<2x128xi32, #tpu.memory_space<vmem>>) target_semaphore(%arg7 : memref<!tpu.dma_semaphore, #tpu.memory_space<semaphore_mem>>)
    %scan3A = arith.constant 0 : i32
    %scan3A_19 = arith.constant 5 : i32
    %scan3A_20 = arith.addi %scan3A, %scan3A_19 : i32
    %scan3A_21 = arith.constant 1 : i32
    scf.for %scan3A_52 = %scan3A to %scan3A_20 step %scan3A_21  : i32 {
      %mul3A_53 = arith.constant 2 : i32
      %mul3A_54 = arith.muli %scan3A_52, %mul3A_53 : i32
      %add3A_55 = arith.constant 0 : i32
      %add3A_56 = arith.addi %add3A_55, %mul3A_54 : i32
      %add3A_57 = arith.constant 0 : i32
      %add3A_58 = arith.addi %add3A_56, %add3A_57 : i32
      %dma_wait3A_59 = arith.constant 0 : i32
      %dma_wait3A_60 = arith.constant 0 : i32
      %dma_wait3A_61 = arith.constant 0 : i32
      %dma_wait3A_62 = tpu.memref_slice %arg5[%dma_wait3A_59, %dma_wait3A_60, %dma_wait3A_61] : memref<2x2x128xi32, #tpu.memory_space<vmem>> -> memref<1x2x128xi32, #tpu.memory_space<vmem>>
      %dma_wait3A_63 = tpu.memref_squeeze %dma_wait3A_62 : memref<1x2x128xi32, #tpu.memory_space<vmem>> -> memref<2x128xi32, #tpu.memory_space<vmem>>
      %dma_wait3A_64 = arith.constant 0 : i32
      %dma_wait3A_65 = arith.constant 0 : i32
      %dma_wait3A_66 = tpu.memref_slice %arg3[%add3A, %dma_wait3A_64, %dma_wait3A_65] : memref<32x20x128xi32, #tpu.memory_space<hbm>> -> memref<1x2x128xi32, #tpu.memory_space<hbm>>
      %dma_wait3A_67 = tpu.memref_squeeze %dma_wait3A_66 : memref<1x2x128xi32, #tpu.memory_space<hbm>> -> memref<2x128xi32, #tpu.memory_space<hbm>>
      %dma_wait3A_68 = arith.constant 0 : i32
      %dma_wait3A_69 = arith.constant 0 : i32
      %dma_wait3A_70 = tpu.memref_slice %arg5[%dma_wait3A_59, %dma_wait3A_68, %dma_wait3A_69] : memref<2x2x128xi32, #tpu.memory_space<vmem>> -> memref<1x2x128xi32, #tpu.memory_space<vmem>>
      %dma_wait3A_71 = tpu.memref_squeeze %dma_wait3A_70 : memref<1x2x128xi32, #tpu.memory_space<vmem>> -> memref<2x128xi32, #tpu.memory_space<vmem>>
      %dma_wait3A_72 = arith.constant 0 : i32
      %dma_wait3A_73 = arith.constant 0 : i32
      %dma_wait3A_74 = tpu.memref_slice %arg3[%add3A, %dma_wait3A_72, %dma_wait3A_73] : memref<32x20x128xi32, #tpu.memory_space<hbm>> -> memref<1x2x128xi32, #tpu.memory_space<hbm>>
      %dma_wait3A_75 = tpu.memref_squeeze %dma_wait3A_74 : memref<1x2x128xi32, #tpu.memory_space<hbm>> -> memref<2x128xi32, #tpu.memory_space<hbm>>
      tpu.wait_dma2 semaphore(%arg7 : memref<!tpu.dma_semaphore, #tpu.memory_space<semaphore_mem>>) src(%dma_wait3A_75 : memref<2x128xi32, #tpu.memory_space<hbm>>) dst(%dma_wait3A_71 : memref<2x128xi32, #tpu.memory_space<vmem>>)
      %add3A_76 = arith.constant 1 : i32
      %add3A_77 = arith.addi %add3A_58, %add3A_76 : i32
      %lt3A = arith.constant 10 : i32
      %lt3A_78 = arith.cmpi slt, %add3A_77, %lt3A : i32
      %convert_element_type3A = arith.extui %lt3A_78 : i1 to i32
      %cond3A = arith.constant 0 : i32
      %cond3A_79 = arith.cmpi ne, %convert_element_type3A, %cond3A : i32
      scf.if %cond3A_79 {
        %add3A_259 = arith.constant 1 : i32
        %add3A_260 = arith.addi %add3A_58, %add3A_259 : i32
        %mul3A_261 = arith.constant 2 : i32
        %mul3A_262 = arith.muli %add3A_260, %mul3A_261 : i32
        %dma_start3A_263 = arith.constant 1 : i32
        %dma_start3A_264 = arith.constant 0 : i32
        %dma_start3A_265 = arith.constant 0 : i32
        %dma_start3A_266 = tpu.memref_slice %arg5[%dma_start3A_263, %dma_start3A_264, %dma_start3A_265] : memref<2x2x128xi32, #tpu.memory_space<vmem>> -> memref<1x2x128xi32, #tpu.memory_space<vmem>>
        %dma_start3A_267 = tpu.memref_squeeze %dma_start3A_266 : memref<1x2x128xi32, #tpu.memory_space<vmem>> -> memref<2x128xi32, #tpu.memory_space<vmem>>
        %dma_start3A_268 = arith.constant 0 : i32
        %dma_start3A_269 = tpu.memref_slice %arg3[%add3A, %mul3A_262, %dma_start3A_268] : memref<32x20x128xi32, #tpu.memory_space<hbm>> -> memref<1x2x128xi32, #tpu.memory_space<hbm>>
        %dma_start3A_270 = tpu.memref_squeeze %dma_start3A_269 : memref<1x2x128xi32, #tpu.memory_space<hbm>> -> memref<2x128xi32, #tpu.memory_space<hbm>>
        %dma_start3A_271 = arith.constant 0 : i32
        %dma_start3A_272 = arith.constant 0 : i32
        %dma_start3A_273 = tpu.memref_slice %arg5[%dma_start3A_263, %dma_start3A_271, %dma_start3A_272] : memref<2x2x128xi32, #tpu.memory_space<vmem>> -> memref<1x2x128xi32, #tpu.memory_space<vmem>>
        %dma_start3A_274 = tpu.memref_squeeze %dma_start3A_273 : memref<1x2x128xi32, #tpu.memory_space<vmem>> -> memref<2x128xi32, #tpu.memory_space<vmem>>
        %dma_start3A_275 = arith.constant 0 : i32
        %dma_start3A_276 = tpu.memref_slice %arg3[%add3A, %mul3A_262, %dma_start3A_275] : memref<32x20x128xi32, #tpu.memory_space<hbm>> -> memref<1x2x128xi32, #tpu.memory_space<hbm>>
        %dma_start3A_277 = tpu.memref_squeeze %dma_start3A_276 : memref<1x2x128xi32, #tpu.memory_space<hbm>> -> memref<2x128xi32, #tpu.memory_space<hbm>>
        tpu.enqueue_dma source(%dma_start3A_277 : memref<2x128xi32, #tpu.memory_space<hbm>>) target(%dma_start3A_274 : memref<2x128xi32, #tpu.memory_space<vmem>>) target_semaphore(%arg8 : memref<!tpu.dma_semaphore, #tpu.memory_space<semaphore_mem>>)
      } else {
      }
      %ge3A = arith.constant 2 : i32
      %ge3A_80 = arith.cmpi sge, %add3A_58, %ge3A : i32
      %convert_element_type3A_81 = arith.extui %ge3A_80 : i1 to i32
      %cond3A_82 = arith.constant 0 : i32
      %cond3A_83 = arith.cmpi ne, %convert_element_type3A_81, %cond3A_82 : i32
      scf.if %cond3A_83 {
        %dma_wait3A_259 = arith.constant 0 : i32
        %dma_wait3A_260 = arith.constant 0 : i32
        %dma_wait3A_261 = arith.constant 0 : i32
        %dma_wait3A_262 = tpu.memref_slice %arg6[%dma_wait3A_259, %dma_wait3A_260, %dma_wait3A_261] : memref<2x256x128xf32, #tpu.memory_space<vmem>> -> memref<1x256x128xf32, #tpu.memory_space<vmem>>
        %dma_wait3A_263 = tpu.memref_squeeze %dma_wait3A_262 : memref<1x256x128xf32, #tpu.memory_space<vmem>> -> memref<256x128xf32, #tpu.memory_space<vmem>>
        %dma_wait3A_264 = arith.constant 0 : i32
        %dma_wait3A_265 = arith.constant 0 : i32
        %dma_wait3A_266 = tpu.memref_slice %arg4[%dma_wait3A_264, %dma_wait3A_265] : memref<81920x128xf32, #tpu.memory_space<hbm>> -> memref<256x128xf32, #tpu.memory_space<hbm>>
        %dma_wait3A_267 = arith.constant 0 : i32
        %dma_wait3A_268 = arith.constant 0 : i32
        %dma_wait3A_269 = tpu.memref_slice %arg4[%dma_wait3A_267, %dma_wait3A_268] : memref<81920x128xf32, #tpu.memory_space<hbm>> -> memref<256x128xf32, #tpu.memory_space<hbm>>
        %dma_wait3A_270 = arith.constant 0 : i32
        %dma_wait3A_271 = arith.constant 0 : i32
        %dma_wait3A_272 = tpu.memref_slice %arg6[%dma_wait3A_259, %dma_wait3A_270, %dma_wait3A_271] : memref<2x256x128xf32, #tpu.memory_space<vmem>> -> memref<1x256x128xf32, #tpu.memory_space<vmem>>
        %dma_wait3A_273 = tpu.memref_squeeze %dma_wait3A_272 : memref<1x256x128xf32, #tpu.memory_space<vmem>> -> memref<256x128xf32, #tpu.memory_space<vmem>>
        tpu.wait_dma2 semaphore(%arg10 : memref<!tpu.dma_semaphore, #tpu.memory_space<semaphore_mem>>) src(%dma_wait3A_273 : memref<256x128xf32, #tpu.memory_space<vmem>>) dst(%dma_wait3A_269 : memref<256x128xf32, #tpu.memory_space<hbm>>)
      } else {
      }
      %dma_start3A_84 = arith.constant 0 : i32
      %dma_start3A_85 = arith.constant 0 : i32
      %dma_start3A_86 = arith.constant 0 : i32
      %dma_start3A_87 = arith.constant 0 : i32
      %dma_start3A_88 = arith.constant 0 : i32
      %dma_start3A_89 = tpu.memref_slice %arg6[%dma_start3A_86, %dma_start3A_87, %dma_start3A_88] : memref<2x256x128xf32, #tpu.memory_space<vmem>> -> memref<1x128x128xf32, #tpu.memory_space<vmem>>
      %dma_start3A_90 = tpu.memref_squeeze %dma_start3A_89 : memref<1x128x128xf32, #tpu.memory_space<vmem>> -> memref<128x128xf32, #tpu.memory_space<vmem>>
      %dma_start3A_91 = arith.constant 0 : i32
      %dma_start3A_92 = tpu.memref_slice %arg5[%dma_start3A_84, %dma_start3A_85, %dma_start3A_91] : memref<2x2x128xi32, #tpu.memory_space<vmem>> -> memref<1x1x128xi32, #tpu.memory_space<vmem>>
      %dma_start3A_93 = tpu.memref_squeeze %dma_start3A_92 : memref<1x1x128xi32, #tpu.memory_space<vmem>> -> memref<128xi32, #tpu.memory_space<vmem>>
      %dma_start3A_94 = arith.constant 0 : i32
      %dma_start3A_95 = arith.constant 0 : i32
      %dma_start3A_96 = tpu.memref_slice %arg2[%dma_start3A_94, %dma_start3A_95] : memref<10240x128xf32, #tpu.memory_space<hbm>> -> memref<10240x128xf32, #tpu.memory_space<hbm>>
      tpu.enqueue_indirect_dma source(%dma_start3A_96 : memref<10240x128xf32, #tpu.memory_space<hbm>>) target(%dma_start3A_90 : memref<128x128xf32, #tpu.memory_space<vmem>>) offsets(%dma_start3A_93 : memref<128xi32, #tpu.memory_space<vmem>>) semaphore(%arg9 : memref<!tpu.dma_semaphore, #tpu.memory_space<semaphore_mem>>)
      %dma_start3A_97 = arith.constant 0 : i32
      %dma_start3A_98 = arith.constant 1 : i32
      %dma_start3A_99 = arith.constant 0 : i32
      %dma_start3A_100 = arith.constant 128 : i32
      %dma_start3A_101 = arith.constant 0 : i32
      %dma_start3A_102 = tpu.memref_slice %arg6[%dma_start3A_99, %dma_start3A_100, %dma_start3A_101] : memref<2x256x128xf32, #tpu.memory_space<vmem>> -> memref<1x128x128xf32, #tpu.memory_space<vmem>>
      %dma_start3A_103 = tpu.memref_squeeze %dma_start3A_102 : memref<1x128x128xf32, #tpu.memory_space<vmem>> -> memref<128x128xf32, #tpu.memory_space<vmem>>
      %dma_start3A_104 = arith.constant 0 : i32
      %dma_start3A_105 = tpu.memref_slice %arg5[%dma_start3A_97, %dma_start3A_98, %dma_start3A_104] : memref<2x2x128xi32, #tpu.memory_space<vmem>> -> memref<1x1x128xi32, #tpu.memory_space<vmem>>
      %dma_start3A_106 = tpu.memref_squeeze %dma_start3A_105 : memref<1x1x128xi32, #tpu.memory_space<vmem>> -> memref<128xi32, #tpu.memory_space<vmem>>
      %dma_start3A_107 = arith.constant 0 : i32
      %dma_start3A_108 = arith.constant 0 : i32
      %dma_start3A_109 = tpu.memref_slice %arg2[%dma_start3A_107, %dma_start3A_108] : memref<10240x128xf32, #tpu.memory_space<hbm>> -> memref<10240x128xf32, #tpu.memory_space<hbm>>
      tpu.enqueue_indirect_dma source(%dma_start3A_109 : memref<10240x128xf32, #tpu.memory_space<hbm>>) target(%dma_start3A_103 : memref<128x128xf32, #tpu.memory_space<vmem>>) offsets(%dma_start3A_106 : memref<128xi32, #tpu.memory_space<vmem>>) semaphore(%arg9 : memref<!tpu.dma_semaphore, #tpu.memory_space<semaphore_mem>>)
      %dma_wait3A_110 = arith.constant 0 : i32
      %dma_wait3A_111 = arith.constant 0 : i32
      %dma_wait3A_112 = arith.constant 0 : i32
      %dma_wait3A_113 = tpu.memref_slice %arg6[%dma_wait3A_110, %dma_wait3A_111, %dma_wait3A_112] : memref<2x256x128xf32, #tpu.memory_space<vmem>> -> memref<1x128x128xf32, #tpu.memory_space<vmem>>
      %dma_wait3A_114 = tpu.memref_squeeze %dma_wait3A_113 : memref<1x128x128xf32, #tpu.memory_space<vmem>> -> memref<128x128xf32, #tpu.memory_space<vmem>>
      %dma_wait3A_115 = arith.constant 0 : i32
      %dma_wait3A_116 = arith.constant 0 : i32
      %dma_wait3A_117 = tpu.memref_slice %arg2[%dma_wait3A_115, %dma_wait3A_116] : memref<10240x128xf32, #tpu.memory_space<hbm>> -> memref<128x128xf32, #tpu.memory_space<hbm>>
      %dma_wait3A_118 = arith.constant 0 : i32
      %dma_wait3A_119 = arith.constant 0 : i32
      %dma_wait3A_120 = tpu.memref_slice %arg6[%dma_wait3A_110, %dma_wait3A_118, %dma_wait3A_119] : memref<2x256x128xf32, #tpu.memory_space<vmem>> -> memref<1x128x128xf32, #tpu.memory_space<vmem>>
      %dma_wait3A_121 = tpu.memref_squeeze %dma_wait3A_120 : memref<1x128x128xf32, #tpu.memory_space<vmem>> -> memref<128x128xf32, #tpu.memory_space<vmem>>
      %dma_wait3A_122 = arith.constant 0 : i32
      %dma_wait3A_123 = arith.constant 0 : i32
      %dma_wait3A_124 = tpu.memref_slice %arg2[%dma_wait3A_122, %dma_wait3A_123] : memref<10240x128xf32, #tpu.memory_space<hbm>> -> memref<128x128xf32, #tpu.memory_space<hbm>>
      tpu.wait_dma2 semaphore(%arg9 : memref<!tpu.dma_semaphore, #tpu.memory_space<semaphore_mem>>) src(%dma_wait3A_124 : memref<128x128xf32, #tpu.memory_space<hbm>>) dst(%dma_wait3A_121 : memref<128x128xf32, #tpu.memory_space<vmem>>)
      %dma_wait3A_125 = arith.constant 0 : i32
      %dma_wait3A_126 = arith.constant 128 : i32
      %dma_wait3A_127 = arith.constant 0 : i32
      %dma_wait3A_128 = tpu.memref_slice %arg6[%dma_wait3A_125, %dma_wait3A_126, %dma_wait3A_127] : memref<2x256x128xf32, #tpu.memory_space<vmem>> -> memref<1x128x128xf32, #tpu.memory_space<vmem>>
      %dma_wait3A_129 = tpu.memref_squeeze %dma_wait3A_128 : memref<1x128x128xf32, #tpu.memory_space<vmem>> -> memref<128x128xf32, #tpu.memory_space<vmem>>
      %dma_wait3A_130 = arith.constant 0 : i32
      %dma_wait3A_131 = arith.constant 0 : i32
      %dma_wait3A_132 = tpu.memref_slice %arg2[%dma_wait3A_130, %dma_wait3A_131] : memref<10240x128xf32, #tpu.memory_space<hbm>> -> memref<128x128xf32, #tpu.memory_space<hbm>>
      %dma_wait3A_133 = arith.constant 128 : i32
      %dma_wait3A_134 = arith.constant 0 : i32
      %dma_wait3A_135 = tpu.memref_slice %arg6[%dma_wait3A_125, %dma_wait3A_133, %dma_wait3A_134] : memref<2x256x128xf32, #tpu.memory_space<vmem>> -> memref<1x128x128xf32, #tpu.memory_space<vmem>>
      %dma_wait3A_136 = tpu.memref_squeeze %dma_wait3A_135 : memref<1x128x128xf32, #tpu.memory_space<vmem>> -> memref<128x128xf32, #tpu.memory_space<vmem>>
      %dma_wait3A_137 = arith.constant 0 : i32
      %dma_wait3A_138 = arith.constant 0 : i32
      %dma_wait3A_139 = tpu.memref_slice %arg2[%dma_wait3A_137, %dma_wait3A_138] : memref<10240x128xf32, #tpu.memory_space<hbm>> -> memref<128x128xf32, #tpu.memory_space<hbm>>
      tpu.wait_dma2 semaphore(%arg9 : memref<!tpu.dma_semaphore, #tpu.memory_space<semaphore_mem>>) src(%dma_wait3A_139 : memref<128x128xf32, #tpu.memory_space<hbm>>) dst(%dma_wait3A_136 : memref<128x128xf32, #tpu.memory_space<vmem>>)
      %mul3A_140 = arith.constant 256 : i32
      %mul3A_141 = arith.muli %add3A_58, %mul3A_140 : i32
      %add3A_142 = arith.addi %mul3A_2, %mul3A_141 : i32
      %dma_start3A_143 = arith.constant 0 : i32
      %dma_start3A_144 = arith.constant 0 : i32
      %dma_start3A_145 = arith.constant 0 : i32
      %dma_start3A_146 = tpu.memref_slice %arg6[%dma_start3A_143, %dma_start3A_144, %dma_start3A_145] : memref<2x256x128xf32, #tpu.memory_space<vmem>> -> memref<1x256x128xf32, #tpu.memory_space<vmem>>
      %dma_start3A_147 = tpu.memref_squeeze %dma_start3A_146 : memref<1x256x128xf32, #tpu.memory_space<vmem>> -> memref<256x128xf32, #tpu.memory_space<vmem>>
      %dma_start3A_148 = arith.constant 0 : i32
      %dma_start3A_149 = tpu.memref_slice %arg4[%add3A_142, %dma_start3A_148] : memref<81920x128xf32, #tpu.memory_space<hbm>> -> memref<256x128xf32, #tpu.memory_space<hbm>>
      %dma_start3A_150 = arith.constant 0 : i32
      %dma_start3A_151 = tpu.memref_slice %arg4[%add3A_142, %dma_start3A_150] : memref<81920x128xf32, #tpu.memory_space<hbm>> -> memref<256x128xf32, #tpu.memory_space<hbm>>
      %dma_start3A_152 = arith.constant 0 : i32
      %dma_start3A_153 = arith.constant 0 : i32
      %dma_start3A_154 = tpu.memref_slice %arg6[%dma_start3A_143, %dma_start3A_152, %dma_start3A_153] : memref<2x256x128xf32, #tpu.memory_space<vmem>> -> memref<1x256x128xf32, #tpu.memory_space<vmem>>
      %dma_start3A_155 = tpu.memref_squeeze %dma_start3A_154 : memref<1x256x128xf32, #tpu.memory_space<vmem>> -> memref<256x128xf32, #tpu.memory_space<vmem>>
      tpu.enqueue_dma source(%dma_start3A_155 : memref<256x128xf32, #tpu.memory_space<vmem>>) target(%dma_start3A_151 : memref<256x128xf32, #tpu.memory_space<hbm>>) target_semaphore(%arg10 : memref<!tpu.dma_semaphore, #tpu.memory_space<semaphore_mem>>)
      %add3A_156 = arith.constant 1 : i32
      %add3A_157 = arith.addi %add3A_56, %add3A_156 : i32
      %dma_wait3A_158 = arith.constant 1 : i32
      %dma_wait3A_159 = arith.constant 0 : i32
      %dma_wait3A_160 = arith.constant 0 : i32
      %dma_wait3A_161 = tpu.memref_slice %arg5[%dma_wait3A_158, %dma_wait3A_159, %dma_wait3A_160] : memref<2x2x128xi32, #tpu.memory_space<vmem>> -> memref<1x2x128xi32, #tpu.memory_space<vmem>>
      %dma_wait3A_162 = tpu.memref_squeeze %dma_wait3A_161 : memref<1x2x128xi32, #tpu.memory_space<vmem>> -> memref<2x128xi32, #tpu.memory_space<vmem>>
      %dma_wait3A_163 = arith.constant 0 : i32
      %dma_wait3A_164 = arith.constant 0 : i32
      %dma_wait3A_165 = tpu.memref_slice %arg3[%add3A, %dma_wait3A_163, %dma_wait3A_164] : memref<32x20x128xi32, #tpu.memory_space<hbm>> -> memref<1x2x128xi32, #tpu.memory_space<hbm>>
      %dma_wait3A_166 = tpu.memref_squeeze %dma_wait3A_165 : memref<1x2x128xi32, #tpu.memory_space<hbm>> -> memref<2x128xi32, #tpu.memory_space<hbm>>
      %dma_wait3A_167 = arith.constant 0 : i32
      %dma_wait3A_168 = arith.constant 0 : i32
      %dma_wait3A_169 = tpu.memref_slice %arg5[%dma_wait3A_158, %dma_wait3A_167, %dma_wait3A_168] : memref<2x2x128xi32, #tpu.memory_space<vmem>> -> memref<1x2x128xi32, #tpu.memory_space<vmem>>
      %dma_wait3A_170 = tpu.memref_squeeze %dma_wait3A_169 : memref<1x2x128xi32, #tpu.memory_space<vmem>> -> memref<2x128xi32, #tpu.memory_space<vmem>>
      %dma_wait3A_171 = arith.constant 0 : i32
      %dma_wait3A_172 = arith.constant 0 : i32
      %dma_wait3A_173 = tpu.memref_slice %arg3[%add3A, %dma_wait3A_171, %dma_wait3A_172] : memref<32x20x128xi32, #tpu.memory_space<hbm>> -> memref<1x2x128xi32, #tpu.memory_space<hbm>>
      %dma_wait3A_174 = tpu.memref_squeeze %dma_wait3A_173 : memref<1x2x128xi32, #tpu.memory_space<hbm>> -> memref<2x128xi32, #tpu.memory_space<hbm>>
      tpu.wait_dma2 semaphore(%arg8 : memref<!tpu.dma_semaphore, #tpu.memory_space<semaphore_mem>>) src(%dma_wait3A_174 : memref<2x128xi32, #tpu.memory_space<hbm>>) dst(%dma_wait3A_170 : memref<2x128xi32, #tpu.memory_space<vmem>>)
      %add3A_175 = arith.constant 1 : i32
      %add3A_176 = arith.addi %add3A_157, %add3A_175 : i32
      %lt3A_177 = arith.constant 10 : i32
      %lt3A_178 = arith.cmpi slt, %add3A_176, %lt3A_177 : i32
      %convert_element_type3A_179 = arith.extui %lt3A_178 : i1 to i32
      %cond3A_180 = arith.constant 0 : i32
      %cond3A_181 = arith.cmpi ne, %convert_element_type3A_179, %cond3A_180 : i32
      scf.if %cond3A_181 {
        %add3A_259 = arith.constant 1 : i32
        %add3A_260 = arith.addi %add3A_157, %add3A_259 : i32
        %mul3A_261 = arith.constant 2 : i32
        %mul3A_262 = arith.muli %add3A_260, %mul3A_261 : i32
        %dma_start3A_263 = arith.constant 0 : i32
        %dma_start3A_264 = arith.constant 0 : i32
        %dma_start3A_265 = arith.constant 0 : i32
        %dma_start3A_266 = tpu.memref_slice %arg5[%dma_start3A_263, %dma_start3A_264, %dma_start3A_265] : memref<2x2x128xi32, #tpu.memory_space<vmem>> -> memref<1x2x128xi32, #tpu.memory_space<vmem>>
        %dma_start3A_267 = tpu.memref_squeeze %dma_start3A_266 : memref<1x2x128xi32, #tpu.memory_space<vmem>> -> memref<2x128xi32, #tpu.memory_space<vmem>>
        %dma_start3A_268 = arith.constant 0 : i32
        %dma_start3A_269 = tpu.memref_slice %arg3[%add3A, %mul3A_262, %dma_start3A_268] : memref<32x20x128xi32, #tpu.memory_space<hbm>> -> memref<1x2x128xi32, #tpu.memory_space<hbm>>
        %dma_start3A_270 = tpu.memref_squeeze %dma_start3A_269 : memref<1x2x128xi32, #tpu.memory_space<hbm>> -> memref<2x128xi32, #tpu.memory_space<hbm>>
        %dma_start3A_271 = arith.constant 0 : i32
        %dma_start3A_272 = arith.constant 0 : i32
        %dma_start3A_273 = tpu.memref_slice %arg5[%dma_start3A_263, %dma_start3A_271, %dma_start3A_272] : memref<2x2x128xi32, #tpu.memory_space<vmem>> -> memref<1x2x128xi32, #tpu.memory_space<vmem>>
        %dma_start3A_274 = tpu.memref_squeeze %dma_start3A_273 : memref<1x2x128xi32, #tpu.memory_space<vmem>> -> memref<2x128xi32, #tpu.memory_space<vmem>>
        %dma_start3A_275 = arith.constant 0 : i32
        %dma_start3A_276 = tpu.memref_slice %arg3[%add3A, %mul3A_262, %dma_start3A_275] : memref<32x20x128xi32, #tpu.memory_space<hbm>> -> memref<1x2x128xi32, #tpu.memory_space<hbm>>
        %dma_start3A_277 = tpu.memref_squeeze %dma_start3A_276 : memref<1x2x128xi32, #tpu.memory_space<hbm>> -> memref<2x128xi32, #tpu.memory_space<hbm>>
        tpu.enqueue_dma source(%dma_start3A_277 : memref<2x128xi32, #tpu.memory_space<hbm>>) target(%dma_start3A_274 : memref<2x128xi32, #tpu.memory_space<vmem>>) target_semaphore(%arg7 : memref<!tpu.dma_semaphore, #tpu.memory_space<semaphore_mem>>)
      } else {
      }
      %ge3A_182 = arith.constant 2 : i32
      %ge3A_183 = arith.cmpi sge, %add3A_157, %ge3A_182 : i32
      %convert_element_type3A_184 = arith.extui %ge3A_183 : i1 to i32
      %cond3A_185 = arith.constant 0 : i32
      %cond3A_186 = arith.cmpi ne, %convert_element_type3A_184, %cond3A_185 : i32
      scf.if %cond3A_186 {
        %dma_wait3A_259 = arith.constant 1 : i32
        %dma_wait3A_260 = arith.constant 0 : i32
        %dma_wait3A_261 = arith.constant 0 : i32
        %dma_wait3A_262 = tpu.memref_slice %arg6[%dma_wait3A_259, %dma_wait3A_260, %dma_wait3A_261] : memref<2x256x128xf32, #tpu.memory_space<vmem>> -> memref<1x256x128xf32, #tpu.memory_space<vmem>>
        %dma_wait3A_263 = tpu.memref_squeeze %dma_wait3A_262 : memref<1x256x128xf32, #tpu.memory_space<vmem>> -> memref<256x128xf32, #tpu.memory_space<vmem>>
        %dma_wait3A_264 = arith.constant 0 : i32
        %dma_wait3A_265 = arith.constant 0 : i32
        %dma_wait3A_266 = tpu.memref_slice %arg4[%dma_wait3A_264, %dma_wait3A_265] : memref<81920x128xf32, #tpu.memory_space<hbm>> -> memref<256x128xf32, #tpu.memory_space<hbm>>
        %dma_wait3A_267 = arith.constant 0 : i32
        %dma_wait3A_268 = arith.constant 0 : i32
        %dma_wait3A_269 = tpu.memref_slice %arg4[%dma_wait3A_267, %dma_wait3A_268] : memref<81920x128xf32, #tpu.memory_space<hbm>> -> memref<256x128xf32, #tpu.memory_space<hbm>>
        %dma_wait3A_270 = arith.constant 0 : i32
        %dma_wait3A_271 = arith.constant 0 : i32
        %dma_wait3A_272 = tpu.memref_slice %arg6[%dma_wait3A_259, %dma_wait3A_270, %dma_wait3A_271] : memref<2x256x128xf32, #tpu.memory_space<vmem>> -> memref<1x256x128xf32, #tpu.memory_space<vmem>>
        %dma_wait3A_273 = tpu.memref_squeeze %dma_wait3A_272 : memref<1x256x128xf32, #tpu.memory_space<vmem>> -> memref<256x128xf32, #tpu.memory_space<vmem>>
        tpu.wait_dma2 semaphore(%arg11 : memref<!tpu.dma_semaphore, #tpu.memory_space<semaphore_mem>>) src(%dma_wait3A_273 : memref<256x128xf32, #tpu.memory_space<vmem>>) dst(%dma_wait3A_269 : memref<256x128xf32, #tpu.memory_space<hbm>>)
      } else {
      }
      %dma_start3A_187 = arith.constant 1 : i32
      %dma_start3A_188 = arith.constant 0 : i32
      %dma_start3A_189 = arith.constant 1 : i32
      %dma_start3A_190 = arith.constant 0 : i32
      %dma_start3A_191 = arith.constant 0 : i32
      %dma_start3A_192 = tpu.memref_slice %arg6[%dma_start3A_189, %dma_start3A_190, %dma_start3A_191] : memref<2x256x128xf32, #tpu.memory_space<vmem>> -> memref<1x128x128xf32, #tpu.memory_space<vmem>>
      %dma_start3A_193 = tpu.memref_squeeze %dma_start3A_192 : memref<1x128x128xf32, #tpu.memory_space<vmem>> -> memref<128x128xf32, #tpu.memory_space<vmem>>
      %dma_start3A_194 = arith.constant 0 : i32
      %dma_start3A_195 = tpu.memref_slice %arg5[%dma_start3A_187, %dma_start3A_188, %dma_start3A_194] : memref<2x2x128xi32, #tpu.memory_space<vmem>> -> memref<1x1x128xi32, #tpu.memory_space<vmem>>
      %dma_start3A_196 = tpu.memref_squeeze %dma_start3A_195 : memref<1x1x128xi32, #tpu.memory_space<vmem>> -> memref<128xi32, #tpu.memory_space<vmem>>
      %dma_start3A_197 = arith.constant 0 : i32
      %dma_start3A_198 = arith.constant 0 : i32
      %dma_start3A_199 = tpu.memref_slice %arg2[%dma_start3A_197, %dma_start3A_198] : memref<10240x128xf32, #tpu.memory_space<hbm>> -> memref<10240x128xf32, #tpu.memory_space<hbm>>
      tpu.enqueue_indirect_dma source(%dma_start3A_199 : memref<10240x128xf32, #tpu.memory_space<hbm>>) target(%dma_start3A_193 : memref<128x128xf32, #tpu.memory_space<vmem>>) offsets(%dma_start3A_196 : memref<128xi32, #tpu.memory_space<vmem>>) semaphore(%arg9 : memref<!tpu.dma_semaphore, #tpu.memory_space<semaphore_mem>>)
      %dma_start3A_200 = arith.constant 1 : i32
      %dma_start3A_201 = arith.constant 1 : i32
      %dma_start3A_202 = arith.constant 1 : i32
      %dma_start3A_203 = arith.constant 128 : i32
      %dma_start3A_204 = arith.constant 0 : i32
      %dma_start3A_205 = tpu.memref_slice %arg6[%dma_start3A_202, %dma_start3A_203, %dma_start3A_204] : memref<2x256x128xf32, #tpu.memory_space<vmem>> -> memref<1x128x128xf32, #tpu.memory_space<vmem>>
      %dma_start3A_206 = tpu.memref_squeeze %dma_start3A_205 : memref<1x128x128xf32, #tpu.memory_space<vmem>> -> memref<128x128xf32, #tpu.memory_space<vmem>>
      %dma_start3A_207 = arith.constant 0 : i32
      %dma_start3A_208 = tpu.memref_slice %arg5[%dma_start3A_200, %dma_start3A_201, %dma_start3A_207] : memref<2x2x128xi32, #tpu.memory_space<vmem>> -> memref<1x1x128xi32, #tpu.memory_space<vmem>>
      %dma_start3A_209 = tpu.memref_squeeze %dma_start3A_208 : memref<1x1x128xi32, #tpu.memory_space<vmem>> -> memref<128xi32, #tpu.memory_space<vmem>>
      %dma_start3A_210 = arith.constant 0 : i32
      %dma_start3A_211 = arith.constant 0 : i32
      %dma_start3A_212 = tpu.memref_slice %arg2[%dma_start3A_210, %dma_start3A_211] : memref<10240x128xf32, #tpu.memory_space<hbm>> -> memref<10240x128xf32, #tpu.memory_space<hbm>>
      tpu.enqueue_indirect_dma source(%dma_start3A_212 : memref<10240x128xf32, #tpu.memory_space<hbm>>) target(%dma_start3A_206 : memref<128x128xf32, #tpu.memory_space<vmem>>) offsets(%dma_start3A_209 : memref<128xi32, #tpu.memory_space<vmem>>) semaphore(%arg9 : memref<!tpu.dma_semaphore, #tpu.memory_space<semaphore_mem>>)
      %dma_wait3A_213 = arith.constant 1 : i32
      %dma_wait3A_214 = arith.constant 0 : i32
      %dma_wait3A_215 = arith.constant 0 : i32
      %dma_wait3A_216 = tpu.memref_slice %arg6[%dma_wait3A_213, %dma_wait3A_214, %dma_wait3A_215] : memref<2x256x128xf32, #tpu.memory_space<vmem>> -> memref<1x128x128xf32, #tpu.memory_space<vmem>>
      %dma_wait3A_217 = tpu.memref_squeeze %dma_wait3A_216 : memref<1x128x128xf32, #tpu.memory_space<vmem>> -> memref<128x128xf32, #tpu.memory_space<vmem>>
      %dma_wait3A_218 = arith.constant 0 : i32
      %dma_wait3A_219 = arith.constant 0 : i32
      %dma_wait3A_220 = tpu.memref_slice %arg2[%dma_wait3A_218, %dma_wait3A_219] : memref<10240x128xf32, #tpu.memory_space<hbm>> -> memref<128x128xf32, #tpu.memory_space<hbm>>
      %dma_wait3A_221 = arith.constant 0 : i32
      %dma_wait3A_222 = arith.constant 0 : i32
      %dma_wait3A_223 = tpu.memref_slice %arg6[%dma_wait3A_213, %dma_wait3A_221, %dma_wait3A_222] : memref<2x256x128xf32, #tpu.memory_space<vmem>> -> memref<1x128x128xf32, #tpu.memory_space<vmem>>
      %dma_wait3A_224 = tpu.memref_squeeze %dma_wait3A_223 : memref<1x128x128xf32, #tpu.memory_space<vmem>> -> memref<128x128xf32, #tpu.memory_space<vmem>>
      %dma_wait3A_225 = arith.constant 0 : i32
      %dma_wait3A_226 = arith.constant 0 : i32
      %dma_wait3A_227 = tpu.memref_slice %arg2[%dma_wait3A_225, %dma_wait3A_226] : memref<10240x128xf32, #tpu.memory_space<hbm>> -> memref<128x128xf32, #tpu.memory_space<hbm>>
      tpu.wait_dma2 semaphore(%arg9 : memref<!tpu.dma_semaphore, #tpu.memory_space<semaphore_mem>>) src(%dma_wait3A_227 : memref<128x128xf32, #tpu.memory_space<hbm>>) dst(%dma_wait3A_224 : memref<128x128xf32, #tpu.memory_space<vmem>>)
      %dma_wait3A_228 = arith.constant 1 : i32
      %dma_wait3A_229 = arith.constant 128 : i32
      %dma_wait3A_230 = arith.constant 0 : i32
      %dma_wait3A_231 = tpu.memref_slice %arg6[%dma_wait3A_228, %dma_wait3A_229, %dma_wait3A_230] : memref<2x256x128xf32, #tpu.memory_space<vmem>> -> memref<1x128x128xf32, #tpu.memory_space<vmem>>
      %dma_wait3A_232 = tpu.memref_squeeze %dma_wait3A_231 : memref<1x128x128xf32, #tpu.memory_space<vmem>> -> memref<128x128xf32, #tpu.memory_space<vmem>>
      %dma_wait3A_233 = arith.constant 0 : i32
      %dma_wait3A_234 = arith.constant 0 : i32
      %dma_wait3A_235 = tpu.memref_slice %arg2[%dma_wait3A_233, %dma_wait3A_234] : memref<10240x128xf32, #tpu.memory_space<hbm>> -> memref<128x128xf32, #tpu.memory_space<hbm>>
      %dma_wait3A_236 = arith.constant 128 : i32
      %dma_wait3A_237 = arith.constant 0 : i32
      %dma_wait3A_238 = tpu.memref_slice %arg6[%dma_wait3A_228, %dma_wait3A_236, %dma_wait3A_237] : memref<2x256x128xf32, #tpu.memory_space<vmem>> -> memref<1x128x128xf32, #tpu.memory_space<vmem>>
      %dma_wait3A_239 = tpu.memref_squeeze %dma_wait3A_238 : memref<1x128x128xf32, #tpu.memory_space<vmem>> -> memref<128x128xf32, #tpu.memory_space<vmem>>
      %dma_wait3A_240 = arith.constant 0 : i32
      %dma_wait3A_241 = arith.constant 0 : i32
      %dma_wait3A_242 = tpu.memref_slice %arg2[%dma_wait3A_240, %dma_wait3A_241] : memref<10240x128xf32, #tpu.memory_space<hbm>> -> memref<128x128xf32, #tpu.memory_space<hbm>>
      tpu.wait_dma2 semaphore(%arg9 : memref<!tpu.dma_semaphore, #tpu.memory_space<semaphore_mem>>) src(%dma_wait3A_242 : memref<128x128xf32, #tpu.memory_space<hbm>>) dst(%dma_wait3A_239 : memref<128x128xf32, #tpu.memory_space<vmem>>)
      %mul3A_243 = arith.constant 256 : i32
      %mul3A_244 = arith.muli %add3A_157, %mul3A_243 : i32
      %add3A_245 = arith.addi %mul3A_2, %mul3A_244 : i32
      %dma_start3A_246 = arith.constant 1 : i32
      %dma_start3A_247 = arith.constant 0 : i32
      %dma_start3A_248 = arith.constant 0 : i32
      %dma_start3A_249 = tpu.memref_slice %arg6[%dma_start3A_246, %dma_start3A_247, %dma_start3A_248] : memref<2x256x128xf32, #tpu.memory_space<vmem>> -> memref<1x256x128xf32, #tpu.memory_space<vmem>>
      %dma_start3A_250 = tpu.memref_squeeze %dma_start3A_249 : memref<1x256x128xf32, #tpu.memory_space<vmem>> -> memref<256x128xf32, #tpu.memory_space<vmem>>
      %dma_start3A_251 = arith.constant 0 : i32
      %dma_start3A_252 = tpu.memref_slice %arg4[%add3A_245, %dma_start3A_251] : memref<81920x128xf32, #tpu.memory_space<hbm>> -> memref<256x128xf32, #tpu.memory_space<hbm>>
      %dma_start3A_253 = arith.constant 0 : i32
      %dma_start3A_254 = tpu.memref_slice %arg4[%add3A_245, %dma_start3A_253] : memref<81920x128xf32, #tpu.memory_space<hbm>> -> memref<256x128xf32, #tpu.memory_space<hbm>>
      %dma_start3A_255 = arith.constant 0 : i32
      %dma_start3A_256 = arith.constant 0 : i32
      %dma_start3A_257 = tpu.memref_slice %arg6[%dma_start3A_246, %dma_start3A_255, %dma_start3A_256] : memref<2x256x128xf32, #tpu.memory_space<vmem>> -> memref<1x256x128xf32, #tpu.memory_space<vmem>>
      %dma_start3A_258 = tpu.memref_squeeze %dma_start3A_257 : memref<1x256x128xf32, #tpu.memory_space<vmem>> -> memref<256x128xf32, #tpu.memory_space<vmem>>
      tpu.enqueue_dma source(%dma_start3A_258 : memref<256x128xf32, #tpu.memory_space<vmem>>) target(%dma_start3A_254 : memref<256x128xf32, #tpu.memory_space<hbm>>) target_semaphore(%arg11 : memref<!tpu.dma_semaphore, #tpu.memory_space<semaphore_mem>>)
    }
    %scan3A_22 = arith.constant 5 : i32
    %dma_wait3A = arith.constant 0 : i32
    %dma_wait3A_23 = arith.constant 0 : i32
    %dma_wait3A_24 = arith.constant 0 : i32
    %dma_wait3A_25 = tpu.memref_slice %arg6[%dma_wait3A, %dma_wait3A_23, %dma_wait3A_24] : memref<2x256x128xf32, #tpu.memory_space<vmem>> -> memref<1x256x128xf32, #tpu.memory_space<vmem>>
    %dma_wait3A_26 = tpu.memref_squeeze %dma_wait3A_25 : memref<1x256x128xf32, #tpu.memory_space<vmem>> -> memref<256x128xf32, #tpu.memory_space<vmem>>
    %dma_wait3A_27 = arith.constant 0 : i32
    %dma_wait3A_28 = arith.constant 0 : i32
    %dma_wait3A_29 = tpu.memref_slice %arg4[%dma_wait3A_27, %dma_wait3A_28] : memref<81920x128xf32, #tpu.memory_space<hbm>> -> memref<256x128xf32, #tpu.memory_space<hbm>>
    %dma_wait3A_30 = arith.constant 0 : i32
    %dma_wait3A_31 = arith.constant 0 : i32
    %dma_wait3A_32 = tpu.memref_slice %arg4[%dma_wait3A_30, %dma_wait3A_31] : memref<81920x128xf32, #tpu.memory_space<hbm>> -> memref<256x128xf32, #tpu.memory_space<hbm>>
    %dma_wait3A_33 = arith.constant 0 : i32
    %dma_wait3A_34 = arith.constant 0 : i32
    %dma_wait3A_35 = tpu.memref_slice %arg6[%dma_wait3A, %dma_wait3A_33, %dma_wait3A_34] : memref<2x256x128xf32, #tpu.memory_space<vmem>> -> memref<1x256x128xf32, #tpu.memory_space<vmem>>
    %dma_wait3A_36 = tpu.memref_squeeze %dma_wait3A_35 : memref<1x256x128xf32, #tpu.memory_space<vmem>> -> memref<256x128xf32, #tpu.memory_space<vmem>>
    tpu.wait_dma2 semaphore(%arg10 : memref<!tpu.dma_semaphore, #tpu.memory_space<semaphore_mem>>) src(%dma_wait3A_36 : memref<256x128xf32, #tpu.memory_space<vmem>>) dst(%dma_wait3A_32 : memref<256x128xf32, #tpu.memory_space<hbm>>)
    %dma_wait3A_37 = arith.constant 1 : i32
    %dma_wait3A_38 = arith.constant 0 : i32
    %dma_wait3A_39 = arith.constant 0 : i32
    %dma_wait3A_40 = tpu.memref_slice %arg6[%dma_wait3A_37, %dma_wait3A_38, %dma_wait3A_39] : memref<2x256x128xf32, #tpu.memory_space<vmem>> -> memref<1x256x128xf32, #tpu.memory_space<vmem>>
    %dma_wait3A_41 = tpu.memref_squeeze %dma_wait3A_40 : memref<1x256x128xf32, #tpu.memory_space<vmem>> -> memref<256x128xf32, #tpu.memory_space<vmem>>
    %dma_wait3A_42 = arith.constant 0 : i32
    %dma_wait3A_43 = arith.constant 0 : i32
    %dma_wait3A_44 = tpu.memref_slice %arg4[%dma_wait3A_42, %dma_wait3A_43] : memref<81920x128xf32, #tpu.memory_space<hbm>> -> memref<256x128xf32, #tpu.memory_space<hbm>>
    %dma_wait3A_45 = arith.constant 0 : i32
    %dma_wait3A_46 = arith.constant 0 : i32
    %dma_wait3A_47 = tpu.memref_slice %arg4[%dma_wait3A_45, %dma_wait3A_46] : memref<81920x128xf32, #tpu.memory_space<hbm>> -> memref<256x128xf32, #tpu.memory_space<hbm>>
    %dma_wait3A_48 = arith.constant 0 : i32
    %dma_wait3A_49 = arith.constant 0 : i32
    %dma_wait3A_50 = tpu.memref_slice %arg6[%dma_wait3A_37, %dma_wait3A_48, %dma_wait3A_49] : memref<2x256x128xf32, #tpu.memory_space<vmem>> -> memref<1x256x128xf32, #tpu.memory_space<vmem>>
    %dma_wait3A_51 = tpu.memref_squeeze %dma_wait3A_50 : memref<1x256x128xf32, #tpu.memory_space<vmem>> -> memref<256x128xf32, #tpu.memory_space<vmem>>
    tpu.wait_dma2 semaphore(%arg11 : memref<!tpu.dma_semaphore, #tpu.memory_space<semaphore_mem>>) src(%dma_wait3A_51 : memref<256x128xf32, #tpu.memory_space<vmem>>) dst(%dma_wait3A_47 : memref<256x128xf32, #tpu.memory_space<hbm>>)
    return
  }
}

#map = affine_map<(d0, d1) -> (0, 0)>
#map1 = affine_map<(d0, d1) -> (0, 0, 0)>
#map2 = affine_map<(d0, d1) -> (0)>
module attributes {stable_mosaic.version = 14 : i64} {
  func.func @k(%arg0: i32, %arg1: i32, %arg2: memref<81920x128xf32, #tpu.memory_space<hbm>>, %arg3: memref<32x20x128xi32, #tpu.memory_space<hbm>>, %arg4: memref<10240xi32, #tpu.memory_space<hbm>>, %arg5: memref<640x128xf32, #tpu.memory_space<hbm>>, %arg6: memref<2x40x128xf32, #tpu.memory_space<hbm>>, %arg7: memref<2x1x128xi32, #tpu.memory_space<vmem>>, %arg8: memref<2x1x128xi32, #tpu.memory_space<vmem>>, %arg9: memref<2x128x128xf32, #tpu.memory_space<vmem>>, %arg10: memref<40x128xf32, #tpu.memory_space<vmem_shared>>, %arg11: memref<!tpu.dma_semaphore, #tpu.memory_space<semaphore_mem>>, %arg12: memref<!tpu.dma_semaphore, #tpu.memory_space<semaphore_mem>>, %arg13: memref<!tpu.dma_semaphore, #tpu.memory_space<semaphore_mem>>, %arg14: memref<!tpu.dma_semaphore, #tpu.memory_space<semaphore_mem>>, %arg15: memref<!tpu.dma_semaphore, #tpu.memory_space<semaphore_mem>>) attributes {dimension_semantics = [#tpu.dimension_semantics<core_parallel>, #tpu.dimension_semantics<subcore_parallel>], iteration_bounds = array<i64: 2, 16>, scalar_prefetch = 0 : i64, scratch_operands = 9 : i64, tpu.core_type = #tpu.core_type<sc_vector_subcore>, window_params = [{transform_indices = #map}, {transform_indices = #map1}, {transform_indices = #map2}, {transform_indices = #map}, {transform_indices = #map1}]} {
    %mul3A = arith.constant 2 : i32
    %mul3A_0 = arith.muli %arg1, %mul3A : i32
    %add3A = arith.addi %mul3A_0, %arg0 : i32
    %mul3A_1 = arith.constant 2560 : i32
    %mul3A_2 = arith.muli %add3A, %mul3A_1 : i32
    %dma_start3A = arith.constant 0 : i32
    %dma_start3A_3 = arith.constant 0 : i32
    %dma_start3A_4 = arith.constant 0 : i32
    %dma_start3A_5 = tpu.memref_slice %arg7[%dma_start3A, %dma_start3A_3, %dma_start3A_4] : memref<2x1x128xi32, #tpu.memory_space<vmem>> -> memref<1x1x128xi32, #tpu.memory_space<vmem>>
    %dma_start3A_6 = tpu.memref_squeeze %dma_start3A_5 : memref<1x1x128xi32, #tpu.memory_space<vmem>> -> memref<1x128xi32, #tpu.memory_space<vmem>>
    %dma_start3A_7 = arith.constant 0 : i32
    %dma_start3A_8 = arith.constant 0 : i32
    %dma_start3A_9 = tpu.memref_slice %arg3[%add3A, %dma_start3A_7, %dma_start3A_8] : memref<32x20x128xi32, #tpu.memory_space<hbm>> -> memref<1x1x128xi32, #tpu.memory_space<hbm>>
    %dma_start3A_10 = tpu.memref_squeeze %dma_start3A_9 : memref<1x1x128xi32, #tpu.memory_space<hbm>> -> memref<1x128xi32, #tpu.memory_space<hbm>>
    %dma_start3A_11 = arith.constant 0 : i32
    %dma_start3A_12 = arith.constant 0 : i32
    %dma_start3A_13 = tpu.memref_slice %arg7[%dma_start3A, %dma_start3A_11, %dma_start3A_12] : memref<2x1x128xi32, #tpu.memory_space<vmem>> -> memref<1x1x128xi32, #tpu.memory_space<vmem>>
    %dma_start3A_14 = tpu.memref_squeeze %dma_start3A_13 : memref<1x1x128xi32, #tpu.memory_space<vmem>> -> memref<1x128xi32, #tpu.memory_space<vmem>>
    %dma_start3A_15 = arith.constant 0 : i32
    %dma_start3A_16 = arith.constant 0 : i32
    %dma_start3A_17 = tpu.memref_slice %arg3[%add3A, %dma_start3A_15, %dma_start3A_16] : memref<32x20x128xi32, #tpu.memory_space<hbm>> -> memref<1x1x128xi32, #tpu.memory_space<hbm>>
    %dma_start3A_18 = tpu.memref_squeeze %dma_start3A_17 : memref<1x1x128xi32, #tpu.memory_space<hbm>> -> memref<1x128xi32, #tpu.memory_space<hbm>>
    tpu.enqueue_dma source(%dma_start3A_18 : memref<1x128xi32, #tpu.memory_space<hbm>>) target(%dma_start3A_14 : memref<1x128xi32, #tpu.memory_space<vmem>>) target_semaphore(%arg11 : memref<!tpu.dma_semaphore, #tpu.memory_space<semaphore_mem>>)
    %dma_start3A_19 = arith.constant 0 : i32
    %dma_start3A_20 = arith.constant 0 : i32
    %dma_start3A_21 = arith.constant 0 : i32
    %dma_start3A_22 = tpu.memref_slice %arg9[%dma_start3A_19, %dma_start3A_20, %dma_start3A_21] : memref<2x128x128xf32, #tpu.memory_space<vmem>> -> memref<1x128x128xf32, #tpu.memory_space<vmem>>
    %dma_start3A_23 = tpu.memref_squeeze %dma_start3A_22 : memref<1x128x128xf32, #tpu.memory_space<vmem>> -> memref<128x128xf32, #tpu.memory_space<vmem>>
    %dma_start3A_24 = arith.constant 0 : i32
    %dma_start3A_25 = tpu.memref_slice %arg2[%mul3A_2, %dma_start3A_24] : memref<81920x128xf32, #tpu.memory_space<hbm>> -> memref<128x128xf32, #tpu.memory_space<hbm>>
    %dma_start3A_26 = arith.constant 0 : i32
    %dma_start3A_27 = arith.constant 0 : i32
    %dma_start3A_28 = tpu.memref_slice %arg9[%dma_start3A_19, %dma_start3A_26, %dma_start3A_27] : memref<2x128x128xf32, #tpu.memory_space<vmem>> -> memref<1x128x128xf32, #tpu.memory_space<vmem>>
    %dma_start3A_29 = tpu.memref_squeeze %dma_start3A_28 : memref<1x128x128xf32, #tpu.memory_space<vmem>> -> memref<128x128xf32, #tpu.memory_space<vmem>>
    %dma_start3A_30 = arith.constant 0 : i32
    %dma_start3A_31 = tpu.memref_slice %arg2[%mul3A_2, %dma_start3A_30] : memref<81920x128xf32, #tpu.memory_space<hbm>> -> memref<128x128xf32, #tpu.memory_space<hbm>>
    tpu.enqueue_dma source(%dma_start3A_31 : memref<128x128xf32, #tpu.memory_space<hbm>>) target(%dma_start3A_29 : memref<128x128xf32, #tpu.memory_space<vmem>>) target_semaphore(%arg11 : memref<!tpu.dma_semaphore, #tpu.memory_space<semaphore_mem>>)
    %eq3A = arith.constant 0 : i32
    %eq3A_32 = arith.cmpi eq, %arg1, %eq3A : i32
    %convert_element_type3A = arith.extui %eq3A_32 : i1 to i32
    %cond3A = arith.constant 0 : i32
    %cond3A_33 = arith.cmpi ne, %convert_element_type3A, %cond3A : i32
    scf.if %cond3A_33 {
      "tpu.region"() ({
        %run_scoped3A = tpu.sem_alloc : memref<!tpu.dma_semaphore, #tpu.memory_space<semaphore_mem>>
        %dma_start3A_44 = arith.constant 0 : i32
        %dma_start3A_45 = arith.constant 0 : i32
        %dma_start3A_46 = tpu.memref_slice %arg5[%dma_start3A_44, %dma_start3A_45] : memref<640x128xf32, #tpu.memory_space<hbm>> -> memref<40x128xf32, #tpu.memory_space<hbm>>
        tpu.enqueue_dma source(%dma_start3A_46 : memref<40x128xf32, #tpu.memory_space<hbm>>) target(%arg10 : memref<40x128xf32, #tpu.memory_space<vmem_shared>>) target_semaphore(%run_scoped3A : memref<!tpu.dma_semaphore, #tpu.memory_space<semaphore_mem>>)
        %dma_wait3A = arith.constant 0 : i32
        %dma_wait3A_47 = arith.constant 0 : i32
        %dma_wait3A_48 = tpu.memref_slice %arg5[%dma_wait3A, %dma_wait3A_47] : memref<640x128xf32, #tpu.memory_space<hbm>> -> memref<40x128xf32, #tpu.memory_space<hbm>>
        tpu.wait_dma2 semaphore(%run_scoped3A : memref<!tpu.dma_semaphore, #tpu.memory_space<semaphore_mem>>) src(%dma_wait3A_48 : memref<40x128xf32, #tpu.memory_space<hbm>>) dst(%arg10 : memref<40x128xf32, #tpu.memory_space<vmem_shared>>)
        tpu.yield
      }) : () -> ()
    } else {
    }
    %barrier3A = arith.constant 0 : index
    tpu.barrier barrier_id(%barrier3A)
    %scan3A = arith.constant 0 : i32
    %scan3A_34 = arith.constant 10 : i32
    %scan3A_35 = arith.addi %scan3A, %scan3A_34 : i32
    %scan3A_36 = arith.constant 1 : i32
    scf.for %scan3A_44 = %scan3A to %scan3A_35 step %scan3A_36  : i32 {
      %mul3A_45 = arith.constant 2 : i32
      %mul3A_46 = arith.muli %scan3A_44, %mul3A_45 : i32
      %add3A_47 = arith.constant 0 : i32
      %add3A_48 = arith.addi %add3A_47, %mul3A_46 : i32
      %add3A_49 = arith.constant 0 : i32
      %add3A_50 = arith.addi %add3A_48, %add3A_49 : i32
      %dma_wait3A = arith.constant 0 : i32
      %dma_wait3A_51 = arith.constant 0 : i32
      %dma_wait3A_52 = arith.constant 0 : i32
      %dma_wait3A_53 = tpu.memref_slice %arg7[%dma_wait3A, %dma_wait3A_51, %dma_wait3A_52] : memref<2x1x128xi32, #tpu.memory_space<vmem>> -> memref<1x1x128xi32, #tpu.memory_space<vmem>>
      %dma_wait3A_54 = tpu.memref_squeeze %dma_wait3A_53 : memref<1x1x128xi32, #tpu.memory_space<vmem>> -> memref<1x128xi32, #tpu.memory_space<vmem>>
      %dma_wait3A_55 = arith.constant 0 : i32
      %dma_wait3A_56 = arith.constant 0 : i32
      %dma_wait3A_57 = tpu.memref_slice %arg3[%add3A, %dma_wait3A_55, %dma_wait3A_56] : memref<32x20x128xi32, #tpu.memory_space<hbm>> -> memref<1x1x128xi32, #tpu.memory_space<hbm>>
      %dma_wait3A_58 = tpu.memref_squeeze %dma_wait3A_57 : memref<1x1x128xi32, #tpu.memory_space<hbm>> -> memref<1x128xi32, #tpu.memory_space<hbm>>
      %dma_wait3A_59 = arith.constant 0 : i32
      %dma_wait3A_60 = arith.constant 0 : i32
      %dma_wait3A_61 = tpu.memref_slice %arg7[%dma_wait3A, %dma_wait3A_59, %dma_wait3A_60] : memref<2x1x128xi32, #tpu.memory_space<vmem>> -> memref<1x1x128xi32, #tpu.memory_space<vmem>>
      %dma_wait3A_62 = tpu.memref_squeeze %dma_wait3A_61 : memref<1x1x128xi32, #tpu.memory_space<vmem>> -> memref<1x128xi32, #tpu.memory_space<vmem>>
      %dma_wait3A_63 = arith.constant 0 : i32
      %dma_wait3A_64 = arith.constant 0 : i32
      %dma_wait3A_65 = tpu.memref_slice %arg3[%add3A, %dma_wait3A_63, %dma_wait3A_64] : memref<32x20x128xi32, #tpu.memory_space<hbm>> -> memref<1x1x128xi32, #tpu.memory_space<hbm>>
      %dma_wait3A_66 = tpu.memref_squeeze %dma_wait3A_65 : memref<1x1x128xi32, #tpu.memory_space<hbm>> -> memref<1x128xi32, #tpu.memory_space<hbm>>
      tpu.wait_dma2 semaphore(%arg11 : memref<!tpu.dma_semaphore, #tpu.memory_space<semaphore_mem>>) src(%dma_wait3A_66 : memref<1x128xi32, #tpu.memory_space<hbm>>) dst(%dma_wait3A_62 : memref<1x128xi32, #tpu.memory_space<vmem>>)
      %dma_wait3A_67 = arith.constant 0 : i32
      %dma_wait3A_68 = arith.constant 0 : i32
      %dma_wait3A_69 = arith.constant 0 : i32
      %dma_wait3A_70 = tpu.memref_slice %arg9[%dma_wait3A_67, %dma_wait3A_68, %dma_wait3A_69] : memref<2x128x128xf32, #tpu.memory_space<vmem>> -> memref<1x128x128xf32, #tpu.memory_space<vmem>>
      %dma_wait3A_71 = tpu.memref_squeeze %dma_wait3A_70 : memref<1x128x128xf32, #tpu.memory_space<vmem>> -> memref<128x128xf32, #tpu.memory_space<vmem>>
      %dma_wait3A_72 = arith.constant 0 : i32
      %dma_wait3A_73 = tpu.memref_slice %arg2[%mul3A_2, %dma_wait3A_72] : memref<81920x128xf32, #tpu.memory_space<hbm>> -> memref<128x128xf32, #tpu.memory_space<hbm>>
      %dma_wait3A_74 = arith.constant 0 : i32
      %dma_wait3A_75 = arith.constant 0 : i32
      %dma_wait3A_76 = tpu.memref_slice %arg9[%dma_wait3A_67, %dma_wait3A_74, %dma_wait3A_75] : memref<2x128x128xf32, #tpu.memory_space<vmem>> -> memref<1x128x128xf32, #tpu.memory_space<vmem>>
      %dma_wait3A_77 = tpu.memref_squeeze %dma_wait3A_76 : memref<1x128x128xf32, #tpu.memory_space<vmem>> -> memref<128x128xf32, #tpu.memory_space<vmem>>
      %dma_wait3A_78 = arith.constant 0 : i32
      %dma_wait3A_79 = tpu.memref_slice %arg2[%mul3A_2, %dma_wait3A_78] : memref<81920x128xf32, #tpu.memory_space<hbm>> -> memref<128x128xf32, #tpu.memory_space<hbm>>
      tpu.wait_dma2 semaphore(%arg11 : memref<!tpu.dma_semaphore, #tpu.memory_space<semaphore_mem>>) src(%dma_wait3A_79 : memref<128x128xf32, #tpu.memory_space<hbm>>) dst(%dma_wait3A_77 : memref<128x128xf32, #tpu.memory_space<vmem>>)
      %dma_start3A_80 = arith.constant 0 : i32
      %dma_start3A_81 = arith.constant 0 : i32
      %dma_start3A_82 = arith.constant 0 : i32
      %dma_start3A_83 = arith.constant 0 : i32
      %dma_start3A_84 = arith.constant 0 : i32
      %dma_start3A_85 = tpu.memref_slice %arg8[%dma_start3A_82, %dma_start3A_83, %dma_start3A_84] : memref<2x1x128xi32, #tpu.memory_space<vmem>> -> memref<1x1x128xi32, #tpu.memory_space<vmem>>
      %dma_start3A_86 = tpu.memref_squeeze %dma_start3A_85 : memref<1x1x128xi32, #tpu.memory_space<vmem>> -> memref<128xi32, #tpu.memory_space<vmem>>
      %dma_start3A_87 = arith.constant 0 : i32
      %dma_start3A_88 = tpu.memref_slice %arg7[%dma_start3A_80, %dma_start3A_81, %dma_start3A_87] : memref<2x1x128xi32, #tpu.memory_space<vmem>> -> memref<1x1x128xi32, #tpu.memory_space<vmem>>
      %dma_start3A_89 = tpu.memref_squeeze %dma_start3A_88 : memref<1x1x128xi32, #tpu.memory_space<vmem>> -> memref<128xi32, #tpu.memory_space<vmem>>
      %dma_start3A_90 = arith.constant 0 : i32
      %dma_start3A_91 = tpu.memref_slice %arg4[%dma_start3A_90] : memref<10240xi32, #tpu.memory_space<hbm>> -> memref<10240xi32, #tpu.memory_space<hbm>>
      tpu.enqueue_indirect_dma source(%dma_start3A_91 : memref<10240xi32, #tpu.memory_space<hbm>>) target(%dma_start3A_86 : memref<128xi32, #tpu.memory_space<vmem>>) offsets(%dma_start3A_89 : memref<128xi32, #tpu.memory_space<vmem>>) semaphore(%arg13 : memref<!tpu.dma_semaphore, #tpu.memory_space<semaphore_mem>>)
      %add3A_92 = arith.constant 1 : i32
      %add3A_93 = arith.addi %add3A_50, %add3A_92 : i32
      %lt3A = arith.constant 20 : i32
      %lt3A_94 = arith.cmpi slt, %add3A_93, %lt3A : i32
      %convert_element_type3A_95 = arith.extui %lt3A_94 : i1 to i32
      %cond3A_96 = arith.constant 0 : i32
      %cond3A_97 = arith.cmpi ne, %convert_element_type3A_95, %cond3A_96 : i32
      scf.if %cond3A_97 {
        %add3A_229 = arith.constant 1 : i32
        %add3A_230 = arith.addi %add3A_50, %add3A_229 : i32
        %mul3A_231 = arith.constant 1 : i32
        %mul3A_232 = arith.muli %add3A_230, %mul3A_231 : i32
        %dma_start3A_233 = arith.constant 1 : i32
        %dma_start3A_234 = arith.constant 0 : i32
        %dma_start3A_235 = arith.constant 0 : i32
        %dma_start3A_236 = tpu.memref_slice %arg7[%dma_start3A_233, %dma_start3A_234, %dma_start3A_235] : memref<2x1x128xi32, #tpu.memory_space<vmem>> -> memref<1x1x128xi32, #tpu.memory_space<vmem>>
        %dma_start3A_237 = tpu.memref_squeeze %dma_start3A_236 : memref<1x1x128xi32, #tpu.memory_space<vmem>> -> memref<1x128xi32, #tpu.memory_space<vmem>>
        %dma_start3A_238 = arith.constant 0 : i32
        %dma_start3A_239 = tpu.memref_slice %arg3[%add3A, %mul3A_232, %dma_start3A_238] : memref<32x20x128xi32, #tpu.memory_space<hbm>> -> memref<1x1x128xi32, #tpu.memory_space<hbm>>
        %dma_start3A_240 = tpu.memref_squeeze %dma_start3A_239 : memref<1x1x128xi32, #tpu.memory_space<hbm>> -> memref<1x128xi32, #tpu.memory_space<hbm>>
        %dma_start3A_241 = arith.constant 0 : i32
        %dma_start3A_242 = arith.constant 0 : i32
        %dma_start3A_243 = tpu.memref_slice %arg7[%dma_start3A_233, %dma_start3A_241, %dma_start3A_242] : memref<2x1x128xi32, #tpu.memory_space<vmem>> -> memref<1x1x128xi32, #tpu.memory_space<vmem>>
        %dma_start3A_244 = tpu.memref_squeeze %dma_start3A_243 : memref<1x1x128xi32, #tpu.memory_space<vmem>> -> memref<1x128xi32, #tpu.memory_space<vmem>>
        %dma_start3A_245 = arith.constant 0 : i32
        %dma_start3A_246 = tpu.memref_slice %arg3[%add3A, %mul3A_232, %dma_start3A_245] : memref<32x20x128xi32, #tpu.memory_space<hbm>> -> memref<1x1x128xi32, #tpu.memory_space<hbm>>
        %dma_start3A_247 = tpu.memref_squeeze %dma_start3A_246 : memref<1x1x128xi32, #tpu.memory_space<hbm>> -> memref<1x128xi32, #tpu.memory_space<hbm>>
        tpu.enqueue_dma source(%dma_start3A_247 : memref<1x128xi32, #tpu.memory_space<hbm>>) target(%dma_start3A_244 : memref<1x128xi32, #tpu.memory_space<vmem>>) target_semaphore(%arg12 : memref<!tpu.dma_semaphore, #tpu.memory_space<semaphore_mem>>)
        %add3A_248 = arith.constant 1 : i32
        %add3A_249 = arith.addi %add3A_50, %add3A_248 : i32
        %mul3A_250 = arith.constant 128 : i32
        %mul3A_251 = arith.muli %add3A_249, %mul3A_250 : i32
        %add3A_252 = arith.addi %mul3A_2, %mul3A_251 : i32
        %dma_start3A_253 = arith.constant 1 : i32
        %dma_start3A_254 = arith.constant 0 : i32
        %dma_start3A_255 = arith.constant 0 : i32
        %dma_start3A_256 = tpu.memref_slice %arg9[%dma_start3A_253, %dma_start3A_254, %dma_start3A_255] : memref<2x128x128xf32, #tpu.memory_space<vmem>> -> memref<1x128x128xf32, #tpu.memory_space<vmem>>
        %dma_start3A_257 = tpu.memref_squeeze %dma_start3A_256 : memref<1x128x128xf32, #tpu.memory_space<vmem>> -> memref<128x128xf32, #tpu.memory_space<vmem>>
        %dma_start3A_258 = arith.constant 0 : i32
        %dma_start3A_259 = tpu.memref_slice %arg2[%add3A_252, %dma_start3A_258] : memref<81920x128xf32, #tpu.memory_space<hbm>> -> memref<128x128xf32, #tpu.memory_space<hbm>>
        %dma_start3A_260 = arith.constant 0 : i32
        %dma_start3A_261 = arith.constant 0 : i32
        %dma_start3A_262 = tpu.memref_slice %arg9[%dma_start3A_253, %dma_start3A_260, %dma_start3A_261] : memref<2x128x128xf32, #tpu.memory_space<vmem>> -> memref<1x128x128xf32, #tpu.memory_space<vmem>>
        %dma_start3A_263 = tpu.memref_squeeze %dma_start3A_262 : memref<1x128x128xf32, #tpu.memory_space<vmem>> -> memref<128x128xf32, #tpu.memory_space<vmem>>
        %dma_start3A_264 = arith.constant 0 : i32
        %dma_start3A_265 = tpu.memref_slice %arg2[%add3A_252, %dma_start3A_264] : memref<81920x128xf32, #tpu.memory_space<hbm>> -> memref<128x128xf32, #tpu.memory_space<hbm>>
        tpu.enqueue_dma source(%dma_start3A_265 : memref<128x128xf32, #tpu.memory_space<hbm>>) target(%dma_start3A_263 : memref<128x128xf32, #tpu.memory_space<vmem>>) target_semaphore(%arg12 : memref<!tpu.dma_semaphore, #tpu.memory_space<semaphore_mem>>)
      } else {
      }
      %dma_wait3A_98 = arith.constant 0 : i32
      %dma_wait3A_99 = arith.constant 0 : i32
      %dma_wait3A_100 = arith.constant 0 : i32
      %dma_wait3A_101 = tpu.memref_slice %arg8[%dma_wait3A_98, %dma_wait3A_99, %dma_wait3A_100] : memref<2x1x128xi32, #tpu.memory_space<vmem>> -> memref<1x1x128xi32, #tpu.memory_space<vmem>>
      %dma_wait3A_102 = tpu.memref_squeeze %dma_wait3A_101 : memref<1x1x128xi32, #tpu.memory_space<vmem>> -> memref<128xi32, #tpu.memory_space<vmem>>
      %dma_wait3A_103 = arith.constant 0 : i32
      %dma_wait3A_104 = tpu.memref_slice %arg4[%dma_wait3A_103] : memref<10240xi32, #tpu.memory_space<hbm>> -> memref<128xi32, #tpu.memory_space<hbm>>
      %dma_wait3A_105 = arith.constant 0 : i32
      %dma_wait3A_106 = tpu.memref_slice %arg8[%dma_wait3A_98, %dma_wait3A_99, %dma_wait3A_105] : memref<2x1x128xi32, #tpu.memory_space<vmem>> -> memref<1x1x128xi32, #tpu.memory_space<vmem>>
      %dma_wait3A_107 = tpu.memref_squeeze %dma_wait3A_106 : memref<1x1x128xi32, #tpu.memory_space<vmem>> -> memref<128xi32, #tpu.memory_space<vmem>>
      %dma_wait3A_108 = arith.constant 0 : i32
      %dma_wait3A_109 = tpu.memref_slice %arg4[%dma_wait3A_108] : memref<10240xi32, #tpu.memory_space<hbm>> -> memref<128xi32, #tpu.memory_space<hbm>>
      tpu.wait_dma2 semaphore(%arg13 : memref<!tpu.dma_semaphore, #tpu.memory_space<semaphore_mem>>) src(%dma_wait3A_109 : memref<128xi32, #tpu.memory_space<hbm>>) dst(%dma_wait3A_107 : memref<128xi32, #tpu.memory_space<vmem>>)
      %dma_start3A_110 = arith.constant 0 : i32
      %dma_start3A_111 = arith.constant 0 : i32
      %dma_start3A_112 = arith.constant 0 : i32
      %dma_start3A_113 = arith.constant 0 : i32
      %dma_start3A_114 = arith.constant 0 : i32
      %dma_start3A_115 = tpu.memref_slice %arg9[%dma_start3A_110, %dma_start3A_113, %dma_start3A_114] : memref<2x128x128xf32, #tpu.memory_space<vmem>> -> memref<1x128x128xf32, #tpu.memory_space<vmem>>
      %dma_start3A_116 = tpu.memref_squeeze %dma_start3A_115 : memref<1x128x128xf32, #tpu.memory_space<vmem>> -> memref<128x128xf32, #tpu.memory_space<vmem>>
      %dma_start3A_117 = arith.constant 0 : i32
      %dma_start3A_118 = tpu.memref_slice %arg8[%dma_start3A_111, %dma_start3A_112, %dma_start3A_117] : memref<2x1x128xi32, #tpu.memory_space<vmem>> -> memref<1x1x128xi32, #tpu.memory_space<vmem>>
      %dma_start3A_119 = tpu.memref_squeeze %dma_start3A_118 : memref<1x1x128xi32, #tpu.memory_space<vmem>> -> memref<128xi32, #tpu.memory_space<vmem>>
      %dma_start3A_120 = arith.constant 0 : i32
      %dma_start3A_121 = arith.constant 0 : i32
      %dma_start3A_122 = tpu.memref_slice %arg10[%dma_start3A_120, %dma_start3A_121] : memref<40x128xf32, #tpu.memory_space<vmem_shared>> -> memref<40x128xf32, #tpu.memory_space<vmem_shared>>
      tpu.enqueue_indirect_dma source(%dma_start3A_116 : memref<128x128xf32, #tpu.memory_space<vmem>>) target(%dma_start3A_122 : memref<40x128xf32, #tpu.memory_space<vmem_shared>>) offsets(%dma_start3A_119 : memref<128xi32, #tpu.memory_space<vmem>>) semaphore(%arg15 : memref<!tpu.dma_semaphore, #tpu.memory_space<semaphore_mem>>) {add = true}
      %dma_wait3A_123 = arith.constant 0 : i32
      %dma_wait3A_124 = arith.constant 0 : i32
      %dma_wait3A_125 = arith.constant 0 : i32
      %dma_wait3A_126 = tpu.memref_slice %arg9[%dma_wait3A_123, %dma_wait3A_124, %dma_wait3A_125] : memref<2x128x128xf32, #tpu.memory_space<vmem>> -> memref<1x128x128xf32, #tpu.memory_space<vmem>>
      %dma_wait3A_127 = tpu.memref_squeeze %dma_wait3A_126 : memref<1x128x128xf32, #tpu.memory_space<vmem>> -> memref<128x128xf32, #tpu.memory_space<vmem>>
      %dma_wait3A_128 = arith.constant 0 : i32
      %dma_wait3A_129 = arith.constant 0 : i32
      %dma_wait3A_130 = tpu.memref_slice %arg2[%dma_wait3A_128, %dma_wait3A_129] : memref<81920x128xf32, #tpu.memory_space<hbm>> -> memref<128x128xf32, #tpu.memory_space<hbm>>
      %dma_wait3A_131 = arith.constant 0 : i32
      %dma_wait3A_132 = arith.constant 0 : i32
      %dma_wait3A_133 = tpu.memref_slice %arg9[%dma_wait3A_123, %dma_wait3A_131, %dma_wait3A_132] : memref<2x128x128xf32, #tpu.memory_space<vmem>> -> memref<1x128x128xf32, #tpu.memory_space<vmem>>
      %dma_wait3A_134 = tpu.memref_squeeze %dma_wait3A_133 : memref<1x128x128xf32, #tpu.memory_space<vmem>> -> memref<128x128xf32, #tpu.memory_space<vmem>>
      %dma_wait3A_135 = arith.constant 0 : i32
      %dma_wait3A_136 = arith.constant 0 : i32
      %dma_wait3A_137 = tpu.memref_slice %arg2[%dma_wait3A_135, %dma_wait3A_136] : memref<81920x128xf32, #tpu.memory_space<hbm>> -> memref<128x128xf32, #tpu.memory_space<hbm>>
      tpu.wait_dma2 semaphore(%arg15 : memref<!tpu.dma_semaphore, #tpu.memory_space<semaphore_mem>>) src(%dma_wait3A_137 : memref<128x128xf32, #tpu.memory_space<hbm>>) dst(%dma_wait3A_134 : memref<128x128xf32, #tpu.memory_space<vmem>>)
      %add3A_138 = arith.constant 1 : i32
      %add3A_139 = arith.addi %add3A_48, %add3A_138 : i32
      %dma_wait3A_140 = arith.constant 1 : i32
      %dma_wait3A_141 = arith.constant 0 : i32
      %dma_wait3A_142 = arith.constant 0 : i32
      %dma_wait3A_143 = tpu.memref_slice %arg7[%dma_wait3A_140, %dma_wait3A_141, %dma_wait3A_142] : memref<2x1x128xi32, #tpu.memory_space<vmem>> -> memref<1x1x128xi32, #tpu.memory_space<vmem>>
      %dma_wait3A_144 = tpu.memref_squeeze %dma_wait3A_143 : memref<1x1x128xi32, #tpu.memory_space<vmem>> -> memref<1x128xi32, #tpu.memory_space<vmem>>
      %dma_wait3A_145 = arith.constant 0 : i32
      %dma_wait3A_146 = arith.constant 0 : i32
      %dma_wait3A_147 = tpu.memref_slice %arg3[%add3A, %dma_wait3A_145, %dma_wait3A_146] : memref<32x20x128xi32, #tpu.memory_space<hbm>> -> memref<1x1x128xi32, #tpu.memory_space<hbm>>
      %dma_wait3A_148 = tpu.memref_squeeze %dma_wait3A_147 : memref<1x1x128xi32, #tpu.memory_space<hbm>> -> memref<1x128xi32, #tpu.memory_space<hbm>>
      %dma_wait3A_149 = arith.constant 0 : i32
      %dma_wait3A_150 = arith.constant 0 : i32
      %dma_wait3A_151 = tpu.memref_slice %arg7[%dma_wait3A_140, %dma_wait3A_149, %dma_wait3A_150] : memref<2x1x128xi32, #tpu.memory_space<vmem>> -> memref<1x1x128xi32, #tpu.memory_space<vmem>>
      %dma_wait3A_152 = tpu.memref_squeeze %dma_wait3A_151 : memref<1x1x128xi32, #tpu.memory_space<vmem>> -> memref<1x128xi32, #tpu.memory_space<vmem>>
      %dma_wait3A_153 = arith.constant 0 : i32
      %dma_wait3A_154 = arith.constant 0 : i32
      %dma_wait3A_155 = tpu.memref_slice %arg3[%add3A, %dma_wait3A_153, %dma_wait3A_154] : memref<32x20x128xi32, #tpu.memory_space<hbm>> -> memref<1x1x128xi32, #tpu.memory_space<hbm>>
      %dma_wait3A_156 = tpu.memref_squeeze %dma_wait3A_155 : memref<1x1x128xi32, #tpu.memory_space<hbm>> -> memref<1x128xi32, #tpu.memory_space<hbm>>
      tpu.wait_dma2 semaphore(%arg12 : memref<!tpu.dma_semaphore, #tpu.memory_space<semaphore_mem>>) src(%dma_wait3A_156 : memref<1x128xi32, #tpu.memory_space<hbm>>) dst(%dma_wait3A_152 : memref<1x128xi32, #tpu.memory_space<vmem>>)
      %dma_wait3A_157 = arith.constant 1 : i32
      %dma_wait3A_158 = arith.constant 0 : i32
      %dma_wait3A_159 = arith.constant 0 : i32
      %dma_wait3A_160 = tpu.memref_slice %arg9[%dma_wait3A_157, %dma_wait3A_158, %dma_wait3A_159] : memref<2x128x128xf32, #tpu.memory_space<vmem>> -> memref<1x128x128xf32, #tpu.memory_space<vmem>>
      %dma_wait3A_161 = tpu.memref_squeeze %dma_wait3A_160 : memref<1x128x128xf32, #tpu.memory_space<vmem>> -> memref<128x128xf32, #tpu.memory_space<vmem>>
      %dma_wait3A_162 = arith.constant 0 : i32
      %dma_wait3A_163 = tpu.memref_slice %arg2[%mul3A_2, %dma_wait3A_162] : memref<81920x128xf32, #tpu.memory_space<hbm>> -> memref<128x128xf32, #tpu.memory_space<hbm>>
      %dma_wait3A_164 = arith.constant 0 : i32
      %dma_wait3A_165 = arith.constant 0 : i32
      %dma_wait3A_166 = tpu.memref_slice %arg9[%dma_wait3A_157, %dma_wait3A_164, %dma_wait3A_165] : memref<2x128x128xf32, #tpu.memory_space<vmem>> -> memref<1x128x128xf32, #tpu.memory_space<vmem>>
      %dma_wait3A_167 = tpu.memref_squeeze %dma_wait3A_166 : memref<1x128x128xf32, #tpu.memory_space<vmem>> -> memref<128x128xf32, #tpu.memory_space<vmem>>
      %dma_wait3A_168 = arith.constant 0 : i32
      %dma_wait3A_169 = tpu.memref_slice %arg2[%mul3A_2, %dma_wait3A_168] : memref<81920x128xf32, #tpu.memory_space<hbm>> -> memref<128x128xf32, #tpu.memory_space<hbm>>
      tpu.wait_dma2 semaphore(%arg12 : memref<!tpu.dma_semaphore, #tpu.memory_space<semaphore_mem>>) src(%dma_wait3A_169 : memref<128x128xf32, #tpu.memory_space<hbm>>) dst(%dma_wait3A_167 : memref<128x128xf32, #tpu.memory_space<vmem>>)
      %dma_start3A_170 = arith.constant 1 : i32
      %dma_start3A_171 = arith.constant 0 : i32
      %dma_start3A_172 = arith.constant 1 : i32
      %dma_start3A_173 = arith.constant 0 : i32
      %dma_start3A_174 = arith.constant 0 : i32
      %dma_start3A_175 = tpu.memref_slice %arg8[%dma_start3A_172, %dma_start3A_173, %dma_start3A_174] : memref<2x1x128xi32, #tpu.memory_space<vmem>> -> memref<1x1x128xi32, #tpu.memory_space<vmem>>
      %dma_start3A_176 = tpu.memref_squeeze %dma_start3A_175 : memref<1x1x128xi32, #tpu.memory_space<vmem>> -> memref<128xi32, #tpu.memory_space<vmem>>
      %dma_start3A_177 = arith.constant 0 : i32
      %dma_start3A_178 = tpu.memref_slice %arg7[%dma_start3A_170, %dma_start3A_171, %dma_start3A_177] : memref<2x1x128xi32, #tpu.memory_space<vmem>> -> memref<1x1x128xi32, #tpu.memory_space<vmem>>
      %dma_start3A_179 = tpu.memref_squeeze %dma_start3A_178 : memref<1x1x128xi32, #tpu.memory_space<vmem>> -> memref<128xi32, #tpu.memory_space<vmem>>
      %dma_start3A_180 = arith.constant 0 : i32
      %dma_start3A_181 = tpu.memref_slice %arg4[%dma_start3A_180] : memref<10240xi32, #tpu.memory_space<hbm>> -> memref<10240xi32, #tpu.memory_space<hbm>>
      tpu.enqueue_indirect_dma source(%dma_start3A_181 : memref<10240xi32, #tpu.memory_space<hbm>>) target(%dma_start3A_176 : memref<128xi32, #tpu.memory_space<vmem>>) offsets(%dma_start3A_179 : memref<128xi32, #tpu.memory_space<vmem>>) semaphore(%arg14 : memref<!tpu.dma_semaphore, #tpu.memory_space<semaphore_mem>>)
      %add3A_182 = arith.constant 1 : i32
      %add3A_183 = arith.addi %add3A_139, %add3A_182 : i32
      %lt3A_184 = arith.constant 20 : i32
      %lt3A_185 = arith.cmpi slt, %add3A_183, %lt3A_184 : i32
      %convert_element_type3A_186 = arith.extui %lt3A_185 : i1 to i32
      %cond3A_187 = arith.constant 0 : i32
      %cond3A_188 = arith.cmpi ne, %convert_element_type3A_186, %cond3A_187 : i32
      scf.if %cond3A_188 {
        %add3A_229 = arith.constant 1 : i32
        %add3A_230 = arith.addi %add3A_139, %add3A_229 : i32
        %mul3A_231 = arith.constant 1 : i32
        %mul3A_232 = arith.muli %add3A_230, %mul3A_231 : i32
        %dma_start3A_233 = arith.constant 0 : i32
        %dma_start3A_234 = arith.constant 0 : i32
        %dma_start3A_235 = arith.constant 0 : i32
        %dma_start3A_236 = tpu.memref_slice %arg7[%dma_start3A_233, %dma_start3A_234, %dma_start3A_235] : memref<2x1x128xi32, #tpu.memory_space<vmem>> -> memref<1x1x128xi32, #tpu.memory_space<vmem>>
        %dma_start3A_237 = tpu.memref_squeeze %dma_start3A_236 : memref<1x1x128xi32, #tpu.memory_space<vmem>> -> memref<1x128xi32, #tpu.memory_space<vmem>>
        %dma_start3A_238 = arith.constant 0 : i32
        %dma_start3A_239 = tpu.memref_slice %arg3[%add3A, %mul3A_232, %dma_start3A_238] : memref<32x20x128xi32, #tpu.memory_space<hbm>> -> memref<1x1x128xi32, #tpu.memory_space<hbm>>
        %dma_start3A_240 = tpu.memref_squeeze %dma_start3A_239 : memref<1x1x128xi32, #tpu.memory_space<hbm>> -> memref<1x128xi32, #tpu.memory_space<hbm>>
        %dma_start3A_241 = arith.constant 0 : i32
        %dma_start3A_242 = arith.constant 0 : i32
        %dma_start3A_243 = tpu.memref_slice %arg7[%dma_start3A_233, %dma_start3A_241, %dma_start3A_242] : memref<2x1x128xi32, #tpu.memory_space<vmem>> -> memref<1x1x128xi32, #tpu.memory_space<vmem>>
        %dma_start3A_244 = tpu.memref_squeeze %dma_start3A_243 : memref<1x1x128xi32, #tpu.memory_space<vmem>> -> memref<1x128xi32, #tpu.memory_space<vmem>>
        %dma_start3A_245 = arith.constant 0 : i32
        %dma_start3A_246 = tpu.memref_slice %arg3[%add3A, %mul3A_232, %dma_start3A_245] : memref<32x20x128xi32, #tpu.memory_space<hbm>> -> memref<1x1x128xi32, #tpu.memory_space<hbm>>
        %dma_start3A_247 = tpu.memref_squeeze %dma_start3A_246 : memref<1x1x128xi32, #tpu.memory_space<hbm>> -> memref<1x128xi32, #tpu.memory_space<hbm>>
        tpu.enqueue_dma source(%dma_start3A_247 : memref<1x128xi32, #tpu.memory_space<hbm>>) target(%dma_start3A_244 : memref<1x128xi32, #tpu.memory_space<vmem>>) target_semaphore(%arg11 : memref<!tpu.dma_semaphore, #tpu.memory_space<semaphore_mem>>)
        %add3A_248 = arith.constant 1 : i32
        %add3A_249 = arith.addi %add3A_139, %add3A_248 : i32
        %mul3A_250 = arith.constant 128 : i32
        %mul3A_251 = arith.muli %add3A_249, %mul3A_250 : i32
        %add3A_252 = arith.addi %mul3A_2, %mul3A_251 : i32
        %dma_start3A_253 = arith.constant 0 : i32
        %dma_start3A_254 = arith.constant 0 : i32
        %dma_start3A_255 = arith.constant 0 : i32
        %dma_start3A_256 = tpu.memref_slice %arg9[%dma_start3A_253, %dma_start3A_254, %dma_start3A_255] : memref<2x128x128xf32, #tpu.memory_space<vmem>> -> memref<1x128x128xf32, #tpu.memory_space<vmem>>
        %dma_start3A_257 = tpu.memref_squeeze %dma_start3A_256 : memref<1x128x128xf32, #tpu.memory_space<vmem>> -> memref<128x128xf32, #tpu.memory_space<vmem>>
        %dma_start3A_258 = arith.constant 0 : i32
        %dma_start3A_259 = tpu.memref_slice %arg2[%add3A_252, %dma_start3A_258] : memref<81920x128xf32, #tpu.memory_space<hbm>> -> memref<128x128xf32, #tpu.memory_space<hbm>>
        %dma_start3A_260 = arith.constant 0 : i32
        %dma_start3A_261 = arith.constant 0 : i32
        %dma_start3A_262 = tpu.memref_slice %arg9[%dma_start3A_253, %dma_start3A_260, %dma_start3A_261] : memref<2x128x128xf32, #tpu.memory_space<vmem>> -> memref<1x128x128xf32, #tpu.memory_space<vmem>>
        %dma_start3A_263 = tpu.memref_squeeze %dma_start3A_262 : memref<1x128x128xf32, #tpu.memory_space<vmem>> -> memref<128x128xf32, #tpu.memory_space<vmem>>
        %dma_start3A_264 = arith.constant 0 : i32
        %dma_start3A_265 = tpu.memref_slice %arg2[%add3A_252, %dma_start3A_264] : memref<81920x128xf32, #tpu.memory_space<hbm>> -> memref<128x128xf32, #tpu.memory_space<hbm>>
        tpu.enqueue_dma source(%dma_start3A_265 : memref<128x128xf32, #tpu.memory_space<hbm>>) target(%dma_start3A_263 : memref<128x128xf32, #tpu.memory_space<vmem>>) target_semaphore(%arg11 : memref<!tpu.dma_semaphore, #tpu.memory_space<semaphore_mem>>)
      } else {
      }
      %dma_wait3A_189 = arith.constant 1 : i32
      %dma_wait3A_190 = arith.constant 0 : i32
      %dma_wait3A_191 = arith.constant 0 : i32
      %dma_wait3A_192 = tpu.memref_slice %arg8[%dma_wait3A_189, %dma_wait3A_190, %dma_wait3A_191] : memref<2x1x128xi32, #tpu.memory_space<vmem>> -> memref<1x1x128xi32, #tpu.memory_space<vmem>>
      %dma_wait3A_193 = tpu.memref_squeeze %dma_wait3A_192 : memref<1x1x128xi32, #tpu.memory_space<vmem>> -> memref<128xi32, #tpu.memory_space<vmem>>
      %dma_wait3A_194 = arith.constant 0 : i32
      %dma_wait3A_195 = tpu.memref_slice %arg4[%dma_wait3A_194] : memref<10240xi32, #tpu.memory_space<hbm>> -> memref<128xi32, #tpu.memory_space<hbm>>
      %dma_wait3A_196 = arith.constant 0 : i32
      %dma_wait3A_197 = tpu.memref_slice %arg8[%dma_wait3A_189, %dma_wait3A_190, %dma_wait3A_196] : memref<2x1x128xi32, #tpu.memory_space<vmem>> -> memref<1x1x128xi32, #tpu.memory_space<vmem>>
      %dma_wait3A_198 = tpu.memref_squeeze %dma_wait3A_197 : memref<1x1x128xi32, #tpu.memory_space<vmem>> -> memref<128xi32, #tpu.memory_space<vmem>>
      %dma_wait3A_199 = arith.constant 0 : i32
      %dma_wait3A_200 = tpu.memref_slice %arg4[%dma_wait3A_199] : memref<10240xi32, #tpu.memory_space<hbm>> -> memref<128xi32, #tpu.memory_space<hbm>>
      tpu.wait_dma2 semaphore(%arg14 : memref<!tpu.dma_semaphore, #tpu.memory_space<semaphore_mem>>) src(%dma_wait3A_200 : memref<128xi32, #tpu.memory_space<hbm>>) dst(%dma_wait3A_198 : memref<128xi32, #tpu.memory_space<vmem>>)
      %dma_start3A_201 = arith.constant 1 : i32
      %dma_start3A_202 = arith.constant 1 : i32
      %dma_start3A_203 = arith.constant 0 : i32
      %dma_start3A_204 = arith.constant 0 : i32
      %dma_start3A_205 = arith.constant 0 : i32
      %dma_start3A_206 = tpu.memref_slice %arg9[%dma_start3A_201, %dma_start3A_204, %dma_start3A_205] : memref<2x128x128xf32, #tpu.memory_space<vmem>> -> memref<1x128x128xf32, #tpu.memory_space<vmem>>
      %dma_start3A_207 = tpu.memref_squeeze %dma_start3A_206 : memref<1x128x128xf32, #tpu.memory_space<vmem>> -> memref<128x128xf32, #tpu.memory_space<vmem>>
      %dma_start3A_208 = arith.constant 0 : i32
      %dma_start3A_209 = tpu.memref_slice %arg8[%dma_start3A_202, %dma_start3A_203, %dma_start3A_208] : memref<2x1x128xi32, #tpu.memory_space<vmem>> -> memref<1x1x128xi32, #tpu.memory_space<vmem>>
      %dma_start3A_210 = tpu.memref_squeeze %dma_start3A_209 : memref<1x1x128xi32, #tpu.memory_space<vmem>> -> memref<128xi32, #tpu.memory_space<vmem>>
      %dma_start3A_211 = arith.constant 0 : i32
      %dma_start3A_212 = arith.constant 0 : i32
      %dma_start3A_213 = tpu.memref_slice %arg10[%dma_start3A_211, %dma_start3A_212] : memref<40x128xf32, #tpu.memory_space<vmem_shared>> -> memref<40x128xf32, #tpu.memory_space<vmem_shared>>
      tpu.enqueue_indirect_dma source(%dma_start3A_207 : memref<128x128xf32, #tpu.memory_space<vmem>>) target(%dma_start3A_213 : memref<40x128xf32, #tpu.memory_space<vmem_shared>>) offsets(%dma_start3A_210 : memref<128xi32, #tpu.memory_space<vmem>>) semaphore(%arg15 : memref<!tpu.dma_semaphore, #tpu.memory_space<semaphore_mem>>) {add = true}
      %dma_wait3A_214 = arith.constant 1 : i32
      %dma_wait3A_215 = arith.constant 0 : i32
      %dma_wait3A_216 = arith.constant 0 : i32
      %dma_wait3A_217 = tpu.memref_slice %arg9[%dma_wait3A_214, %dma_wait3A_215, %dma_wait3A_216] : memref<2x128x128xf32, #tpu.memory_space<vmem>> -> memref<1x128x128xf32, #tpu.memory_space<vmem>>
      %dma_wait3A_218 = tpu.memref_squeeze %dma_wait3A_217 : memref<1x128x128xf32, #tpu.memory_space<vmem>> -> memref<128x128xf32, #tpu.memory_space<vmem>>
      %dma_wait3A_219 = arith.constant 0 : i32
      %dma_wait3A_220 = arith.constant 0 : i32
      %dma_wait3A_221 = tpu.memref_slice %arg2[%dma_wait3A_219, %dma_wait3A_220] : memref<81920x128xf32, #tpu.memory_space<hbm>> -> memref<128x128xf32, #tpu.memory_space<hbm>>
      %dma_wait3A_222 = arith.constant 0 : i32
      %dma_wait3A_223 = arith.constant 0 : i32
      %dma_wait3A_224 = tpu.memref_slice %arg9[%dma_wait3A_214, %dma_wait3A_222, %dma_wait3A_223] : memref<2x128x128xf32, #tpu.memory_space<vmem>> -> memref<1x128x128xf32, #tpu.memory_space<vmem>>
      %dma_wait3A_225 = tpu.memref_squeeze %dma_wait3A_224 : memref<1x128x128xf32, #tpu.memory_space<vmem>> -> memref<128x128xf32, #tpu.memory_space<vmem>>
      %dma_wait3A_226 = arith.constant 0 : i32
      %dma_wait3A_227 = arith.constant 0 : i32
      %dma_wait3A_228 = tpu.memref_slice %arg2[%dma_wait3A_226, %dma_wait3A_227] : memref<81920x128xf32, #tpu.memory_space<hbm>> -> memref<128x128xf32, #tpu.memory_space<hbm>>
      tpu.wait_dma2 semaphore(%arg15 : memref<!tpu.dma_semaphore, #tpu.memory_space<semaphore_mem>>) src(%dma_wait3A_228 : memref<128x128xf32, #tpu.memory_space<hbm>>) dst(%dma_wait3A_225 : memref<128x128xf32, #tpu.memory_space<vmem>>)
    }
    %scan3A_37 = arith.constant 10 : i32
    %barrier3A_38 = arith.constant 0 : index
    tpu.barrier barrier_id(%barrier3A_38)
    %eq3A_39 = arith.constant 0 : i32
    %eq3A_40 = arith.cmpi eq, %arg1, %eq3A_39 : i32
    %convert_element_type3A_41 = arith.extui %eq3A_40 : i1 to i32
    %cond3A_42 = arith.constant 0 : i32
    %cond3A_43 = arith.cmpi ne, %convert_element_type3A_41, %cond3A_42 : i32
    scf.if %cond3A_43 {
      "tpu.region"() ({
        %run_scoped3A = tpu.sem_alloc : memref<!tpu.dma_semaphore, #tpu.memory_space<semaphore_mem>>
        %dma_start3A_44 = arith.constant 0 : i32
        %dma_start3A_45 = arith.constant 0 : i32
        %dma_start3A_46 = tpu.memref_slice %arg6[%arg0, %dma_start3A_44, %dma_start3A_45] : memref<2x40x128xf32, #tpu.memory_space<hbm>> -> memref<1x40x128xf32, #tpu.memory_space<hbm>>
        %dma_start3A_47 = tpu.memref_squeeze %dma_start3A_46 : memref<1x40x128xf32, #tpu.memory_space<hbm>> -> memref<40x128xf32, #tpu.memory_space<hbm>>
        tpu.enqueue_dma source(%arg10 : memref<40x128xf32, #tpu.memory_space<vmem_shared>>) target(%dma_start3A_47 : memref<40x128xf32, #tpu.memory_space<hbm>>) target_semaphore(%run_scoped3A : memref<!tpu.dma_semaphore, #tpu.memory_space<semaphore_mem>>)
        %dma_wait3A = arith.constant 0 : i32
        %dma_wait3A_48 = arith.constant 0 : i32
        %dma_wait3A_49 = tpu.memref_slice %arg6[%arg0, %dma_wait3A, %dma_wait3A_48] : memref<2x40x128xf32, #tpu.memory_space<hbm>> -> memref<1x40x128xf32, #tpu.memory_space<hbm>>
        %dma_wait3A_50 = tpu.memref_squeeze %dma_wait3A_49 : memref<1x40x128xf32, #tpu.memory_space<hbm>> -> memref<40x128xf32, #tpu.memory_space<hbm>>
        tpu.wait_dma2 semaphore(%run_scoped3A : memref<!tpu.dma_semaphore, #tpu.memory_space<semaphore_mem>>) src(%arg10 : memref<40x128xf32, #tpu.memory_space<vmem_shared>>) dst(%dma_wait3A_50 : memref<40x128xf32, #tpu.memory_space<hbm>>)
        tpu.yield
      }) : () -> ()
    } else {
    }
    return
  }
}

#map = affine_map<(d0, d1) -> (0, 0)>
#map1 = affine_map<(d0, d1) -> (0, 0, 0)>
#map2 = affine_map<(d0, d1) -> (0)>
module attributes {stable_mosaic.version = 14 : i64} {
  func.func @k(%arg0: i32, %arg1: i32, %arg2: memref<81920x128xf32, #tpu.memory_space<hbm>>, %arg3: memref<32x20x128xi32, #tpu.memory_space<hbm>>, %arg4: memref<10240xi32, #tpu.memory_space<hbm>>, %arg5: memref<640x128xf32, #tpu.memory_space<hbm>>, %arg6: memref<2x40x128xf32, #tpu.memory_space<hbm>>, %arg7: memref<2x1x128xi32, #tpu.memory_space<vmem>>, %arg8: memref<2x1x128xi32, #tpu.memory_space<vmem>>, %arg9: memref<2x128x128xf32, #tpu.memory_space<vmem>>, %arg10: memref<40x128xf32, #tpu.memory_space<vmem_shared>>, %arg11: memref<!tpu.dma_semaphore, #tpu.memory_space<semaphore_mem>>, %arg12: memref<!tpu.dma_semaphore, #tpu.memory_space<semaphore_mem>>, %arg13: memref<!tpu.dma_semaphore, #tpu.memory_space<semaphore_mem>>, %arg14: memref<!tpu.dma_semaphore, #tpu.memory_space<semaphore_mem>>, %arg15: memref<!tpu.dma_semaphore, #tpu.memory_space<semaphore_mem>>) attributes {dimension_semantics = [#tpu.dimension_semantics<core_parallel>, #tpu.dimension_semantics<subcore_parallel>], iteration_bounds = array<i64: 2, 16>, scalar_prefetch = 0 : i64, scratch_operands = 9 : i64, tpu.core_type = #tpu.core_type<sc_vector_subcore>, window_params = [{transform_indices = #map}, {transform_indices = #map1}, {transform_indices = #map2}, {transform_indices = #map}, {transform_indices = #map1}]} {
    %mul3A = arith.constant 2 : i32
    %mul3A_0 = arith.muli %arg1, %mul3A : i32
    %add3A = arith.addi %mul3A_0, %arg0 : i32
    %mul3A_1 = arith.constant 2560 : i32
    %mul3A_2 = arith.muli %add3A, %mul3A_1 : i32
    %dma_start3A = arith.constant 0 : i32
    %dma_start3A_3 = arith.constant 0 : i32
    %dma_start3A_4 = arith.constant 0 : i32
    %dma_start3A_5 = tpu.memref_slice %arg7[%dma_start3A, %dma_start3A_3, %dma_start3A_4] : memref<2x1x128xi32, #tpu.memory_space<vmem>> -> memref<1x1x128xi32, #tpu.memory_space<vmem>>
    %dma_start3A_6 = tpu.memref_squeeze %dma_start3A_5 : memref<1x1x128xi32, #tpu.memory_space<vmem>> -> memref<1x128xi32, #tpu.memory_space<vmem>>
    %dma_start3A_7 = arith.constant 0 : i32
    %dma_start3A_8 = arith.constant 0 : i32
    %dma_start3A_9 = tpu.memref_slice %arg3[%add3A, %dma_start3A_7, %dma_start3A_8] : memref<32x20x128xi32, #tpu.memory_space<hbm>> -> memref<1x1x128xi32, #tpu.memory_space<hbm>>
    %dma_start3A_10 = tpu.memref_squeeze %dma_start3A_9 : memref<1x1x128xi32, #tpu.memory_space<hbm>> -> memref<1x128xi32, #tpu.memory_space<hbm>>
    %dma_start3A_11 = arith.constant 0 : i32
    %dma_start3A_12 = arith.constant 0 : i32
    %dma_start3A_13 = tpu.memref_slice %arg7[%dma_start3A, %dma_start3A_11, %dma_start3A_12] : memref<2x1x128xi32, #tpu.memory_space<vmem>> -> memref<1x1x128xi32, #tpu.memory_space<vmem>>
    %dma_start3A_14 = tpu.memref_squeeze %dma_start3A_13 : memref<1x1x128xi32, #tpu.memory_space<vmem>> -> memref<1x128xi32, #tpu.memory_space<vmem>>
    %dma_start3A_15 = arith.constant 0 : i32
    %dma_start3A_16 = arith.constant 0 : i32
    %dma_start3A_17 = tpu.memref_slice %arg3[%add3A, %dma_start3A_15, %dma_start3A_16] : memref<32x20x128xi32, #tpu.memory_space<hbm>> -> memref<1x1x128xi32, #tpu.memory_space<hbm>>
    %dma_start3A_18 = tpu.memref_squeeze %dma_start3A_17 : memref<1x1x128xi32, #tpu.memory_space<hbm>> -> memref<1x128xi32, #tpu.memory_space<hbm>>
    tpu.enqueue_dma source(%dma_start3A_18 : memref<1x128xi32, #tpu.memory_space<hbm>>) target(%dma_start3A_14 : memref<1x128xi32, #tpu.memory_space<vmem>>) target_semaphore(%arg11 : memref<!tpu.dma_semaphore, #tpu.memory_space<semaphore_mem>>)
    %dma_start3A_19 = arith.constant 0 : i32
    %dma_start3A_20 = arith.constant 0 : i32
    %dma_start3A_21 = arith.constant 0 : i32
    %dma_start3A_22 = tpu.memref_slice %arg9[%dma_start3A_19, %dma_start3A_20, %dma_start3A_21] : memref<2x128x128xf32, #tpu.memory_space<vmem>> -> memref<1x128x128xf32, #tpu.memory_space<vmem>>
    %dma_start3A_23 = tpu.memref_squeeze %dma_start3A_22 : memref<1x128x128xf32, #tpu.memory_space<vmem>> -> memref<128x128xf32, #tpu.memory_space<vmem>>
    %dma_start3A_24 = arith.constant 0 : i32
    %dma_start3A_25 = tpu.memref_slice %arg2[%mul3A_2, %dma_start3A_24] : memref<81920x128xf32, #tpu.memory_space<hbm>> -> memref<128x128xf32, #tpu.memory_space<hbm>>
    %dma_start3A_26 = arith.constant 0 : i32
    %dma_start3A_27 = arith.constant 0 : i32
    %dma_start3A_28 = tpu.memref_slice %arg9[%dma_start3A_19, %dma_start3A_26, %dma_start3A_27] : memref<2x128x128xf32, #tpu.memory_space<vmem>> -> memref<1x128x128xf32, #tpu.memory_space<vmem>>
    %dma_start3A_29 = tpu.memref_squeeze %dma_start3A_28 : memref<1x128x128xf32, #tpu.memory_space<vmem>> -> memref<128x128xf32, #tpu.memory_space<vmem>>
    %dma_start3A_30 = arith.constant 0 : i32
    %dma_start3A_31 = tpu.memref_slice %arg2[%mul3A_2, %dma_start3A_30] : memref<81920x128xf32, #tpu.memory_space<hbm>> -> memref<128x128xf32, #tpu.memory_space<hbm>>
    tpu.enqueue_dma source(%dma_start3A_31 : memref<128x128xf32, #tpu.memory_space<hbm>>) target(%dma_start3A_29 : memref<128x128xf32, #tpu.memory_space<vmem>>) target_semaphore(%arg11 : memref<!tpu.dma_semaphore, #tpu.memory_space<semaphore_mem>>)
    %eq3A = arith.constant 0 : i32
    %eq3A_32 = arith.cmpi eq, %arg1, %eq3A : i32
    %convert_element_type3A = arith.extui %eq3A_32 : i1 to i32
    %cond3A = arith.constant 0 : i32
    %cond3A_33 = arith.cmpi ne, %convert_element_type3A, %cond3A : i32
    scf.if %cond3A_33 {
      "tpu.region"() ({
        %run_scoped3A = tpu.sem_alloc : memref<!tpu.dma_semaphore, #tpu.memory_space<semaphore_mem>>
        %dma_start3A_44 = arith.constant 0 : i32
        %dma_start3A_45 = arith.constant 0 : i32
        %dma_start3A_46 = tpu.memref_slice %arg5[%dma_start3A_44, %dma_start3A_45] : memref<640x128xf32, #tpu.memory_space<hbm>> -> memref<40x128xf32, #tpu.memory_space<hbm>>
        tpu.enqueue_dma source(%dma_start3A_46 : memref<40x128xf32, #tpu.memory_space<hbm>>) target(%arg10 : memref<40x128xf32, #tpu.memory_space<vmem_shared>>) target_semaphore(%run_scoped3A : memref<!tpu.dma_semaphore, #tpu.memory_space<semaphore_mem>>)
        %dma_wait3A = arith.constant 0 : i32
        %dma_wait3A_47 = arith.constant 0 : i32
        %dma_wait3A_48 = tpu.memref_slice %arg5[%dma_wait3A, %dma_wait3A_47] : memref<640x128xf32, #tpu.memory_space<hbm>> -> memref<40x128xf32, #tpu.memory_space<hbm>>
        tpu.wait_dma2 semaphore(%run_scoped3A : memref<!tpu.dma_semaphore, #tpu.memory_space<semaphore_mem>>) src(%dma_wait3A_48 : memref<40x128xf32, #tpu.memory_space<hbm>>) dst(%arg10 : memref<40x128xf32, #tpu.memory_space<vmem_shared>>)
        tpu.yield
      }) : () -> ()
    } else {
    }
    %barrier3A = arith.constant 0 : index
    tpu.barrier barrier_id(%barrier3A)
    %scan3A = arith.constant 0 : i32
    %scan3A_34 = arith.constant 10 : i32
    %scan3A_35 = arith.addi %scan3A, %scan3A_34 : i32
    %scan3A_36 = arith.constant 1 : i32
    scf.for %scan3A_44 = %scan3A to %scan3A_35 step %scan3A_36  : i32 {
      %mul3A_45 = arith.constant 2 : i32
      %mul3A_46 = arith.muli %scan3A_44, %mul3A_45 : i32
      %add3A_47 = arith.constant 0 : i32
      %add3A_48 = arith.addi %add3A_47, %mul3A_46 : i32
      %add3A_49 = arith.constant 0 : i32
      %add3A_50 = arith.addi %add3A_48, %add3A_49 : i32
      %dma_wait3A = arith.constant 0 : i32
      %dma_wait3A_51 = arith.constant 0 : i32
      %dma_wait3A_52 = arith.constant 0 : i32
      %dma_wait3A_53 = tpu.memref_slice %arg7[%dma_wait3A, %dma_wait3A_51, %dma_wait3A_52] : memref<2x1x128xi32, #tpu.memory_space<vmem>> -> memref<1x1x128xi32, #tpu.memory_space<vmem>>
      %dma_wait3A_54 = tpu.memref_squeeze %dma_wait3A_53 : memref<1x1x128xi32, #tpu.memory_space<vmem>> -> memref<1x128xi32, #tpu.memory_space<vmem>>
      %dma_wait3A_55 = arith.constant 0 : i32
      %dma_wait3A_56 = arith.constant 0 : i32
      %dma_wait3A_57 = tpu.memref_slice %arg3[%add3A, %dma_wait3A_55, %dma_wait3A_56] : memref<32x20x128xi32, #tpu.memory_space<hbm>> -> memref<1x1x128xi32, #tpu.memory_space<hbm>>
      %dma_wait3A_58 = tpu.memref_squeeze %dma_wait3A_57 : memref<1x1x128xi32, #tpu.memory_space<hbm>> -> memref<1x128xi32, #tpu.memory_space<hbm>>
      %dma_wait3A_59 = arith.constant 0 : i32
      %dma_wait3A_60 = arith.constant 0 : i32
      %dma_wait3A_61 = tpu.memref_slice %arg7[%dma_wait3A, %dma_wait3A_59, %dma_wait3A_60] : memref<2x1x128xi32, #tpu.memory_space<vmem>> -> memref<1x1x128xi32, #tpu.memory_space<vmem>>
      %dma_wait3A_62 = tpu.memref_squeeze %dma_wait3A_61 : memref<1x1x128xi32, #tpu.memory_space<vmem>> -> memref<1x128xi32, #tpu.memory_space<vmem>>
      %dma_wait3A_63 = arith.constant 0 : i32
      %dma_wait3A_64 = arith.constant 0 : i32
      %dma_wait3A_65 = tpu.memref_slice %arg3[%add3A, %dma_wait3A_63, %dma_wait3A_64] : memref<32x20x128xi32, #tpu.memory_space<hbm>> -> memref<1x1x128xi32, #tpu.memory_space<hbm>>
      %dma_wait3A_66 = tpu.memref_squeeze %dma_wait3A_65 : memref<1x1x128xi32, #tpu.memory_space<hbm>> -> memref<1x128xi32, #tpu.memory_space<hbm>>
      tpu.wait_dma2 semaphore(%arg11 : memref<!tpu.dma_semaphore, #tpu.memory_space<semaphore_mem>>) src(%dma_wait3A_66 : memref<1x128xi32, #tpu.memory_space<hbm>>) dst(%dma_wait3A_62 : memref<1x128xi32, #tpu.memory_space<vmem>>)
      %dma_wait3A_67 = arith.constant 0 : i32
      %dma_wait3A_68 = arith.constant 0 : i32
      %dma_wait3A_69 = arith.constant 0 : i32
      %dma_wait3A_70 = tpu.memref_slice %arg9[%dma_wait3A_67, %dma_wait3A_68, %dma_wait3A_69] : memref<2x128x128xf32, #tpu.memory_space<vmem>> -> memref<1x128x128xf32, #tpu.memory_space<vmem>>
      %dma_wait3A_71 = tpu.memref_squeeze %dma_wait3A_70 : memref<1x128x128xf32, #tpu.memory_space<vmem>> -> memref<128x128xf32, #tpu.memory_space<vmem>>
      %dma_wait3A_72 = arith.constant 0 : i32
      %dma_wait3A_73 = tpu.memref_slice %arg2[%mul3A_2, %dma_wait3A_72] : memref<81920x128xf32, #tpu.memory_space<hbm>> -> memref<128x128xf32, #tpu.memory_space<hbm>>
      %dma_wait3A_74 = arith.constant 0 : i32
      %dma_wait3A_75 = arith.constant 0 : i32
      %dma_wait3A_76 = tpu.memref_slice %arg9[%dma_wait3A_67, %dma_wait3A_74, %dma_wait3A_75] : memref<2x128x128xf32, #tpu.memory_space<vmem>> -> memref<1x128x128xf32, #tpu.memory_space<vmem>>
      %dma_wait3A_77 = tpu.memref_squeeze %dma_wait3A_76 : memref<1x128x128xf32, #tpu.memory_space<vmem>> -> memref<128x128xf32, #tpu.memory_space<vmem>>
      %dma_wait3A_78 = arith.constant 0 : i32
      %dma_wait3A_79 = tpu.memref_slice %arg2[%mul3A_2, %dma_wait3A_78] : memref<81920x128xf32, #tpu.memory_space<hbm>> -> memref<128x128xf32, #tpu.memory_space<hbm>>
      tpu.wait_dma2 semaphore(%arg11 : memref<!tpu.dma_semaphore, #tpu.memory_space<semaphore_mem>>) src(%dma_wait3A_79 : memref<128x128xf32, #tpu.memory_space<hbm>>) dst(%dma_wait3A_77 : memref<128x128xf32, #tpu.memory_space<vmem>>)
      %dma_start3A_80 = arith.constant 0 : i32
      %dma_start3A_81 = arith.constant 0 : i32
      %dma_start3A_82 = arith.constant 0 : i32
      %dma_start3A_83 = arith.constant 0 : i32
      %dma_start3A_84 = arith.constant 0 : i32
      %dma_start3A_85 = tpu.memref_slice %arg8[%dma_start3A_82, %dma_start3A_83, %dma_start3A_84] : memref<2x1x128xi32, #tpu.memory_space<vmem>> -> memref<1x1x128xi32, #tpu.memory_space<vmem>>
      %dma_start3A_86 = tpu.memref_squeeze %dma_start3A_85 : memref<1x1x128xi32, #tpu.memory_space<vmem>> -> memref<128xi32, #tpu.memory_space<vmem>>
      %dma_start3A_87 = arith.constant 0 : i32
      %dma_start3A_88 = tpu.memref_slice %arg7[%dma_start3A_80, %dma_start3A_81, %dma_start3A_87] : memref<2x1x128xi32, #tpu.memory_space<vmem>> -> memref<1x1x128xi32, #tpu.memory_space<vmem>>
      %dma_start3A_89 = tpu.memref_squeeze %dma_start3A_88 : memref<1x1x128xi32, #tpu.memory_space<vmem>> -> memref<128xi32, #tpu.memory_space<vmem>>
      %dma_start3A_90 = arith.constant 0 : i32
      %dma_start3A_91 = tpu.memref_slice %arg4[%dma_start3A_90] : memref<10240xi32, #tpu.memory_space<hbm>> -> memref<10240xi32, #tpu.memory_space<hbm>>
      tpu.enqueue_indirect_dma source(%dma_start3A_91 : memref<10240xi32, #tpu.memory_space<hbm>>) target(%dma_start3A_86 : memref<128xi32, #tpu.memory_space<vmem>>) offsets(%dma_start3A_89 : memref<128xi32, #tpu.memory_space<vmem>>) semaphore(%arg13 : memref<!tpu.dma_semaphore, #tpu.memory_space<semaphore_mem>>)
      %add3A_92 = arith.constant 1 : i32
      %add3A_93 = arith.addi %add3A_50, %add3A_92 : i32
      %lt3A = arith.constant 20 : i32
      %lt3A_94 = arith.cmpi slt, %add3A_93, %lt3A : i32
      %convert_element_type3A_95 = arith.extui %lt3A_94 : i1 to i32
      %cond3A_96 = arith.constant 0 : i32
      %cond3A_97 = arith.cmpi ne, %convert_element_type3A_95, %cond3A_96 : i32
      scf.if %cond3A_97 {
        %add3A_229 = arith.constant 1 : i32
        %add3A_230 = arith.addi %add3A_50, %add3A_229 : i32
        %mul3A_231 = arith.constant 1 : i32
        %mul3A_232 = arith.muli %add3A_230, %mul3A_231 : i32
        %dma_start3A_233 = arith.constant 1 : i32
        %dma_start3A_234 = arith.constant 0 : i32
        %dma_start3A_235 = arith.constant 0 : i32
        %dma_start3A_236 = tpu.memref_slice %arg7[%dma_start3A_233, %dma_start3A_234, %dma_start3A_235] : memref<2x1x128xi32, #tpu.memory_space<vmem>> -> memref<1x1x128xi32, #tpu.memory_space<vmem>>
        %dma_start3A_237 = tpu.memref_squeeze %dma_start3A_236 : memref<1x1x128xi32, #tpu.memory_space<vmem>> -> memref<1x128xi32, #tpu.memory_space<vmem>>
        %dma_start3A_238 = arith.constant 0 : i32
        %dma_start3A_239 = tpu.memref_slice %arg3[%add3A, %mul3A_232, %dma_start3A_238] : memref<32x20x128xi32, #tpu.memory_space<hbm>> -> memref<1x1x128xi32, #tpu.memory_space<hbm>>
        %dma_start3A_240 = tpu.memref_squeeze %dma_start3A_239 : memref<1x1x128xi32, #tpu.memory_space<hbm>> -> memref<1x128xi32, #tpu.memory_space<hbm>>
        %dma_start3A_241 = arith.constant 0 : i32
        %dma_start3A_242 = arith.constant 0 : i32
        %dma_start3A_243 = tpu.memref_slice %arg7[%dma_start3A_233, %dma_start3A_241, %dma_start3A_242] : memref<2x1x128xi32, #tpu.memory_space<vmem>> -> memref<1x1x128xi32, #tpu.memory_space<vmem>>
        %dma_start3A_244 = tpu.memref_squeeze %dma_start3A_243 : memref<1x1x128xi32, #tpu.memory_space<vmem>> -> memref<1x128xi32, #tpu.memory_space<vmem>>
        %dma_start3A_245 = arith.constant 0 : i32
        %dma_start3A_246 = tpu.memref_slice %arg3[%add3A, %mul3A_232, %dma_start3A_245] : memref<32x20x128xi32, #tpu.memory_space<hbm>> -> memref<1x1x128xi32, #tpu.memory_space<hbm>>
        %dma_start3A_247 = tpu.memref_squeeze %dma_start3A_246 : memref<1x1x128xi32, #tpu.memory_space<hbm>> -> memref<1x128xi32, #tpu.memory_space<hbm>>
        tpu.enqueue_dma source(%dma_start3A_247 : memref<1x128xi32, #tpu.memory_space<hbm>>) target(%dma_start3A_244 : memref<1x128xi32, #tpu.memory_space<vmem>>) target_semaphore(%arg12 : memref<!tpu.dma_semaphore, #tpu.memory_space<semaphore_mem>>)
        %add3A_248 = arith.constant 1 : i32
        %add3A_249 = arith.addi %add3A_50, %add3A_248 : i32
        %mul3A_250 = arith.constant 128 : i32
        %mul3A_251 = arith.muli %add3A_249, %mul3A_250 : i32
        %add3A_252 = arith.addi %mul3A_2, %mul3A_251 : i32
        %dma_start3A_253 = arith.constant 1 : i32
        %dma_start3A_254 = arith.constant 0 : i32
        %dma_start3A_255 = arith.constant 0 : i32
        %dma_start3A_256 = tpu.memref_slice %arg9[%dma_start3A_253, %dma_start3A_254, %dma_start3A_255] : memref<2x128x128xf32, #tpu.memory_space<vmem>> -> memref<1x128x128xf32, #tpu.memory_space<vmem>>
        %dma_start3A_257 = tpu.memref_squeeze %dma_start3A_256 : memref<1x128x128xf32, #tpu.memory_space<vmem>> -> memref<128x128xf32, #tpu.memory_space<vmem>>
        %dma_start3A_258 = arith.constant 0 : i32
        %dma_start3A_259 = tpu.memref_slice %arg2[%add3A_252, %dma_start3A_258] : memref<81920x128xf32, #tpu.memory_space<hbm>> -> memref<128x128xf32, #tpu.memory_space<hbm>>
        %dma_start3A_260 = arith.constant 0 : i32
        %dma_start3A_261 = arith.constant 0 : i32
        %dma_start3A_262 = tpu.memref_slice %arg9[%dma_start3A_253, %dma_start3A_260, %dma_start3A_261] : memref<2x128x128xf32, #tpu.memory_space<vmem>> -> memref<1x128x128xf32, #tpu.memory_space<vmem>>
        %dma_start3A_263 = tpu.memref_squeeze %dma_start3A_262 : memref<1x128x128xf32, #tpu.memory_space<vmem>> -> memref<128x128xf32, #tpu.memory_space<vmem>>
        %dma_start3A_264 = arith.constant 0 : i32
        %dma_start3A_265 = tpu.memref_slice %arg2[%add3A_252, %dma_start3A_264] : memref<81920x128xf32, #tpu.memory_space<hbm>> -> memref<128x128xf32, #tpu.memory_space<hbm>>
        tpu.enqueue_dma source(%dma_start3A_265 : memref<128x128xf32, #tpu.memory_space<hbm>>) target(%dma_start3A_263 : memref<128x128xf32, #tpu.memory_space<vmem>>) target_semaphore(%arg12 : memref<!tpu.dma_semaphore, #tpu.memory_space<semaphore_mem>>)
      } else {
      }
      %dma_wait3A_98 = arith.constant 0 : i32
      %dma_wait3A_99 = arith.constant 0 : i32
      %dma_wait3A_100 = arith.constant 0 : i32
      %dma_wait3A_101 = tpu.memref_slice %arg8[%dma_wait3A_98, %dma_wait3A_99, %dma_wait3A_100] : memref<2x1x128xi32, #tpu.memory_space<vmem>> -> memref<1x1x128xi32, #tpu.memory_space<vmem>>
      %dma_wait3A_102 = tpu.memref_squeeze %dma_wait3A_101 : memref<1x1x128xi32, #tpu.memory_space<vmem>> -> memref<128xi32, #tpu.memory_space<vmem>>
      %dma_wait3A_103 = arith.constant 0 : i32
      %dma_wait3A_104 = tpu.memref_slice %arg4[%dma_wait3A_103] : memref<10240xi32, #tpu.memory_space<hbm>> -> memref<128xi32, #tpu.memory_space<hbm>>
      %dma_wait3A_105 = arith.constant 0 : i32
      %dma_wait3A_106 = tpu.memref_slice %arg8[%dma_wait3A_98, %dma_wait3A_99, %dma_wait3A_105] : memref<2x1x128xi32, #tpu.memory_space<vmem>> -> memref<1x1x128xi32, #tpu.memory_space<vmem>>
      %dma_wait3A_107 = tpu.memref_squeeze %dma_wait3A_106 : memref<1x1x128xi32, #tpu.memory_space<vmem>> -> memref<128xi32, #tpu.memory_space<vmem>>
      %dma_wait3A_108 = arith.constant 0 : i32
      %dma_wait3A_109 = tpu.memref_slice %arg4[%dma_wait3A_108] : memref<10240xi32, #tpu.memory_space<hbm>> -> memref<128xi32, #tpu.memory_space<hbm>>
      tpu.wait_dma2 semaphore(%arg13 : memref<!tpu.dma_semaphore, #tpu.memory_space<semaphore_mem>>) src(%dma_wait3A_109 : memref<128xi32, #tpu.memory_space<hbm>>) dst(%dma_wait3A_107 : memref<128xi32, #tpu.memory_space<vmem>>)
      %dma_start3A_110 = arith.constant 0 : i32
      %dma_start3A_111 = arith.constant 0 : i32
      %dma_start3A_112 = arith.constant 0 : i32
      %dma_start3A_113 = arith.constant 0 : i32
      %dma_start3A_114 = arith.constant 0 : i32
      %dma_start3A_115 = tpu.memref_slice %arg9[%dma_start3A_110, %dma_start3A_113, %dma_start3A_114] : memref<2x128x128xf32, #tpu.memory_space<vmem>> -> memref<1x128x128xf32, #tpu.memory_space<vmem>>
      %dma_start3A_116 = tpu.memref_squeeze %dma_start3A_115 : memref<1x128x128xf32, #tpu.memory_space<vmem>> -> memref<128x128xf32, #tpu.memory_space<vmem>>
      %dma_start3A_117 = arith.constant 0 : i32
      %dma_start3A_118 = tpu.memref_slice %arg8[%dma_start3A_111, %dma_start3A_112, %dma_start3A_117] : memref<2x1x128xi32, #tpu.memory_space<vmem>> -> memref<1x1x128xi32, #tpu.memory_space<vmem>>
      %dma_start3A_119 = tpu.memref_squeeze %dma_start3A_118 : memref<1x1x128xi32, #tpu.memory_space<vmem>> -> memref<128xi32, #tpu.memory_space<vmem>>
      %dma_start3A_120 = arith.constant 0 : i32
      %dma_start3A_121 = arith.constant 0 : i32
      %dma_start3A_122 = tpu.memref_slice %arg10[%dma_start3A_120, %dma_start3A_121] : memref<40x128xf32, #tpu.memory_space<vmem_shared>> -> memref<40x128xf32, #tpu.memory_space<vmem_shared>>
      tpu.enqueue_indirect_dma source(%dma_start3A_116 : memref<128x128xf32, #tpu.memory_space<vmem>>) target(%dma_start3A_122 : memref<40x128xf32, #tpu.memory_space<vmem_shared>>) offsets(%dma_start3A_119 : memref<128xi32, #tpu.memory_space<vmem>>) semaphore(%arg15 : memref<!tpu.dma_semaphore, #tpu.memory_space<semaphore_mem>>) {add = true}
      %dma_wait3A_123 = arith.constant 0 : i32
      %dma_wait3A_124 = arith.constant 0 : i32
      %dma_wait3A_125 = arith.constant 0 : i32
      %dma_wait3A_126 = tpu.memref_slice %arg9[%dma_wait3A_123, %dma_wait3A_124, %dma_wait3A_125] : memref<2x128x128xf32, #tpu.memory_space<vmem>> -> memref<1x128x128xf32, #tpu.memory_space<vmem>>
      %dma_wait3A_127 = tpu.memref_squeeze %dma_wait3A_126 : memref<1x128x128xf32, #tpu.memory_space<vmem>> -> memref<128x128xf32, #tpu.memory_space<vmem>>
      %dma_wait3A_128 = arith.constant 0 : i32
      %dma_wait3A_129 = arith.constant 0 : i32
      %dma_wait3A_130 = tpu.memref_slice %arg2[%dma_wait3A_128, %dma_wait3A_129] : memref<81920x128xf32, #tpu.memory_space<hbm>> -> memref<128x128xf32, #tpu.memory_space<hbm>>
      %dma_wait3A_131 = arith.constant 0 : i32
      %dma_wait3A_132 = arith.constant 0 : i32
      %dma_wait3A_133 = tpu.memref_slice %arg9[%dma_wait3A_123, %dma_wait3A_131, %dma_wait3A_132] : memref<2x128x128xf32, #tpu.memory_space<vmem>> -> memref<1x128x128xf32, #tpu.memory_space<vmem>>
      %dma_wait3A_134 = tpu.memref_squeeze %dma_wait3A_133 : memref<1x128x128xf32, #tpu.memory_space<vmem>> -> memref<128x128xf32, #tpu.memory_space<vmem>>
      %dma_wait3A_135 = arith.constant 0 : i32
      %dma_wait3A_136 = arith.constant 0 : i32
      %dma_wait3A_137 = tpu.memref_slice %arg2[%dma_wait3A_135, %dma_wait3A_136] : memref<81920x128xf32, #tpu.memory_space<hbm>> -> memref<128x128xf32, #tpu.memory_space<hbm>>
      tpu.wait_dma2 semaphore(%arg15 : memref<!tpu.dma_semaphore, #tpu.memory_space<semaphore_mem>>) src(%dma_wait3A_137 : memref<128x128xf32, #tpu.memory_space<hbm>>) dst(%dma_wait3A_134 : memref<128x128xf32, #tpu.memory_space<vmem>>)
      %add3A_138 = arith.constant 1 : i32
      %add3A_139 = arith.addi %add3A_48, %add3A_138 : i32
      %dma_wait3A_140 = arith.constant 1 : i32
      %dma_wait3A_141 = arith.constant 0 : i32
      %dma_wait3A_142 = arith.constant 0 : i32
      %dma_wait3A_143 = tpu.memref_slice %arg7[%dma_wait3A_140, %dma_wait3A_141, %dma_wait3A_142] : memref<2x1x128xi32, #tpu.memory_space<vmem>> -> memref<1x1x128xi32, #tpu.memory_space<vmem>>
      %dma_wait3A_144 = tpu.memref_squeeze %dma_wait3A_143 : memref<1x1x128xi32, #tpu.memory_space<vmem>> -> memref<1x128xi32, #tpu.memory_space<vmem>>
      %dma_wait3A_145 = arith.constant 0 : i32
      %dma_wait3A_146 = arith.constant 0 : i32
      %dma_wait3A_147 = tpu.memref_slice %arg3[%add3A, %dma_wait3A_145, %dma_wait3A_146] : memref<32x20x128xi32, #tpu.memory_space<hbm>> -> memref<1x1x128xi32, #tpu.memory_space<hbm>>
      %dma_wait3A_148 = tpu.memref_squeeze %dma_wait3A_147 : memref<1x1x128xi32, #tpu.memory_space<hbm>> -> memref<1x128xi32, #tpu.memory_space<hbm>>
      %dma_wait3A_149 = arith.constant 0 : i32
      %dma_wait3A_150 = arith.constant 0 : i32
      %dma_wait3A_151 = tpu.memref_slice %arg7[%dma_wait3A_140, %dma_wait3A_149, %dma_wait3A_150] : memref<2x1x128xi32, #tpu.memory_space<vmem>> -> memref<1x1x128xi32, #tpu.memory_space<vmem>>
      %dma_wait3A_152 = tpu.memref_squeeze %dma_wait3A_151 : memref<1x1x128xi32, #tpu.memory_space<vmem>> -> memref<1x128xi32, #tpu.memory_space<vmem>>
      %dma_wait3A_153 = arith.constant 0 : i32
      %dma_wait3A_154 = arith.constant 0 : i32
      %dma_wait3A_155 = tpu.memref_slice %arg3[%add3A, %dma_wait3A_153, %dma_wait3A_154] : memref<32x20x128xi32, #tpu.memory_space<hbm>> -> memref<1x1x128xi32, #tpu.memory_space<hbm>>
      %dma_wait3A_156 = tpu.memref_squeeze %dma_wait3A_155 : memref<1x1x128xi32, #tpu.memory_space<hbm>> -> memref<1x128xi32, #tpu.memory_space<hbm>>
      tpu.wait_dma2 semaphore(%arg12 : memref<!tpu.dma_semaphore, #tpu.memory_space<semaphore_mem>>) src(%dma_wait3A_156 : memref<1x128xi32, #tpu.memory_space<hbm>>) dst(%dma_wait3A_152 : memref<1x128xi32, #tpu.memory_space<vmem>>)
      %dma_wait3A_157 = arith.constant 1 : i32
      %dma_wait3A_158 = arith.constant 0 : i32
      %dma_wait3A_159 = arith.constant 0 : i32
      %dma_wait3A_160 = tpu.memref_slice %arg9[%dma_wait3A_157, %dma_wait3A_158, %dma_wait3A_159] : memref<2x128x128xf32, #tpu.memory_space<vmem>> -> memref<1x128x128xf32, #tpu.memory_space<vmem>>
      %dma_wait3A_161 = tpu.memref_squeeze %dma_wait3A_160 : memref<1x128x128xf32, #tpu.memory_space<vmem>> -> memref<128x128xf32, #tpu.memory_space<vmem>>
      %dma_wait3A_162 = arith.constant 0 : i32
      %dma_wait3A_163 = tpu.memref_slice %arg2[%mul3A_2, %dma_wait3A_162] : memref<81920x128xf32, #tpu.memory_space<hbm>> -> memref<128x128xf32, #tpu.memory_space<hbm>>
      %dma_wait3A_164 = arith.constant 0 : i32
      %dma_wait3A_165 = arith.constant 0 : i32
      %dma_wait3A_166 = tpu.memref_slice %arg9[%dma_wait3A_157, %dma_wait3A_164, %dma_wait3A_165] : memref<2x128x128xf32, #tpu.memory_space<vmem>> -> memref<1x128x128xf32, #tpu.memory_space<vmem>>
      %dma_wait3A_167 = tpu.memref_squeeze %dma_wait3A_166 : memref<1x128x128xf32, #tpu.memory_space<vmem>> -> memref<128x128xf32, #tpu.memory_space<vmem>>
      %dma_wait3A_168 = arith.constant 0 : i32
      %dma_wait3A_169 = tpu.memref_slice %arg2[%mul3A_2, %dma_wait3A_168] : memref<81920x128xf32, #tpu.memory_space<hbm>> -> memref<128x128xf32, #tpu.memory_space<hbm>>
      tpu.wait_dma2 semaphore(%arg12 : memref<!tpu.dma_semaphore, #tpu.memory_space<semaphore_mem>>) src(%dma_wait3A_169 : memref<128x128xf32, #tpu.memory_space<hbm>>) dst(%dma_wait3A_167 : memref<128x128xf32, #tpu.memory_space<vmem>>)
      %dma_start3A_170 = arith.constant 1 : i32
      %dma_start3A_171 = arith.constant 0 : i32
      %dma_start3A_172 = arith.constant 1 : i32
      %dma_start3A_173 = arith.constant 0 : i32
      %dma_start3A_174 = arith.constant 0 : i32
      %dma_start3A_175 = tpu.memref_slice %arg8[%dma_start3A_172, %dma_start3A_173, %dma_start3A_174] : memref<2x1x128xi32, #tpu.memory_space<vmem>> -> memref<1x1x128xi32, #tpu.memory_space<vmem>>
      %dma_start3A_176 = tpu.memref_squeeze %dma_start3A_175 : memref<1x1x128xi32, #tpu.memory_space<vmem>> -> memref<128xi32, #tpu.memory_space<vmem>>
      %dma_start3A_177 = arith.constant 0 : i32
      %dma_start3A_178 = tpu.memref_slice %arg7[%dma_start3A_170, %dma_start3A_171, %dma_start3A_177] : memref<2x1x128xi32, #tpu.memory_space<vmem>> -> memref<1x1x128xi32, #tpu.memory_space<vmem>>
      %dma_start3A_179 = tpu.memref_squeeze %dma_start3A_178 : memref<1x1x128xi32, #tpu.memory_space<vmem>> -> memref<128xi32, #tpu.memory_space<vmem>>
      %dma_start3A_180 = arith.constant 0 : i32
      %dma_start3A_181 = tpu.memref_slice %arg4[%dma_start3A_180] : memref<10240xi32, #tpu.memory_space<hbm>> -> memref<10240xi32, #tpu.memory_space<hbm>>
      tpu.enqueue_indirect_dma source(%dma_start3A_181 : memref<10240xi32, #tpu.memory_space<hbm>>) target(%dma_start3A_176 : memref<128xi32, #tpu.memory_space<vmem>>) offsets(%dma_start3A_179 : memref<128xi32, #tpu.memory_space<vmem>>) semaphore(%arg14 : memref<!tpu.dma_semaphore, #tpu.memory_space<semaphore_mem>>)
      %add3A_182 = arith.constant 1 : i32
      %add3A_183 = arith.addi %add3A_139, %add3A_182 : i32
      %lt3A_184 = arith.constant 20 : i32
      %lt3A_185 = arith.cmpi slt, %add3A_183, %lt3A_184 : i32
      %convert_element_type3A_186 = arith.extui %lt3A_185 : i1 to i32
      %cond3A_187 = arith.constant 0 : i32
      %cond3A_188 = arith.cmpi ne, %convert_element_type3A_186, %cond3A_187 : i32
      scf.if %cond3A_188 {
        %add3A_229 = arith.constant 1 : i32
        %add3A_230 = arith.addi %add3A_139, %add3A_229 : i32
        %mul3A_231 = arith.constant 1 : i32
        %mul3A_232 = arith.muli %add3A_230, %mul3A_231 : i32
        %dma_start3A_233 = arith.constant 0 : i32
        %dma_start3A_234 = arith.constant 0 : i32
        %dma_start3A_235 = arith.constant 0 : i32
        %dma_start3A_236 = tpu.memref_slice %arg7[%dma_start3A_233, %dma_start3A_234, %dma_start3A_235] : memref<2x1x128xi32, #tpu.memory_space<vmem>> -> memref<1x1x128xi32, #tpu.memory_space<vmem>>
        %dma_start3A_237 = tpu.memref_squeeze %dma_start3A_236 : memref<1x1x128xi32, #tpu.memory_space<vmem>> -> memref<1x128xi32, #tpu.memory_space<vmem>>
        %dma_start3A_238 = arith.constant 0 : i32
        %dma_start3A_239 = tpu.memref_slice %arg3[%add3A, %mul3A_232, %dma_start3A_238] : memref<32x20x128xi32, #tpu.memory_space<hbm>> -> memref<1x1x128xi32, #tpu.memory_space<hbm>>
        %dma_start3A_240 = tpu.memref_squeeze %dma_start3A_239 : memref<1x1x128xi32, #tpu.memory_space<hbm>> -> memref<1x128xi32, #tpu.memory_space<hbm>>
        %dma_start3A_241 = arith.constant 0 : i32
        %dma_start3A_242 = arith.constant 0 : i32
        %dma_start3A_243 = tpu.memref_slice %arg7[%dma_start3A_233, %dma_start3A_241, %dma_start3A_242] : memref<2x1x128xi32, #tpu.memory_space<vmem>> -> memref<1x1x128xi32, #tpu.memory_space<vmem>>
        %dma_start3A_244 = tpu.memref_squeeze %dma_start3A_243 : memref<1x1x128xi32, #tpu.memory_space<vmem>> -> memref<1x128xi32, #tpu.memory_space<vmem>>
        %dma_start3A_245 = arith.constant 0 : i32
        %dma_start3A_246 = tpu.memref_slice %arg3[%add3A, %mul3A_232, %dma_start3A_245] : memref<32x20x128xi32, #tpu.memory_space<hbm>> -> memref<1x1x128xi32, #tpu.memory_space<hbm>>
        %dma_start3A_247 = tpu.memref_squeeze %dma_start3A_246 : memref<1x1x128xi32, #tpu.memory_space<hbm>> -> memref<1x128xi32, #tpu.memory_space<hbm>>
        tpu.enqueue_dma source(%dma_start3A_247 : memref<1x128xi32, #tpu.memory_space<hbm>>) target(%dma_start3A_244 : memref<1x128xi32, #tpu.memory_space<vmem>>) target_semaphore(%arg11 : memref<!tpu.dma_semaphore, #tpu.memory_space<semaphore_mem>>)
        %add3A_248 = arith.constant 1 : i32
        %add3A_249 = arith.addi %add3A_139, %add3A_248 : i32
        %mul3A_250 = arith.constant 128 : i32
        %mul3A_251 = arith.muli %add3A_249, %mul3A_250 : i32
        %add3A_252 = arith.addi %mul3A_2, %mul3A_251 : i32
        %dma_start3A_253 = arith.constant 0 : i32
        %dma_start3A_254 = arith.constant 0 : i32
        %dma_start3A_255 = arith.constant 0 : i32
        %dma_start3A_256 = tpu.memref_slice %arg9[%dma_start3A_253, %dma_start3A_254, %dma_start3A_255] : memref<2x128x128xf32, #tpu.memory_space<vmem>> -> memref<1x128x128xf32, #tpu.memory_space<vmem>>
        %dma_start3A_257 = tpu.memref_squeeze %dma_start3A_256 : memref<1x128x128xf32, #tpu.memory_space<vmem>> -> memref<128x128xf32, #tpu.memory_space<vmem>>
        %dma_start3A_258 = arith.constant 0 : i32
        %dma_start3A_259 = tpu.memref_slice %arg2[%add3A_252, %dma_start3A_258] : memref<81920x128xf32, #tpu.memory_space<hbm>> -> memref<128x128xf32, #tpu.memory_space<hbm>>
        %dma_start3A_260 = arith.constant 0 : i32
        %dma_start3A_261 = arith.constant 0 : i32
        %dma_start3A_262 = tpu.memref_slice %arg9[%dma_start3A_253, %dma_start3A_260, %dma_start3A_261] : memref<2x128x128xf32, #tpu.memory_space<vmem>> -> memref<1x128x128xf32, #tpu.memory_space<vmem>>
        %dma_start3A_263 = tpu.memref_squeeze %dma_start3A_262 : memref<1x128x128xf32, #tpu.memory_space<vmem>> -> memref<128x128xf32, #tpu.memory_space<vmem>>
        %dma_start3A_264 = arith.constant 0 : i32
        %dma_start3A_265 = tpu.memref_slice %arg2[%add3A_252, %dma_start3A_264] : memref<81920x128xf32, #tpu.memory_space<hbm>> -> memref<128x128xf32, #tpu.memory_space<hbm>>
        tpu.enqueue_dma source(%dma_start3A_265 : memref<128x128xf32, #tpu.memory_space<hbm>>) target(%dma_start3A_263 : memref<128x128xf32, #tpu.memory_space<vmem>>) target_semaphore(%arg11 : memref<!tpu.dma_semaphore, #tpu.memory_space<semaphore_mem>>)
      } else {
      }
      %dma_wait3A_189 = arith.constant 1 : i32
      %dma_wait3A_190 = arith.constant 0 : i32
      %dma_wait3A_191 = arith.constant 0 : i32
      %dma_wait3A_192 = tpu.memref_slice %arg8[%dma_wait3A_189, %dma_wait3A_190, %dma_wait3A_191] : memref<2x1x128xi32, #tpu.memory_space<vmem>> -> memref<1x1x128xi32, #tpu.memory_space<vmem>>
      %dma_wait3A_193 = tpu.memref_squeeze %dma_wait3A_192 : memref<1x1x128xi32, #tpu.memory_space<vmem>> -> memref<128xi32, #tpu.memory_space<vmem>>
      %dma_wait3A_194 = arith.constant 0 : i32
      %dma_wait3A_195 = tpu.memref_slice %arg4[%dma_wait3A_194] : memref<10240xi32, #tpu.memory_space<hbm>> -> memref<128xi32, #tpu.memory_space<hbm>>
      %dma_wait3A_196 = arith.constant 0 : i32
      %dma_wait3A_197 = tpu.memref_slice %arg8[%dma_wait3A_189, %dma_wait3A_190, %dma_wait3A_196] : memref<2x1x128xi32, #tpu.memory_space<vmem>> -> memref<1x1x128xi32, #tpu.memory_space<vmem>>
      %dma_wait3A_198 = tpu.memref_squeeze %dma_wait3A_197 : memref<1x1x128xi32, #tpu.memory_space<vmem>> -> memref<128xi32, #tpu.memory_space<vmem>>
      %dma_wait3A_199 = arith.constant 0 : i32
      %dma_wait3A_200 = tpu.memref_slice %arg4[%dma_wait3A_199] : memref<10240xi32, #tpu.memory_space<hbm>> -> memref<128xi32, #tpu.memory_space<hbm>>
      tpu.wait_dma2 semaphore(%arg14 : memref<!tpu.dma_semaphore, #tpu.memory_space<semaphore_mem>>) src(%dma_wait3A_200 : memref<128xi32, #tpu.memory_space<hbm>>) dst(%dma_wait3A_198 : memref<128xi32, #tpu.memory_space<vmem>>)
      %dma_start3A_201 = arith.constant 1 : i32
      %dma_start3A_202 = arith.constant 1 : i32
      %dma_start3A_203 = arith.constant 0 : i32
      %dma_start3A_204 = arith.constant 0 : i32
      %dma_start3A_205 = arith.constant 0 : i32
      %dma_start3A_206 = tpu.memref_slice %arg9[%dma_start3A_201, %dma_start3A_204, %dma_start3A_205] : memref<2x128x128xf32, #tpu.memory_space<vmem>> -> memref<1x128x128xf32, #tpu.memory_space<vmem>>
      %dma_start3A_207 = tpu.memref_squeeze %dma_start3A_206 : memref<1x128x128xf32, #tpu.memory_space<vmem>> -> memref<128x128xf32, #tpu.memory_space<vmem>>
      %dma_start3A_208 = arith.constant 0 : i32
      %dma_start3A_209 = tpu.memref_slice %arg8[%dma_start3A_202, %dma_start3A_203, %dma_start3A_208] : memref<2x1x128xi32, #tpu.memory_space<vmem>> -> memref<1x1x128xi32, #tpu.memory_space<vmem>>
      %dma_start3A_210 = tpu.memref_squeeze %dma_start3A_209 : memref<1x1x128xi32, #tpu.memory_space<vmem>> -> memref<128xi32, #tpu.memory_space<vmem>>
      %dma_start3A_211 = arith.constant 0 : i32
      %dma_start3A_212 = arith.constant 0 : i32
      %dma_start3A_213 = tpu.memref_slice %arg10[%dma_start3A_211, %dma_start3A_212] : memref<40x128xf32, #tpu.memory_space<vmem_shared>> -> memref<40x128xf32, #tpu.memory_space<vmem_shared>>
      tpu.enqueue_indirect_dma source(%dma_start3A_207 : memref<128x128xf32, #tpu.memory_space<vmem>>) target(%dma_start3A_213 : memref<40x128xf32, #tpu.memory_space<vmem_shared>>) offsets(%dma_start3A_210 : memref<128xi32, #tpu.memory_space<vmem>>) semaphore(%arg15 : memref<!tpu.dma_semaphore, #tpu.memory_space<semaphore_mem>>) {add = true}
      %dma_wait3A_214 = arith.constant 1 : i32
      %dma_wait3A_215 = arith.constant 0 : i32
      %dma_wait3A_216 = arith.constant 0 : i32
      %dma_wait3A_217 = tpu.memref_slice %arg9[%dma_wait3A_214, %dma_wait3A_215, %dma_wait3A_216] : memref<2x128x128xf32, #tpu.memory_space<vmem>> -> memref<1x128x128xf32, #tpu.memory_space<vmem>>
      %dma_wait3A_218 = tpu.memref_squeeze %dma_wait3A_217 : memref<1x128x128xf32, #tpu.memory_space<vmem>> -> memref<128x128xf32, #tpu.memory_space<vmem>>
      %dma_wait3A_219 = arith.constant 0 : i32
      %dma_wait3A_220 = arith.constant 0 : i32
      %dma_wait3A_221 = tpu.memref_slice %arg2[%dma_wait3A_219, %dma_wait3A_220] : memref<81920x128xf32, #tpu.memory_space<hbm>> -> memref<128x128xf32, #tpu.memory_space<hbm>>
      %dma_wait3A_222 = arith.constant 0 : i32
      %dma_wait3A_223 = arith.constant 0 : i32
      %dma_wait3A_224 = tpu.memref_slice %arg9[%dma_wait3A_214, %dma_wait3A_222, %dma_wait3A_223] : memref<2x128x128xf32, #tpu.memory_space<vmem>> -> memref<1x128x128xf32, #tpu.memory_space<vmem>>
      %dma_wait3A_225 = tpu.memref_squeeze %dma_wait3A_224 : memref<1x128x128xf32, #tpu.memory_space<vmem>> -> memref<128x128xf32, #tpu.memory_space<vmem>>
      %dma_wait3A_226 = arith.constant 0 : i32
      %dma_wait3A_227 = arith.constant 0 : i32
      %dma_wait3A_228 = tpu.memref_slice %arg2[%dma_wait3A_226, %dma_wait3A_227] : memref<81920x128xf32, #tpu.memory_space<hbm>> -> memref<128x128xf32, #tpu.memory_space<hbm>>
      tpu.wait_dma2 semaphore(%arg15 : memref<!tpu.dma_semaphore, #tpu.memory_space<semaphore_mem>>) src(%dma_wait3A_228 : memref<128x128xf32, #tpu.memory_space<hbm>>) dst(%dma_wait3A_225 : memref<128x128xf32, #tpu.memory_space<vmem>>)
    }
    %scan3A_37 = arith.constant 10 : i32
    %barrier3A_38 = arith.constant 0 : index
    tpu.barrier barrier_id(%barrier3A_38)
    %eq3A_39 = arith.constant 0 : i32
    %eq3A_40 = arith.cmpi eq, %arg1, %eq3A_39 : i32
    %convert_element_type3A_41 = arith.extui %eq3A_40 : i1 to i32
    %cond3A_42 = arith.constant 0 : i32
    %cond3A_43 = arith.cmpi ne, %convert_element_type3A_41, %cond3A_42 : i32
    scf.if %cond3A_43 {
      "tpu.region"() ({
        %run_scoped3A = tpu.sem_alloc : memref<!tpu.dma_semaphore, #tpu.memory_space<semaphore_mem>>
        %dma_start3A_44 = arith.constant 0 : i32
        %dma_start3A_45 = arith.constant 0 : i32
        %dma_start3A_46 = tpu.memref_slice %arg6[%arg0, %dma_start3A_44, %dma_start3A_45] : memref<2x40x128xf32, #tpu.memory_space<hbm>> -> memref<1x40x128xf32, #tpu.memory_space<hbm>>
        %dma_start3A_47 = tpu.memref_squeeze %dma_start3A_46 : memref<1x40x128xf32, #tpu.memory_space<hbm>> -> memref<40x128xf32, #tpu.memory_space<hbm>>
        tpu.enqueue_dma source(%arg10 : memref<40x128xf32, #tpu.memory_space<vmem_shared>>) target(%dma_start3A_47 : memref<40x128xf32, #tpu.memory_space<hbm>>) target_semaphore(%run_scoped3A : memref<!tpu.dma_semaphore, #tpu.memory_space<semaphore_mem>>)
        %dma_wait3A = arith.constant 0 : i32
        %dma_wait3A_48 = arith.constant 0 : i32
        %dma_wait3A_49 = tpu.memref_slice %arg6[%arg0, %dma_wait3A, %dma_wait3A_48] : memref<2x40x128xf32, #tpu.memory_space<hbm>> -> memref<1x40x128xf32, #tpu.memory_space<hbm>>
        %dma_wait3A_50 = tpu.memref_squeeze %dma_wait3A_49 : memref<1x40x128xf32, #tpu.memory_space<hbm>> -> memref<40x128xf32, #tpu.memory_space<hbm>>
        tpu.wait_dma2 semaphore(%run_scoped3A : memref<!tpu.dma_semaphore, #tpu.memory_space<semaphore_mem>>) src(%arg10 : memref<40x128xf32, #tpu.memory_space<vmem_shared>>) dst(%dma_wait3A_50 : memref<40x128xf32, #tpu.memory_space<hbm>>)
        tpu.yield
      }) : () -> ()
    } else {
    }
    return
  }
}

module attributes {stable_mosaic.version = 14 : i64} {
  func.func @_layer0_body(%arg0: i32, %arg1: memref<1x1x2048xi32, #tpu.memory_space<vmem>>, %arg2: memref<1x1x2048xi32, #tpu.memory_space<vmem>>, %arg3: memref<16x2048xf32, #tpu.memory_space<vmem>>, %arg4: memref<256x128xf32, #tpu.memory_space<vmem>>, %arg5: memref<16x128xf32, #tpu.memory_space<vmem>>, %arg6: memref<1x128xf32, #tpu.memory_space<vmem>>, %arg7: memref<384x128xf32, #tpu.memory_space<vmem>>, %arg8: memref<1x128xf32, #tpu.memory_space<vmem>>, %arg9: memref<128x128xf32, #tpu.memory_space<vmem>>, %arg10: memref<1x128xf32, #tpu.memory_space<vmem>>, %arg11: memref<256x128xf32, #tpu.memory_space<vmem>>, %arg12: memref<1x128xf32, #tpu.memory_space<vmem>>, %arg13: memref<128x128xf32, #tpu.memory_space<vmem>>, %arg14: memref<1x128xf32, #tpu.memory_space<vmem>>, %arg15: memref<128x128xf32, #tpu.memory_space<vmem>>, %arg16: memref<1x128xf32, #tpu.memory_space<vmem>>, %arg17: memref<2048x128xbf16, #tpu.memory_space<vmem>>, %arg18: memref<2048x128xf32, #tpu.memory_space<vmem>>) attributes {dimension_semantics = [#tpu.dimension_semantics<arbitrary>], iteration_bounds = array<i64: 40>, scalar_prefetch = 0 : i64, scratch_operands = 0 : i64, tpu.core_type = #tpu.core_type<tc>, window_params = [{transform_indices = @transform_0, window_bounds = array<i64: 1, 1, 2048>}, {transform_indices = @transform_1, window_bounds = array<i64: 1, 1, 2048>}, {transform_indices = @transform_2, window_bounds = array<i64: 16, 2048>}, {pipeline_mode = #tpu.pipeline_mode<synchronous>, transform_indices = @transform_3, window_bounds = array<i64: 256, 128>}, {pipeline_mode = #tpu.pipeline_mode<synchronous>, transform_indices = @transform_4, window_bounds = array<i64: 16, 128>}, {pipeline_mode = #tpu.pipeline_mode<synchronous>, transform_indices = @transform_5, window_bounds = array<i64: 1, 128>}, {pipeline_mode = #tpu.pipeline_mode<synchronous>, transform_indices = @transform_6, window_bounds = array<i64: 384, 128>}, {pipeline_mode = #tpu.pipeline_mode<synchronous>, transform_indices = @transform_7, window_bounds = array<i64: 1, 128>}, {pipeline_mode = #tpu.pipeline_mode<synchronous>, transform_indices = @transform_8, window_bounds = array<i64: 128, 128>}, {pipeline_mode = #tpu.pipeline_mode<synchronous>, transform_indices = @transform_9, window_bounds = array<i64: 1, 128>}, {pipeline_mode = #tpu.pipeline_mode<synchronous>, transform_indices = @transform_10, window_bounds = array<i64: 256, 128>}, {pipeline_mode = #tpu.pipeline_mode<synchronous>, transform_indices = @transform_11, window_bounds = array<i64: 1, 128>}, {pipeline_mode = #tpu.pipeline_mode<synchronous>, transform_indices = @transform_12, window_bounds = array<i64: 128, 128>}, {pipeline_mode = #tpu.pipeline_mode<synchronous>, transform_indices = @transform_13, window_bounds = array<i64: 1, 128>}, {pipeline_mode = #tpu.pipeline_mode<synchronous>, transform_indices = @transform_14, window_bounds = array<i64: 128, 128>}, {pipeline_mode = #tpu.pipeline_mode<synchronous>, transform_indices = @transform_15, window_bounds = array<i64: 1, 128>}, {transform_indices = @transform_16, window_bounds = array<i64: 2048, 128>}, {transform_indices = @transform_17, window_bounds = array<i64: 2048, 128>}]} {
    %get3A = arith.constant 0 : index
    %get3A_0 = arith.constant 0 : index
    %get3A_1 = arith.constant 0 : index
    %get3A_2 = vector.load %arg1[%get3A, %get3A_0, %get3A_1] : memref<1x1x2048xi32, #tpu.memory_space<vmem>>, vector<1x1x2048xi32>
    %get3A_3 = vector.shape_cast %get3A_2 : vector<1x1x2048xi32> to vector<2048xi32>
    %rem3A = arith.constant 256 : i32
    %rem3A_4 = vector.broadcast %rem3A : i32 to vector<2048xi32>
    %rem3A_5 = arith.remsi %get3A_3, %rem3A_4 : vector<2048xi32>
    %get3A_6 = arith.constant 0 : index
    %get3A_7 = arith.constant 0 : index
    %get3A_8 = arith.constant 0 : index
    %get3A_9 = vector.load %arg2[%get3A_6, %get3A_7, %get3A_8] : memref<1x1x2048xi32, #tpu.memory_space<vmem>>, vector<1x1x2048xi32>
    %get3A_10 = vector.shape_cast %get3A_9 : vector<1x1x2048xi32> to vector<2048xi32>
    %rem3A_11 = arith.constant 256 : i32
    %rem3A_12 = vector.broadcast %rem3A_11 : i32 to vector<2048xi32>
    %rem3A_13 = arith.remsi %get3A_10, %rem3A_12 : vector<2048xi32>
    %iota3A = tpu.iota {dimensions = array<i32: 1>} : vector<2048x256xi32>
    %broadcast_in_dim3A = vector.shape_cast %rem3A_5 : vector<2048xi32> to vector<2048x1xi32>
    %eq3A = vector.broadcast %broadcast_in_dim3A : vector<2048x1xi32> to vector<2048x256xi32>
    %eq3A_14 = arith.cmpi eq, %iota3A, %eq3A : vector<2048x256xi32>
    %convert_element_type3A = arith.extui %eq3A_14 : vector<2048x256xi1> to vector<2048x256xi32>
    %convert_element_type3A_15 = arith.sitofp %convert_element_type3A : vector<2048x256xi32> to vector<2048x256xf32>
    %broadcast_in_dim3A_16 = vector.shape_cast %rem3A_13 : vector<2048xi32> to vector<2048x1xi32>
    %eq3A_17 = vector.broadcast %broadcast_in_dim3A_16 : vector<2048x1xi32> to vector<2048x256xi32>
    %eq3A_18 = arith.cmpi eq, %iota3A, %eq3A_17 : vector<2048x256xi32>
    %convert_element_type3A_19 = arith.extui %eq3A_18 : vector<2048x256xi1> to vector<2048x256xi32>
    %convert_element_type3A_20 = arith.sitofp %convert_element_type3A_19 : vector<2048x256xi32> to vector<2048x256xf32>
    %get3A_21 = arith.constant 0 : index
    %get3A_22 = arith.constant 0 : index
    %get3A_23 = vector.load %arg4[%get3A_21, %get3A_22] : memref<256x128xf32, #tpu.memory_space<vmem>>, vector<256x128xf32>
    %dot_general3A = arith.constant dense<0.000000e+00> : vector<2048x128xf32>
    %dot_general3A_24 = tpu.matmul %convert_element_type3A_15, %get3A_23, %dot_general3A {dimension_numbers = #tpu.dot_dimension_numbers<[1], [0], [0], [1], [0, 0, 1, 1], [], []>, transpose_lhs_hint = false} : vector<2048x256xf32>, vector<256x128xf32>, vector<2048x128xf32> -> vector<2048x128xf32>
    %dot_general3A_25 = arith.constant dense<0.000000e+00> : vector<2048x128xf32>
    %dot_general3A_26 = tpu.matmul %convert_element_type3A_20, %get3A_23, %dot_general3A_25 {dimension_numbers = #tpu.dot_dimension_numbers<[1], [0], [0], [1], [0, 0, 1, 1], [], []>, transpose_lhs_hint = false} : vector<2048x256xf32>, vector<256x128xf32>, vector<2048x128xf32> -> vector<2048x128xf32>
    %get3A_27 = arith.constant 0 : index
    %get3A_28 = arith.constant 0 : index
    %get3A_29 = vector.load %arg3[%get3A_27, %get3A_28] : memref<16x2048xf32, #tpu.memory_space<vmem>>, vector<16x2048xf32>
    %get3A_30 = arith.constant 0 : index
    %get3A_31 = arith.constant 0 : index
    %get3A_32 = vector.load %arg5[%get3A_30, %get3A_31] : memref<16x128xf32, #tpu.memory_space<vmem>>, vector<16x128xf32>
    %dot_general3A_33 = arith.constant dense<0.000000e+00> : vector<2048x128xf32>
    %dot_general3A_34 = tpu.matmul %get3A_29, %get3A_32, %dot_general3A_33 {dimension_numbers = #tpu.dot_dimension_numbers<[0], [0], [1], [1], [0, 1, 1, 1], [], []>, transpose_lhs_hint = false} : vector<16x2048xf32>, vector<16x128xf32>, vector<2048x128xf32> -> vector<2048x128xf32>
    %get3A_35 = arith.constant 0 : index
    %get3A_36 = arith.constant 0 : index
    %get3A_37 = vector.load %arg6[%get3A_35, %get3A_36] : memref<1x128xf32, #tpu.memory_space<vmem>>, vector<1x128xf32>
    %add3A = vector.broadcast %get3A_37 : vector<1x128xf32> to vector<2048x128xf32>
    %add3A_38 = arith.addf %dot_general3A_34, %add3A : vector<2048x128xf32>
    %get3A_39 = arith.constant 0 : index
    %get3A_40 = arith.constant 0 : index
    %get3A_41 = vector.load %arg7[%get3A_39, %get3A_40] : memref<384x128xf32, #tpu.memory_space<vmem>>, vector<384x128xf32>
    %slice3A = vector.extract_strided_slice %get3A_41 {offsets = [0, 0], sizes = [128, 128], strides = [1, 1]} : vector<384x128xf32> to vector<128x128xf32>
    %dot_general3A_42 = arith.constant dense<0.000000e+00> : vector<2048x128xf32>
    %dot_general3A_43 = tpu.matmul %dot_general3A_24, %slice3A, %dot_general3A_42 {dimension_numbers = #tpu.dot_dimension_numbers<[1], [0], [0], [1], [0, 0, 1, 1], [], []>, transpose_lhs_hint = false} : vector<2048x128xf32>, vector<128x128xf32>, vector<2048x128xf32> -> vector<2048x128xf32>
    %slice3A_44 = vector.extract_strided_slice %get3A_41 {offsets = [128, 0], sizes = [128, 128], strides = [1, 1]} : vector<384x128xf32> to vector<128x128xf32>
    %dot_general3A_45 = arith.constant dense<0.000000e+00> : vector<2048x128xf32>
    %dot_general3A_46 = tpu.matmul %dot_general3A_26, %slice3A_44, %dot_general3A_45 {dimension_numbers = #tpu.dot_dimension_numbers<[1], [0], [0], [1], [0, 0, 1, 1], [], []>, transpose_lhs_hint = false} : vector<2048x128xf32>, vector<128x128xf32>, vector<2048x128xf32> -> vector<2048x128xf32>
    %add3A_47 = arith.addf %dot_general3A_43, %dot_general3A_46 : vector<2048x128xf32>
    %slice3A_48 = vector.extract_strided_slice %get3A_41 {offsets = [256, 0], sizes = [128, 128], strides = [1, 1]} : vector<384x128xf32> to vector<128x128xf32>
    %dot_general3A_49 = arith.constant dense<0.000000e+00> : vector<2048x128xf32>
    %dot_general3A_50 = tpu.matmul %add3A_38, %slice3A_48, %dot_general3A_49 {dimension_numbers = #tpu.dot_dimension_numbers<[1], [0], [0], [1], [0, 0, 1, 1], [], []>, transpose_lhs_hint = false} : vector<2048x128xf32>, vector<128x128xf32>, vector<2048x128xf32> -> vector<2048x128xf32>
    %add3A_51 = arith.addf %add3A_47, %dot_general3A_50 : vector<2048x128xf32>
    %get3A_52 = arith.constant 0 : index
    %get3A_53 = arith.constant 0 : index
    %get3A_54 = vector.load %arg8[%get3A_52, %get3A_53] : memref<1x128xf32, #tpu.memory_space<vmem>>, vector<1x128xf32>
    %add3A_55 = vector.broadcast %get3A_54 : vector<1x128xf32> to vector<2048x128xf32>
    %add3A_56 = arith.addf %add3A_51, %add3A_55 : vector<2048x128xf32>
    %max3A = arith.constant 0.000000e+00 : f32
    %max3A_57 = vector.broadcast %max3A : f32 to vector<2048x128xf32>
    %max3A_58 = arith.maximumf %add3A_56, %max3A_57 : vector<2048x128xf32>
    %get3A_59 = arith.constant 0 : index
    %get3A_60 = arith.constant 0 : index
    %get3A_61 = vector.load %arg9[%get3A_59, %get3A_60] : memref<128x128xf32, #tpu.memory_space<vmem>>, vector<128x128xf32>
    %dot_general3A_62 = arith.constant dense<0.000000e+00> : vector<2048x128xf32>
    %dot_general3A_63 = tpu.matmul %max3A_58, %get3A_61, %dot_general3A_62 {dimension_numbers = #tpu.dot_dimension_numbers<[1], [0], [0], [1], [0, 0, 1, 1], [], []>, transpose_lhs_hint = false} : vector<2048x128xf32>, vector<128x128xf32>, vector<2048x128xf32> -> vector<2048x128xf32>
    %get3A_64 = arith.constant 0 : index
    %get3A_65 = arith.constant 0 : index
    %get3A_66 = vector.load %arg10[%get3A_64, %get3A_65] : memref<1x128xf32, #tpu.memory_space<vmem>>, vector<1x128xf32>
    %add3A_67 = vector.broadcast %get3A_66 : vector<1x128xf32> to vector<2048x128xf32>
    %add3A_68 = arith.addf %dot_general3A_63, %add3A_67 : vector<2048x128xf32>
    %get3A_69 = arith.constant 0 : index
    %get3A_70 = arith.constant 0 : index
    %get3A_71 = vector.load %arg11[%get3A_69, %get3A_70] : memref<256x128xf32, #tpu.memory_space<vmem>>, vector<256x128xf32>
    %slice3A_72 = vector.extract_strided_slice %get3A_71 {offsets = [0, 0], sizes = [128, 128], strides = [1, 1]} : vector<256x128xf32> to vector<128x128xf32>
    %dot_general3A_73 = arith.constant dense<0.000000e+00> : vector<2048x128xf32>
    %dot_general3A_74 = tpu.matmul %dot_general3A_24, %slice3A_72, %dot_general3A_73 {dimension_numbers = #tpu.dot_dimension_numbers<[1], [0], [0], [1], [0, 0, 1, 1], [], []>, transpose_lhs_hint = false} : vector<2048x128xf32>, vector<128x128xf32>, vector<2048x128xf32> -> vector<2048x128xf32>
    %slice3A_75 = vector.extract_strided_slice %get3A_71 {offsets = [128, 0], sizes = [128, 128], strides = [1, 1]} : vector<256x128xf32> to vector<128x128xf32>
    %dot_general3A_76 = arith.constant dense<0.000000e+00> : vector<2048x128xf32>
    %dot_general3A_77 = tpu.matmul %add3A_68, %slice3A_75, %dot_general3A_76 {dimension_numbers = #tpu.dot_dimension_numbers<[1], [0], [0], [1], [0, 0, 1, 1], [], []>, transpose_lhs_hint = false} : vector<2048x128xf32>, vector<128x128xf32>, vector<2048x128xf32> -> vector<2048x128xf32>
    %add3A_78 = arith.addf %dot_general3A_74, %dot_general3A_77 : vector<2048x128xf32>
    %get3A_79 = arith.constant 0 : index
    %get3A_80 = arith.constant 0 : index
    %get3A_81 = vector.load %arg12[%get3A_79, %get3A_80] : memref<1x128xf32, #tpu.memory_space<vmem>>, vector<1x128xf32>
    %add3A_82 = vector.broadcast %get3A_81 : vector<1x128xf32> to vector<2048x128xf32>
    %add3A_83 = arith.addf %add3A_78, %add3A_82 : vector<2048x128xf32>
    %max3A_84 = arith.constant 0.000000e+00 : f32
    %max3A_85 = vector.broadcast %max3A_84 : f32 to vector<2048x128xf32>
    %max3A_86 = arith.maximumf %add3A_83, %max3A_85 : vector<2048x128xf32>
    %get3A_87 = arith.constant 0 : index
    %get3A_88 = arith.constant 0 : index
    %get3A_89 = vector.load %arg13[%get3A_87, %get3A_88] : memref<128x128xf32, #tpu.memory_space<vmem>>, vector<128x128xf32>
    %dot_general3A_90 = arith.constant dense<0.000000e+00> : vector<2048x128xf32>
    %dot_general3A_91 = tpu.matmul %max3A_86, %get3A_89, %dot_general3A_90 {dimension_numbers = #tpu.dot_dimension_numbers<[1], [0], [0], [1], [0, 0, 1, 1], [], []>, transpose_lhs_hint = false} : vector<2048x128xf32>, vector<128x128xf32>, vector<2048x128xf32> -> vector<2048x128xf32>
    %get3A_92 = arith.constant 0 : index
    %get3A_93 = arith.constant 0 : index
    %get3A_94 = vector.load %arg14[%get3A_92, %get3A_93] : memref<1x128xf32, #tpu.memory_space<vmem>>, vector<1x128xf32>
    %add3A_95 = vector.broadcast %get3A_94 : vector<1x128xf32> to vector<2048x128xf32>
    %add3A_96 = arith.addf %dot_general3A_91, %add3A_95 : vector<2048x128xf32>
    %get3A_97 = arith.constant 0 : index
    %get3A_98 = arith.constant 0 : index
    %get3A_99 = vector.load %arg15[%get3A_97, %get3A_98] : memref<128x128xf32, #tpu.memory_space<vmem>>, vector<128x128xf32>
    %dot_general3A_100 = arith.constant dense<0.000000e+00> : vector<2048x128xf32>
    %dot_general3A_101 = tpu.matmul %add3A_68, %get3A_99, %dot_general3A_100 {dimension_numbers = #tpu.dot_dimension_numbers<[1], [0], [0], [1], [0, 0, 1, 1], [], []>, transpose_lhs_hint = false} : vector<2048x128xf32>, vector<128x128xf32>, vector<2048x128xf32> -> vector<2048x128xf32>
    %get3A_102 = arith.constant 0 : index
    %get3A_103 = arith.constant 0 : index
    %get3A_104 = vector.load %arg16[%get3A_102, %get3A_103] : memref<1x128xf32, #tpu.memory_space<vmem>>, vector<1x128xf32>
    %add3A_105 = vector.broadcast %get3A_104 : vector<1x128xf32> to vector<2048x128xf32>
    %add3A_106 = arith.addf %dot_general3A_101, %add3A_105 : vector<2048x128xf32>
    %convert_element_type3A_107 = arith.truncf %add3A_106 : vector<2048x128xf32> to vector<2048x128xbf16>
    %swap3A = arith.constant 0 : index
    %swap3A_108 = arith.constant 0 : index
    %swap3A_109 = vector.load %arg17[%swap3A, %swap3A_108] : memref<2048x128xbf16, #tpu.memory_space<vmem>>, vector<2048x128xbf16>
    tpu.vector_store %arg17[%swap3A, %swap3A_108], %convert_element_type3A_107 {strides = array<i32>} : memref<2048x128xbf16, #tpu.memory_space<vmem>>, vector<2048x128xbf16>,
    %swap3A_110 = arith.constant 0 : index
    %swap3A_111 = arith.constant 0 : index
    %swap3A_112 = vector.load %arg18[%swap3A_110, %swap3A_111] : memref<2048x128xf32, #tpu.memory_space<vmem>>, vector<2048x128xf32>
    tpu.vector_store %arg18[%swap3A_110, %swap3A_111], %add3A_96 {strides = array<i32>} : memref<2048x128xf32, #tpu.memory_space<vmem>>, vector<2048x128xf32>,
    return
  }
  func.func @transform_0(%arg0: i32) -> (i32, i32, i32) {
    %c0_i32 = arith.constant 0 : i32
    %c0_i32_0 = arith.constant 0 : i32
    %c0_i32_1 = arith.constant 0 : i32
    return %arg0, %c0_i32, %c0_i32_0 : i32, i32, i32
  }
  func.func @transform_1(%arg0: i32) -> (i32, i32, i32) {
    %c0_i32 = arith.constant 0 : i32
    %c0_i32_0 = arith.constant 0 : i32
    %c0_i32_1 = arith.constant 0 : i32
    return %arg0, %c0_i32, %c0_i32_0 : i32, i32, i32
  }
  func.func @transform_2(%arg0: i32) -> (i32, i32) {
    %c0_i32 = arith.constant 0 : i32
    %c0_i32_0 = arith.constant 0 : i32
    return %c0_i32, %arg0 : i32, i32
  }
  func.func @transform_3(%arg0: i32) -> (i32, i32) {
    %c0_i32 = arith.constant 0 : i32
    %c0_i32_0 = arith.constant 0 : i32
    %c0_i32_1 = arith.constant 0 : i32
    return %c0_i32, %c0_i32_0 : i32, i32
  }
  func.func @transform_4(%arg0: i32) -> (i32, i32) {
    %c0_i32 = arith.constant 0 : i32
    %c0_i32_0 = arith.constant 0 : i32
    %c0_i32_1 = arith.constant 0 : i32
    return %c0_i32, %c0_i32_0 : i32, i32
  }
  func.func @transform_5(%arg0: i32) -> (i32, i32) {
    %c0_i32 = arith.constant 0 : i32
    %c0_i32_0 = arith.constant 0 : i32
    %c0_i32_1 = arith.constant 0 : i32
    return %c0_i32, %c0_i32_0 : i32, i32
  }
  func.func @transform_6(%arg0: i32) -> (i32, i32) {
    %c0_i32 = arith.constant 0 : i32
    %c0_i32_0 = arith.constant 0 : i32
    %c0_i32_1 = arith.constant 0 : i32
    return %c0_i32, %c0_i32_0 : i32, i32
  }
  func.func @transform_7(%arg0: i32) -> (i32, i32) {
    %c0_i32 = arith.constant 0 : i32
    %c0_i32_0 = arith.constant 0 : i32
    %c0_i32_1 = arith.constant 0 : i32
    return %c0_i32, %c0_i32_0 : i32, i32
  }
  func.func @transform_8(%arg0: i32) -> (i32, i32) {
    %c0_i32 = arith.constant 0 : i32
    %c0_i32_0 = arith.constant 0 : i32
    %c0_i32_1 = arith.constant 0 : i32
    return %c0_i32, %c0_i32_0 : i32, i32
  }
  func.func @transform_9(%arg0: i32) -> (i32, i32) {
    %c0_i32 = arith.constant 0 : i32
    %c0_i32_0 = arith.constant 0 : i32
    %c0_i32_1 = arith.constant 0 : i32
    return %c0_i32, %c0_i32_0 : i32, i32
  }
  func.func @transform_10(%arg0: i32) -> (i32, i32) {
    %c0_i32 = arith.constant 0 : i32
    %c0_i32_0 = arith.constant 0 : i32
    %c0_i32_1 = arith.constant 0 : i32
    return %c0_i32, %c0_i32_0 : i32, i32
  }
  func.func @transform_11(%arg0: i32) -> (i32, i32) {
    %c0_i32 = arith.constant 0 : i32
    %c0_i32_0 = arith.constant 0 : i32
    %c0_i32_1 = arith.constant 0 : i32
    return %c0_i32, %c0_i32_0 : i32, i32
  }
  func.func @transform_12(%arg0: i32) -> (i32, i32) {
    %c0_i32 = arith.constant 0 : i32
    %c0_i32_0 = arith.constant 0 : i32
    %c0_i32_1 = arith.constant 0 : i32
    return %c0_i32, %c0_i32_0 : i32, i32
  }
  func.func @transform_13(%arg0: i32) -> (i32, i32) {
    %c0_i32 = arith.constant 0 : i32
    %c0_i32_0 = arith.constant 0 : i32
    %c0_i32_1 = arith.constant 0 : i32
    return %c0_i32, %c0_i32_0 : i32, i32
  }
  func.func @transform_14(%arg0: i32) -> (i32, i32) {
    %c0_i32 = arith.constant 0 : i32
    %c0_i32_0 = arith.constant 0 : i32
    %c0_i32_1 = arith.constant 0 : i32
    return %c0_i32, %c0_i32_0 : i32, i32
  }
  func.func @transform_15(%arg0: i32) -> (i32, i32) {
    %c0_i32 = arith.constant 0 : i32
    %c0_i32_0 = arith.constant 0 : i32
    %c0_i32_1 = arith.constant 0 : i32
    return %c0_i32, %c0_i32_0 : i32, i32
  }
  func.func @transform_16(%arg0: i32) -> (i32, i32) {
    %c0_i32 = arith.constant 0 : i32
    %c0_i32_0 = arith.constant 0 : i32
    return %arg0, %c0_i32 : i32, i32
  }
  func.func @transform_17(%arg0: i32) -> (i32, i32) {
    %c0_i32 = arith.constant 0 : i32
    %c0_i32_0 = arith.constant 0 : i32
    return %arg0, %c0_i32 : i32, i32
  }
}

module attributes {stable_mosaic.version = 14 : i64} {
  func.func @_combine_body(%arg0: i32, %arg1: memref<2048x128xf32, #tpu.memory_space<vmem>>, %arg2: memref<2048x128xf32, #tpu.memory_space<vmem>>, %arg3: memref<2048x128xf32, #tpu.memory_space<vmem>>, %arg4: memref<2048x128xf32, #tpu.memory_space<vmem>>, %arg5: memref<128x128xf32, #tpu.memory_space<vmem>>, %arg6: memref<2048x128xf32, #tpu.memory_space<vmem>>) attributes {dimension_semantics = [#tpu.dimension_semantics<arbitrary>], iteration_bounds = array<i64: 5>, scalar_prefetch = 0 : i64, scratch_operands = 0 : i64, tpu.core_type = #tpu.core_type<tc>, window_params = [{transform_indices = @transform_0, window_bounds = array<i64: 2048, 128>}, {transform_indices = @transform_1, window_bounds = array<i64: 2048, 128>}, {transform_indices = @transform_2, window_bounds = array<i64: 2048, 128>}, {transform_indices = @transform_3, window_bounds = array<i64: 2048, 128>}, {pipeline_mode = #tpu.pipeline_mode<synchronous>, transform_indices = @transform_4, window_bounds = array<i64: 128, 128>}, {transform_indices = @transform_5, window_bounds = array<i64: 2048, 128>}]} {
    %get3A = arith.constant 0 : index
    %get3A_0 = arith.constant 0 : index
    %get3A_1 = vector.load %arg1[%get3A, %get3A_0] : memref<2048x128xf32, #tpu.memory_space<vmem>>, vector<2048x128xf32>
    %get3A_2 = arith.constant 0 : index
    %get3A_3 = arith.constant 0 : index
    %get3A_4 = vector.load %arg2[%get3A_2, %get3A_3] : memref<2048x128xf32, #tpu.memory_space<vmem>>, vector<2048x128xf32>
    %add3A = arith.addf %get3A_1, %get3A_4 : vector<2048x128xf32>
    %get3A_5 = arith.constant 0 : index
    %get3A_6 = arith.constant 0 : index
    %get3A_7 = vector.load %arg3[%get3A_5, %get3A_6] : memref<2048x128xf32, #tpu.memory_space<vmem>>, vector<2048x128xf32>
    %add3A_8 = arith.addf %add3A, %get3A_7 : vector<2048x128xf32>
    %get3A_9 = arith.constant 0 : index
    %get3A_10 = arith.constant 0 : index
    %get3A_11 = vector.load %arg4[%get3A_9, %get3A_10] : memref<2048x128xf32, #tpu.memory_space<vmem>>, vector<2048x128xf32>
    %add3A_12 = arith.addf %add3A_8, %get3A_11 : vector<2048x128xf32>
    %get3A_13 = arith.constant 0 : index
    %get3A_14 = arith.constant 0 : index
    %get3A_15 = vector.load %arg5[%get3A_13, %get3A_14] : memref<128x128xf32, #tpu.memory_space<vmem>>, vector<128x128xf32>
    %dot_general3A = arith.constant dense<0.000000e+00> : vector<2048x128xf32>
    %dot_general3A_16 = tpu.matmul %add3A_12, %get3A_15, %dot_general3A {dimension_numbers = #tpu.dot_dimension_numbers<[1], [0], [0], [1], [0, 0, 1, 1], [], []>, transpose_lhs_hint = false} : vector<2048x128xf32>, vector<128x128xf32>, vector<2048x128xf32> -> vector<2048x128xf32>
    %swap3A = arith.constant 0 : index
    %swap3A_17 = arith.constant 0 : index
    %swap3A_18 = vector.load %arg6[%swap3A, %swap3A_17] : memref<2048x128xf32, #tpu.memory_space<vmem>>, vector<2048x128xf32>
    tpu.vector_store %arg6[%swap3A, %swap3A_17], %dot_general3A_16 {strides = array<i32>} : memref<2048x128xf32, #tpu.memory_space<vmem>>, vector<2048x128xf32>,
    return
  }
  func.func @transform_0(%arg0: i32) -> (i32, i32) {
    %c0_i32 = arith.constant 0 : i32
    %c0_i32_0 = arith.constant 0 : i32
    return %arg0, %c0_i32 : i32, i32
  }
  func.func @transform_1(%arg0: i32) -> (i32, i32) {
    %c0_i32 = arith.constant 0 : i32
    %c0_i32_0 = arith.constant 0 : i32
    return %arg0, %c0_i32 : i32, i32
  }
  func.func @transform_2(%arg0: i32) -> (i32, i32) {
    %c0_i32 = arith.constant 0 : i32
    %c0_i32_0 = arith.constant 0 : i32
    return %arg0, %c0_i32 : i32, i32
  }
  func.func @transform_3(%arg0: i32) -> (i32, i32) {
    %c0_i32 = arith.constant 0 : i32
    %c0_i32_0 = arith.constant 0 : i32
    return %arg0, %c0_i32 : i32, i32
  }
  func.func @transform_4(%arg0: i32) -> (i32, i32) {
    %c0_i32 = arith.constant 0 : i32
    %c0_i32_0 = arith.constant 0 : i32
    %c0_i32_1 = arith.constant 0 : i32
    return %c0_i32, %c0_i32_0 : i32, i32
  }
  func.func @transform_5(%arg0: i32) -> (i32, i32) {
    %c0_i32 = arith.constant 0 : i32
    %c0_i32_0 = arith.constant 0 : i32
    return %arg0, %c0_i32 : i32, i32
  }
}

module attributes {stable_mosaic.version = 14 : i64} {
  func.func @_layer1_body(%arg0: i32, %arg1: memref<2048x128xf32, #tpu.memory_space<vmem>>, %arg2: memref<2048x128xbf16, #tpu.memory_space<vmem>>, %arg3: memref<128x128xf32, #tpu.memory_space<vmem>>, %arg4: memref<1x128xf32, #tpu.memory_space<vmem>>, %arg5: memref<2048x128xf32, #tpu.memory_space<vmem>>) attributes {dimension_semantics = [#tpu.dimension_semantics<arbitrary>], iteration_bounds = array<i64: 40>, scalar_prefetch = 0 : i64, scratch_operands = 0 : i64, tpu.core_type = #tpu.core_type<tc>, window_params = [{transform_indices = @transform_0, window_bounds = array<i64: 2048, 128>}, {transform_indices = @transform_1, window_bounds = array<i64: 2048, 128>}, {pipeline_mode = #tpu.pipeline_mode<synchronous>, transform_indices = @transform_2, window_bounds = array<i64: 128, 128>}, {pipeline_mode = #tpu.pipeline_mode<synchronous>, transform_indices = @transform_3, window_bounds = array<i64: 1, 128>}, {transform_indices = @transform_4, window_bounds = array<i64: 2048, 128>}]} {
    %get3A = arith.constant 0 : index
    %get3A_0 = arith.constant 0 : index
    %get3A_1 = vector.load %arg1[%get3A, %get3A_0] : memref<2048x128xf32, #tpu.memory_space<vmem>>, vector<2048x128xf32>
    %get3A_2 = arith.constant 0 : index
    %get3A_3 = arith.constant 0 : index
    %get3A_4 = vector.load %arg2[%get3A_2, %get3A_3] : memref<2048x128xbf16, #tpu.memory_space<vmem>>, vector<2048x128xbf16>
    %convert_element_type3A = arith.extf %get3A_4 : vector<2048x128xbf16> to vector<2048x128xf32>
    %add3A = arith.addf %get3A_1, %convert_element_type3A : vector<2048x128xf32>
    %max3A = arith.constant 0.000000e+00 : f32
    %max3A_5 = vector.broadcast %max3A : f32 to vector<2048x128xf32>
    %max3A_6 = arith.maximumf %add3A, %max3A_5 : vector<2048x128xf32>
    %get3A_7 = arith.constant 0 : index
    %get3A_8 = arith.constant 0 : index
    %get3A_9 = vector.load %arg3[%get3A_7, %get3A_8] : memref<128x128xf32, #tpu.memory_space<vmem>>, vector<128x128xf32>
    %dot_general3A = arith.constant dense<0.000000e+00> : vector<2048x128xf32>
    %dot_general3A_10 = tpu.matmul %max3A_6, %get3A_9, %dot_general3A {dimension_numbers = #tpu.dot_dimension_numbers<[1], [0], [0], [1], [0, 0, 1, 1], [], []>, transpose_lhs_hint = false} : vector<2048x128xf32>, vector<128x128xf32>, vector<2048x128xf32> -> vector<2048x128xf32>
    %get3A_11 = arith.constant 0 : index
    %get3A_12 = arith.constant 0 : index
    %get3A_13 = vector.load %arg4[%get3A_11, %get3A_12] : memref<1x128xf32, #tpu.memory_space<vmem>>, vector<1x128xf32>
    %add3A_14 = vector.broadcast %get3A_13 : vector<1x128xf32> to vector<2048x128xf32>
    %add3A_15 = arith.addf %dot_general3A_10, %add3A_14 : vector<2048x128xf32>
    %swap3A = arith.constant 0 : index
    %swap3A_16 = arith.constant 0 : index
    %swap3A_17 = vector.load %arg5[%swap3A, %swap3A_16] : memref<2048x128xf32, #tpu.memory_space<vmem>>, vector<2048x128xf32>
    tpu.vector_store %arg5[%swap3A, %swap3A_16], %add3A_15 {strides = array<i32>} : memref<2048x128xf32, #tpu.memory_space<vmem>>, vector<2048x128xf32>,
    return
  }
  func.func @transform_0(%arg0: i32) -> (i32, i32) {
    %c0_i32 = arith.constant 0 : i32
    %c0_i32_0 = arith.constant 0 : i32
    return %arg0, %c0_i32 : i32, i32
  }
  func.func @transform_1(%arg0: i32) -> (i32, i32) {
    %c0_i32 = arith.constant 0 : i32
    %c0_i32_0 = arith.constant 0 : i32
    return %arg0, %c0_i32 : i32, i32
  }
  func.func @transform_2(%arg0: i32) -> (i32, i32) {
    %c0_i32 = arith.constant 0 : i32
    %c0_i32_0 = arith.constant 0 : i32
    %c0_i32_1 = arith.constant 0 : i32
    return %c0_i32, %c0_i32_0 : i32, i32
  }
  func.func @transform_3(%arg0: i32) -> (i32, i32) {
    %c0_i32 = arith.constant 0 : i32
    %c0_i32_0 = arith.constant 0 : i32
    %c0_i32_1 = arith.constant 0 : i32
    return %c0_i32, %c0_i32_0 : i32, i32
  }
  func.func @transform_4(%arg0: i32) -> (i32, i32) {
    %c0_i32 = arith.constant 0 : i32
    %c0_i32_0 = arith.constant 0 : i32
    return %arg0, %c0_i32 : i32, i32
  }
}

module attributes {stable_mosaic.version = 14 : i64} {
  func.func @_head_body(%arg0: memref<40x128xf32, #tpu.memory_space<vmem>>, %arg1: memref<40x128xf32, #tpu.memory_space<vmem>>, %arg2: memref<40x128xf32, #tpu.memory_space<vmem>>, %arg3: memref<40x128xf32, #tpu.memory_space<vmem>>, %arg4: memref<128x128xf32, #tpu.memory_space<vmem>>, %arg5: memref<1x128xf32, #tpu.memory_space<vmem>>, %arg6: memref<128x1xf32, #tpu.memory_space<vmem>>, %arg7: memref<1x1xf32, #tpu.memory_space<vmem>>, %arg8: memref<40x1xf32, #tpu.memory_space<vmem>>) attributes {dimension_semantics = [], scalar_prefetch = 0 : i64, scratch_operands = 0 : i64, tpu.core_type = #tpu.core_type<tc>} {
    %get3A = arith.constant 0 : index
    %get3A_0 = arith.constant 0 : index
    %get3A_1 = vector.load %arg0[%get3A, %get3A_0] : memref<40x128xf32, #tpu.memory_space<vmem>>, vector<40x128xf32>
    %get3A_2 = arith.constant 0 : index
    %get3A_3 = arith.constant 0 : index
    %get3A_4 = vector.load %arg1[%get3A_2, %get3A_3] : memref<40x128xf32, #tpu.memory_space<vmem>>, vector<40x128xf32>
    %add3A = arith.addf %get3A_1, %get3A_4 : vector<40x128xf32>
    %get3A_5 = arith.constant 0 : index
    %get3A_6 = arith.constant 0 : index
    %get3A_7 = vector.load %arg2[%get3A_5, %get3A_6] : memref<40x128xf32, #tpu.memory_space<vmem>>, vector<40x128xf32>
    %add3A_8 = arith.addf %add3A, %get3A_7 : vector<40x128xf32>
    %get3A_9 = arith.constant 0 : index
    %get3A_10 = arith.constant 0 : index
    %get3A_11 = vector.load %arg3[%get3A_9, %get3A_10] : memref<40x128xf32, #tpu.memory_space<vmem>>, vector<40x128xf32>
    %add3A_12 = arith.addf %add3A_8, %get3A_11 : vector<40x128xf32>
    %get3A_13 = arith.constant 0 : index
    %get3A_14 = arith.constant 0 : index
    %get3A_15 = vector.load %arg4[%get3A_13, %get3A_14] : memref<128x128xf32, #tpu.memory_space<vmem>>, vector<128x128xf32>
    %dot_general3A = arith.constant dense<0.000000e+00> : vector<40x128xf32>
    %dot_general3A_16 = tpu.matmul %add3A_12, %get3A_15, %dot_general3A {dimension_numbers = #tpu.dot_dimension_numbers<[1], [0], [0], [1], [0, 0, 1, 1], [], []>, transpose_lhs_hint = false} : vector<40x128xf32>, vector<128x128xf32>, vector<40x128xf32> -> vector<40x128xf32>
    %get3A_17 = arith.constant 0 : index
    %get3A_18 = arith.constant 0 : index
    %get3A_19 = vector.load %arg5[%get3A_17, %get3A_18] : memref<1x128xf32, #tpu.memory_space<vmem>>, vector<1x128xf32>
    %add3A_20 = vector.broadcast %get3A_19 : vector<1x128xf32> to vector<40x128xf32>
    %add3A_21 = arith.addf %dot_general3A_16, %add3A_20 : vector<40x128xf32>
    %max3A = arith.constant 0.000000e+00 : f32
    %max3A_22 = vector.broadcast %max3A : f32 to vector<40x128xf32>
    %max3A_23 = arith.maximumf %add3A_21, %max3A_22 : vector<40x128xf32>
    %get3A_24 = arith.constant 0 : index
    %get3A_25 = arith.constant 0 : index
    %get3A_26 = vector.load %arg6[%get3A_24, %get3A_25] : memref<128x1xf32, #tpu.memory_space<vmem>>, vector<128x1xf32>
    %dot_general3A_27 = arith.constant dense<0.000000e+00> : vector<40x1xf32>
    %dot_general3A_28 = tpu.matmul %max3A_23, %get3A_26, %dot_general3A_27 {dimension_numbers = #tpu.dot_dimension_numbers<[1], [0], [0], [1], [0, 0, 1, 1], [], []>, transpose_lhs_hint = false} : vector<40x128xf32>, vector<128x1xf32>, vector<40x1xf32> -> vector<40x1xf32>
    %get3A_29 = arith.constant 0 : index
    %get3A_30 = arith.constant 0 : index
    %get3A_31 = vector.load %arg7[%get3A_29, %get3A_30] : memref<1x1xf32, #tpu.memory_space<vmem>>, vector<1x1xf32>
    %add3A_32 = vector.broadcast %get3A_31 : vector<1x1xf32> to vector<40x1xf32>
    %add3A_33 = arith.addf %dot_general3A_28, %add3A_32 : vector<40x1xf32>
    %swap3A = arith.constant 0 : index
    %swap3A_34 = arith.constant 0 : index
    %swap3A_35 = vector.load %arg8[%swap3A, %swap3A_34] : memref<40x1xf32, #tpu.memory_space<vmem>>, vector<40x1xf32>
    tpu.vector_store %arg8[%swap3A, %swap3A_34], %add3A_33 {strides = array<i32>} : memref<40x1xf32, #tpu.memory_space<vmem>>, vector<40x1xf32>,
    return
  }
}

</mosaic_0001>

<sc_bundles>
// kernel: kernel.14.cloned.1.call-start
scs
__scs_entry_jumppad:
0x0: {  	(pc) =	sbr.rel $0x88, $3  }
0x1: {  	(tag) =	ssettag $0x0;
	lr =	simm.s32 $0x1  }
0x2: {  	[smem:$0x3F8F] =	sst lr;
	_ =	strace $0xD0000000  }
0x3: {  	_ = 	snop  }
0x4: {  	_ = 	snop  }
0x5: {  	_ = 	snop  }
0x6: {  	_ = 	snop  }
0x7: {  	_ = 	snop  }
__scs_overlays_trampoline_lowered:
0x8: {  	[smem:$0x3F9E] =	sst s0  }
0x9: {  	[smem:$0x3F9F] =	sst s1  }
0xa: {  	[smem:$0x3FA0] =	sst s2  }
0xb: {  	[smem:$0x3FA1] =	sst s3  }
0xc: {  	[smem:$0x3FA2] =	sst s4  }
0xd: {  	[smem:$0x3FA3] =	sst s5  }
0xe: {  	[smem:$0x3FA4] =	sst s6  }
0xf: {  	[smem:$0x3FA5] =	sst s7  }
0x10: {  	[smem:$0x3FA6] =	sst s8  }
0x11: {  	[smem:$0x3FA7] =	sst s9;
	s0 =	simm.s32 @!p0 $0x0  }
0x12: {  	s1 =	sld [smem:$0x3F8D];
	s0 =	simm.s32 @p0 $0x1  }
0x13: {  	[smem:$0x3FA8] =	sst s0;
	s0 =	simm.s32 @!p1 $0x0  }
0x14: {  	s2 =	sld [smem:$0x3F8C];
	s0 =	simm.s32 @p1 $0x1  }
0x15: {  	[smem:$0x3FA9] =	sst s0;
	s0 =	simm.s32 @!p2 $0x0  }
0x16: {  	s3 =	sld [smem:$0x3FDB];
	s0 =	simm.s32 @p2 $0x1  }
0x17: {  	s4 =	simm.s32 $0x1BF5;
	[smem:$0x3FAB] =	sst s0  }
0x18: {  	s0 =	sld [smem:$0x3F8E];
	_ =	swait.ge [sflag:s4], $0x0  }
0x19: {  	s7 =	sld [smem:$0x3F8F]  }
0x1a: {  	s8 =	sadd.s32 $0xFFFFE003, lr  }
0x1b: {  	s9 =	sadd.s32 $0xFFFFFEF7, lr;
	s5 =	simm.s32 $0xFFFFFFFF;
	p2 =	slt.u32 s8, $0xFFFFF086  }
0x1c: {  	p1 =	slt.u32 s9, $0xF7A;
	s5 =	simm.s32 @!p2 $0x0  }
0x1d: {  	s5 =	simm.s32 @p1 $0x1;
	p0 =	seq.s32 s7, s2  }
0x1e: {  	s7 =	smul.u32 @!p0 $0xF7A, s2;
	p2 =	seq.s32 @!p0 s5, $0x0  }
0x1f: {  	s9 =	smul.u32 $0xF7A, s1;
	s8 =	simm.s32 @!p0 $0x1BF5;
	p2 =	por !p2, p0  }
0x20: {  	[sflag:s8] =	ssyncset.s32 @!p0 $0xFFFFF086;
	s6 =	sadd.s32 @!p0 s3, s7;
	s7 =	simm.s32 @!p0 $0x108  }
0x21: {  	s3 =	sadd.s32 s3, s9;
	s6 =	sadd.s32 @!p0 $0x88, s6;
	s7 =	simm.s32 @p2 $0x1082  }
0x22: {  	[simem:s7], [sflag:s8] =	dma.local @!p0 [hbm:s6], $0xF7A  }
0x23: {  	s9 =	sor.u32 $0xD0000000, s2;
	s6 =	simm.s32 $0x108;
	_ =	swait.ge @!p0 [sflag:s8], $0x0  }
0x24: {  	s3 =	sadd.s32 $0x88, s3;
	s6 =	simm.s32 @!p1 $0x1082;
	[sflag:s4] =	ssyncset.s32 $0xFFFFF086  }
0x25: {  	[simem:s6], [sflag:s4] =	dma.local [hbm:s3], $0xF7A  }
0x26: {  	[smem:$0x3F8F] =	sst s1;
	(tag) =	ssettag s2;
	_ =	strace s9  }
0x27: {  	s1 =	sld [smem:$0x3F9F]  }
0x28: {  	s2 =	sld [smem:$0x3FA0]  }
0x29: {  	s4 =	sld [smem:$0x3FA2]  }
0x2a: {  	p0 =	seq.s32 s5, $0x0;
	s5 =	sld [smem:$0x3FA3]  }
0x2b: {  	s6 =	sld [smem:$0x3FA4]  }
0x2c: {  	s7 =	sld [smem:$0x3FA5]  }
0x2d: {  	s3 =	simm.s32 $0x108;
	s8 =	sld [smem:$0x3FA6]  }
0x2e: {  	s3 =	simm.s32 @!p0 $0x1082;
	s9 =	sld [smem:$0x3FA7]  }
0x2f: {  	lr =	sadd.s32 s0, s3;
	s0 =	sld [smem:$0x3F9E]  }
0x30: {  	s3 =	sld [smem:$0x3FA1]  }
0x31: {  	[smem:$0x3FAA] =	sst s10  }
0x32: {  	s10 =	sld [smem:$0x3FA8];
	_ =	sdelay $0x3  }
0x33: {  	p0 =	seq.s32 s10, $0x1;
	s10 =	sld [smem:$0x3FAA];
	_ =	sdelay $0x3  }
0x34: {  	[smem:$0x3FAA] =	sst s10  }
0x35: {  	s10 =	sld [smem:$0x3FA9];
	_ =	sdelay $0x3  }
0x36: {  	p1 =	seq.s32 s10, $0x1;
	s10 =	sld [smem:$0x3FAA];
	_ =	sdelay $0x3  }
0x37: {  	[smem:$0x3FAA] =	sst s10  }
0x38: {  	s10 =	sld [smem:$0x3FAB]  }
0x39: {  	_ = 	snop;
	(pc) =	sbr.ind lr, $3  }
0x3a: {  	_ = 	snop  }
0x3b: {  	_ = 	snop  }
0x3c: {  	p2 =	seq.s32 s10, $0x1;
	s10 =	sld [smem:$0x3FAA]  }
0x3d: {  	_ =	shalt  }
0x3e: {  	_ =	shalt  }
0x3f: {  	_ =	shalt  }
0x40: {  	_ =	shalt  }
0x41: {  	_ =	shalt  }
0x42: {  	_ =	shalt  }
0x43: {  	_ =	shalt  }
0x44: {  	_ =	shalt  }
0x45: {  	_ =	shalt  }
0x46: {  	_ =	shalt  }
0x47: {  	_ =	shalt  }
0x48: {  	_ =	shalt  }
0x49: {  	_ =	shalt  }
0x4a: {  	_ =	shalt  }
0x4b: {  	_ =	shalt  }
0x4c: {  	_ =	shalt  }
0x4d: {  	_ =	shalt  }
0x4e: {  	_ =	shalt  }
0x4f: {  	_ =	shalt  }
0x50: {  	_ =	shalt  }
0x51: {  	_ =	shalt  }
0x52: {  	_ =	shalt  }
0x53: {  	_ =	shalt  }
0x54: {  	_ =	shalt  }
0x55: {  	_ =	shalt  }
0x56: {  	_ =	shalt  }
0x57: {  	_ =	shalt  }
0x58: {  	_ =	shalt  }
0x59: {  	_ =	shalt  }
0x5a: {  	_ =	shalt  }
0x5b: {  	_ =	shalt  }
0x5c: {  	_ =	shalt  }
0x5d: {  	_ =	shalt  }
0x5e: {  	_ =	shalt  }
0x5f: {  	_ =	shalt  }
0x60: {  	_ =	shalt  }
0x61: {  	_ =	shalt  }
0x62: {  	_ =	shalt  }
0x63: {  	_ =	shalt  }
0x64: {  	_ =	shalt  }
0x65: {  	_ =	shalt  }
0x66: {  	_ =	shalt  }
0x67: {  	_ =	shalt  }
0x68: {  	_ =	shalt  }
0x69: {  	_ =	shalt  }
0x6a: {  	_ =	shalt  }
0x6b: {  	_ =	shalt  }
0x6c: {  	_ =	shalt  }
0x6d: {  	_ =	shalt  }
0x6e: {  	_ =	shalt  }
0x6f: {  	_ =	shalt  }
0x70: {  	_ =	shalt  }
0x71: {  	_ =	shalt  }
0x72: {  	_ =	shalt  }
0x73: {  	_ =	shalt  }
0x74: {  	_ =	shalt  }
0x75: {  	_ =	shalt  }
0x76: {  	_ =	shalt  }
0x77: {  	_ =	shalt  }
0x78: {  	_ =	shalt  }
0x79: {  	_ =	shalt  }
0x7a: {  	_ =	shalt  }
0x7b: {  	_ =	shalt  }
0x7c: {  	_ =	shalt  }
0x7d: {  	_ =	shalt  }
0x7e: {  	_ =	shalt  }
0x7f: {  	_ =	shalt  }
0x80: {  	_ =	shalt  }
0x81: {  	_ =	shalt  }
0x82: {  	_ =	shalt  }
0x83: {  	_ =	shalt  }
0x84: {  	_ =	shalt  }
0x85: {  	_ =	shalt  }
0x86: {  	_ =	shalt  }
0x87: {  	_ =	shalt  }
.Lfunc_end0:
.L_simem_size_0:
called_computation_lowered:
.L_overlay_start_0:
0x88: {  	s2 =	sld [smem:$0x3FD9]  }
0x89: {  	s3 =	sld [smem:$0x3FFE];
	_ =	sdelay $0x1  }
0x8a: {  	s1 =	srdreg.scid  }
0x8b: {  	s0 =	sand.u32 $0x1, s1  }
0x8c: {  	s17 =	sshll.u32 s0, $0xA;
	s2 =	sadd.s32 s3, s2  }
0x8d: {  	s2 =	sadd.s32 s2, s17  }
0x8e: {  	[smem:$0x3FB6] =	sst s2  }
0x8f: {  	_ = 	snop  }
0x90: {  	(tm) =	ssettm $0x1  }
0x91: {  	s18 =	sld [smem:$0x3FFB];
	_ =	sdelay $0x3  }
0x92: {  	_ =	strace s18  }
0x93: {  	s2 =	sld [smem:$0x3FFC];
	_ =	sdelay $0x3  }
0x94: {  	_ =	strace s2  }
0x95: {  	s2 =	sld [smem:$0x3FFD];
	_ =	sdelay $0x3  }
0x96: {  	_ =	strace s2  }
0x97: {  	_ =	strace $0x8FFFFFFF  }
0x98: {  	s19 =	sld [smem:$0x3FDB];
	_ =	sdelay $0x1  }
0x99: {  	s20 =	simm.s32 $_scs_section_size  }
0x9a: {  	s4 =	simm.s32 $_size__tile_overlayer_lowered;
	s5 =	simm.s32 $_tile_overlayer_lowered  }
0x9b: {  	s6 =	simm.s32 $0x1BFF;
	s21 =	sshll.u32 s5, $0x1;
	s3 =	sadd.s32 s20, s19  }
0x9c: {  	s22 =	simm.s32 $0x0;
	s4 =	sshll.u32 s4, $0x1;
	s5 =	sadd.s32 s21, s3  }
0x9d: {  	[timem:s22], [sflag:s6] =	dma.local [hbm:s5], s4  }
0x9e: {  	_ =	swait.ge [sflag:s6], s4  }
0x9f: {  	s4 =	ssub.s32 $0x0, s4;
	[sflag:s6] =	ssyncset.done $0x0  }
0xa0: {  	[sflag:s6] =	ssyncadd.s32 s4;
	_ =	sdelay $0x1  }
0xa1: {  	s23 =	simm.s32 $0x1B8B  }
0xa2: {  	_ =	swait.ge [sflag:s23], $0x1  }
0xa3: {  	[sflag:s23] =	ssyncset.done $0x0  }
0xa4: {  	[sflag:s23] =	ssyncadd.s32 $0xFFFFFFFF  }
0xa5: {  	s4 =	sld [smem:$0x0]  }
0xa6: {  	s5 =	sand.u32 $0xFFFFFFFE, s1  }
0xa7: {  	p0 =	sne.s32 s1, s5  }
0xa8: {  	s5 =	sshll.u32 @p0 s5, $0xE  }
0xa9: {  	s5 =	sadd.s32 @p0 $0x11B8D, s5;
	s6 =	sshll.u32 @p0 s4, $0x11  }
0xaa: {  	s5 =	sor.u32 @p0 s6, s5  }
0xab: {  	[sflag:s5] =	ssyncadd.remote.s32 @p0 $0x1;
	_ =	sdelay $0x1  }
0xac: {  	s5 =	simm.s32 @p0 $0x1B8D  }
0xad: {  	_ =	swait.eq @p0 [sflag:s5], $0x1  }
0xae: {  	[sflag:s5] =	ssyncadd.s32 @p0 $0xFFFFFFFF  }
0xaf: {  	s6 =	sshll.u32 @!p0 s1, $0xE  }
0xb0: {  	s6 =	sor.u32 @!p0 $0x4000, s6;
	s5 =	simm.s32 @!p0 $0x1B8D  }
0xb1: {  	s4 =	sshll.u32 @!p0 s4, $0x11;
	s6 =	sadd.s32 @!p0 $0x11B8D, s6;
	_ =	swait.eq @!p0 [sflag:s5], $0x1  }
0xb2: {  	s4 =	sor.u32 @!p0 s4, s6;
	[sflag:s5] =	ssyncadd.s32 @!p0 $0xFFFFFFFF  }
0xb3: {  	s25 =	simm.s32 $0x1B8E;
	s24 =	sld [smem:$0x3FFE];
	[sflag:s4] =	ssyncadd.remote.s32 @!p0 $0x1  }
0xb4: {  	s26 =	simm.s32 $execute0_lowered;
	[smem:$0x3FD2] =	sst s25  }
0xb5: {  	s5 =	sshll.u32 s26, $0x1;
	_ =	strace $0x80000049;
	[dreg:$0x1] =	wrdreg $0xFFFFFFFF  }
0xb6: {  	s28 =	simm.s32 $_size_execute0_lowered;
	s3 =	sadd.s32 s3, s5;
	[dreg:$0x0] =	wrdreg $0x0  }
0xb7: {  	s5 =	sshll.u32 s28, $0x1;
	[dreg:$0x2] =	wrdreg s3  }
0xb8: {  	[dreg:$0x3] =	wrdreg s5  }
0xb9: {  	[dreg:$0x4] =	wrdreg $0xC0  }
0xba: {  	_ =	task [dreg:s22], $0x5FFFF  }
0xbb: {  	[dreg:$0x1] =	wrdreg $0xFFFFFFFF  }
0xbc: {  	[dreg:$0x0] =	wrdreg $0x60  }
0xbd: {  	[dreg:$0x2] =	wrdreg s24  }
0xbe: {  	[dreg:$0x3] =	wrdreg $0x81000  }
0xbf: {  	[dreg:$0x4] =	wrdreg $0x9  }
0xc0: {  	_ =	task.clear_ibuf [dreg:s22], $0x5FFFF;
	_ =	strace $0x90000049  }
0xc1: {  	s29 =	simm.s32 $0x9;
	_ =	strace $0x8000004B  }
0xc2: {  	_ =	swait.ge [sflag:s29], $0x1  }
0xc3: {  	[sflag:s29] =	ssyncadd.s32 $0xFFFFFFFF  }
0xc4: {  	_ =	strace $0x9000004B  }
0xc5: {  	_ =	sfence  }
0xc6: {  	s30 =	sld [smem:$0x0];
	_ =	sdelay $0x2  }
0xc7: {  	s31 =	sshll.u32 s1, $0xD;
	s1 =	sshrl.u32 s1, $0x2  }
0xc8: {  	s4 =	sand.u32 $0x4000, s31;
	s1 =	sadd.s32 s1, s30  }
0xc9: {  	s0 =	sor.u32 s4, s0;
	s1 =	sshll.u32 s1, $0x11  }
0xca: {  	s0 =	sor.u32 s1, s0  }
0xcb: {  	s0 =	sadd.s32 $0x8F2B, s0  }
0xcc: {  	[sflag:s0] =	ssyncadd.remote.s32 $0x1  }
0xcd: {  	_ =	sfence.sel $0xFFFF  }
0xce: {  	[dreg:$0x0] =	wrdreg $0xFFFFFFFF;
	(pc) =	sbr.abs _section_cstart, $3  }
0xcf: {  	[dreg:$0x1] =	wrdreg $0xFFFFFFFF  }
0xd0: {  	_ =	task.clear_ibuf [dreg:s22], $0x2FFFF;
	_ =	strace $0x9FFFFFFF  }
0xd1: {  	(tm) =	ssettm $0x7FFFFFFF  }
tec
execute0_lowered:
.L_overlay_start_1:
0x0: {  	(tag) =	ssettag $0x1  }
0x1: {  	s7 =	rddreg [dreg:$0x0]  }
0x2: {  	s1 =	rddreg [dreg:$0x1]  }
0x3: {  	s0 =	rddreg [dreg:$0x2]  }
0x4: {  	s3 =	simm.s32 $0x0;
	s2 =	srdreg.scid;
	s19 =	simm.s32 $0x80  }
0x5: {  	s20 =	simm.s32 $0x4100;
	s21 =	simm.s32 $0x100;
	s9 =	sand.u32 $0x1, s2  }
0x6: {  	s22 =	simm.s32 $0x3;
	s2 =	stileid.u32;
	s6 =	smul.u32 $0x140000, s9  }
0x7: {  	s23 =	simm.s32 $0x2;
	[smem:$0x7FF] =	sst s3;
	s8 =	smul.u32 $0x14000, s2  }
0x8: {  	s15 =	sadd.s32 $0x23F000, s7;
	s4 =	sadd.s32 $0x23C000, s7;
	s16 =	smul.u32 $0x50000, s2  }
0x9: {  	_ =	strace $0x8000004A;
	s5 =	sshll.u32 s2, $0x1;
	s25 =	smul.u32 $0xA0000, s2  }
0xa: {  	s11 =	ssub.s32 $0x2, s9;
	s26 =	sshll.u32 s2, $0x6;
	s28 =	smul.u32 $0x50000, s9  }
0xb: {  	s10 =	sor.u32 s9, s5;
	s5 =	sadd.s32 $0x1E9800, s7;
	s13 =	sshrl.u32 s11, $0x1  }
0xc: {  	s9 =	sor.u32 $0x1C04, s26;
	s8 =	sadd.s32 s8, s6;
	s6 =	smul.u32 $0xC00, s10  }
0xd: {  	s12 =	smul.u32 $0xA000, s10;
	s11 =	ssub.s32 s11, s13;
	s24 =	sshrl.u32 s16, $0x2  }
0xe: {  	s18 =	smul.u32 $0x50000, s10;
	s13 =	sadd.s32 s28, s25;
	s8 =	sshrl.u32 s8, $0x3  }
0xf: {  	s16 =	sadd.s32 s24, s1;
	s11 =	smax.u32 s11, $0x1;
	s30 =	sor.u32 $0x4000, s13  }
0x10: {  	s13 =	sor.u32 $0x8000, s13;
	s24 =	simm.s32 $0x0;
	s14 =	sshrl.u32 s6, $0x3  }
0x11: {  	s17 =	sadd.s32 s8, s7;
	s8 =	sadd.s32 s15, s12;
	s29 =	sshrl.u32 s18, $0x3  }
0x12: {  	s31 =	sshrl.u32 s13, $0x3;
	s16 =	sshrl.u32 s16, $0x3;
	s18 =	simm.s32 $0x1  }
0x13: {  	s7 =	sadd.s32 s4, s14;
	s10 =	sadd.s32 $0x41F000, s17;
	s14 =	sadd.s32 s15, s29  }
0x14: {  	s17 =	sshrl.u32 s30, $0x3;
	s12 =	sadd.s32 $0x130, s7;
	s13 =	sadd.s32 $0x9800, s14  }
0x15: {  	s14 =	sadd.s32 s17, s15;
	s15 =	sadd.s32 s31, s15;
	s17 =	simm.s32 $0x4  }
.LBB2_1:
0x16: {  	[tilespmem:s3], [sflag:$0x1] =	stream.linear.gather [hbm4b:s7+s3], $0x80, $0x38;
	[tilespmem:$0x1C100] =	vst v63  }
0x17: {  	_ = 	snop  }
0x18: {  	[tilespmem:s21], [sflag:$0x1] =	stream.linear.gather [hbm4b:s8+s3], $0x4000, $0x38;
	[tilespmem:$0x1C100] =	vst v63  }
0x19: {  	[spmem:s16], [sflag:s9] =	dma.local [hbm:s5], $0x2800  }
0x1a: {  	_ =	swait.ge [sflag:s17], $0x2800  }
0x1b: {  	[sflag:s17] =	ssyncset.done $0x0  }
0x1c: {  	[sflag:s17] =	ssyncadd.s32 $0xFFFFD800  }
0x1d: {  	[bflag:$0x0] =	sbarrier.arrive $0xFFFF  }
0x1e: {  	s25 =	simm.s32 $0x0;
	_ =	swait.ge [sflag:s18], $0x80  }
0x1f: {  	s26 =	simm.s32 $0x80;
	s25 =	sand.u32 $0xC00, s25;
	[sflag:s18] =	ssyncset.done $0x0  }
0x20: {  	s26 =	sand.u32 $0x380, s26;
	s25 =	sadd.s32 s6, s25;
	[sflag:s18] =	ssyncadd.s32 $0xFFFFFF80  }
0x21: {  	s25 =	sor.u32 s25, s26;
	_ =	swait.ge [sflag:s18], $0x4000  }
0x22: {  	s25 =	sshrl.u32 s25, $0x3;
	[sflag:s18] =	ssyncset.done $0x0  }
0x23: {  	s25 =	sadd.s32 s4, s25;
	[sflag:s18] =	ssyncadd.s32 $0xFFFFC000  }
0x24: {  	[tilespmem:s19], [sflag:$0x2] =	stream.linear.gather [hbm4b:s25+s3], $0x80, $0x38;
	[tilespmem:$0x1C100] =	vst v63  }
0x25: {  	_ = 	snop  }
0x26: {  	[tilespmem:s20], [sflag:$0x2] =	stream.linear.gather [hbm4b:s14+s3], $0x4000, $0x38;
	[tilespmem:$0x1C100] =	vst v63  }
0x27: {  	_ = 	snop  }
0x28: {  	[spmem:s1] =	stream.indirect.scatter.add.f32 [tilespmem:s21], [sflag:$0x3], $0x80, s3, s19, $0xb8;
	[tilespmem:$0x1C100] =	vst v63  }
0x29: {  	_ =	swait.ge [sflag:s22], $0x4000  }
0x2a: {  	[sflag:s22] =	ssyncset.done $0x0  }
0x2b: {  	[sflag:s22] =	ssyncadd.s32 $0xFFFFC000  }
0x2c: {  	_ =	swait.ge [sflag:s23], $0x80  }
0x2d: {  	s30 =	sand.u32 $0x1C00, s21;
	[sflag:s23] =	ssyncset.done $0x0  }
0x2e: {  	s31 =	sand.u32 $0x300, s21;
	s25 =	sadd.s32 s6, s30;
	[sflag:s23] =	ssyncadd.s32 $0xFFFFFF80  }
0x2f: {  	s25 =	sor.u32 s31, s25;
	_ =	swait.ge [sflag:s23], $0x4000  }
0x30: {  	s25 =	sshrl.u32 s25, $0x3;
	[sflag:s23] =	ssyncset.done $0x0  }
0x31: {  	s25 =	sadd.s32 s4, s25;
	[sflag:s23] =	ssyncadd.s32 $0xFFFFC000  }
0x32: {  	[tilespmem:s3], [sflag:$0x1] =	stream.linear.gather [hbm4b:s25+s3], $0x80, $0x38;
	[tilespmem:$0x1C100] =	vst v63  }
0x33: {  	_ = 	snop  }
0x34: {  	[tilespmem:s21], [sflag:$0x1] =	stream.linear.gather [hbm4b:s15+s3], $0x4000, $0x38;
	[tilespmem:$0x1C100] =	vst v63  }
0x35: {  	_ = 	snop  }
0x36: {  	[spmem:s1] =	stream.indirect.scatter.add.f32 [tilespmem:s20], [sflag:$0x3], $0x80, s19, s19, $0xb8;
	[tilespmem:$0x1C100] =	vst v63  }
0x37: {  	s28 =	smov.u32 s15;
	_ =	swait.ge [sflag:s22], $0x4000  }
0x38: {  	s26 =	smov.u32 s14;
	s25 =	simm.s32 $0x200;
	[sflag:s22] =	ssyncset.done $0x0  }
.LBB2_2:
0x39: {  	[sflag:s22] =	ssyncadd.s32 $0xFFFFC000  }
0x3a: {  	s26 =	sadd.s32 $0x1000, s26;
	s28 =	sadd.s32 $0x1000, s28;
	s29 =	smov.u32 s25  }
0x3b: {  	p0 =	sne.s32 s25, $0x900;
	s25 =	sadd.s32 $0x100, s25;
	_ =	swait.ge [sflag:s18], $0x80  }
0x3c: {  	s30 =	sadd.s32 $0xFFFFFF00, s29;
	[sflag:s18] =	ssyncset.done $0x0  }
0x3d: {  	s31 =	sadd.s32 $0xFFFFFF80, s29;
	s30 =	sand.u32 $0xC00, s30;
	[sflag:s18] =	ssyncadd.s32 $0xFFFFFF80  }
0x3e: {  	s31 =	sand.u32 $0x380, s31;
	s30 =	sadd.s32 s6, s30  }
0x3f: {  	s30 =	sor.u32 s30, s31;
	_ =	swait.ge [sflag:s18], $0x4000  }
0x40: {  	s30 =	sshrl.u32 s30, $0x3;
	[sflag:s18] =	ssyncset.done $0x0  }
0x41: {  	s30 =	sadd.s32 s4, s30;
	[sflag:s18] =	ssyncadd.s32 $0xFFFFC000  }
0x42: {  	[tilespmem:s19], [sflag:$0x2] =	stream.linear.gather [hbm4b:s30+s3], $0x80, $0x38;
	[tilespmem:$0x1C100] =	vst v63  }
0x43: {  	_ = 	snop  }
0x44: {  	[tilespmem:s20], [sflag:$0x2] =	stream.linear.gather [hbm4b:s26+s3], $0x4000, $0x38;
	[tilespmem:$0x1C100] =	vst v63  }
0x45: {  	_ = 	snop  }
0x46: {  	[spmem:s1] =	stream.indirect.scatter.add.f32 [tilespmem:s21], [sflag:$0x3], $0x80, s3, s19, $0xb8;
	[tilespmem:$0x1C100] =	vst v63  }
0x47: {  	_ =	swait.ge [sflag:s22], $0x4000  }
0x48: {  	[sflag:s22] =	ssyncset.done $0x0  }
0x49: {  	[sflag:s22] =	ssyncadd.s32 $0xFFFFC000  }
0x4a: {  	_ =	swait.ge [sflag:s23], $0x80  }
0x4b: {  	s30 =	sand.u32 $0x1C00, s29;
	[sflag:s23] =	ssyncset.done $0x0  }
0x4c: {  	s29 =	sand.u32 $0x300, s29;
	s30 =	sadd.s32 s6, s30;
	[sflag:s23] =	ssyncadd.s32 $0xFFFFFF80  }
0x4d: {  	s29 =	sor.u32 s29, s30;
	_ =	swait.ge [sflag:s23], $0x4000  }
0x4e: {  	s29 =	sshrl.u32 s29, $0x3;
	[sflag:s23] =	ssyncset.done $0x0  }
0x4f: {  	s29 =	sadd.s32 s4, s29;
	[sflag:s23] =	ssyncadd.s32 $0xFFFFC000  }
0x50: {  	[tilespmem:s3], [sflag:$0x1] =	stream.linear.gather [hbm4b:s29+s3], $0x80, $0x38;
	[tilespmem:$0x1C100] =	vst v63  }
0x51: {  	_ = 	snop  }
0x52: {  	[tilespmem:s21], [sflag:$0x1] =	stream.linear.gather [hbm4b:s28+s3], $0x4000, $0x38;
	[tilespmem:$0x1C100] =	vst v63  }
.Ltmp0:
0x53: {  	_ = 	snop;
	(pc) =	sbr.rel @p0 .LBB2_2-.Ltmp0, $4  }
0x54: {  	_ = 	snop  }
0x55: {  	[spmem:s1] =	stream.indirect.scatter.add.f32 [tilespmem:s20], [sflag:$0x3], $0x80, s19, s19, $0xb8;
	[tilespmem:$0x1C100] =	vst v63  }
0x56: {  	_ =	swait.ge [sflag:s22], $0x4000  }
0x57: {  	[sflag:s22] =	ssyncset.done $0x0  }
0x58: {  	[sflag:s22] =	ssyncadd.s32 $0xFFFFC000  }
0x59: {  	_ =	swait.ge [sflag:s18], $0x80  }
0x5a: {  	[sflag:s18] =	ssyncset.done $0x0  }
0x5b: {  	[sflag:s18] =	ssyncadd.s32 $0xFFFFFF80  }
0x5c: {  	_ =	swait.ge [sflag:s18], $0x4000  }
0x5d: {  	[sflag:s18] =	ssyncset.done $0x0  }
0x5e: {  	[sflag:s18] =	ssyncadd.s32 $0xFFFFC000  }
0x5f: {  	[tilespmem:s19], [sflag:$0x2] =	stream.linear.gather [hbm4b:s12+s3], $0x80, $0x38;
	[tilespmem:$0x1C100] =	vst v63  }
0x60: {  	_ = 	snop  }
0x61: {  	[tilespmem:s20], [sflag:$0x2] =	stream.linear.gather [hbm4b:s13+s3], $0x4000, $0x38;
	[tilespmem:$0x1C100] =	vst v63  }
0x62: {  	_ = 	snop  }
0x63: {  	[spmem:s1] =	stream.indirect.scatter.add.f32 [tilespmem:s21], [sflag:$0x3], $0x80, s3, s19, $0xb8;
	[tilespmem:$0x1C100] =	vst v63  }
0x64: {  	_ =	swait.ge [sflag:s22], $0x4000  }
0x65: {  	[sflag:s22] =	ssyncset.done $0x0  }
0x66: {  	[sflag:s22] =	ssyncadd.s32 $0xFFFFC000  }
0x67: {  	_ =	swait.ge [sflag:s23], $0x80  }
0x68: {  	[sflag:s23] =	ssyncset.done $0x0  }
0x69: {  	[sflag:s23] =	ssyncadd.s32 $0xFFFFFF80  }
0x6a: {  	_ =	swait.ge [sflag:s23], $0x4000  }
0x6b: {  	[sflag:s23] =	ssyncset.done $0x0  }
0x6c: {  	[sflag:s23] =	ssyncadd.s32 $0xFFFFC000  }
0x6d: {  	[spmem:s1] =	stream.indirect.scatter.add.f32 [tilespmem:s20], [sflag:$0x3], $0x80, s19, s19, $0xb8;
	[tilespmem:$0x1C100] =	vst v63  }
0x6e: {  	_ =	swait.ge [sflag:s22], $0x4000  }
0x6f: {  	s24 =	sadd.s32 $0x1, s24;
	[sflag:s22] =	ssyncset.done $0x0  }
0x70: {  	p0 =	sne.s32 s24, s11;
	[sflag:s22] =	ssyncadd.s32 $0xFFFFC000  }
.Ltmp1:
0x71: {  	[bflag:$0x0] =	sbarrier.arrive $0xFFFF;
	(pc) =	sbr.rel @p0 .LBB2_1-.Ltmp1, $4  }
0x72: {  	[hbm:s10], [sflag:s9] =	dma.local [spmem:s16], $0x2800  }
0x73: {  	_ =	swait.ge [sflag:s17], $0x2800  }
0x74: {  	[sflag:s17] =	ssyncset.done $0x0  }
0x75: {  	[sflag:s17] =	ssyncadd.s32 $0xFFFFD800  }
0x76: {  	_ =	sfence.sel $0x180000  }
0x77: {  	[bflag:$0x0] =	sbarrier.arrive $0xFFFF  }
0x78: {  	p0 =	sne.s32 s2, $0x0;
	_ =	strace $0x9000004A  }
0x79: {  	s0 =	sadd.s32 @!p0 $0x100000, s0;
	[bflag:$0x2] =	sbarrier.arrive $0xFFFF  }
0x7a: {  	[sflag:s0] =	ssyncadd.tile.s32 @!p0 $0x1;
	_ =	shalt  }
.Lfunc_end2:
_tile_overlayer_lowered:
.L_overlay_start_2:
0x7b: {  	(tag) =	ssettag $0x2  }
0x7c: {  	s0 =	rddreg [dreg:$0x0];
	s2 =	stileid.u32  }
0x7d: {  	s1 =	rddreg [dreg:$0x1];
	p0 =	sne.s32 s2, $0x0  }
0x7e: {  	s3 =	rddreg [dreg:$0x2];
	[bflag:$0x3] =	sbarrier.arrive $0xFFFF;
	s2 =	simm.s32 @!p0 $0x1C04  }
0x7f: {  	[timem:s3], [sflag:s2] =	dma.local @!p0 [hbm:s0], s1  }
0x80: {  	s0 =	simm.s32 @!p0 $0x4  }
0x81: {  	_ =	swait.ge @!p0 [sflag:s0], s1  }
0x82: {  	s1 =	ssub.s32 @!p0 $0x0, s1;
	[sflag:s0] =	ssyncset.done @!p0 $0x0  }
0x83: {  	[sflag:s0] =	ssyncadd.s32 @!p0 s1  }
0x84: {  	[bflag:$0x3] =	sbarrier.arrive $0xFFFF  }
0x85: {  	_ =	shalt  }

// kernel: kernel.17.cloned.1.call-start
scs
__scs_entry_jumppad:
0x0: {  	(pc) =	sbr.rel $0x88, $3  }
0x1: {  	(tag) =	ssettag $0x0;
	lr =	simm.s32 $0x1  }
0x2: {  	[smem:$0x3F8F] =	sst lr;
	_ =	strace $0xD0000000  }
0x3: {  	_ = 	snop  }
0x4: {  	_ = 	snop  }
0x5: {  	_ = 	snop  }
0x6: {  	_ = 	snop  }
0x7: {  	_ = 	snop  }
__scs_overlays_trampoline_lowered:
0x8: {  	[smem:$0x3F9E] =	sst s0  }
0x9: {  	[smem:$0x3F9F] =	sst s1  }
0xa: {  	[smem:$0x3FA0] =	sst s2  }
0xb: {  	[smem:$0x3FA1] =	sst s3  }
0xc: {  	[smem:$0x3FA2] =	sst s4  }
0xd: {  	[smem:$0x3FA3] =	sst s5  }
0xe: {  	[smem:$0x3FA4] =	sst s6  }
0xf: {  	[smem:$0x3FA5] =	sst s7  }
0x10: {  	[smem:$0x3FA6] =	sst s8  }
0x11: {  	[smem:$0x3FA7] =	sst s9;
	s0 =	simm.s32 @!p0 $0x0  }
0x12: {  	s1 =	sld [smem:$0x3F8D];
	s0 =	simm.s32 @p0 $0x1  }
0x13: {  	[smem:$0x3FA8] =	sst s0;
	s0 =	simm.s32 @!p1 $0x0  }
0x14: {  	s2 =	sld [smem:$0x3F8C];
	s0 =	simm.s32 @p1 $0x1  }
0x15: {  	[smem:$0x3FA9] =	sst s0;
	s0 =	simm.s32 @!p2 $0x0  }
0x16: {  	s3 =	sld [smem:$0x3FDB];
	s0 =	simm.s32 @p2 $0x1  }
0x17: {  	s4 =	simm.s32 $0x1BF5;
	[smem:$0x3FAB] =	sst s0  }
0x18: {  	s0 =	sld [smem:$0x3F8E];
	_ =	swait.ge [sflag:s4], $0x0  }
0x19: {  	s7 =	sld [smem:$0x3F8F]  }
0x1a: {  	s8 =	sadd.s32 $0xFFFFE003, lr  }
0x1b: {  	s9 =	sadd.s32 $0xFFFFFEF7, lr;
	s5 =	simm.s32 $0xFFFFFFFF;
	p2 =	slt.u32 s8, $0xFFFFF086  }
0x1c: {  	p1 =	slt.u32 s9, $0xF7A;
	s5 =	simm.s32 @!p2 $0x0  }
0x1d: {  	s5 =	simm.s32 @p1 $0x1;
	p0 =	seq.s32 s7, s2  }
0x1e: {  	s7 =	smul.u32 @!p0 $0xF7A, s2;
	p2 =	seq.s32 @!p0 s5, $0x0  }
0x1f: {  	s9 =	smul.u32 $0xF7A, s1;
	s8 =	simm.s32 @!p0 $0x1BF5;
	p2 =	por !p2, p0  }
0x20: {  	[sflag:s8] =	ssyncset.s32 @!p0 $0xFFFFF086;
	s6 =	sadd.s32 @!p0 s3, s7;
	s7 =	simm.s32 @!p0 $0x108  }
0x21: {  	s3 =	sadd.s32 s3, s9;
	s6 =	sadd.s32 @!p0 $0x88, s6;
	s7 =	simm.s32 @p2 $0x1082  }
0x22: {  	[simem:s7], [sflag:s8] =	dma.local @!p0 [hbm:s6], $0xF7A  }
0x23: {  	s9 =	sor.u32 $0xD0000000, s2;
	s6 =	simm.s32 $0x108;
	_ =	swait.ge @!p0 [sflag:s8], $0x0  }
0x24: {  	s3 =	sadd.s32 $0x88, s3;
	s6 =	simm.s32 @!p1 $0x1082;
	[sflag:s4] =	ssyncset.s32 $0xFFFFF086  }
0x25: {  	[simem:s6], [sflag:s4] =	dma.local [hbm:s3], $0xF7A  }
0x26: {  	[smem:$0x3F8F] =	sst s1;
	(tag) =	ssettag s2;
	_ =	strace s9  }
0x27: {  	s1 =	sld [smem:$0x3F9F]  }
0x28: {  	s2 =	sld [smem:$0x3FA0]  }
0x29: {  	s4 =	sld [smem:$0x3FA2]  }
0x2a: {  	p0 =	seq.s32 s5, $0x0;
	s5 =	sld [smem:$0x3FA3]  }
0x2b: {  	s6 =	sld [smem:$0x3FA4]  }
0x2c: {  	s7 =	sld [smem:$0x3FA5]  }
0x2d: {  	s3 =	simm.s32 $0x108;
	s8 =	sld [smem:$0x3FA6]  }
0x2e: {  	s3 =	simm.s32 @!p0 $0x1082;
	s9 =	sld [smem:$0x3FA7]  }
0x2f: {  	lr =	sadd.s32 s0, s3;
	s0 =	sld [smem:$0x3F9E]  }
0x30: {  	s3 =	sld [smem:$0x3FA1]  }
0x31: {  	[smem:$0x3FAA] =	sst s10  }
0x32: {  	s10 =	sld [smem:$0x3FA8];
	_ =	sdelay $0x3  }
0x33: {  	p0 =	seq.s32 s10, $0x1;
	s10 =	sld [smem:$0x3FAA];
	_ =	sdelay $0x3  }
0x34: {  	[smem:$0x3FAA] =	sst s10  }
0x35: {  	s10 =	sld [smem:$0x3FA9];
	_ =	sdelay $0x3  }
0x36: {  	p1 =	seq.s32 s10, $0x1;
	s10 =	sld [smem:$0x3FAA];
	_ =	sdelay $0x3  }
0x37: {  	[smem:$0x3FAA] =	sst s10  }
0x38: {  	s10 =	sld [smem:$0x3FAB]  }
0x39: {  	_ = 	snop;
	(pc) =	sbr.ind lr, $3  }
0x3a: {  	_ = 	snop  }
0x3b: {  	_ = 	snop  }
0x3c: {  	p2 =	seq.s32 s10, $0x1;
	s10 =	sld [smem:$0x3FAA]  }
0x3d: {  	_ =	shalt  }
0x3e: {  	_ =	shalt  }
0x3f: {  	_ =	shalt  }
0x40: {  	_ =	shalt  }
0x41: {  	_ =	shalt  }
0x42: {  	_ =	shalt  }
0x43: {  	_ =	shalt  }
0x44: {  	_ =	shalt  }
0x45: {  	_ =	shalt  }
0x46: {  	_ =	shalt  }
0x47: {  	_ =	shalt  }
0x48: {  	_ =	shalt  }
0x49: {  	_ =	shalt  }
0x4a: {  	_ =	shalt  }
0x4b: {  	_ =	shalt  }
0x4c: {  	_ =	shalt  }
0x4d: {  	_ =	shalt  }
0x4e: {  	_ =	shalt  }
0x4f: {  	_ =	shalt  }
0x50: {  	_ =	shalt  }
0x51: {  	_ =	shalt  }
0x52: {  	_ =	shalt  }
0x53: {  	_ =	shalt  }
0x54: {  	_ =	shalt  }
0x55: {  	_ =	shalt  }
0x56: {  	_ =	shalt  }
0x57: {  	_ =	shalt  }
0x58: {  	_ =	shalt  }
0x59: {  	_ =	shalt  }
0x5a: {  	_ =	shalt  }
0x5b: {  	_ =	shalt  }
0x5c: {  	_ =	shalt  }
0x5d: {  	_ =	shalt  }
0x5e: {  	_ =	shalt  }
0x5f: {  	_ =	shalt  }
0x60: {  	_ =	shalt  }
0x61: {  	_ =	shalt  }
0x62: {  	_ =	shalt  }
0x63: {  	_ =	shalt  }
0x64: {  	_ =	shalt  }
0x65: {  	_ =	shalt  }
0x66: {  	_ =	shalt  }
0x67: {  	_ =	shalt  }
0x68: {  	_ =	shalt  }
0x69: {  	_ =	shalt  }
0x6a: {  	_ =	shalt  }
0x6b: {  	_ =	shalt  }
0x6c: {  	_ =	shalt  }
0x6d: {  	_ =	shalt  }
0x6e: {  	_ =	shalt  }
0x6f: {  	_ =	shalt  }
0x70: {  	_ =	shalt  }
0x71: {  	_ =	shalt  }
0x72: {  	_ =	shalt  }
0x73: {  	_ =	shalt  }
0x74: {  	_ =	shalt  }
0x75: {  	_ =	shalt  }
0x76: {  	_ =	shalt  }
0x77: {  	_ =	shalt  }
0x78: {  	_ =	shalt  }
0x79: {  	_ =	shalt  }
0x7a: {  	_ =	shalt  }
0x7b: {  	_ =	shalt  }
0x7c: {  	_ =	shalt  }
0x7d: {  	_ =	shalt  }
0x7e: {  	_ =	shalt  }
0x7f: {  	_ =	shalt  }
0x80: {  	_ =	shalt  }
0x81: {  	_ =	shalt  }
0x82: {  	_ =	shalt  }
0x83: {  	_ =	shalt  }
0x84: {  	_ =	shalt  }
0x85: {  	_ =	shalt  }
0x86: {  	_ =	shalt  }
0x87: {  	_ =	shalt  }
.Lfunc_end0:
.L_simem_size_0:
called_computation.1_lowered:
.L_overlay_start_0:
0x88: {  	s2 =	sld [smem:$0x3FD9]  }
0x89: {  	s3 =	sld [smem:$0x3FFE];
	_ =	sdelay $0x1  }
0x8a: {  	s1 =	srdreg.scid  }
0x8b: {  	s0 =	sand.u32 $0x1, s1  }
0x8c: {  	s16 =	sshll.u32 s0, $0xA;
	s2 =	sadd.s32 s3, s2  }
0x8d: {  	s2 =	sadd.s32 s2, s16  }
0x8e: {  	[smem:$0x3FB6] =	sst s2  }
0x8f: {  	_ = 	snop  }
0x90: {  	(tm) =	ssettm $0x1  }
0x91: {  	s17 =	sld [smem:$0x3FFB];
	_ =	sdelay $0x3  }
0x92: {  	_ =	strace s17  }
0x93: {  	s2 =	sld [smem:$0x3FFC];
	_ =	sdelay $0x3  }
0x94: {  	_ =	strace s2  }
0x95: {  	s2 =	sld [smem:$0x3FFD];
	_ =	sdelay $0x3  }
0x96: {  	_ =	strace s2  }
0x97: {  	_ =	strace $0x8FFFFFFF  }
0x98: {  	s18 =	sld [smem:$0x3FDB];
	_ =	sdelay $0x1  }
0x99: {  	s19 =	simm.s32 $_scs_section_size  }
0x9a: {  	s4 =	simm.s32 $_size__tile_overlayer_lowered;
	s5 =	simm.s32 $_tile_overlayer_lowered  }
0x9b: {  	s22 =	simm.s32 $0x1BFF;
	s21 =	sshll.u32 s5, $0x1;
	s2 =	sadd.s32 s19, s18  }
0x9c: {  	s6 =	simm.s32 $0x0;
	s20 =	sshll.u32 s4, $0x1;
	s4 =	sadd.s32 s21, s2  }
0x9d: {  	[timem:s6], [sflag:s22] =	dma.local [hbm:s4], s20  }
0x9e: {  	_ =	swait.ge [sflag:s22], s20  }
0x9f: {  	s3 =	ssub.s32 $0x0, s20;
	[sflag:s22] =	ssyncset.done $0x0  }
0xa0: {  	[sflag:s22] =	ssyncadd.s32 s3;
	_ =	sdelay $0x1  }
0xa1: {  	s23 =	simm.s32 $0x1B8B  }
0xa2: {  	_ =	swait.ge [sflag:s23], $0x1  }
0xa3: {  	[sflag:s23] =	ssyncset.done $0x0  }
0xa4: {  	s25 =	simm.s32 $0x1B8E;
	s24 =	sld [smem:$0x3FFE];
	[sflag:s23] =	ssyncadd.s32 $0xFFFFFFFF  }
0xa5: {  	s26 =	simm.s32 $execute0_lowered;
	[smem:$0x3FD2] =	sst s25  }
0xa6: {  	s4 =	sshll.u32 s26, $0x1;
	_ =	strace $0x80000046;
	[dreg:$0x1] =	wrdreg $0xFFFFFFFF  }
0xa7: {  	s28 =	simm.s32 $_size_execute0_lowered;
	s2 =	sadd.s32 s2, s4;
	[dreg:$0x0] =	wrdreg $0x0  }
0xa8: {  	s4 =	sshll.u32 s28, $0x1;
	[dreg:$0x2] =	wrdreg s2  }
0xa9: {  	[dreg:$0x3] =	wrdreg s4  }
0xaa: {  	[dreg:$0x4] =	wrdreg $0xC0  }
0xab: {  	_ =	task [dreg:s6], $0x5FFFF  }
0xac: {  	[dreg:$0x1] =	wrdreg $0xFFFFFFFF  }
0xad: {  	[dreg:$0x0] =	wrdreg $0x60  }
0xae: {  	[dreg:$0x2] =	wrdreg s24  }
0xaf: {  	[dreg:$0x3] =	wrdreg $0x81000  }
0xb0: {  	[dreg:$0x4] =	wrdreg $0xA  }
0xb1: {  	_ =	task.clear_ibuf [dreg:s6], $0x5FFFF;
	_ =	strace $0x90000046  }
0xb2: {  	s29 =	simm.s32 $0xA;
	_ =	strace $0x80000048  }
0xb3: {  	_ =	swait.ge [sflag:s29], $0x1  }
0xb4: {  	[sflag:s29] =	ssyncadd.s32 $0xFFFFFFFF  }
0xb5: {  	_ =	strace $0x90000048  }
0xb6: {  	_ =	sfence  }
0xb7: {  	s30 =	sld [smem:$0x0];
	_ =	sdelay $0x2  }
0xb8: {  	s31 =	sshll.u32 s1, $0xD;
	s1 =	sshrl.u32 s1, $0x2  }
0xb9: {  	s3 =	sand.u32 $0x4000, s31;
	s1 =	sadd.s32 s1, s30  }
0xba: {  	s0 =	sor.u32 s3, s0;
	s1 =	sshll.u32 s1, $0x11  }
0xbb: {  	s0 =	sor.u32 s1, s0  }
0xbc: {  	s0 =	sadd.s32 $0x8F2B, s0  }
0xbd: {  	[sflag:s0] =	ssyncadd.remote.s32 $0x1  }
0xbe: {  	_ =	sfence.sel $0xFFFF  }
0xbf: {  	[dreg:$0x0] =	wrdreg $0xFFFFFFFF;
	(pc) =	sbr.abs _section_cstart, $3  }
0xc0: {  	[dreg:$0x1] =	wrdreg $0xFFFFFFFF  }
0xc1: {  	_ =	task.clear_ibuf [dreg:s6], $0x2FFFF;
	_ =	strace $0x9FFFFFFF  }
0xc2: {  	(tm) =	ssettm $0x7FFFFFFF  }
0xc3: {  	_ =	shalt  }
tec
execute0_lowered:
.L_overlay_start_1:
0x0: {  	(tag) =	ssettag $0x1  }
0x1: {  	s7 =	rddreg [dreg:$0x0]  }
0x2: {  	s1 =	rddreg [dreg:$0x1]  }
0x3: {  	s0 =	rddreg [dreg:$0x2]  }
0x4: {  	s3 =	simm.s32 $0x0;
	s2 =	srdreg.scid;
	s19 =	simm.s32 $0x80  }
0x5: {  	s20 =	simm.s32 $0x4100;
	s21 =	simm.s32 $0x100;
	s9 =	sand.u32 $0x1, s2  }
0x6: {  	s22 =	simm.s32 $0x3;
	s2 =	stileid.u32;
	s6 =	smul.u32 $0x140000, s9  }
0x7: {  	s23 =	simm.s32 $0x2;
	[smem:$0x7FF] =	sst s3;
	s8 =	smul.u32 $0x14000, s2  }
0x8: {  	s15 =	sadd.s32 $0x9800, s7;
	s4 =	sadd.s32 $0x6000, s7;
	s16 =	smul.u32 $0x50000, s2  }
0x9: {  	_ =	strace $0x80000047;
	s5 =	sshll.u32 s2, $0x1;
	s25 =	smul.u32 $0xA0000, s2  }
0xa: {  	s11 =	ssub.s32 $0x2, s9;
	s26 =	sshll.u32 s2, $0x6;
	s28 =	smul.u32 $0x50000, s9  }
0xb: {  	s10 =	sor.u32 s9, s5;
	s5 =	sadd.s32 $0x1E9800, s7;
	s13 =	sshrl.u32 s11, $0x1  }
0xc: {  	s9 =	sor.u32 $0x1C04, s26;
	s8 =	sadd.s32 s8, s6;
	s6 =	smul.u32 $0xC00, s10  }
0xd: {  	s12 =	smul.u32 $0xA000, s10;
	s11 =	ssub.s32 s11, s13;
	s24 =	sshrl.u32 s16, $0x2  }
0xe: {  	s18 =	smul.u32 $0x50000, s10;
	s13 =	sadd.s32 s28, s25;
	s8 =	sshrl.u32 s8, $0x3  }
0xf: {  	s16 =	sadd.s32 s24, s1;
	s11 =	smax.u32 s11, $0x1;
	s30 =	sor.u32 $0x4000, s13  }
0x10: {  	s13 =	sor.u32 $0x8000, s13;
	s24 =	simm.s32 $0x0;
	s14 =	sshrl.u32 s6, $0x3  }
0x11: {  	s17 =	sadd.s32 s8, s7;
	s8 =	sadd.s32 s15, s12;
	s29 =	sshrl.u32 s18, $0x3  }
0x12: {  	s31 =	sshrl.u32 s13, $0x3;
	s16 =	sshrl.u32 s16, $0x3;
	s18 =	simm.s32 $0x1  }
0x13: {  	s7 =	sadd.s32 s4, s14;
	s10 =	sadd.s32 $0x1EC000, s17;
	s14 =	sadd.s32 s15, s29  }
0x14: {  	s17 =	sshrl.u32 s30, $0x3;
	s12 =	sadd.s32 $0x130, s7;
	s13 =	sadd.s32 $0x9800, s14  }
0x15: {  	s14 =	sadd.s32 s17, s15;
	s15 =	sadd.s32 s31, s15;
	s17 =	simm.s32 $0x4  }
.LBB2_1:
0x16: {  	[tilespmem:s3], [sflag:$0x1] =	stream.linear.gather [hbm4b:s7+s3], $0x80, $0x38;
	[tilespmem:$0x1C100] =	vst v63  }
0x17: {  	_ = 	snop  }
0x18: {  	[tilespmem:s21], [sflag:$0x1] =	stream.linear.gather [hbm4b:s8+s3], $0x4000, $0x38;
	[tilespmem:$0x1C100] =	vst v63  }
0x19: {  	[spmem:s16], [sflag:s9] =	dma.local [hbm:s5], $0x2800  }
0x1a: {  	_ =	swait.ge [sflag:s17], $0x2800  }
0x1b: {  	[sflag:s17] =	ssyncset.done $0x0  }
0x1c: {  	[sflag:s17] =	ssyncadd.s32 $0xFFFFD800  }
0x1d: {  	[bflag:$0x0] =	sbarrier.arrive $0xFFFF  }
0x1e: {  	s25 =	simm.s32 $0x0;
	_ =	swait.ge [sflag:s18], $0x80  }
0x1f: {  	s26 =	simm.s32 $0x80;
	s25 =	sand.u32 $0xC00, s25;
	[sflag:s18] =	ssyncset.done $0x0  }
0x20: {  	s26 =	sand.u32 $0x380, s26;
	s25 =	sadd.s32 s6, s25;
	[sflag:s18] =	ssyncadd.s32 $0xFFFFFF80  }
0x21: {  	s25 =	sor.u32 s25, s26;
	_ =	swait.ge [sflag:s18], $0x4000  }
0x22: {  	s25 =	sshrl.u32 s25, $0x3;
	[sflag:s18] =	ssyncset.done $0x0  }
0x23: {  	s25 =	sadd.s32 s4, s25;
	[sflag:s18] =	ssyncadd.s32 $0xFFFFC000  }
0x24: {  	[tilespmem:s19], [sflag:$0x2] =	stream.linear.gather [hbm4b:s25+s3], $0x80, $0x38;
	[tilespmem:$0x1C100] =	vst v63  }
0x25: {  	_ = 	snop  }
0x26: {  	[tilespmem:s20], [sflag:$0x2] =	stream.linear.gather [hbm4b:s14+s3], $0x4000, $0x38;
	[tilespmem:$0x1C100] =	vst v63  }
0x27: {  	_ = 	snop  }
0x28: {  	[spmem:s1] =	stream.indirect.scatter.add.f32 [tilespmem:s21], [sflag:$0x3], $0x80, s3, s19, $0xb8;
	[tilespmem:$0x1C100] =	vst v63  }
0x29: {  	_ =	swait.ge [sflag:s22], $0x4000  }
0x2a: {  	[sflag:s22] =	ssyncset.done $0x0  }
0x2b: {  	[sflag:s22] =	ssyncadd.s32 $0xFFFFC000  }
0x2c: {  	_ =	swait.ge [sflag:s23], $0x80  }
0x2d: {  	s30 =	sand.u32 $0x1C00, s21;
	[sflag:s23] =	ssyncset.done $0x0  }
0x2e: {  	s31 =	sand.u32 $0x300, s21;
	s25 =	sadd.s32 s6, s30;
	[sflag:s23] =	ssyncadd.s32 $0xFFFFFF80  }
0x2f: {  	s25 =	sor.u32 s31, s25;
	_ =	swait.ge [sflag:s23], $0x4000  }
0x30: {  	s25 =	sshrl.u32 s25, $0x3;
	[sflag:s23] =	ssyncset.done $0x0  }
0x31: {  	s25 =	sadd.s32 s4, s25;
	[sflag:s23] =	ssyncadd.s32 $0xFFFFC000  }
0x32: {  	[tilespmem:s3], [sflag:$0x1] =	stream.linear.gather [hbm4b:s25+s3], $0x80, $0x38;
	[tilespmem:$0x1C100] =	vst v63  }
0x33: {  	_ = 	snop  }
0x34: {  	[tilespmem:s21], [sflag:$0x1] =	stream.linear.gather [hbm4b:s15+s3], $0x4000, $0x38;
	[tilespmem:$0x1C100] =	vst v63  }
0x35: {  	_ = 	snop  }
0x36: {  	[spmem:s1] =	stream.indirect.scatter.add.f32 [tilespmem:s20], [sflag:$0x3], $0x80, s19, s19, $0xb8;
	[tilespmem:$0x1C100] =	vst v63  }
0x37: {  	s28 =	smov.u32 s15;
	_ =	swait.ge [sflag:s22], $0x4000  }
0x38: {  	s26 =	smov.u32 s14;
	s25 =	simm.s32 $0x200;
	[sflag:s22] =	ssyncset.done $0x0  }
.LBB2_2:
0x39: {  	[sflag:s22] =	ssyncadd.s32 $0xFFFFC000  }
0x3a: {  	s26 =	sadd.s32 $0x1000, s26;
	s28 =	sadd.s32 $0x1000, s28;
	s29 =	smov.u32 s25  }
0x3b: {  	p0 =	sne.s32 s25, $0x900;
	s25 =	sadd.s32 $0x100, s25;
	_ =	swait.ge [sflag:s18], $0x80  }
0x3c: {  	s30 =	sadd.s32 $0xFFFFFF00, s29;
	[sflag:s18] =	ssyncset.done $0x0  }
0x3d: {  	s31 =	sadd.s32 $0xFFFFFF80, s29;
	s30 =	sand.u32 $0xC00, s30;
	[sflag:s18] =	ssyncadd.s32 $0xFFFFFF80  }
0x3e: {  	s31 =	sand.u32 $0x380, s31;
	s30 =	sadd.s32 s6, s30  }
0x3f: {  	s30 =	sor.u32 s30, s31;
	_ =	swait.ge [sflag:s18], $0x4000  }
0x40: {  	s30 =	sshrl.u32 s30, $0x3;
	[sflag:s18] =	ssyncset.done $0x0  }
0x41: {  	s30 =	sadd.s32 s4, s30;
	[sflag:s18] =	ssyncadd.s32 $0xFFFFC000  }
0x42: {  	[tilespmem:s19], [sflag:$0x2] =	stream.linear.gather [hbm4b:s30+s3], $0x80, $0x38;
	[tilespmem:$0x1C100] =	vst v63  }
0x43: {  	_ = 	snop  }
0x44: {  	[tilespmem:s20], [sflag:$0x2] =	stream.linear.gather [hbm4b:s26+s3], $0x4000, $0x38;
	[tilespmem:$0x1C100] =	vst v63  }
0x45: {  	_ = 	snop  }
0x46: {  	[spmem:s1] =	stream.indirect.scatter.add.f32 [tilespmem:s21], [sflag:$0x3], $0x80, s3, s19, $0xb8;
	[tilespmem:$0x1C100] =	vst v63  }
0x47: {  	_ =	swait.ge [sflag:s22], $0x4000  }
0x48: {  	[sflag:s22] =	ssyncset.done $0x0  }
0x49: {  	[sflag:s22] =	ssyncadd.s32 $0xFFFFC000  }
0x4a: {  	_ =	swait.ge [sflag:s23], $0x80  }
0x4b: {  	s30 =	sand.u32 $0x1C00, s29;
	[sflag:s23] =	ssyncset.done $0x0  }
0x4c: {  	s29 =	sand.u32 $0x300, s29;
	s30 =	sadd.s32 s6, s30;
	[sflag:s23] =	ssyncadd.s32 $0xFFFFFF80  }
0x4d: {  	s29 =	sor.u32 s29, s30;
	_ =	swait.ge [sflag:s23], $0x4000  }
0x4e: {  	s29 =	sshrl.u32 s29, $0x3;
	[sflag:s23] =	ssyncset.done $0x0  }
0x4f: {  	s29 =	sadd.s32 s4, s29;
	[sflag:s23] =	ssyncadd.s32 $0xFFFFC000  }
0x50: {  	[tilespmem:s3], [sflag:$0x1] =	stream.linear.gather [hbm4b:s29+s3], $0x80, $0x38;
	[tilespmem:$0x1C100] =	vst v63  }
0x51: {  	_ = 	snop  }
0x52: {  	[tilespmem:s21], [sflag:$0x1] =	stream.linear.gather [hbm4b:s28+s3], $0x4000, $0x38;
	[tilespmem:$0x1C100] =	vst v63  }
.Ltmp0:
0x53: {  	_ = 	snop;
	(pc) =	sbr.rel @p0 .LBB2_2-.Ltmp0, $4  }
0x54: {  	_ = 	snop  }
0x55: {  	[spmem:s1] =	stream.indirect.scatter.add.f32 [tilespmem:s20], [sflag:$0x3], $0x80, s19, s19, $0xb8;
	[tilespmem:$0x1C100] =	vst v63  }
0x56: {  	_ =	swait.ge [sflag:s22], $0x4000  }
0x57: {  	[sflag:s22] =	ssyncset.done $0x0  }
0x58: {  	[sflag:s22] =	ssyncadd.s32 $0xFFFFC000  }
0x59: {  	_ =	swait.ge [sflag:s18], $0x80  }
0x5a: {  	[sflag:s18] =	ssyncset.done $0x0  }
0x5b: {  	[sflag:s18] =	ssyncadd.s32 $0xFFFFFF80  }
0x5c: {  	_ =	swait.ge [sflag:s18], $0x4000  }
0x5d: {  	[sflag:s18] =	ssyncset.done $0x0  }
0x5e: {  	[sflag:s18] =	ssyncadd.s32 $0xFFFFC000  }
0x5f: {  	[tilespmem:s19], [sflag:$0x2] =	stream.linear.gather [hbm4b:s12+s3], $0x80, $0x38;
	[tilespmem:$0x1C100] =	vst v63  }
0x60: {  	_ = 	snop  }
0x61: {  	[tilespmem:s20], [sflag:$0x2] =	stream.linear.gather [hbm4b:s13+s3], $0x4000, $0x38;
	[tilespmem:$0x1C100] =	vst v63  }
0x62: {  	_ = 	snop  }
0x63: {  	[spmem:s1] =	stream.indirect.scatter.add.f32 [tilespmem:s21], [sflag:$0x3], $0x80, s3, s19, $0xb8;
	[tilespmem:$0x1C100] =	vst v63  }
0x64: {  	_ =	swait.ge [sflag:s22], $0x4000  }
0x65: {  	[sflag:s22] =	ssyncset.done $0x0  }
0x66: {  	[sflag:s22] =	ssyncadd.s32 $0xFFFFC000  }
0x67: {  	_ =	swait.ge [sflag:s23], $0x80  }
0x68: {  	[sflag:s23] =	ssyncset.done $0x0  }
0x69: {  	[sflag:s23] =	ssyncadd.s32 $0xFFFFFF80  }
0x6a: {  	_ =	swait.ge [sflag:s23], $0x4000  }
0x6b: {  	[sflag:s23] =	ssyncset.done $0x0  }
0x6c: {  	[sflag:s23] =	ssyncadd.s32 $0xFFFFC000  }
0x6d: {  	[spmem:s1] =	stream.indirect.scatter.add.f32 [tilespmem:s20], [sflag:$0x3], $0x80, s19, s19, $0xb8;
	[tilespmem:$0x1C100] =	vst v63  }
0x6e: {  	_ =	swait.ge [sflag:s22], $0x4000  }
0x6f: {  	s24 =	sadd.s32 $0x1, s24;
	[sflag:s22] =	ssyncset.done $0x0  }
0x70: {  	p0 =	sne.s32 s24, s11;
	[sflag:s22] =	ssyncadd.s32 $0xFFFFC000  }
.Ltmp1:
0x71: {  	[bflag:$0x0] =	sbarrier.arrive $0xFFFF;
	(pc) =	sbr.rel @p0 .LBB2_1-.Ltmp1, $4  }
0x72: {  	[hbm:s10], [sflag:s9] =	dma.local [spmem:s16], $0x2800  }
0x73: {  	_ =	swait.ge [sflag:s17], $0x2800  }
0x74: {  	[sflag:s17] =	ssyncset.done $0x0  }
0x75: {  	[sflag:s17] =	ssyncadd.s32 $0xFFFFD800  }
0x76: {  	_ =	sfence.sel $0x180000  }
0x77: {  	[bflag:$0x0] =	sbarrier.arrive $0xFFFF  }
0x78: {  	p0 =	sne.s32 s2, $0x0;
	_ =	strace $0x90000047  }
0x79: {  	s0 =	sadd.s32 @!p0 $0x100000, s0;
	[bflag:$0x2] =	sbarrier.arrive $0xFFFF  }
0x7a: {  	[sflag:s0] =	ssyncadd.tile.s32 @!p0 $0x1;
	_ =	shalt  }
.Lfunc_end2:
_tile_overlayer_lowered:
.L_overlay_start_2:
0x7b: {  	(tag) =	ssettag $0x2  }
0x7c: {  	s0 =	rddreg [dreg:$0x0];
	s2 =	stileid.u32  }
0x7d: {  	s1 =	rddreg [dreg:$0x1];
	p0 =	sne.s32 s2, $0x0  }
0x7e: {  	s3 =	rddreg [dreg:$0x2];
	[bflag:$0x3] =	sbarrier.arrive $0xFFFF;
	s2 =	simm.s32 @!p0 $0x1C04  }
0x7f: {  	[timem:s3], [sflag:s2] =	dma.local @!p0 [hbm:s0], s1  }
0x80: {  	s0 =	simm.s32 @!p0 $0x4  }
0x81: {  	_ =	swait.ge @!p0 [sflag:s0], s1  }
0x82: {  	s1 =	ssub.s32 @!p0 $0x0, s1;
	[sflag:s0] =	ssyncset.done @!p0 $0x0  }
0x83: {  	[sflag:s0] =	ssyncadd.s32 @!p0 s1  }
0x84: {  	[bflag:$0x3] =	sbarrier.arrive $0xFFFF  }
0x85: {  	_ =	shalt  }

// kernel: kernel.20.cloned.1.call-start
scs
__scs_entry_jumppad:
0x0: {  	(pc) =	sbr.rel $0x88, $3  }
0x1: {  	(tag) =	ssettag $0x0;
	lr =	simm.s32 $0x1  }
0x2: {  	[smem:$0x3F8F] =	sst lr;
	_ =	strace $0xD0000000  }
0x3: {  	_ = 	snop  }
0x4: {  	_ = 	snop  }
0x5: {  	_ = 	snop  }
0x6: {  	_ = 	snop  }
0x7: {  	_ = 	snop  }
__scs_overlays_trampoline_lowered:
0x8: {  	[smem:$0x3F9E] =	sst s0  }
0x9: {  	[smem:$0x3F9F] =	sst s1  }
0xa: {  	[smem:$0x3FA0] =	sst s2  }
0xb: {  	[smem:$0x3FA1] =	sst s3  }
0xc: {  	[smem:$0x3FA2] =	sst s4  }
0xd: {  	[smem:$0x3FA3] =	sst s5  }
0xe: {  	[smem:$0x3FA4] =	sst s6  }
0xf: {  	[smem:$0x3FA5] =	sst s7  }
0x10: {  	[smem:$0x3FA6] =	sst s8  }
0x11: {  	[smem:$0x3FA7] =	sst s9;
	s0 =	simm.s32 @!p0 $0x0  }
0x12: {  	s1 =	sld [smem:$0x3F8D];
	s0 =	simm.s32 @p0 $0x1  }
0x13: {  	[smem:$0x3FA8] =	sst s0;
	s0 =	simm.s32 @!p1 $0x0  }
0x14: {  	s2 =	sld [smem:$0x3F8C];
	s0 =	simm.s32 @p1 $0x1  }
0x15: {  	[smem:$0x3FA9] =	sst s0;
	s0 =	simm.s32 @!p2 $0x0  }
0x16: {  	s3 =	sld [smem:$0x3FDB];
	s0 =	simm.s32 @p2 $0x1  }
0x17: {  	s4 =	simm.s32 $0x1BF5;
	[smem:$0x3FAB] =	sst s0  }
0x18: {  	s0 =	sld [smem:$0x3F8E];
	_ =	swait.ge [sflag:s4], $0x0  }
0x19: {  	s7 =	sld [smem:$0x3F8F]  }
0x1a: {  	s8 =	sadd.s32 $0xFFFFE003, lr  }
0x1b: {  	s9 =	sadd.s32 $0xFFFFFEF7, lr;
	s5 =	simm.s32 $0xFFFFFFFF;
	p2 =	slt.u32 s8, $0xFFFFF086  }
0x1c: {  	p1 =	slt.u32 s9, $0xF7A;
	s5 =	simm.s32 @!p2 $0x0  }
0x1d: {  	s5 =	simm.s32 @p1 $0x1;
	p0 =	seq.s32 s7, s2  }
0x1e: {  	s7 =	smul.u32 @!p0 $0xF7A, s2;
	p2 =	seq.s32 @!p0 s5, $0x0  }
0x1f: {  	s9 =	smul.u32 $0xF7A, s1;
	s8 =	simm.s32 @!p0 $0x1BF5;
	p2 =	por !p2, p0  }
0x20: {  	[sflag:s8] =	ssyncset.s32 @!p0 $0xFFFFF086;
	s6 =	sadd.s32 @!p0 s3, s7;
	s7 =	simm.s32 @!p0 $0x108  }
0x21: {  	s3 =	sadd.s32 s3, s9;
	s6 =	sadd.s32 @!p0 $0x88, s6;
	s7 =	simm.s32 @p2 $0x1082  }
0x22: {  	[simem:s7], [sflag:s8] =	dma.local @!p0 [hbm:s6], $0xF7A  }
0x23: {  	s9 =	sor.u32 $0xD0000000, s2;
	s6 =	simm.s32 $0x108;
	_ =	swait.ge @!p0 [sflag:s8], $0x0  }
0x24: {  	s3 =	sadd.s32 $0x88, s3;
	s6 =	simm.s32 @!p1 $0x1082;
	[sflag:s4] =	ssyncset.s32 $0xFFFFF086  }
0x25: {  	[simem:s6], [sflag:s4] =	dma.local [hbm:s3], $0xF7A  }
0x26: {  	[smem:$0x3F8F] =	sst s1;
	(tag) =	ssettag s2;
	_ =	strace s9  }
0x27: {  	s1 =	sld [smem:$0x3F9F]  }
0x28: {  	s2 =	sld [smem:$0x3FA0]  }
0x29: {  	s4 =	sld [smem:$0x3FA2]  }
0x2a: {  	p0 =	seq.s32 s5, $0x0;
	s5 =	sld [smem:$0x3FA3]  }
0x2b: {  	s6 =	sld [smem:$0x3FA4]  }
0x2c: {  	s7 =	sld [smem:$0x3FA5]  }
0x2d: {  	s3 =	simm.s32 $0x108;
	s8 =	sld [smem:$0x3FA6]  }
0x2e: {  	s3 =	simm.s32 @!p0 $0x1082;
	s9 =	sld [smem:$0x3FA7]  }
0x2f: {  	lr =	sadd.s32 s0, s3;
	s0 =	sld [smem:$0x3F9E]  }
0x30: {  	s3 =	sld [smem:$0x3FA1]  }
0x31: {  	[smem:$0x3FAA] =	sst s10  }
0x32: {  	s10 =	sld [smem:$0x3FA8];
	_ =	sdelay $0x3  }
0x33: {  	p0 =	seq.s32 s10, $0x1;
	s10 =	sld [smem:$0x3FAA];
	_ =	sdelay $0x3  }
0x34: {  	[smem:$0x3FAA] =	sst s10  }
0x35: {  	s10 =	sld [smem:$0x3FA9];
	_ =	sdelay $0x3  }
0x36: {  	p1 =	seq.s32 s10, $0x1;
	s10 =	sld [smem:$0x3FAA];
	_ =	sdelay $0x3  }
0x37: {  	[smem:$0x3FAA] =	sst s10  }
0x38: {  	s10 =	sld [smem:$0x3FAB]  }
0x39: {  	_ = 	snop;
	(pc) =	sbr.ind lr, $3  }
0x3a: {  	_ = 	snop  }
0x3b: {  	_ = 	snop  }
0x3c: {  	p2 =	seq.s32 s10, $0x1;
	s10 =	sld [smem:$0x3FAA]  }
0x3d: {  	_ =	shalt  }
0x3e: {  	_ =	shalt  }
0x3f: {  	_ =	shalt  }
0x40: {  	_ =	shalt  }
0x41: {  	_ =	shalt  }
0x42: {  	_ =	shalt  }
0x43: {  	_ =	shalt  }
0x44: {  	_ =	shalt  }
0x45: {  	_ =	shalt  }
0x46: {  	_ =	shalt  }
0x47: {  	_ =	shalt  }
0x48: {  	_ =	shalt  }
0x49: {  	_ =	shalt  }
0x4a: {  	_ =	shalt  }
0x4b: {  	_ =	shalt  }
0x4c: {  	_ =	shalt  }
0x4d: {  	_ =	shalt  }
0x4e: {  	_ =	shalt  }
0x4f: {  	_ =	shalt  }
0x50: {  	_ =	shalt  }
0x51: {  	_ =	shalt  }
0x52: {  	_ =	shalt  }
0x53: {  	_ =	shalt  }
0x54: {  	_ =	shalt  }
0x55: {  	_ =	shalt  }
0x56: {  	_ =	shalt  }
0x57: {  	_ =	shalt  }
0x58: {  	_ =	shalt  }
0x59: {  	_ =	shalt  }
0x5a: {  	_ =	shalt  }
0x5b: {  	_ =	shalt  }
0x5c: {  	_ =	shalt  }
0x5d: {  	_ =	shalt  }
0x5e: {  	_ =	shalt  }
0x5f: {  	_ =	shalt  }
0x60: {  	_ =	shalt  }
0x61: {  	_ =	shalt  }
0x62: {  	_ =	shalt  }
0x63: {  	_ =	shalt  }
0x64: {  	_ =	shalt  }
0x65: {  	_ =	shalt  }
0x66: {  	_ =	shalt  }
0x67: {  	_ =	shalt  }
0x68: {  	_ =	shalt  }
0x69: {  	_ =	shalt  }
0x6a: {  	_ =	shalt  }
0x6b: {  	_ =	shalt  }
0x6c: {  	_ =	shalt  }
0x6d: {  	_ =	shalt  }
0x6e: {  	_ =	shalt  }
0x6f: {  	_ =	shalt  }
0x70: {  	_ =	shalt  }
0x71: {  	_ =	shalt  }
0x72: {  	_ =	shalt  }
0x73: {  	_ =	shalt  }
0x74: {  	_ =	shalt  }
0x75: {  	_ =	shalt  }
0x76: {  	_ =	shalt  }
0x77: {  	_ =	shalt  }
0x78: {  	_ =	shalt  }
0x79: {  	_ =	shalt  }
0x7a: {  	_ =	shalt  }
0x7b: {  	_ =	shalt  }
0x7c: {  	_ =	shalt  }
0x7d: {  	_ =	shalt  }
0x7e: {  	_ =	shalt  }
0x7f: {  	_ =	shalt  }
0x80: {  	_ =	shalt  }
0x81: {  	_ =	shalt  }
0x82: {  	_ =	shalt  }
0x83: {  	_ =	shalt  }
0x84: {  	_ =	shalt  }
0x85: {  	_ =	shalt  }
0x86: {  	_ =	shalt  }
0x87: {  	_ =	shalt  }
.Lfunc_end0:
.L_simem_size_0:
called_computation.2_lowered:
.L_overlay_start_0:
0x88: {  	s2 =	sld [smem:$0x3FD9]  }
0x89: {  	s3 =	sld [smem:$0x3FFE];
	_ =	sdelay $0x1  }
0x8a: {  	s1 =	srdreg.scid  }
0x8b: {  	s0 =	sand.u32 $0x1, s1  }
0x8c: {  	s17 =	sshll.u32 s0, $0xA;
	s2 =	sadd.s32 s3, s2  }
0x8d: {  	s2 =	sadd.s32 s2, s17  }
0x8e: {  	[smem:$0x3FB6] =	sst s2  }
0x8f: {  	_ = 	snop  }
0x90: {  	(tm) =	ssettm $0x1  }
0x91: {  	s18 =	sld [smem:$0x3FFB];
	_ =	sdelay $0x3  }
0x92: {  	_ =	strace s18  }
0x93: {  	s2 =	sld [smem:$0x3FFC];
	_ =	sdelay $0x3  }
0x94: {  	_ =	strace s2  }
0x95: {  	s2 =	sld [smem:$0x3FFD];
	_ =	sdelay $0x3  }
0x96: {  	_ =	strace s2  }
0x97: {  	_ =	strace $0x8FFFFFFF  }
0x98: {  	s19 =	sld [smem:$0x3FDB];
	_ =	sdelay $0x1  }
0x99: {  	s20 =	simm.s32 $_scs_section_size  }
0x9a: {  	s4 =	simm.s32 $_size__tile_overlayer_lowered;
	s5 =	simm.s32 $_tile_overlayer_lowered  }
0x9b: {  	s6 =	simm.s32 $0x1BFF;
	s21 =	sshll.u32 s5, $0x1;
	s3 =	sadd.s32 s20, s19  }
0x9c: {  	s22 =	simm.s32 $0x0;
	s4 =	sshll.u32 s4, $0x1;
	s5 =	sadd.s32 s21, s3  }
0x9d: {  	[timem:s22], [sflag:s6] =	dma.local [hbm:s5], s4  }
0x9e: {  	_ =	swait.ge [sflag:s6], s4  }
0x9f: {  	s4 =	ssub.s32 $0x0, s4;
	[sflag:s6] =	ssyncset.done $0x0  }
0xa0: {  	[sflag:s6] =	ssyncadd.s32 s4;
	_ =	sdelay $0x1  }
0xa1: {  	s23 =	simm.s32 $0x1B8B  }
0xa2: {  	_ =	swait.ge [sflag:s23], $0x1  }
0xa3: {  	[sflag:s23] =	ssyncset.done $0x0  }
0xa4: {  	[sflag:s23] =	ssyncadd.s32 $0xFFFFFFFF  }
0xa5: {  	s4 =	sld [smem:$0x0]  }
0xa6: {  	s5 =	sand.u32 $0xFFFFFFFE, s1  }
0xa7: {  	p0 =	sne.s32 s1, s5  }
0xa8: {  	s5 =	sshll.u32 @p0 s5, $0xE  }
0xa9: {  	s5 =	sadd.s32 @p0 $0x11B8D, s5;
	s6 =	sshll.u32 @p0 s4, $0x11  }
0xaa: {  	s5 =	sor.u32 @p0 s6, s5  }
0xab: {  	[sflag:s5] =	ssyncadd.remote.s32 @p0 $0x1;
	_ =	sdelay $0x1  }
0xac: {  	s5 =	simm.s32 @p0 $0x1B8D  }
0xad: {  	_ =	swait.eq @p0 [sflag:s5], $0x1  }
0xae: {  	[sflag:s5] =	ssyncadd.s32 @p0 $0xFFFFFFFF  }
0xaf: {  	s6 =	sshll.u32 @!p0 s1, $0xE  }
0xb0: {  	s6 =	sor.u32 @!p0 $0x4000, s6;
	s5 =	simm.s32 @!p0 $0x1B8D  }
0xb1: {  	s4 =	sshll.u32 @!p0 s4, $0x11;
	s6 =	sadd.s32 @!p0 $0x11B8D, s6;
	_ =	swait.eq @!p0 [sflag:s5], $0x1  }
0xb2: {  	s4 =	sor.u32 @!p0 s4, s6;
	[sflag:s5] =	ssyncadd.s32 @!p0 $0xFFFFFFFF  }
0xb3: {  	s25 =	simm.s32 $0x1B8E;
	s24 =	sld [smem:$0x3FFE];
	[sflag:s4] =	ssyncadd.remote.s32 @!p0 $0x1  }
0xb4: {  	s26 =	simm.s32 $execute0_lowered;
	[smem:$0x3FD2] =	sst s25  }
0xb5: {  	s5 =	sshll.u32 s26, $0x1;
	_ =	strace $0x8000004F;
	[dreg:$0x1] =	wrdreg $0xFFFFFFFF  }
0xb6: {  	s28 =	simm.s32 $_size_execute0_lowered;
	s3 =	sadd.s32 s3, s5;
	[dreg:$0x0] =	wrdreg $0x0  }
0xb7: {  	s5 =	sshll.u32 s28, $0x1;
	[dreg:$0x2] =	wrdreg s3  }
0xb8: {  	[dreg:$0x3] =	wrdreg s5  }
0xb9: {  	[dreg:$0x4] =	wrdreg $0xC0  }
0xba: {  	_ =	task [dreg:s22], $0x5FFFF  }
0xbb: {  	[dreg:$0x1] =	wrdreg $0xFFFFFFFF  }
0xbc: {  	[dreg:$0x0] =	wrdreg $0x60  }
0xbd: {  	[dreg:$0x2] =	wrdreg s24  }
0xbe: {  	[dreg:$0x3] =	wrdreg $0x9  }
0xbf: {  	_ =	task.clear_ibuf [dreg:s22], $0x4FFFF;
	_ =	strace $0x9000004F  }
0xc0: {  	s29 =	simm.s32 $0x9;
	_ =	strace $0x80000051  }
0xc1: {  	_ =	swait.ge [sflag:s29], $0x1  }
0xc2: {  	[sflag:s29] =	ssyncadd.s32 $0xFFFFFFFF  }
0xc3: {  	_ =	strace $0x90000051  }
0xc4: {  	_ =	sfence  }
0xc5: {  	s30 =	sld [smem:$0x0];
	_ =	sdelay $0x2  }
0xc6: {  	s31 =	sshll.u32 s1, $0xD;
	s1 =	sshrl.u32 s1, $0x2  }
0xc7: {  	s4 =	sand.u32 $0x4000, s31;
	s1 =	sadd.s32 s1, s30  }
0xc8: {  	s0 =	sor.u32 s4, s0;
	s1 =	sshll.u32 s1, $0x11  }
0xc9: {  	s0 =	sor.u32 s1, s0  }
0xca: {  	s0 =	sadd.s32 $0x8F2B, s0  }
0xcb: {  	[sflag:s0] =	ssyncadd.remote.s32 $0x1  }
0xcc: {  	_ =	sfence.sel $0xFFFF  }
0xcd: {  	[dreg:$0x0] =	wrdreg $0xFFFFFFFF;
	(pc) =	sbr.abs _section_cstart, $3  }
0xce: {  	[dreg:$0x1] =	wrdreg $0xFFFFFFFF  }
0xcf: {  	_ =	task.clear_ibuf [dreg:s22], $0x2FFFF;
	_ =	strace $0x9FFFFFFF  }
0xd0: {  	(tm) =	ssettm $0x7FFFFFFF  }
0xd1: {  	_ =	shalt  }
tec
execute0_lowered:
.L_overlay_start_1:
0x0: {  	(tag) =	ssettag $0x1  }
0x1: {  	s1 =	srdreg.scid;
	s0 =	stileid.u32  }
0x2: {  	s7 =	rddreg [dreg:$0x0];
	s2 =	simm.s32 $0x0;
	s12 =	simm.s32 $0x80  }
0x3: {  	s13 =	simm.s32 $0x200;
	s14 =	simm.s32 $0x4200;
	s15 =	simm.s32 $0x3  }
0x4: {  	s16 =	simm.s32 $0x2;
	s17 =	simm.s32 $0x8200;
	s18 =	simm.s32 $0x180  }
0x5: {  	s19 =	simm.s32 $0xC200;
	s20 =	simm.s32 $0x4;
	s21 =	simm.s32 $0x5  }
0x6: {  	s22 =	simm.s32 $0x0;
	s6 =	sand.u32 $0x1, s1;
	s1 =	rddreg [dreg:$0x1]  }
0x7: {  	s30 =	sshll.u32 s0, $0x1;
	[smem:$0x7FF] =	sst s2;
	s8 =	smul.u32 $0xA0000, s0  }
0x8: {  	s4 =	sadd.s32 $0x1EC000, s7;
	s3 =	sor.u32 s6, s30;
	s9 =	smul.u32 $0x50000, s6  }
0x9: {  	s5 =	sadd.s32 $0x214000, s7;
	s6 =	ssub.s32 $0x2, s6;
	s3 =	smul.u32 $0xC00, s3  }
0xa: {  	s10 =	sadd.s32 $0x23F000, s7;
	_ =	strace $0x80000050;
	s31 =	sshrl.u32 s6, $0x1  }
0xb: {  	s8 =	sadd.s32 s9, s8;
	s7 =	ssub.s32 s6, s31;
	s11 =	sshrl.u32 s3, $0x3  }
0xc: {  	s9 =	sor.u32 $0x8000, s8;
	s7 =	smax.u32 s7, $0x1;
	s8 =	sshrl.u32 s8, $0x3  }
0xd: {  	s6 =	sadd.s32 s5, s11;
	s9 =	sshrl.u32 s9, $0x3;
	s8 =	sadd.s32 s8, s10  }
0xe: {  	s11 =	simm.s32 $0x100;
	s9 =	sadd.s32 s9, s10;
	s10 =	simm.s32 $0x1  }
.LBB2_1:
0xf: {  	[tilespmem:s2], [sflag:$0x1] =	stream.linear.gather [hbm4b:s6+s2], $0x100, $0x38;
	[tilespmem:$0x10200] =	vst v63  }
0x10: {  	s23 =	smov.u32 s9;
	s24 =	simm.s32 $0x200;
	s25 =	smov.u32 s8  }
.LBB2_2:
0x11: {  	s26 =	sadd.s32 $0xFFFFFE00, s24  }
0x12: {  	s28 =	sadd.s32 $0xFFFFFF00, s24;
	s26 =	sand.u32 $0xC00, s26  }
0x13: {  	s28 =	sand.u32 $0x300, s28;
	s26 =	sadd.s32 s3, s26  }
0x14: {  	_ =	swait.ge [sflag:s10], $0x100;
	s26 =	sor.u32 s26, s28  }
0x15: {  	[sflag:s10] =	ssyncset.done $0x0;
	s26 =	sshrl.u32 s26, $0x3  }
0x16: {  	p0 =	seq.s32 s24, $0x200;
	[sflag:s10] =	ssyncadd.s32 $0xFFFFFF00;
	s26 =	sadd.s32 s5, s26  }
0x17: {  	[tilespmem:s11], [sflag:$0x2] =	stream.linear.gather [hbm4b:s26+s2], $0x100, $0x38;
	[tilespmem:$0x10200] =	vst v63  }
0x18: {  	s26 =	simm.s32 @!p0 $0x4  }
0x19: {  	_ =	swait.ge @!p0 [sflag:s26], $0x8000  }
0x1a: {  	[sflag:s26] =	ssyncset.done @!p0 $0x0  }
0x1b: {  	[sflag:s26] =	ssyncadd.s32 @!p0 $0xFFFF8000  }
0x1c: {  	[tilespmem:s13], [sflag:$0x3] =	stream.indirect.gather [hbm4b:s4+s12], $0x80, s2, s12, $0xb8;
	[tilespmem:$0x10200] =	vst v63  }
0x1d: {  	_ = 	snop  }
0x1e: {  	[tilespmem:s14], [sflag:$0x3] =	stream.indirect.gather [hbm4b:s4+s12], $0x80, s12, s12, $0xb8;
	[tilespmem:$0x10200] =	vst v63  }
0x1f: {  	_ =	swait.ge [sflag:s15], $0x4000  }
0x20: {  	[sflag:s15] =	ssyncset.done $0x0  }
0x21: {  	[sflag:s15] =	ssyncadd.s32 $0xFFFFC000  }
0x22: {  	p0 =	seq.s32 s24, $0xA00;
	_ =	swait.ge [sflag:s15], $0x4000  }
0x23: {  	s26 =	sand.u32 @!p0 $0x1C00, s24;
	[sflag:s15] =	ssyncset.done $0x0  }
0x24: {  	s28 =	sand.u32 @!p0 $0x200, s24;
	s26 =	sadd.s32 @!p0 s3, s26;
	[sflag:s15] =	ssyncadd.s32 $0xFFFFC000  }
0x25: {  	[hbm4b:s25+s2] =	stream.linear.scatter [tilespmem:s13], [sflag:$0x4], $0x8000, $0x38;
	[tilespmem:$0x10200] =	vst v63  }
0x26: {  	s26 =	sor.u32 @!p0 s28, s26;
	_ =	swait.ge [sflag:s16], $0x100  }
0x27: {  	p1 =	seq.s32 @!p0 s24, $0x200;
	s26 =	sshrl.u32 @!p0 s26, $0x3;
	[sflag:s16] =	ssyncset.done $0x0  }
0x28: {  	s28 =	simm.s32 @!p0 $0x0;
	s26 =	sadd.s32 @!p0 s5, s26;
	[sflag:s16] =	ssyncadd.s32 $0xFFFFFF00  }
0x29: {  	[tilespmem:s28], [sflag:$0x1] =	stream.linear.gather @!p0 [hbm4b:s26+s28], $0x100, $0x38;
	[tilespmem:$0x10200] =	vst v63  }
0x2a: {  	p0 =	por p0, !p1  }
0x2b: {  	_ =	swait.ge @p0 [sflag:s21], $0x8000  }
0x2c: {  	[sflag:s21] =	ssyncset.done @p0 $0x0  }
0x2d: {  	[sflag:s21] =	ssyncadd.s32 @p0 $0xFFFF8000  }
0x2e: {  	[tilespmem:s17], [sflag:$0x3] =	stream.indirect.gather [hbm4b:s4+s12], $0x80, s11, s12, $0xb8;
	[tilespmem:$0x10200] =	vst v63  }
0x2f: {  	_ = 	snop  }
0x30: {  	[tilespmem:s19], [sflag:$0x3] =	stream.indirect.gather [hbm4b:s4+s12], $0x80, s18, s12, $0xb8;
	[tilespmem:$0x10200] =	vst v63  }
0x31: {  	_ =	swait.ge [sflag:s15], $0x4000  }
0x32: {  	s24 =	sadd.s32 $0x200, s24;
	[sflag:s15] =	ssyncset.done $0x0  }
0x33: {  	p0 =	sne.s32 s24, $0xC00;
	[sflag:s15] =	ssyncadd.s32 $0xFFFFC000  }
.Ltmp0:
0x34: {  	_ =	swait.ge [sflag:s15], $0x4000;
	(pc) =	sbr.rel @p0 .LBB2_2-.Ltmp0, $4  }
0x35: {  	[sflag:s15] =	ssyncset.done $0x0  }
0x36: {  	[sflag:s15] =	ssyncadd.s32 $0xFFFFC000  }
0x37: {  	[hbm4b:s23+s2] =	stream.linear.scatter [tilespmem:s17], [sflag:$0x5], $0x8000, $0x38;
	[tilespmem:$0x10200] =	vst v63  }
0x38: {  	s25 =	sadd.s32 $0x2000, s25;
	s23 =	sadd.s32 $0x2000, s23  }
0x39: {  	s22 =	sadd.s32 $0x1, s22  }
0x3a: {  	_ =	swait.ge [sflag:s20], $0x8000;
	p0 =	sne.s32 s22, s7  }
.Ltmp1:
0x3b: {  	[sflag:s20] =	ssyncset.done $0x0;
	(pc) =	sbr.rel @p0 .LBB2_1-.Ltmp1, $4  }
0x3c: {  	[sflag:s20] =	ssyncadd.s32 $0xFFFF8000  }
0x3d: {  	_ =	swait.ge [sflag:s21], $0x8000  }
0x3e: {  	[sflag:s21] =	ssyncset.done $0x0  }
0x3f: {  	[sflag:s21] =	ssyncadd.s32 $0xFFFF8000  }
0x40: {  	_ =	sfence.sel $0x180000  }
0x41: {  	[bflag:$0x0] =	sbarrier.arrive $0xFFFF  }
0x42: {  	p0 =	sne.s32 s0, $0x0;
	_ =	strace $0x90000050  }
0x43: {  	s0 =	sadd.s32 @!p0 $0x100000, s1;
	[bflag:$0x2] =	sbarrier.arrive $0xFFFF  }
0x44: {  	[sflag:s0] =	ssyncadd.tile.s32 @!p0 $0x1;
	_ =	shalt  }
.Lfunc_end2:
_tile_overlayer_lowered:
.L_overlay_start_2:
0x45: {  	(tag) =	ssettag $0x2  }
0x46: {  	s0 =	rddreg [dreg:$0x0];
	s2 =	stileid.u32  }
0x47: {  	s1 =	rddreg [dreg:$0x1];
	p0 =	sne.s32 s2, $0x0  }
0x48: {  	s3 =	rddreg [dreg:$0x2];
	[bflag:$0x3] =	sbarrier.arrive $0xFFFF;
	s2 =	simm.s32 @!p0 $0x1C06  }
0x49: {  	[timem:s3], [sflag:s2] =	dma.local @!p0 [hbm:s0], s1  }
0x4a: {  	s0 =	simm.s32 @!p0 $0x6  }
0x4b: {  	_ =	swait.ge @!p0 [sflag:s0], s1  }
0x4c: {  	s1 =	ssub.s32 @!p0 $0x0, s1;
	[sflag:s0] =	ssyncset.done @!p0 $0x0  }
0x4d: {  	[sflag:s0] =	ssyncadd.s32 @!p0 s1  }
0x4e: {  	[bflag:$0x3] =	sbarrier.arrive $0xFFFF  }
0x4f: {  	_ =	shalt  }

// kernel: kernel.23.cloned.1.call-start
scs
__scs_entry_jumppad:
0x0: {  	(pc) =	sbr.rel $0x88, $3  }
0x1: {  	(tag) =	ssettag $0x0;
	lr =	simm.s32 $0x1  }
0x2: {  	[smem:$0x3F8F] =	sst lr;
	_ =	strace $0xD0000000  }
0x3: {  	_ = 	snop  }
0x4: {  	_ = 	snop  }
0x5: {  	_ = 	snop  }
0x6: {  	_ = 	snop  }
0x7: {  	_ = 	snop  }
__scs_overlays_trampoline_lowered:
0x8: {  	[smem:$0x3F9E] =	sst s0  }
0x9: {  	[smem:$0x3F9F] =	sst s1  }
0xa: {  	[smem:$0x3FA0] =	sst s2  }
0xb: {  	[smem:$0x3FA1] =	sst s3  }
0xc: {  	[smem:$0x3FA2] =	sst s4  }
0xd: {  	[smem:$0x3FA3] =	sst s5  }
0xe: {  	[smem:$0x3FA4] =	sst s6  }
0xf: {  	[smem:$0x3FA5] =	sst s7  }
0x10: {  	[smem:$0x3FA6] =	sst s8  }
0x11: {  	[smem:$0x3FA7] =	sst s9;
	s0 =	simm.s32 @!p0 $0x0  }
0x12: {  	s1 =	sld [smem:$0x3F8D];
	s0 =	simm.s32 @p0 $0x1  }
0x13: {  	[smem:$0x3FA8] =	sst s0;
	s0 =	simm.s32 @!p1 $0x0  }
0x14: {  	s2 =	sld [smem:$0x3F8C];
	s0 =	simm.s32 @p1 $0x1  }
0x15: {  	[smem:$0x3FA9] =	sst s0;
	s0 =	simm.s32 @!p2 $0x0  }
0x16: {  	s3 =	sld [smem:$0x3FDB];
	s0 =	simm.s32 @p2 $0x1  }
0x17: {  	s4 =	simm.s32 $0x1BF5;
	[smem:$0x3FAB] =	sst s0  }
0x18: {  	s0 =	sld [smem:$0x3F8E];
	_ =	swait.ge [sflag:s4], $0x0  }
0x19: {  	s7 =	sld [smem:$0x3F8F]  }
0x1a: {  	s8 =	sadd.s32 $0xFFFFE003, lr  }
0x1b: {  	s9 =	sadd.s32 $0xFFFFFEF7, lr;
	s5 =	simm.s32 $0xFFFFFFFF;
	p2 =	slt.u32 s8, $0xFFFFF086  }
0x1c: {  	p1 =	slt.u32 s9, $0xF7A;
	s5 =	simm.s32 @!p2 $0x0  }
0x1d: {  	s5 =	simm.s32 @p1 $0x1;
	p0 =	seq.s32 s7, s2  }
0x1e: {  	s7 =	smul.u32 @!p0 $0xF7A, s2;
	p2 =	seq.s32 @!p0 s5, $0x0  }
0x1f: {  	s9 =	smul.u32 $0xF7A, s1;
	s8 =	simm.s32 @!p0 $0x1BF5;
	p2 =	por !p2, p0  }
0x20: {  	[sflag:s8] =	ssyncset.s32 @!p0 $0xFFFFF086;
	s6 =	sadd.s32 @!p0 s3, s7;
	s7 =	simm.s32 @!p0 $0x108  }
0x21: {  	s3 =	sadd.s32 s3, s9;
	s6 =	sadd.s32 @!p0 $0x88, s6;
	s7 =	simm.s32 @p2 $0x1082  }
0x22: {  	[simem:s7], [sflag:s8] =	dma.local @!p0 [hbm:s6], $0xF7A  }
0x23: {  	s9 =	sor.u32 $0xD0000000, s2;
	s6 =	simm.s32 $0x108;
	_ =	swait.ge @!p0 [sflag:s8], $0x0  }
0x24: {  	s3 =	sadd.s32 $0x88, s3;
	s6 =	simm.s32 @!p1 $0x1082;
	[sflag:s4] =	ssyncset.s32 $0xFFFFF086  }
0x25: {  	[simem:s6], [sflag:s4] =	dma.local [hbm:s3], $0xF7A  }
0x26: {  	[smem:$0x3F8F] =	sst s1;
	(tag) =	ssettag s2;
	_ =	strace s9  }
0x27: {  	s1 =	sld [smem:$0x3F9F]  }
0x28: {  	s2 =	sld [smem:$0x3FA0]  }
0x29: {  	s4 =	sld [smem:$0x3FA2]  }
0x2a: {  	p0 =	seq.s32 s5, $0x0;
	s5 =	sld [smem:$0x3FA3]  }
0x2b: {  	s6 =	sld [smem:$0x3FA4]  }
0x2c: {  	s7 =	sld [smem:$0x3FA5]  }
0x2d: {  	s3 =	simm.s32 $0x108;
	s8 =	sld [smem:$0x3FA6]  }
0x2e: {  	s3 =	simm.s32 @!p0 $0x1082;
	s9 =	sld [smem:$0x3FA7]  }
0x2f: {  	lr =	sadd.s32 s0, s3;
	s0 =	sld [smem:$0x3F9E]  }
0x30: {  	s3 =	sld [smem:$0x3FA1]  }
0x31: {  	[smem:$0x3FAA] =	sst s10  }
0x32: {  	s10 =	sld [smem:$0x3FA8];
	_ =	sdelay $0x3  }
0x33: {  	p0 =	seq.s32 s10, $0x1;
	s10 =	sld [smem:$0x3FAA];
	_ =	sdelay $0x3  }
0x34: {  	[smem:$0x3FAA] =	sst s10  }
0x35: {  	s10 =	sld [smem:$0x3FA9];
	_ =	sdelay $0x3  }
0x36: {  	p1 =	seq.s32 s10, $0x1;
	s10 =	sld [smem:$0x3FAA];
	_ =	sdelay $0x3  }
0x37: {  	[smem:$0x3FAA] =	sst s10  }
0x38: {  	s10 =	sld [smem:$0x3FAB]  }
0x39: {  	_ = 	snop;
	(pc) =	sbr.ind lr, $3  }
0x3a: {  	_ = 	snop  }
0x3b: {  	_ = 	snop  }
0x3c: {  	p2 =	seq.s32 s10, $0x1;
	s10 =	sld [smem:$0x3FAA]  }
0x3d: {  	_ =	shalt  }
0x3e: {  	_ =	shalt  }
0x3f: {  	_ =	shalt  }
0x40: {  	_ =	shalt  }
0x41: {  	_ =	shalt  }
0x42: {  	_ =	shalt  }
0x43: {  	_ =	shalt  }
0x44: {  	_ =	shalt  }
0x45: {  	_ =	shalt  }
0x46: {  	_ =	shalt  }
0x47: {  	_ =	shalt  }
0x48: {  	_ =	shalt  }
0x49: {  	_ =	shalt  }
0x4a: {  	_ =	shalt  }
0x4b: {  	_ =	shalt  }
0x4c: {  	_ =	shalt  }
0x4d: {  	_ =	shalt  }
0x4e: {  	_ =	shalt  }
0x4f: {  	_ =	shalt  }
0x50: {  	_ =	shalt  }
0x51: {  	_ =	shalt  }
0x52: {  	_ =	shalt  }
0x53: {  	_ =	shalt  }
0x54: {  	_ =	shalt  }
0x55: {  	_ =	shalt  }
0x56: {  	_ =	shalt  }
0x57: {  	_ =	shalt  }
0x58: {  	_ =	shalt  }
0x59: {  	_ =	shalt  }
0x5a: {  	_ =	shalt  }
0x5b: {  	_ =	shalt  }
0x5c: {  	_ =	shalt  }
0x5d: {  	_ =	shalt  }
0x5e: {  	_ =	shalt  }
0x5f: {  	_ =	shalt  }
0x60: {  	_ =	shalt  }
0x61: {  	_ =	shalt  }
0x62: {  	_ =	shalt  }
0x63: {  	_ =	shalt  }
0x64: {  	_ =	shalt  }
0x65: {  	_ =	shalt  }
0x66: {  	_ =	shalt  }
0x67: {  	_ =	shalt  }
0x68: {  	_ =	shalt  }
0x69: {  	_ =	shalt  }
0x6a: {  	_ =	shalt  }
0x6b: {  	_ =	shalt  }
0x6c: {  	_ =	shalt  }
0x6d: {  	_ =	shalt  }
0x6e: {  	_ =	shalt  }
0x6f: {  	_ =	shalt  }
0x70: {  	_ =	shalt  }
0x71: {  	_ =	shalt  }
0x72: {  	_ =	shalt  }
0x73: {  	_ =	shalt  }
0x74: {  	_ =	shalt  }
0x75: {  	_ =	shalt  }
0x76: {  	_ =	shalt  }
0x77: {  	_ =	shalt  }
0x78: {  	_ =	shalt  }
0x79: {  	_ =	shalt  }
0x7a: {  	_ =	shalt  }
0x7b: {  	_ =	shalt  }
0x7c: {  	_ =	shalt  }
0x7d: {  	_ =	shalt  }
0x7e: {  	_ =	shalt  }
0x7f: {  	_ =	shalt  }
0x80: {  	_ =	shalt  }
0x81: {  	_ =	shalt  }
0x82: {  	_ =	shalt  }
0x83: {  	_ =	shalt  }
0x84: {  	_ =	shalt  }
0x85: {  	_ =	shalt  }
0x86: {  	_ =	shalt  }
0x87: {  	_ =	shalt  }
.Lfunc_end0:
.L_simem_size_0:
called_computation.3_lowered:
.L_overlay_start_0:
0x88: {  	s2 =	sld [smem:$0x3FD9]  }
0x89: {  	s3 =	sld [smem:$0x3FFE];
	_ =	sdelay $0x1  }
0x8a: {  	s1 =	srdreg.scid  }
0x8b: {  	s0 =	sand.u32 $0x1, s1  }
0x8c: {  	s16 =	sshll.u32 s0, $0xA;
	s2 =	sadd.s32 s3, s2  }
0x8d: {  	s2 =	sadd.s32 s2, s16  }
0x8e: {  	[smem:$0x3FB6] =	sst s2  }
0x8f: {  	_ = 	snop  }
0x90: {  	(tm) =	ssettm $0x1  }
0x91: {  	s17 =	sld [smem:$0x3FFB];
	_ =	sdelay $0x3  }
0x92: {  	_ =	strace s17  }
0x93: {  	s2 =	sld [smem:$0x3FFC];
	_ =	sdelay $0x3  }
0x94: {  	_ =	strace s2  }
0x95: {  	s2 =	sld [smem:$0x3FFD];
	_ =	sdelay $0x3  }
0x96: {  	_ =	strace s2  }
0x97: {  	_ =	strace $0x8FFFFFFF  }
0x98: {  	s18 =	sld [smem:$0x3FDB];
	_ =	sdelay $0x1  }
0x99: {  	s19 =	simm.s32 $_scs_section_size  }
0x9a: {  	s4 =	simm.s32 $_size__tile_overlayer_lowered;
	s5 =	simm.s32 $_tile_overlayer_lowered  }
0x9b: {  	s22 =	simm.s32 $0x1BFF;
	s21 =	sshll.u32 s5, $0x1;
	s2 =	sadd.s32 s19, s18  }
0x9c: {  	s6 =	simm.s32 $0x0;
	s20 =	sshll.u32 s4, $0x1;
	s4 =	sadd.s32 s21, s2  }
0x9d: {  	[timem:s6], [sflag:s22] =	dma.local [hbm:s4], s20  }
0x9e: {  	_ =	swait.ge [sflag:s22], s20  }
0x9f: {  	s3 =	ssub.s32 $0x0, s20;
	[sflag:s22] =	ssyncset.done $0x0  }
0xa0: {  	[sflag:s22] =	ssyncadd.s32 s3;
	_ =	sdelay $0x1  }
0xa1: {  	s23 =	simm.s32 $0x1B8B  }
0xa2: {  	_ =	swait.ge [sflag:s23], $0x1  }
0xa3: {  	[sflag:s23] =	ssyncset.done $0x0  }
0xa4: {  	s25 =	simm.s32 $0x1B8E;
	s24 =	sld [smem:$0x3FFE];
	[sflag:s23] =	ssyncadd.s32 $0xFFFFFFFF  }
0xa5: {  	s26 =	simm.s32 $execute0_lowered;
	[smem:$0x3FD2] =	sst s25  }
0xa6: {  	s4 =	sshll.u32 s26, $0x1;
	_ =	strace $0x8000004C;
	[dreg:$0x1] =	wrdreg $0xFFFFFFFF  }
0xa7: {  	s28 =	simm.s32 $_size_execute0_lowered;
	s2 =	sadd.s32 s2, s4;
	[dreg:$0x0] =	wrdreg $0x0  }
0xa8: {  	s4 =	sshll.u32 s28, $0x1;
	[dreg:$0x2] =	wrdreg s2  }
0xa9: {  	[dreg:$0x3] =	wrdreg s4  }
0xaa: {  	[dreg:$0x4] =	wrdreg $0xC0  }
0xab: {  	_ =	task [dreg:s6], $0x5FFFF  }
0xac: {  	[dreg:$0x1] =	wrdreg $0xFFFFFFFF  }
0xad: {  	[dreg:$0x0] =	wrdreg $0x60  }
0xae: {  	[dreg:$0x2] =	wrdreg s24  }
0xaf: {  	[dreg:$0x3] =	wrdreg $0xA  }
0xb0: {  	_ =	task.clear_ibuf [dreg:s6], $0x4FFFF;
	_ =	strace $0x9000004C  }
0xb1: {  	s29 =	simm.s32 $0xA;
	_ =	strace $0x8000004E  }
0xb2: {  	_ =	swait.ge [sflag:s29], $0x1  }
0xb3: {  	[sflag:s29] =	ssyncadd.s32 $0xFFFFFFFF  }
0xb4: {  	_ =	strace $0x9000004E  }
0xb5: {  	_ =	sfence  }
0xb6: {  	s30 =	sld [smem:$0x0];
	_ =	sdelay $0x2  }
0xb7: {  	s31 =	sshll.u32 s1, $0xD;
	s1 =	sshrl.u32 s1, $0x2  }
0xb8: {  	s3 =	sand.u32 $0x4000, s31;
	s1 =	sadd.s32 s1, s30  }
0xb9: {  	s0 =	sor.u32 s3, s0;
	s1 =	sshll.u32 s1, $0x11  }
0xba: {  	s0 =	sor.u32 s1, s0  }
0xbb: {  	s0 =	sadd.s32 $0x8F2B, s0  }
0xbc: {  	[sflag:s0] =	ssyncadd.remote.s32 $0x1  }
0xbd: {  	_ =	sfence.sel $0xFFFF  }
0xbe: {  	[dreg:$0x0] =	wrdreg $0xFFFFFFFF;
	(pc) =	sbr.abs _section_cstart, $3  }
0xbf: {  	[dreg:$0x1] =	wrdreg $0xFFFFFFFF  }
0xc0: {  	_ =	task.clear_ibuf [dreg:s6], $0x2FFFF;
	_ =	strace $0x9FFFFFFF  }
0xc1: {  	(tm) =	ssettm $0x7FFFFFFF  }
tec
execute0_lowered:
.L_overlay_start_1:
0x0: {  	(tag) =	ssettag $0x1  }
0x1: {  	s1 =	srdreg.scid;
	s0 =	stileid.u32  }
0x2: {  	s7 =	rddreg [dreg:$0x0];
	s2 =	simm.s32 $0x0;
	s12 =	simm.s32 $0x80  }
0x3: {  	s13 =	simm.s32 $0x200;
	s14 =	simm.s32 $0x4200;
	s15 =	simm.s32 $0x3  }
0x4: {  	s16 =	simm.s32 $0x2;
	s17 =	simm.s32 $0x8200;
	s18 =	simm.s32 $0x180  }
0x5: {  	s19 =	simm.s32 $0xC200;
	s20 =	simm.s32 $0x4;
	s21 =	simm.s32 $0x5  }
0x6: {  	s22 =	simm.s32 $0x0;
	s6 =	sand.u32 $0x1, s1;
	s1 =	rddreg [dreg:$0x1]  }
0x7: {  	s30 =	sshll.u32 s0, $0x1;
	[smem:$0x7FF] =	sst s2;
	s8 =	smul.u32 $0xA0000, s0  }
0x8: {  	s4 =	sadd.s32 $0x1EC000, s7;
	s3 =	sor.u32 s6, s30;
	s9 =	smul.u32 $0x50000, s6  }
0x9: {  	s5 =	sadd.s32 $0x46F000, s7;
	s6 =	ssub.s32 $0x2, s6;
	s3 =	smul.u32 $0xC00, s3  }
0xa: {  	s10 =	sadd.s32 $0x9800, s7;
	_ =	strace $0x8000004D;
	s31 =	sshrl.u32 s6, $0x1  }
0xb: {  	s8 =	sadd.s32 s9, s8;
	s7 =	ssub.s32 s6, s31;
	s11 =	sshrl.u32 s3, $0x3  }
0xc: {  	s9 =	sor.u32 $0x8000, s8;
	s7 =	smax.u32 s7, $0x1;
	s8 =	sshrl.u32 s8, $0x3  }
0xd: {  	s6 =	sadd.s32 s5, s11;
	s9 =	sshrl.u32 s9, $0x3;
	s8 =	sadd.s32 s8, s10  }
0xe: {  	s11 =	simm.s32 $0x100;
	s9 =	sadd.s32 s9, s10;
	s10 =	simm.s32 $0x1  }
.LBB2_1:
0xf: {  	[tilespmem:s2], [sflag:$0x1] =	stream.linear.gather [hbm4b:s6+s2], $0x100, $0x38;
	[tilespmem:$0x10200] =	vst v63  }
0x10: {  	s23 =	smov.u32 s9;
	s24 =	simm.s32 $0x200;
	s25 =	smov.u32 s8  }
.LBB2_2:
0x11: {  	s26 =	sadd.s32 $0xFFFFFE00, s24  }
0x12: {  	s28 =	sadd.s32 $0xFFFFFF00, s24;
	s26 =	sand.u32 $0xC00, s26  }
0x13: {  	s28 =	sand.u32 $0x300, s28;
	s26 =	sadd.s32 s3, s26  }
0x14: {  	_ =	swait.ge [sflag:s10], $0x100;
	s26 =	sor.u32 s26, s28  }
0x15: {  	[sflag:s10] =	ssyncset.done $0x0;
	s26 =	sshrl.u32 s26, $0x3  }
0x16: {  	p0 =	seq.s32 s24, $0x200;
	[sflag:s10] =	ssyncadd.s32 $0xFFFFFF00;
	s26 =	sadd.s32 s5, s26  }
0x17: {  	[tilespmem:s11], [sflag:$0x2] =	stream.linear.gather [hbm4b:s26+s2], $0x100, $0x38;
	[tilespmem:$0x10200] =	vst v63  }
0x18: {  	s26 =	simm.s32 @!p0 $0x4  }
0x19: {  	_ =	swait.ge @!p0 [sflag:s26], $0x8000  }
0x1a: {  	[sflag:s26] =	ssyncset.done @!p0 $0x0  }
0x1b: {  	[sflag:s26] =	ssyncadd.s32 @!p0 $0xFFFF8000  }
0x1c: {  	[tilespmem:s13], [sflag:$0x3] =	stream.indirect.gather [hbm4b:s4+s12], $0x80, s2, s12, $0xb8;
	[tilespmem:$0x10200] =	vst v63  }
0x1d: {  	_ = 	snop  }
0x1e: {  	[tilespmem:s14], [sflag:$0x3] =	stream.indirect.gather [hbm4b:s4+s12], $0x80, s12, s12, $0xb8;
	[tilespmem:$0x10200] =	vst v63  }
0x1f: {  	_ =	swait.ge [sflag:s15], $0x4000  }
0x20: {  	[sflag:s15] =	ssyncset.done $0x0  }
0x21: {  	[sflag:s15] =	ssyncadd.s32 $0xFFFFC000  }
0x22: {  	p0 =	seq.s32 s24, $0xA00;
	_ =	swait.ge [sflag:s15], $0x4000  }
0x23: {  	s26 =	sand.u32 @!p0 $0x1C00, s24;
	[sflag:s15] =	ssyncset.done $0x0  }
0x24: {  	s28 =	sand.u32 @!p0 $0x200, s24;
	s26 =	sadd.s32 @!p0 s3, s26;
	[sflag:s15] =	ssyncadd.s32 $0xFFFFC000  }
0x25: {  	[hbm4b:s25+s2] =	stream.linear.scatter [tilespmem:s13], [sflag:$0x4], $0x8000, $0x38;
	[tilespmem:$0x10200] =	vst v63  }
0x26: {  	s26 =	sor.u32 @!p0 s28, s26;
	_ =	swait.ge [sflag:s16], $0x100  }
0x27: {  	p1 =	seq.s32 @!p0 s24, $0x200;
	s26 =	sshrl.u32 @!p0 s26, $0x3;
	[sflag:s16] =	ssyncset.done $0x0  }
0x28: {  	s28 =	simm.s32 @!p0 $0x0;
	s26 =	sadd.s32 @!p0 s5, s26;
	[sflag:s16] =	ssyncadd.s32 $0xFFFFFF00  }
0x29: {  	[tilespmem:s28], [sflag:$0x1] =	stream.linear.gather @!p0 [hbm4b:s26+s28], $0x100, $0x38;
	[tilespmem:$0x10200] =	vst v63  }
0x2a: {  	p0 =	por p0, !p1  }
0x2b: {  	_ =	swait.ge @p0 [sflag:s21], $0x8000  }
0x2c: {  	[sflag:s21] =	ssyncset.done @p0 $0x0  }
0x2d: {  	[sflag:s21] =	ssyncadd.s32 @p0 $0xFFFF8000  }
0x2e: {  	[tilespmem:s17], [sflag:$0x3] =	stream.indirect.gather [hbm4b:s4+s12], $0x80, s11, s12, $0xb8;
	[tilespmem:$0x10200] =	vst v63  }
0x2f: {  	_ = 	snop  }
0x30: {  	[tilespmem:s19], [sflag:$0x3] =	stream.indirect.gather [hbm4b:s4+s12], $0x80, s18, s12, $0xb8;
	[tilespmem:$0x10200] =	vst v63  }
0x31: {  	_ =	swait.ge [sflag:s15], $0x4000  }
0x32: {  	s24 =	sadd.s32 $0x200, s24;
	[sflag:s15] =	ssyncset.done $0x0  }
0x33: {  	p0 =	sne.s32 s24, $0xC00;
	[sflag:s15] =	ssyncadd.s32 $0xFFFFC000  }
.Ltmp0:
0x34: {  	_ =	swait.ge [sflag:s15], $0x4000;
	(pc) =	sbr.rel @p0 .LBB2_2-.Ltmp0, $4  }
0x35: {  	[sflag:s15] =	ssyncset.done $0x0  }
0x36: {  	[sflag:s15] =	ssyncadd.s32 $0xFFFFC000  }
0x37: {  	[hbm4b:s23+s2] =	stream.linear.scatter [tilespmem:s17], [sflag:$0x5], $0x8000, $0x38;
	[tilespmem:$0x10200] =	vst v63  }
0x38: {  	s25 =	sadd.s32 $0x2000, s25;
	s23 =	sadd.s32 $0x2000, s23  }
0x39: {  	s22 =	sadd.s32 $0x1, s22  }
0x3a: {  	_ =	swait.ge [sflag:s20], $0x8000;
	p0 =	sne.s32 s22, s7  }
.Ltmp1:
0x3b: {  	[sflag:s20] =	ssyncset.done $0x0;
	(pc) =	sbr.rel @p0 .LBB2_1-.Ltmp1, $4  }
0x3c: {  	[sflag:s20] =	ssyncadd.s32 $0xFFFF8000  }
0x3d: {  	_ =	swait.ge [sflag:s21], $0x8000  }
0x3e: {  	[sflag:s21] =	ssyncset.done $0x0  }
0x3f: {  	[sflag:s21] =	ssyncadd.s32 $0xFFFF8000  }
0x40: {  	_ =	sfence.sel $0x180000  }
0x41: {  	[bflag:$0x0] =	sbarrier.arrive $0xFFFF  }
0x42: {  	p0 =	sne.s32 s0, $0x0;
	_ =	strace $0x9000004D  }
0x43: {  	s0 =	sadd.s32 @!p0 $0x100000, s1;
	[bflag:$0x2] =	sbarrier.arrive $0xFFFF  }
0x44: {  	[sflag:s0] =	ssyncadd.tile.s32 @!p0 $0x1;
	_ =	shalt  }
.Lfunc_end2:
_tile_overlayer_lowered:
.L_overlay_start_2:
0x45: {  	(tag) =	ssettag $0x2  }
0x46: {  	s0 =	rddreg [dreg:$0x0];
	s2 =	stileid.u32  }
0x47: {  	s1 =	rddreg [dreg:$0x1];
	p0 =	sne.s32 s2, $0x0  }
0x48: {  	s3 =	rddreg [dreg:$0x2];
	[bflag:$0x3] =	sbarrier.arrive $0xFFFF;
	s2 =	simm.s32 @!p0 $0x1C06  }
0x49: {  	[timem:s3], [sflag:s2] =	dma.local @!p0 [hbm:s0], s1  }
0x4a: {  	s0 =	simm.s32 @!p0 $0x6  }
0x4b: {  	_ =	swait.ge @!p0 [sflag:s0], s1  }
0x4c: {  	s1 =	ssub.s32 @!p0 $0x0, s1;
	[sflag:s0] =	ssyncset.done @!p0 $0x0  }
0x4d: {  	[sflag:s0] =	ssyncadd.s32 @!p0 s1  }
0x4e: {  	[bflag:$0x3] =	sbarrier.arrive $0xFFFF  }
0x4f: {  	_ =	shalt  }

// kernel: kernel.26.cloned.1.call-start
scs
__scs_entry_jumppad:
0x0: {  	(pc) =	sbr.rel $0x88, $3  }
0x1: {  	(tag) =	ssettag $0x0;
	lr =	simm.s32 $0x1  }
0x2: {  	[smem:$0x3F8F] =	sst lr;
	_ =	strace $0xD0000000  }
0x3: {  	_ = 	snop  }
0x4: {  	_ = 	snop  }
0x5: {  	_ = 	snop  }
0x6: {  	_ = 	snop  }
0x7: {  	_ = 	snop  }
__scs_overlays_trampoline_lowered:
0x8: {  	[smem:$0x3F9E] =	sst s0  }
0x9: {  	[smem:$0x3F9F] =	sst s1  }
0xa: {  	[smem:$0x3FA0] =	sst s2  }
0xb: {  	[smem:$0x3FA1] =	sst s3  }
0xc: {  	[smem:$0x3FA2] =	sst s4  }
0xd: {  	[smem:$0x3FA3] =	sst s5  }
0xe: {  	[smem:$0x3FA4] =	sst s6  }
0xf: {  	[smem:$0x3FA5] =	sst s7  }
0x10: {  	[smem:$0x3FA6] =	sst s8  }
0x11: {  	[smem:$0x3FA7] =	sst s9;
	s0 =	simm.s32 @!p0 $0x0  }
0x12: {  	s1 =	sld [smem:$0x3F8D];
	s0 =	simm.s32 @p0 $0x1  }
0x13: {  	[smem:$0x3FA8] =	sst s0;
	s0 =	simm.s32 @!p1 $0x0  }
0x14: {  	s2 =	sld [smem:$0x3F8C];
	s0 =	simm.s32 @p1 $0x1  }
0x15: {  	[smem:$0x3FA9] =	sst s0;
	s0 =	simm.s32 @!p2 $0x0  }
0x16: {  	s3 =	sld [smem:$0x3FDB];
	s0 =	simm.s32 @p2 $0x1  }
0x17: {  	s4 =	simm.s32 $0x1BF5;
	[smem:$0x3FAB] =	sst s0  }
0x18: {  	s0 =	sld [smem:$0x3F8E];
	_ =	swait.ge [sflag:s4], $0x0  }
0x19: {  	s7 =	sld [smem:$0x3F8F]  }
0x1a: {  	s8 =	sadd.s32 $0xFFFFE003, lr  }
0x1b: {  	s9 =	sadd.s32 $0xFFFFFEF7, lr;
	s5 =	simm.s32 $0xFFFFFFFF;
	p2 =	slt.u32 s8, $0xFFFFF086  }
0x1c: {  	p1 =	slt.u32 s9, $0xF7A;
	s5 =	simm.s32 @!p2 $0x0  }
0x1d: {  	s5 =	simm.s32 @p1 $0x1;
	p0 =	seq.s32 s7, s2  }
0x1e: {  	s7 =	smul.u32 @!p0 $0xF7A, s2;
	p2 =	seq.s32 @!p0 s5, $0x0  }
0x1f: {  	s9 =	smul.u32 $0xF7A, s1;
	s8 =	simm.s32 @!p0 $0x1BF5;
	p2 =	por !p2, p0  }
0x20: {  	[sflag:s8] =	ssyncset.s32 @!p0 $0xFFFFF086;
	s6 =	sadd.s32 @!p0 s3, s7;
	s7 =	simm.s32 @!p0 $0x108  }
0x21: {  	s3 =	sadd.s32 s3, s9;
	s6 =	sadd.s32 @!p0 $0x88, s6;
	s7 =	simm.s32 @p2 $0x1082  }
0x22: {  	[simem:s7], [sflag:s8] =	dma.local @!p0 [hbm:s6], $0xF7A  }
0x23: {  	s9 =	sor.u32 $0xD0000000, s2;
	s6 =	simm.s32 $0x108;
	_ =	swait.ge @!p0 [sflag:s8], $0x0  }
0x24: {  	s3 =	sadd.s32 $0x88, s3;
	s6 =	simm.s32 @!p1 $0x1082;
	[sflag:s4] =	ssyncset.s32 $0xFFFFF086  }
0x25: {  	[simem:s6], [sflag:s4] =	dma.local [hbm:s3], $0xF7A  }
0x26: {  	[smem:$0x3F8F] =	sst s1;
	(tag) =	ssettag s2;
	_ =	strace s9  }
0x27: {  	s1 =	sld [smem:$0x3F9F]  }
0x28: {  	s2 =	sld [smem:$0x3FA0]  }
0x29: {  	s4 =	sld [smem:$0x3FA2]  }
0x2a: {  	p0 =	seq.s32 s5, $0x0;
	s5 =	sld [smem:$0x3FA3]  }
0x2b: {  	s6 =	sld [smem:$0x3FA4]  }
0x2c: {  	s7 =	sld [smem:$0x3FA5]  }
0x2d: {  	s3 =	simm.s32 $0x108;
	s8 =	sld [smem:$0x3FA6]  }
0x2e: {  	s3 =	simm.s32 @!p0 $0x1082;
	s9 =	sld [smem:$0x3FA7]  }
0x2f: {  	lr =	sadd.s32 s0, s3;
	s0 =	sld [smem:$0x3F9E]  }
0x30: {  	s3 =	sld [smem:$0x3FA1]  }
0x31: {  	[smem:$0x3FAA] =	sst s10  }
0x32: {  	s10 =	sld [smem:$0x3FA8];
	_ =	sdelay $0x3  }
0x33: {  	p0 =	seq.s32 s10, $0x1;
	s10 =	sld [smem:$0x3FAA];
	_ =	sdelay $0x3  }
0x34: {  	[smem:$0x3FAA] =	sst s10  }
0x35: {  	s10 =	sld [smem:$0x3FA9];
	_ =	sdelay $0x3  }
0x36: {  	p1 =	seq.s32 s10, $0x1;
	s10 =	sld [smem:$0x3FAA];
	_ =	sdelay $0x3  }
0x37: {  	[smem:$0x3FAA] =	sst s10  }
0x38: {  	s10 =	sld [smem:$0x3FAB]  }
0x39: {  	_ = 	snop;
	(pc) =	sbr.ind lr, $3  }
0x3a: {  	_ = 	snop  }
0x3b: {  	_ = 	snop  }
0x3c: {  	p2 =	seq.s32 s10, $0x1;
	s10 =	sld [smem:$0x3FAA]  }
0x3d: {  	_ =	shalt  }
0x3e: {  	_ =	shalt  }
0x3f: {  	_ =	shalt  }
0x40: {  	_ =	shalt  }
0x41: {  	_ =	shalt  }
0x42: {  	_ =	shalt  }
0x43: {  	_ =	shalt  }
0x44: {  	_ =	shalt  }
0x45: {  	_ =	shalt  }
0x46: {  	_ =	shalt  }
0x47: {  	_ =	shalt  }
0x48: {  	_ =	shalt  }
0x49: {  	_ =	shalt  }
0x4a: {  	_ =	shalt  }
0x4b: {  	_ =	shalt  }
0x4c: {  	_ =	shalt  }
0x4d: {  	_ =	shalt  }
0x4e: {  	_ =	shalt  }
0x4f: {  	_ =	shalt  }
0x50: {  	_ =	shalt  }
0x51: {  	_ =	shalt  }
0x52: {  	_ =	shalt  }
0x53: {  	_ =	shalt  }
0x54: {  	_ =	shalt  }
0x55: {  	_ =	shalt  }
0x56: {  	_ =	shalt  }
0x57: {  	_ =	shalt  }
0x58: {  	_ =	shalt  }
0x59: {  	_ =	shalt  }
0x5a: {  	_ =	shalt  }
0x5b: {  	_ =	shalt  }
0x5c: {  	_ =	shalt  }
0x5d: {  	_ =	shalt  }
0x5e: {  	_ =	shalt  }
0x5f: {  	_ =	shalt  }
0x60: {  	_ =	shalt  }
0x61: {  	_ =	shalt  }
0x62: {  	_ =	shalt  }
0x63: {  	_ =	shalt  }
0x64: {  	_ =	shalt  }
0x65: {  	_ =	shalt  }
0x66: {  	_ =	shalt  }
0x67: {  	_ =	shalt  }
0x68: {  	_ =	shalt  }
0x69: {  	_ =	shalt  }
0x6a: {  	_ =	shalt  }
0x6b: {  	_ =	shalt  }
0x6c: {  	_ =	shalt  }
0x6d: {  	_ =	shalt  }
0x6e: {  	_ =	shalt  }
0x6f: {  	_ =	shalt  }
0x70: {  	_ =	shalt  }
0x71: {  	_ =	shalt  }
0x72: {  	_ =	shalt  }
0x73: {  	_ =	shalt  }
0x74: {  	_ =	shalt  }
0x75: {  	_ =	shalt  }
0x76: {  	_ =	shalt  }
0x77: {  	_ =	shalt  }
0x78: {  	_ =	shalt  }
0x79: {  	_ =	shalt  }
0x7a: {  	_ =	shalt  }
0x7b: {  	_ =	shalt  }
0x7c: {  	_ =	shalt  }
0x7d: {  	_ =	shalt  }
0x7e: {  	_ =	shalt  }
0x7f: {  	_ =	shalt  }
0x80: {  	_ =	shalt  }
0x81: {  	_ =	shalt  }
0x82: {  	_ =	shalt  }
0x83: {  	_ =	shalt  }
0x84: {  	_ =	shalt  }
0x85: {  	_ =	shalt  }
0x86: {  	_ =	shalt  }
0x87: {  	_ =	shalt  }
.Lfunc_end0:
.L_simem_size_0:
called_computation.4_lowered:
.L_overlay_start_0:
0x88: {  	s2 =	sld [smem:$0x3FD9]  }
0x89: {  	s3 =	sld [smem:$0x3FFE];
	_ =	sdelay $0x1  }
0x8a: {  	s1 =	srdreg.scid  }
0x8b: {  	s0 =	sand.u32 $0x1, s1  }
0x8c: {  	s17 =	sshll.u32 s0, $0xA;
	s2 =	sadd.s32 s3, s2  }
0x8d: {  	s2 =	sadd.s32 s2, s17  }
0x8e: {  	[smem:$0x3FB6] =	sst s2  }
0x8f: {  	_ = 	snop  }
0x90: {  	s18 =	sld [smem:$0x3FC7];
	(tm) =	ssettm $0x1  }
0x91: {  	s19 =	sld [smem:$0x3FFB];
	_ =	sdelay $0x3  }
0x92: {  	_ =	strace s19  }
0x93: {  	s2 =	sld [smem:$0x3FFC];
	_ =	sdelay $0x3  }
0x94: {  	_ =	strace s2  }
0x95: {  	s2 =	sld [smem:$0x3FFD];
	_ =	sdelay $0x3  }
0x96: {  	_ =	strace s2  }
0x97: {  	_ =	strace $0x8FFFFFFF  }
0x98: {  	s20 =	sld [smem:$0x3FDB];
	_ =	sdelay $0x1  }
0x99: {  	s4 =	simm.s32 $_scs_section_size  }
0x9a: {  	s5 =	simm.s32 $_size__tile_overlayer_lowered;
	s6 =	simm.s32 $_tile_overlayer_lowered  }
0x9b: {  	s7 =	simm.s32 $0x1BFF;
	s21 =	sshll.u32 s6, $0x1;
	s4 =	sadd.s32 s4, s20  }
0x9c: {  	s22 =	simm.s32 $0x0;
	s5 =	sshll.u32 s5, $0x1;
	s6 =	sadd.s32 s21, s4  }
0x9d: {  	[timem:s22], [sflag:s7] =	dma.local [hbm:s6], s5  }
0x9e: {  	_ =	swait.ge [sflag:s7], s5  }
0x9f: {  	s5 =	ssub.s32 $0x0, s5;
	[sflag:s7] =	ssyncset.done $0x0  }
0xa0: {  	[sflag:s7] =	ssyncadd.s32 s5;
	_ =	sdelay $0x1  }
0xa1: {  	s23 =	simm.s32 $0x1B8B  }
0xa2: {  	_ =	swait.ge [sflag:s23], $0x1  }
0xa3: {  	[sflag:s23] =	ssyncset.done $0x0  }
0xa4: {  	[sflag:s23] =	ssyncadd.s32 $0xFFFFFFFF  }
0xa5: {  	s5 =	sld [smem:$0x0]  }
0xa6: {  	s6 =	sand.u32 $0xFFFFFFFE, s1  }
0xa7: {  	p0 =	sne.s32 s1, s6  }
0xa8: {  	s6 =	sshll.u32 @p0 s6, $0xE  }
0xa9: {  	s6 =	sadd.s32 @p0 $0x11B8D, s6;
	s7 =	sshll.u32 @p0 s5, $0x11  }
0xaa: {  	s6 =	sor.u32 @p0 s7, s6  }
0xab: {  	[sflag:s6] =	ssyncadd.remote.s32 @p0 $0x1;
	_ =	sdelay $0x1  }
0xac: {  	s6 =	simm.s32 @p0 $0x1B8D  }
0xad: {  	_ =	swait.eq @p0 [sflag:s6], $0x1  }
0xae: {  	[sflag:s6] =	ssyncadd.s32 @p0 $0xFFFFFFFF  }
0xaf: {  	s7 =	sshll.u32 @!p0 s1, $0xE  }
0xb0: {  	s7 =	sor.u32 @!p0 $0x4000, s7;
	s6 =	simm.s32 @!p0 $0x1B8D  }
0xb1: {  	s5 =	sshll.u32 @!p0 s5, $0x11;
	s7 =	sadd.s32 @!p0 $0x11B8D, s7;
	_ =	swait.eq @!p0 [sflag:s6], $0x1  }
0xb2: {  	s5 =	sor.u32 @!p0 s5, s7;
	[sflag:s6] =	ssyncadd.s32 @!p0 $0xFFFFFFFF  }
0xb3: {  	s25 =	simm.s32 $0x1B8E;
	s24 =	sld [smem:$0x3FFE];
	[sflag:s5] =	ssyncadd.remote.s32 @!p0 $0x1  }
0xb4: {  	s26 =	simm.s32 $execute0_lowered;
	[smem:$0x3FD2] =	sst s25  }
0xb5: {  	s6 =	sshll.u32 s26, $0x1;
	_ =	strace $0x80000055;
	[dreg:$0x1] =	wrdreg $0xFFFFFFFF  }
0xb6: {  	s28 =	simm.s32 $_size_execute0_lowered;
	s4 =	sadd.s32 s4, s6;
	[dreg:$0x0] =	wrdreg $0x0  }
0xb7: {  	s6 =	sshll.u32 s28, $0x1;
	[dreg:$0x2] =	wrdreg s4  }
0xb8: {  	[dreg:$0x3] =	wrdreg s6  }
0xb9: {  	[dreg:$0x4] =	wrdreg $0xC0  }
0xba: {  	_ =	task [dreg:s22], $0x5FFFF  }
0xbb: {  	[dreg:$0x1] =	wrdreg $0xFFFFFFFF  }
0xbc: {  	[dreg:$0x0] =	wrdreg $0x60  }
0xbd: {  	[dreg:$0x2] =	wrdreg s24  }
0xbe: {  	[dreg:$0x3] =	wrdreg s18  }
0xbf: {  	[dreg:$0x4] =	wrdreg $0x82000  }
0xc0: {  	[dreg:$0x5] =	wrdreg $0x9  }
0xc1: {  	_ =	task.clear_ibuf [dreg:s22], $0x6FFFF;
	_ =	strace $0x90000055  }
0xc2: {  	s29 =	simm.s32 $0x9;
	_ =	strace $0x80000057  }
0xc3: {  	_ =	swait.ge [sflag:s29], $0x1  }
0xc4: {  	[sflag:s29] =	ssyncadd.s32 $0xFFFFFFFF  }
0xc5: {  	_ =	strace $0x90000057  }
0xc6: {  	_ =	sfence  }
0xc7: {  	s30 =	sld [smem:$0x0];
	_ =	sdelay $0x2  }
0xc8: {  	s31 =	sshll.u32 s1, $0xD;
	s1 =	sshrl.u32 s1, $0x2  }
0xc9: {  	s4 =	sand.u32 $0x4000, s31;
	s1 =	sadd.s32 s1, s30  }
0xca: {  	s0 =	sor.u32 s4, s0;
	s1 =	sshll.u32 s1, $0x11  }
0xcb: {  	s0 =	sor.u32 s1, s0  }
0xcc: {  	s0 =	sadd.s32 $0x8F2B, s0  }
0xcd: {  	[sflag:s0] =	ssyncadd.remote.s32 $0x1  }
0xce: {  	_ =	sfence.sel $0xFFFF  }
0xcf: {  	[dreg:$0x0] =	wrdreg $0xFFFFFFFF;
	(pc) =	sbr.abs _section_cstart, $3  }
0xd0: {  	[dreg:$0x1] =	wrdreg $0xFFFFFFFF  }
0xd1: {  	_ =	task.clear_ibuf [dreg:s22], $0x2FFFF;
	_ =	strace $0x9FFFFFFF  }
0xd2: {  	(tm) =	ssettm $0x7FFFFFFF  }
0xd3: {  	_ =	shalt  }
tec
execute0_lowered:
.L_overlay_start_1:
0x0: {  	(tag) =	ssettag $0x1  }
0x1: {  	s7 =	rddreg [dreg:$0x0]  }
0x2: {  	s1 =	rddreg [dreg:$0x1]  }
0x3: {  	s2 =	rddreg [dreg:$0x2];
	s3 =	srdreg.scid  }
0x4: {  	s13 =	stileid.u32;
	s0 =	rddreg [dreg:$0x3];
	s17 =	simm.s32 $0x100  }
0x5: {  	s18 =	simm.s32 $0x4200;
	s19 =	simm.s32 $0x3;
	s20 =	simm.s32 $0x5  }
0x6: {  	s21 =	simm.s32 $0x2;
	s22 =	simm.s32 $0x180;
	s23 =	simm.s32 $0x4  }
0x7: {  	s24 =	simm.s32 $0x0;
	s8 =	sand.u32 $0x1, s3;
	s4 =	sshll.u32 s13, $0x1  }
0x8: {  	s3 =	simm.s32 $0x0;
	s12 =	sadd.s32 $0x9000, s7;
	s14 =	smul.u32 $0xA0000, s13  }
0x9: {  	s6 =	sadd.s32 $0x1E9800, s7;
	p0 =	sne.s32 s13, $0x0;
	s9 =	smul.u32 $0x280, s8  }
0xa: {  	s13 =	simm.s32 $0x200;
	s5 =	sor.u32 s8, s4;
	s16 =	smul.u32 $0x50000, s8  }
0xb: {  	[smem:$0x7FF] =	sst s3;
	s11 =	ssub.s32 $0x2, s8;
	s4 =	smul.u32 $0xC00, s5  }
0xc: {  	_ =	strace $0x80000056;
	s10 =	smul.u32 $0xA000, s5;
	s15 =	sshrl.u32 s11, $0x1  }
0xd: {  	s5 =	sadd.s32 $0x23C000, s7;
	s9 =	sadd.s32 s9, s7;
	s11 =	ssub.s32 s11, s15  }
0xe: {  	s28 =	sadd.s32 s16, s14;
	s15 =	simm.s32 $0x1;
	s16 =	simm.s32 $0x80  }
0xf: {  	s26 =	sshrl.u32 s4, $0x3;
	s8 =	sadd.s32 s12, s10;
	s9 =	sadd.s32 $0x217600, s9  }
0x10: {  	s14 =	sor.u32 $0x4000, s28;
	s29 =	sor.u32 $0x8000, s28;
	s10 =	smax.u32 s11, $0x1  }
0x11: {  	s7 =	sadd.s32 s5, s26;
	s30 =	sshrl.u32 s14, $0x3;
	s31 =	sshrl.u32 s29, $0x3  }
0x12: {  	s14 =	sshrl.u32 @!p0 s2, $0x3;
	s11 =	sadd.s32 s30, s12;
	s12 =	sadd.s32 s31, s12  }
.LBB2_1:
0x13: {  	[tilespmem:s3], [sflag:$0x1] =	stream.linear.gather [hbm4b:s7+s3], $0x80, $0x38;
	[tilespmem:$0x8340] =	vst v63  }
0x14: {  	s25 =	simm.s32 @!p0 $0x1C06  }
0x15: {  	[tilespmem:s13], [sflag:$0x1] =	stream.linear.gather [hbm4b:s8+s3], $0x4000, $0x38;
	[tilespmem:$0x8340] =	vst v63  }
0x16: {  	[spmem:s14], [sflag:s25] =	dma.local @!p0 [hbm:s6], $0x280  }
0x17: {  	s25 =	simm.s32 @!p0 $0x6  }
0x18: {  	_ =	swait.ge @!p0 [sflag:s25], $0x280  }
0x19: {  	[sflag:s25] =	ssyncset.done @!p0 $0x0  }
0x1a: {  	[sflag:s25] =	ssyncadd.s32 @!p0 $0xFFFFFD80  }
0x1b: {  	[bflag:$0x0] =	sbarrier.arrive $0xFFFF  }
0x1c: {  	_ =	swait.ge [sflag:s15], $0x80  }
0x1d: {  	[sflag:s15] =	ssyncset.done $0x0  }
0x1e: {  	s31 =	sand.u32 $0xC00, s3;
	s26 =	simm.s32 $0x80;
	[sflag:s15] =	ssyncadd.s32 $0xFFFFFF80  }
0x1f: {  	s26 =	sand.u32 $0x380, s26;
	s25 =	sadd.s32 s4, s31;
	_ =	swait.ge [sflag:s15], $0x4000  }
0x20: {  	s25 =	sor.u32 s25, s26;
	[sflag:s15] =	ssyncset.done $0x0  }
0x21: {  	s25 =	sshrl.u32 s25, $0x3;
	[sflag:s15] =	ssyncadd.s32 $0xFFFFC000  }
0x22: {  	[tilespmem:s17], [sflag:$0x3] =	stream.indirect.gather [hbm4b:s1+s16], $0x1, s3, s16, $0xb8;
	[tilespmem:$0x8340] =	vst v63  }
0x23: {  	s25 =	sadd.s32 s5, s25  }
0x24: {  	[tilespmem:s16], [sflag:$0x2] =	stream.linear.gather [hbm4b:s25+s3], $0x80, $0x38;
	[tilespmem:$0x8340] =	vst v63  }
0x25: {  	_ = 	snop  }
0x26: {  	[tilespmem:s18], [sflag:$0x2] =	stream.linear.gather [hbm4b:s11+s3], $0x4000, $0x38;
	[tilespmem:$0x8340] =	vst v63  }
0x27: {  	_ =	swait.ge [sflag:s19], $0x80  }
0x28: {  	[sflag:s19] =	ssyncset.done $0x0  }
0x29: {  	[sflag:s19] =	ssyncadd.s32 $0xFFFFFF80  }
0x2a: {  	[spmem:s2] =	stream.indirect.scatter.add.f32 [tilespmem:s13], [sflag:$0x5], $0x80, s17, s16, $0xb8;
	[tilespmem:$0x8340] =	vst v63  }
0x2b: {  	_ =	swait.ge [sflag:s20], $0x4000  }
0x2c: {  	[sflag:s20] =	ssyncset.done $0x0  }
0x2d: {  	[sflag:s20] =	ssyncadd.s32 $0xFFFFC000  }
0x2e: {  	p1 =	por $0x0, $0x0;
	_ =	swait.ge [sflag:s21], $0x80  }
0x2f: {  	s25 =	simm.s32 @!p1 $0x100;
	[sflag:s21] =	ssyncset.done $0x0  }
0x30: {  	s26 =	sand.u32 @!p1 $0x1C00, s25;
	[sflag:s21] =	ssyncadd.s32 $0xFFFFFF80  }
0x31: {  	s25 =	sand.u32 @!p1 $0x300, s25;
	s26 =	sadd.s32 @!p1 s4, s26;
	_ =	swait.ge [sflag:s21], $0x4000  }
0x32: {  	s25 =	sor.u32 @!p1 s25, s26;
	[sflag:s21] =	ssyncset.done $0x0  }
0x33: {  	s25 =	sshrl.u32 @!p1 s25, $0x3;
	[sflag:s21] =	ssyncadd.s32 $0xFFFFC000  }
0x34: {  	[tilespmem:s22], [sflag:$0x4] =	stream.indirect.gather [hbm4b:s1+s16], $0x1, s16, s16, $0xb8;
	[tilespmem:$0x8340] =	vst v63  }
0x35: {  	s26 =	simm.s32 @!p1 $0x0;
	s25 =	sadd.s32 @!p1 s5, s25  }
0x36: {  	[tilespmem:s26], [sflag:$0x1] =	stream.linear.gather @!p1 [hbm4b:s25+s26], $0x80, $0x38;
	[tilespmem:$0x8340] =	vst v63  }
0x37: {  	s25 =	simm.s32 @!p1 $0x200  }
0x38: {  	[tilespmem:s25], [sflag:$0x1] =	stream.linear.gather @!p1 [hbm4b:s12+s26], $0x4000, $0x38;
	[tilespmem:$0x8340] =	vst v63  }
0x39: {  	_ =	swait.ge [sflag:s23], $0x80  }
0x3a: {  	[sflag:s23] =	ssyncset.done $0x0  }
0x3b: {  	s28 =	smov.u32 s11;
	[sflag:s23] =	ssyncadd.s32 $0xFFFFFF80  }
0x3c: {  	[spmem:s2] =	stream.indirect.scatter.add.f32 [tilespmem:s18], [sflag:$0x5], $0x80, s22, s16, $0xb8;
	[tilespmem:$0x8340] =	vst v63  }
0x3d: {  	s25 =	simm.s32 $0x100;
	s26 =	sadd.s32 $0x1000, s12;
	_ =	swait.ge [sflag:s20], $0x4000  }
.LBB2_2:
0x3e: {  	[sflag:s20] =	ssyncset.done $0x0  }
0x3f: {  	s28 =	sadd.s32 $0x1000, s28;
	s29 =	smov.u32 s25;
	s25 =	sadd.s32 $0x100, s25  }
0x40: {  	p1 =	sne.s32 s25, $0xA00;
	[sflag:s20] =	ssyncadd.s32 $0xFFFFC000  }
0x41: {  	_ =	swait.ge [sflag:s15], $0x80  }
0x42: {  	[sflag:s15] =	ssyncset.done $0x0  }
0x43: {  	s30 =	sand.u32 $0xC00, s29;
	s31 =	sadd.s32 $0x80, s29;
	[sflag:s15] =	ssyncadd.s32 $0xFFFFFF80  }
0x44: {  	s30 =	sadd.s32 s4, s30;
	s31 =	sand.u32 $0x380, s31;
	_ =	swait.ge [sflag:s15], $0x4000  }
0x45: {  	s30 =	sor.u32 s30, s31;
	[sflag:s15] =	ssyncset.done $0x0  }
0x46: {  	s30 =	sshrl.u32 s30, $0x3;
	[sflag:s15] =	ssyncadd.s32 $0xFFFFC000  }
0x47: {  	[tilespmem:s17], [sflag:$0x3] =	stream.indirect.gather [hbm4b:s1+s16], $0x1, s3, s16, $0xb8;
	[tilespmem:$0x8340] =	vst v63  }
0x48: {  	s30 =	sadd.s32 s5, s30  }
0x49: {  	[tilespmem:s16], [sflag:$0x2] =	stream.linear.gather [hbm4b:s30+s3], $0x80, $0x38;
	[tilespmem:$0x8340] =	vst v63  }
0x4a: {  	_ = 	snop  }
0x4b: {  	[tilespmem:s18], [sflag:$0x2] =	stream.linear.gather [hbm4b:s28+s3], $0x4000, $0x38;
	[tilespmem:$0x8340] =	vst v63  }
0x4c: {  	_ =	swait.ge [sflag:s19], $0x80  }
0x4d: {  	[sflag:s19] =	ssyncset.done $0x0  }
0x4e: {  	[sflag:s19] =	ssyncadd.s32 $0xFFFFFF80  }
0x4f: {  	[spmem:s2] =	stream.indirect.scatter.add.f32 [tilespmem:s13], [sflag:$0x5], $0x80, s17, s16, $0xb8;
	[tilespmem:$0x8340] =	vst v63  }
0x50: {  	_ =	swait.ge [sflag:s20], $0x4000  }
0x51: {  	[sflag:s20] =	ssyncset.done $0x0  }
0x52: {  	[sflag:s20] =	ssyncadd.s32 $0xFFFFC000  }
0x53: {  	p2 =	seq.s32 s29, $0x900;
	_ =	swait.ge [sflag:s21], $0x80  }
0x54: {  	s29 =	sadd.s32 @!p2 $0x100, s29;
	[sflag:s21] =	ssyncset.done $0x0  }
0x55: {  	s30 =	sand.u32 @!p2 $0x1C00, s29;
	s29 =	sand.u32 @!p2 $0x300, s29;
	[sflag:s21] =	ssyncadd.s32 $0xFFFFFF80  }
0x56: {  	s30 =	sadd.s32 @!p2 s4, s30;
	_ =	swait.ge [sflag:s21], $0x4000  }
0x57: {  	s29 =	sor.u32 @!p2 s29, s30;
	[sflag:s21] =	ssyncset.done $0x0  }
0x58: {  	s30 =	simm.s32 @!p2 $0x0;
	s29 =	sshrl.u32 @!p2 s29, $0x3;
	[sflag:s21] =	ssyncadd.s32 $0xFFFFC000  }
0x59: {  	[tilespmem:s22], [sflag:$0x4] =	stream.indirect.gather [hbm4b:s1+s16], $0x1, s16, s16, $0xb8;
	[tilespmem:$0x8340] =	vst v63  }
0x5a: {  	s31 =	simm.s32 @!p2 $0x200;
	s29 =	sadd.s32 @!p2 s5, s29  }
0x5b: {  	[tilespmem:s30], [sflag:$0x1] =	stream.linear.gather @!p2 [hbm4b:s29+s30], $0x80, $0x38;
	[tilespmem:$0x8340] =	vst v63  }
0x5c: {  	_ = 	snop  }
0x5d: {  	[tilespmem:s31], [sflag:$0x1] =	stream.linear.gather @!p2 [hbm4b:s26+s30], $0x4000, $0x38;
	[tilespmem:$0x8340] =	vst v63  }
.Ltmp0:
0x5e: {  	_ =	swait.ge [sflag:s23], $0x80;
	(pc) =	sbr.rel @p1 .LBB2_2-.Ltmp0, $4  }
0x5f: {  	[sflag:s23] =	ssyncset.done $0x0  }
0x60: {  	[sflag:s23] =	ssyncadd.s32 $0xFFFFFF80  }
0x61: {  	[spmem:s2] =	stream.indirect.scatter.add.f32 [tilespmem:s18], [sflag:$0x5], $0x80, s22, s16, $0xb8;
	[tilespmem:$0x8340] =	vst v63  }
0x62: {  	s26 =	sadd.s32 $0x1000, s26;
	_ =	swait.ge [sflag:s20], $0x4000  }
0x63: {  	[sflag:s20] =	ssyncset.done $0x0  }
0x64: {  	s24 =	sadd.s32 $0x1, s24;
	[sflag:s20] =	ssyncadd.s32 $0xFFFFC000  }
0x65: {  	s25 =	simm.s32 @!p0 $0x1C06;
	p1 =	sne.s32 s24, s10;
	[bflag:$0x0] =	sbarrier.arrive $0xFFFF  }
0x66: {  	[hbm:s9], [sflag:s25] =	dma.local @!p0 [spmem:s14], $0x280  }
.Ltmp1:
0x67: {  	_ = 	snop;
	(pc) =	sbr.rel @p1 .LBB2_1-.Ltmp1, $4  }
0x68: {  	s25 =	simm.s32 @!p0 $0x6  }
0x69: {  	_ =	swait.ge @!p0 [sflag:s25], $0x280  }
0x6a: {  	[sflag:s25] =	ssyncset.done @!p0 $0x0  }
0x6b: {  	[sflag:s25] =	ssyncadd.s32 @!p0 $0xFFFFFD80  }
0x6c: {  	_ =	sfence.sel $0x180000  }
0x6d: {  	[bflag:$0x0] =	sbarrier.arrive $0xFFFF  }
0x6e: {  	_ =	strace $0x90000056  }
0x6f: {  	s0 =	sadd.s32 @!p0 $0x100000, s0;
	[bflag:$0x2] =	sbarrier.arrive $0xFFFF  }
0x70: {  	[sflag:s0] =	ssyncadd.tile.s32 @!p0 $0x1;
	_ =	shalt  }
.Lfunc_end2:
_tile_overlayer_lowered:
.L_overlay_start_2:
0x71: {  	(tag) =	ssettag $0x2  }
0x72: {  	s0 =	rddreg [dreg:$0x0];
	s2 =	stileid.u32  }
0x73: {  	s1 =	rddreg [dreg:$0x1];
	p0 =	sne.s32 s2, $0x0  }
0x74: {  	s3 =	rddreg [dreg:$0x2];
	[bflag:$0x3] =	sbarrier.arrive $0xFFFF;
	s2 =	simm.s32 @!p0 $0x1C06  }
0x75: {  	[timem:s3], [sflag:s2] =	dma.local @!p0 [hbm:s0], s1  }
0x76: {  	s0 =	simm.s32 @!p0 $0x6  }
0x77: {  	_ =	swait.ge @!p0 [sflag:s0], s1  }
0x78: {  	s1 =	ssub.s32 @!p0 $0x0, s1;
	[sflag:s0] =	ssyncset.done @!p0 $0x0  }
0x79: {  	[sflag:s0] =	ssyncadd.s32 @!p0 s1  }
0x7a: {  	[bflag:$0x3] =	sbarrier.arrive $0xFFFF  }
0x7b: {  	_ =	shalt  }

// kernel: kernel.29.cloned.1.call-start
scs
__scs_entry_jumppad:
0x0: {  	(pc) =	sbr.rel $0x88, $3  }
0x1: {  	(tag) =	ssettag $0x0;
	lr =	simm.s32 $0x1  }
0x2: {  	[smem:$0x3F8F] =	sst lr;
	_ =	strace $0xD0000000  }
0x3: {  	_ = 	snop  }
0x4: {  	_ = 	snop  }
0x5: {  	_ = 	snop  }
0x6: {  	_ = 	snop  }
0x7: {  	_ = 	snop  }
__scs_overlays_trampoline_lowered:
0x8: {  	[smem:$0x3F9E] =	sst s0  }
0x9: {  	[smem:$0x3F9F] =	sst s1  }
0xa: {  	[smem:$0x3FA0] =	sst s2  }
0xb: {  	[smem:$0x3FA1] =	sst s3  }
0xc: {  	[smem:$0x3FA2] =	sst s4  }
0xd: {  	[smem:$0x3FA3] =	sst s5  }
0xe: {  	[smem:$0x3FA4] =	sst s6  }
0xf: {  	[smem:$0x3FA5] =	sst s7  }
0x10: {  	[smem:$0x3FA6] =	sst s8  }
0x11: {  	[smem:$0x3FA7] =	sst s9;
	s0 =	simm.s32 @!p0 $0x0  }
0x12: {  	s1 =	sld [smem:$0x3F8D];
	s0 =	simm.s32 @p0 $0x1  }
0x13: {  	[smem:$0x3FA8] =	sst s0;
	s0 =	simm.s32 @!p1 $0x0  }
0x14: {  	s2 =	sld [smem:$0x3F8C];
	s0 =	simm.s32 @p1 $0x1  }
0x15: {  	[smem:$0x3FA9] =	sst s0;
	s0 =	simm.s32 @!p2 $0x0  }
0x16: {  	s3 =	sld [smem:$0x3FDB];
	s0 =	simm.s32 @p2 $0x1  }
0x17: {  	s4 =	simm.s32 $0x1BF5;
	[smem:$0x3FAB] =	sst s0  }
0x18: {  	s0 =	sld [smem:$0x3F8E];
	_ =	swait.ge [sflag:s4], $0x0  }
0x19: {  	s7 =	sld [smem:$0x3F8F]  }
0x1a: {  	s8 =	sadd.s32 $0xFFFFE003, lr  }
0x1b: {  	s9 =	sadd.s32 $0xFFFFFEF7, lr;
	s5 =	simm.s32 $0xFFFFFFFF;
	p2 =	slt.u32 s8, $0xFFFFF086  }
0x1c: {  	p1 =	slt.u32 s9, $0xF7A;
	s5 =	simm.s32 @!p2 $0x0  }
0x1d: {  	s5 =	simm.s32 @p1 $0x1;
	p0 =	seq.s32 s7, s2  }
0x1e: {  	s7 =	smul.u32 @!p0 $0xF7A, s2;
	p2 =	seq.s32 @!p0 s5, $0x0  }
0x1f: {  	s9 =	smul.u32 $0xF7A, s1;
	s8 =	simm.s32 @!p0 $0x1BF5;
	p2 =	por !p2, p0  }
0x20: {  	[sflag:s8] =	ssyncset.s32 @!p0 $0xFFFFF086;
	s6 =	sadd.s32 @!p0 s3, s7;
	s7 =	simm.s32 @!p0 $0x108  }
0x21: {  	s3 =	sadd.s32 s3, s9;
	s6 =	sadd.s32 @!p0 $0x88, s6;
	s7 =	simm.s32 @p2 $0x1082  }
0x22: {  	[simem:s7], [sflag:s8] =	dma.local @!p0 [hbm:s6], $0xF7A  }
0x23: {  	s9 =	sor.u32 $0xD0000000, s2;
	s6 =	simm.s32 $0x108;
	_ =	swait.ge @!p0 [sflag:s8], $0x0  }
0x24: {  	s3 =	sadd.s32 $0x88, s3;
	s6 =	simm.s32 @!p1 $0x1082;
	[sflag:s4] =	ssyncset.s32 $0xFFFFF086  }
0x25: {  	[simem:s6], [sflag:s4] =	dma.local [hbm:s3], $0xF7A  }
0x26: {  	[smem:$0x3F8F] =	sst s1;
	(tag) =	ssettag s2;
	_ =	strace s9  }
0x27: {  	s1 =	sld [smem:$0x3F9F]  }
0x28: {  	s2 =	sld [smem:$0x3FA0]  }
0x29: {  	s4 =	sld [smem:$0x3FA2]  }
0x2a: {  	p0 =	seq.s32 s5, $0x0;
	s5 =	sld [smem:$0x3FA3]  }
0x2b: {  	s6 =	sld [smem:$0x3FA4]  }
0x2c: {  	s7 =	sld [smem:$0x3FA5]  }
0x2d: {  	s3 =	simm.s32 $0x108;
	s8 =	sld [smem:$0x3FA6]  }
0x2e: {  	s3 =	simm.s32 @!p0 $0x1082;
	s9 =	sld [smem:$0x3FA7]  }
0x2f: {  	lr =	sadd.s32 s0, s3;
	s0 =	sld [smem:$0x3F9E]  }
0x30: {  	s3 =	sld [smem:$0x3FA1]  }
0x31: {  	[smem:$0x3FAA] =	sst s10  }
0x32: {  	s10 =	sld [smem:$0x3FA8];
	_ =	sdelay $0x3  }
0x33: {  	p0 =	seq.s32 s10, $0x1;
	s10 =	sld [smem:$0x3FAA];
	_ =	sdelay $0x3  }
0x34: {  	[smem:$0x3FAA] =	sst s10  }
0x35: {  	s10 =	sld [smem:$0x3FA9];
	_ =	sdelay $0x3  }
0x36: {  	p1 =	seq.s32 s10, $0x1;
	s10 =	sld [smem:$0x3FAA];
	_ =	sdelay $0x3  }
0x37: {  	[smem:$0x3FAA] =	sst s10  }
0x38: {  	s10 =	sld [smem:$0x3FAB]  }
0x39: {  	_ = 	snop;
	(pc) =	sbr.ind lr, $3  }
0x3a: {  	_ = 	snop  }
0x3b: {  	_ = 	snop  }
0x3c: {  	p2 =	seq.s32 s10, $0x1;
	s10 =	sld [smem:$0x3FAA]  }
0x3d: {  	_ =	shalt  }
0x3e: {  	_ =	shalt  }
0x3f: {  	_ =	shalt  }
0x40: {  	_ =	shalt  }
0x41: {  	_ =	shalt  }
0x42: {  	_ =	shalt  }
0x43: {  	_ =	shalt  }
0x44: {  	_ =	shalt  }
0x45: {  	_ =	shalt  }
0x46: {  	_ =	shalt  }
0x47: {  	_ =	shalt  }
0x48: {  	_ =	shalt  }
0x49: {  	_ =	shalt  }
0x4a: {  	_ =	shalt  }
0x4b: {  	_ =	shalt  }
0x4c: {  	_ =	shalt  }
0x4d: {  	_ =	shalt  }
0x4e: {  	_ =	shalt  }
0x4f: {  	_ =	shalt  }
0x50: {  	_ =	shalt  }
0x51: {  	_ =	shalt  }
0x52: {  	_ =	shalt  }
0x53: {  	_ =	shalt  }
0x54: {  	_ =	shalt  }
0x55: {  	_ =	shalt  }
0x56: {  	_ =	shalt  }
0x57: {  	_ =	shalt  }
0x58: {  	_ =	shalt  }
0x59: {  	_ =	shalt  }
0x5a: {  	_ =	shalt  }
0x5b: {  	_ =	shalt  }
0x5c: {  	_ =	shalt  }
0x5d: {  	_ =	shalt  }
0x5e: {  	_ =	shalt  }
0x5f: {  	_ =	shalt  }
0x60: {  	_ =	shalt  }
0x61: {  	_ =	shalt  }
0x62: {  	_ =	shalt  }
0x63: {  	_ =	shalt  }
0x64: {  	_ =	shalt  }
0x65: {  	_ =	shalt  }
0x66: {  	_ =	shalt  }
0x67: {  	_ =	shalt  }
0x68: {  	_ =	shalt  }
0x69: {  	_ =	shalt  }
0x6a: {  	_ =	shalt  }
0x6b: {  	_ =	shalt  }
0x6c: {  	_ =	shalt  }
0x6d: {  	_ =	shalt  }
0x6e: {  	_ =	shalt  }
0x6f: {  	_ =	shalt  }
0x70: {  	_ =	shalt  }
0x71: {  	_ =	shalt  }
0x72: {  	_ =	shalt  }
0x73: {  	_ =	shalt  }
0x74: {  	_ =	shalt  }
0x75: {  	_ =	shalt  }
0x76: {  	_ =	shalt  }
0x77: {  	_ =	shalt  }
0x78: {  	_ =	shalt  }
0x79: {  	_ =	shalt  }
0x7a: {  	_ =	shalt  }
0x7b: {  	_ =	shalt  }
0x7c: {  	_ =	shalt  }
0x7d: {  	_ =	shalt  }
0x7e: {  	_ =	shalt  }
0x7f: {  	_ =	shalt  }
0x80: {  	_ =	shalt  }
0x81: {  	_ =	shalt  }
0x82: {  	_ =	shalt  }
0x83: {  	_ =	shalt  }
0x84: {  	_ =	shalt  }
0x85: {  	_ =	shalt  }
0x86: {  	_ =	shalt  }
0x87: {  	_ =	shalt  }
.Lfunc_end0:
.L_simem_size_0:
called_computation.5_lowered:
.L_overlay_start_0:
0x88: {  	s2 =	sld [smem:$0x3FD9]  }
0x89: {  	s3 =	sld [smem:$0x3FFE];
	_ =	sdelay $0x1  }
0x8a: {  	s1 =	srdreg.scid  }
0x8b: {  	s0 =	sand.u32 $0x1, s1  }
0x8c: {  	s17 =	sshll.u32 s0, $0xA;
	s2 =	sadd.s32 s3, s2  }
0x8d: {  	s2 =	sadd.s32 s2, s17  }
0x8e: {  	[smem:$0x3FB6] =	sst s2  }
0x8f: {  	_ = 	snop  }
0x90: {  	s18 =	sld [smem:$0x3FC7];
	(tm) =	ssettm $0x1  }
0x91: {  	s19 =	sld [smem:$0x3FFB];
	_ =	sdelay $0x3  }
0x92: {  	_ =	strace s19  }
0x93: {  	s2 =	sld [smem:$0x3FFC];
	_ =	sdelay $0x3  }
0x94: {  	_ =	strace s2  }
0x95: {  	s2 =	sld [smem:$0x3FFD];
	_ =	sdelay $0x3  }
0x96: {  	_ =	strace s2  }
0x97: {  	_ =	strace $0x8FFFFFFF  }
0x98: {  	s20 =	sld [smem:$0x3FDB];
	_ =	sdelay $0x1  }
0x99: {  	s4 =	simm.s32 $_scs_section_size  }
0x9a: {  	s5 =	simm.s32 $_size__tile_overlayer_lowered;
	s6 =	simm.s32 $_tile_overlayer_lowered  }
0x9b: {  	s7 =	simm.s32 $0x1BFF;
	s21 =	sshll.u32 s6, $0x1;
	s4 =	sadd.s32 s4, s20  }
0x9c: {  	s22 =	simm.s32 $0x0;
	s5 =	sshll.u32 s5, $0x1;
	s6 =	sadd.s32 s21, s4  }
0x9d: {  	[timem:s22], [sflag:s7] =	dma.local [hbm:s6], s5  }
0x9e: {  	_ =	swait.ge [sflag:s7], s5  }
0x9f: {  	s5 =	ssub.s32 $0x0, s5;
	[sflag:s7] =	ssyncset.done $0x0  }
0xa0: {  	[sflag:s7] =	ssyncadd.s32 s5;
	_ =	sdelay $0x1  }
0xa1: {  	s23 =	simm.s32 $0x1B8B  }
0xa2: {  	_ =	swait.ge [sflag:s23], $0x1  }
0xa3: {  	[sflag:s23] =	ssyncset.done $0x0  }
0xa4: {  	[sflag:s23] =	ssyncadd.s32 $0xFFFFFFFF  }
0xa5: {  	s5 =	sld [smem:$0x0]  }
0xa6: {  	s6 =	sand.u32 $0xFFFFFFFE, s1  }
0xa7: {  	p0 =	sne.s32 s1, s6  }
0xa8: {  	s6 =	sshll.u32 @p0 s6, $0xE  }
0xa9: {  	s6 =	sadd.s32 @p0 $0x11B8D, s6;
	s7 =	sshll.u32 @p0 s5, $0x11  }
0xaa: {  	s6 =	sor.u32 @p0 s7, s6  }
0xab: {  	[sflag:s6] =	ssyncadd.remote.s32 @p0 $0x1;
	_ =	sdelay $0x1  }
0xac: {  	s6 =	simm.s32 @p0 $0x1B8D  }
0xad: {  	_ =	swait.eq @p0 [sflag:s6], $0x1  }
0xae: {  	[sflag:s6] =	ssyncadd.s32 @p0 $0xFFFFFFFF  }
0xaf: {  	s7 =	sshll.u32 @!p0 s1, $0xE  }
0xb0: {  	s7 =	sor.u32 @!p0 $0x4000, s7;
	s6 =	simm.s32 @!p0 $0x1B8D  }
0xb1: {  	s5 =	sshll.u32 @!p0 s5, $0x11;
	s7 =	sadd.s32 @!p0 $0x11B8D, s7;
	_ =	swait.eq @!p0 [sflag:s6], $0x1  }
0xb2: {  	s5 =	sor.u32 @!p0 s5, s7;
	[sflag:s6] =	ssyncadd.s32 @!p0 $0xFFFFFFFF  }
0xb3: {  	s25 =	simm.s32 $0x1B8E;
	s24 =	sld [smem:$0x3FFE];
	[sflag:s5] =	ssyncadd.remote.s32 @!p0 $0x1  }
0xb4: {  	s26 =	simm.s32 $execute0_lowered;
	[smem:$0x3FD2] =	sst s25  }
0xb5: {  	s6 =	sshll.u32 s26, $0x1;
	_ =	strace $0x80000052;
	[dreg:$0x1] =	wrdreg $0xFFFFFFFF  }
0xb6: {  	s28 =	simm.s32 $_size_execute0_lowered;
	s4 =	sadd.s32 s4, s6;
	[dreg:$0x0] =	wrdreg $0x0  }
0xb7: {  	s6 =	sshll.u32 s28, $0x1;
	[dreg:$0x2] =	wrdreg s4  }
0xb8: {  	[dreg:$0x3] =	wrdreg s6  }
0xb9: {  	[dreg:$0x4] =	wrdreg $0xC0  }
0xba: {  	_ =	task [dreg:s22], $0x5FFFF  }
0xbb: {  	[dreg:$0x1] =	wrdreg $0xFFFFFFFF  }
0xbc: {  	[dreg:$0x0] =	wrdreg $0x60  }
0xbd: {  	[dreg:$0x2] =	wrdreg s24  }
0xbe: {  	[dreg:$0x3] =	wrdreg s18  }
0xbf: {  	[dreg:$0x4] =	wrdreg $0x82000  }
0xc0: {  	[dreg:$0x5] =	wrdreg $0xA  }
0xc1: {  	_ =	task.clear_ibuf [dreg:s22], $0x6FFFF;
	_ =	strace $0x90000052  }
0xc2: {  	s29 =	simm.s32 $0xA;
	_ =	strace $0x80000054  }
0xc3: {  	_ =	swait.ge [sflag:s29], $0x1  }
0xc4: {  	[sflag:s29] =	ssyncadd.s32 $0xFFFFFFFF  }
0xc5: {  	_ =	strace $0x90000054  }
0xc6: {  	_ =	sfence  }
0xc7: {  	s30 =	sld [smem:$0x0];
	_ =	sdelay $0x2  }
0xc8: {  	s31 =	sshll.u32 s1, $0xD;
	s1 =	sshrl.u32 s1, $0x2  }
0xc9: {  	s4 =	sand.u32 $0x4000, s31;
	s1 =	sadd.s32 s1, s30  }
0xca: {  	s0 =	sor.u32 s4, s0;
	s1 =	sshll.u32 s1, $0x11  }
0xcb: {  	s0 =	sor.u32 s1, s0  }
0xcc: {  	s0 =	sadd.s32 $0x8F2B, s0  }
0xcd: {  	[sflag:s0] =	ssyncadd.remote.s32 $0x1  }
0xce: {  	_ =	sfence.sel $0xFFFF  }
0xcf: {  	[dreg:$0x0] =	wrdreg $0xFFFFFFFF;
	(pc) =	sbr.abs _section_cstart, $3  }
0xd0: {  	[dreg:$0x1] =	wrdreg $0xFFFFFFFF  }
0xd1: {  	_ =	task.clear_ibuf [dreg:s22], $0x2FFFF;
	_ =	strace $0x9FFFFFFF  }
0xd2: {  	(tm) =	ssettm $0x7FFFFFFF  }
0xd3: {  	_ =	shalt  }
tec
execute0_lowered:
.L_overlay_start_1:
0x0: {  	(tag) =	ssettag $0x1  }
0x1: {  	s7 =	rddreg [dreg:$0x0]  }
0x2: {  	s1 =	rddreg [dreg:$0x1]  }
0x3: {  	s2 =	rddreg [dreg:$0x2];
	s3 =	srdreg.scid  }
0x4: {  	s13 =	stileid.u32;
	s0 =	rddreg [dreg:$0x3];
	s17 =	simm.s32 $0x100  }
0x5: {  	s18 =	simm.s32 $0x4200;
	s19 =	simm.s32 $0x3;
	s20 =	simm.s32 $0x5  }
0x6: {  	s21 =	simm.s32 $0x2;
	s22 =	simm.s32 $0x180;
	s23 =	simm.s32 $0x4  }
0x7: {  	s24 =	simm.s32 $0x0;
	s8 =	sand.u32 $0x1, s3;
	s4 =	sshll.u32 s13, $0x1  }
0x8: {  	s3 =	simm.s32 $0x0;
	s12 =	sadd.s32 $0x41F000, s7;
	s14 =	smul.u32 $0xA0000, s13  }
0x9: {  	s6 =	sadd.s32 $0x1E9800, s7;
	p0 =	sne.s32 s13, $0x0;
	s9 =	smul.u32 $0x280, s8  }
0xa: {  	s13 =	simm.s32 $0x200;
	s5 =	sor.u32 s8, s4;
	s16 =	smul.u32 $0x50000, s8  }
0xb: {  	[smem:$0x7FF] =	sst s3;
	s11 =	ssub.s32 $0x2, s8;
	s4 =	smul.u32 $0xC00, s5  }
0xc: {  	_ =	strace $0x80000053;
	s10 =	smul.u32 $0xA000, s5;
	s15 =	sshrl.u32 s11, $0x1  }
0xd: {  	s5 =	sadd.s32 $0x6000, s7;
	s9 =	sadd.s32 s9, s7;
	s11 =	ssub.s32 s11, s15  }
0xe: {  	s28 =	sadd.s32 s16, s14;
	s15 =	simm.s32 $0x1;
	s16 =	simm.s32 $0x80  }
0xf: {  	s26 =	sshrl.u32 s4, $0x3;
	s8 =	sadd.s32 s12, s10;
	s9 =	sadd.s32 $0x217000, s9  }
0x10: {  	s14 =	sor.u32 $0x4000, s28;
	s29 =	sor.u32 $0x8000, s28;
	s10 =	smax.u32 s11, $0x1  }
0x11: {  	s7 =	sadd.s32 s5, s26;
	s30 =	sshrl.u32 s14, $0x3;
	s31 =	sshrl.u32 s29, $0x3  }
0x12: {  	s14 =	sshrl.u32 @!p0 s2, $0x3;
	s11 =	sadd.s32 s30, s12;
	s12 =	sadd.s32 s31, s12  }
.LBB2_1:
0x13: {  	[tilespmem:s3], [sflag:$0x1] =	stream.linear.gather [hbm4b:s7+s3], $0x80, $0x38;
	[tilespmem:$0x8340] =	vst v63  }
0x14: {  	s25 =	simm.s32 @!p0 $0x1C06  }
0x15: {  	[tilespmem:s13], [sflag:$0x1] =	stream.linear.gather [hbm4b:s8+s3], $0x4000, $0x38;
	[tilespmem:$0x8340] =	vst v63  }
0x16: {  	[spmem:s14], [sflag:s25] =	dma.local @!p0 [hbm:s6], $0x280  }
0x17: {  	s25 =	simm.s32 @!p0 $0x6  }
0x18: {  	_ =	swait.ge @!p0 [sflag:s25], $0x280  }
0x19: {  	[sflag:s25] =	ssyncset.done @!p0 $0x0  }
0x1a: {  	[sflag:s25] =	ssyncadd.s32 @!p0 $0xFFFFFD80  }
0x1b: {  	[bflag:$0x0] =	sbarrier.arrive $0xFFFF  }
0x1c: {  	_ =	swait.ge [sflag:s15], $0x80  }
0x1d: {  	[sflag:s15] =	ssyncset.done $0x0  }
0x1e: {  	s31 =	sand.u32 $0xC00, s3;
	s26 =	simm.s32 $0x80;
	[sflag:s15] =	ssyncadd.s32 $0xFFFFFF80  }
0x1f: {  	s26 =	sand.u32 $0x380, s26;
	s25 =	sadd.s32 s4, s31;
	_ =	swait.ge [sflag:s15], $0x4000  }
0x20: {  	s25 =	sor.u32 s25, s26;
	[sflag:s15] =	ssyncset.done $0x0  }
0x21: {  	s25 =	sshrl.u32 s25, $0x3;
	[sflag:s15] =	ssyncadd.s32 $0xFFFFC000  }
0x22: {  	[tilespmem:s17], [sflag:$0x3] =	stream.indirect.gather [hbm4b:s1+s16], $0x1, s3, s16, $0xb8;
	[tilespmem:$0x8340] =	vst v63  }
0x23: {  	s25 =	sadd.s32 s5, s25  }
0x24: {  	[tilespmem:s16], [sflag:$0x2] =	stream.linear.gather [hbm4b:s25+s3], $0x80, $0x38;
	[tilespmem:$0x8340] =	vst v63  }
0x25: {  	_ = 	snop  }
0x26: {  	[tilespmem:s18], [sflag:$0x2] =	stream.linear.gather [hbm4b:s11+s3], $0x4000, $0x38;
	[tilespmem:$0x8340] =	vst v63  }
0x27: {  	_ =	swait.ge [sflag:s19], $0x80  }
0x28: {  	[sflag:s19] =	ssyncset.done $0x0  }
0x29: {  	[sflag:s19] =	ssyncadd.s32 $0xFFFFFF80  }
0x2a: {  	[spmem:s2] =	stream.indirect.scatter.add.f32 [tilespmem:s13], [sflag:$0x5], $0x80, s17, s16, $0xb8;
	[tilespmem:$0x8340] =	vst v63  }
0x2b: {  	_ =	swait.ge [sflag:s20], $0x4000  }
0x2c: {  	[sflag:s20] =	ssyncset.done $0x0  }
0x2d: {  	[sflag:s20] =	ssyncadd.s32 $0xFFFFC000  }
0x2e: {  	p1 =	por $0x0, $0x0;
	_ =	swait.ge [sflag:s21], $0x80  }
0x2f: {  	s25 =	simm.s32 @!p1 $0x100;
	[sflag:s21] =	ssyncset.done $0x0  }
0x30: {  	s26 =	sand.u32 @!p1 $0x1C00, s25;
	[sflag:s21] =	ssyncadd.s32 $0xFFFFFF80  }
0x31: {  	s25 =	sand.u32 @!p1 $0x300, s25;
	s26 =	sadd.s32 @!p1 s4, s26;
	_ =	swait.ge [sflag:s21], $0x4000  }
0x32: {  	s25 =	sor.u32 @!p1 s25, s26;
	[sflag:s21] =	ssyncset.done $0x0  }
0x33: {  	s25 =	sshrl.u32 @!p1 s25, $0x3;
	[sflag:s21] =	ssyncadd.s32 $0xFFFFC000  }
0x34: {  	[tilespmem:s22], [sflag:$0x4] =	stream.indirect.gather [hbm4b:s1+s16], $0x1, s16, s16, $0xb8;
	[tilespmem:$0x8340] =	vst v63  }
0x35: {  	s26 =	simm.s32 @!p1 $0x0;
	s25 =	sadd.s32 @!p1 s5, s25  }
0x36: {  	[tilespmem:s26], [sflag:$0x1] =	stream.linear.gather @!p1 [hbm4b:s25+s26], $0x80, $0x38;
	[tilespmem:$0x8340] =	vst v63  }
0x37: {  	s25 =	simm.s32 @!p1 $0x200  }
0x38: {  	[tilespmem:s25], [sflag:$0x1] =	stream.linear.gather @!p1 [hbm4b:s12+s26], $0x4000, $0x38;
	[tilespmem:$0x8340] =	vst v63  }
0x39: {  	_ =	swait.ge [sflag:s23], $0x80  }
0x3a: {  	[sflag:s23] =	ssyncset.done $0x0  }
0x3b: {  	s28 =	smov.u32 s11;
	[sflag:s23] =	ssyncadd.s32 $0xFFFFFF80  }
0x3c: {  	[spmem:s2] =	stream.indirect.scatter.add.f32 [tilespmem:s18], [sflag:$0x5], $0x80, s22, s16, $0xb8;
	[tilespmem:$0x8340] =	vst v63  }
0x3d: {  	s25 =	simm.s32 $0x100;
	s26 =	sadd.s32 $0x1000, s12;
	_ =	swait.ge [sflag:s20], $0x4000  }
.LBB2_2:
0x3e: {  	[sflag:s20] =	ssyncset.done $0x0  }
0x3f: {  	s28 =	sadd.s32 $0x1000, s28;
	s29 =	smov.u32 s25;
	s25 =	sadd.s32 $0x100, s25  }
0x40: {  	p1 =	sne.s32 s25, $0xA00;
	[sflag:s20] =	ssyncadd.s32 $0xFFFFC000  }
0x41: {  	_ =	swait.ge [sflag:s15], $0x80  }
0x42: {  	[sflag:s15] =	ssyncset.done $0x0  }
0x43: {  	s30 =	sand.u32 $0xC00, s29;
	s31 =	sadd.s32 $0x80, s29;
	[sflag:s15] =	ssyncadd.s32 $0xFFFFFF80  }
0x44: {  	s30 =	sadd.s32 s4, s30;
	s31 =	sand.u32 $0x380, s31;
	_ =	swait.ge [sflag:s15], $0x4000  }
0x45: {  	s30 =	sor.u32 s30, s31;
	[sflag:s15] =	ssyncset.done $0x0  }
0x46: {  	s30 =	sshrl.u32 s30, $0x3;
	[sflag:s15] =	ssyncadd.s32 $0xFFFFC000  }
0x47: {  	[tilespmem:s17], [sflag:$0x3] =	stream.indirect.gather [hbm4b:s1+s16], $0x1, s3, s16, $0xb8;
	[tilespmem:$0x8340] =	vst v63  }
0x48: {  	s30 =	sadd.s32 s5, s30  }
0x49: {  	[tilespmem:s16], [sflag:$0x2] =	stream.linear.gather [hbm4b:s30+s3], $0x80, $0x38;
	[tilespmem:$0x8340] =	vst v63  }
0x4a: {  	_ = 	snop  }
0x4b: {  	[tilespmem:s18], [sflag:$0x2] =	stream.linear.gather [hbm4b:s28+s3], $0x4000, $0x38;
	[tilespmem:$0x8340] =	vst v63  }
0x4c: {  	_ =	swait.ge [sflag:s19], $0x80  }
0x4d: {  	[sflag:s19] =	ssyncset.done $0x0  }
0x4e: {  	[sflag:s19] =	ssyncadd.s32 $0xFFFFFF80  }
0x4f: {  	[spmem:s2] =	stream.indirect.scatter.add.f32 [tilespmem:s13], [sflag:$0x5], $0x80, s17, s16, $0xb8;
	[tilespmem:$0x8340] =	vst v63  }
0x50: {  	_ =	swait.ge [sflag:s20], $0x4000  }
0x51: {  	[sflag:s20] =	ssyncset.done $0x0  }
0x52: {  	[sflag:s20] =	ssyncadd.s32 $0xFFFFC000  }
0x53: {  	p2 =	seq.s32 s29, $0x900;
	_ =	swait.ge [sflag:s21], $0x80  }
0x54: {  	s29 =	sadd.s32 @!p2 $0x100, s29;
	[sflag:s21] =	ssyncset.done $0x0  }
0x55: {  	s30 =	sand.u32 @!p2 $0x1C00, s29;
	s29 =	sand.u32 @!p2 $0x300, s29;
	[sflag:s21] =	ssyncadd.s32 $0xFFFFFF80  }
0x56: {  	s30 =	sadd.s32 @!p2 s4, s30;
	_ =	swait.ge [sflag:s21], $0x4000  }
0x57: {  	s29 =	sor.u32 @!p2 s29, s30;
	[sflag:s21] =	ssyncset.done $0x0  }
0x58: {  	s30 =	simm.s32 @!p2 $0x0;
	s29 =	sshrl.u32 @!p2 s29, $0x3;
	[sflag:s21] =	ssyncadd.s32 $0xFFFFC000  }
0x59: {  	[tilespmem:s22], [sflag:$0x4] =	stream.indirect.gather [hbm4b:s1+s16], $0x1, s16, s16, $0xb8;
	[tilespmem:$0x8340] =	vst v63  }
0x5a: {  	s31 =	simm.s32 @!p2 $0x200;
	s29 =	sadd.s32 @!p2 s5, s29  }
0x5b: {  	[tilespmem:s30], [sflag:$0x1] =	stream.linear.gather @!p2 [hbm4b:s29+s30], $0x80, $0x38;
	[tilespmem:$0x8340] =	vst v63  }
0x5c: {  	_ = 	snop  }
0x5d: {  	[tilespmem:s31], [sflag:$0x1] =	stream.linear.gather @!p2 [hbm4b:s26+s30], $0x4000, $0x38;
	[tilespmem:$0x8340] =	vst v63  }
.Ltmp0:
0x5e: {  	_ =	swait.ge [sflag:s23], $0x80;
	(pc) =	sbr.rel @p1 .LBB2_2-.Ltmp0, $4  }
0x5f: {  	[sflag:s23] =	ssyncset.done $0x0  }
0x60: {  	[sflag:s23] =	ssyncadd.s32 $0xFFFFFF80  }
0x61: {  	[spmem:s2] =	stream.indirect.scatter.add.f32 [tilespmem:s18], [sflag:$0x5], $0x80, s22, s16, $0xb8;
	[tilespmem:$0x8340] =	vst v63  }
0x62: {  	s26 =	sadd.s32 $0x1000, s26;
	_ =	swait.ge [sflag:s20], $0x4000  }
0x63: {  	[sflag:s20] =	ssyncset.done $0x0  }
0x64: {  	s24 =	sadd.s32 $0x1, s24;
	[sflag:s20] =	ssyncadd.s32 $0xFFFFC000  }
0x65: {  	s25 =	simm.s32 @!p0 $0x1C06;
	p1 =	sne.s32 s24, s10;
	[bflag:$0x0] =	sbarrier.arrive $0xFFFF  }
0x66: {  	[hbm:s9], [sflag:s25] =	dma.local @!p0 [spmem:s14], $0x280  }
.Ltmp1:
0x67: {  	_ = 	snop;
	(pc) =	sbr.rel @p1 .LBB2_1-.Ltmp1, $4  }
0x68: {  	s25 =	simm.s32 @!p0 $0x6  }
0x69: {  	_ =	swait.ge @!p0 [sflag:s25], $0x280  }
0x6a: {  	[sflag:s25] =	ssyncset.done @!p0 $0x0  }
0x6b: {  	[sflag:s25] =	ssyncadd.s32 @!p0 $0xFFFFFD80  }
0x6c: {  	_ =	sfence.sel $0x180000  }
0x6d: {  	[bflag:$0x0] =	sbarrier.arrive $0xFFFF  }
0x6e: {  	_ =	strace $0x90000053  }
0x6f: {  	s0 =	sadd.s32 @!p0 $0x100000, s0;
	[bflag:$0x2] =	sbarrier.arrive $0xFFFF  }
0x70: {  	[sflag:s0] =	ssyncadd.tile.s32 @!p0 $0x1;
	_ =	shalt  }
.Lfunc_end2:
_tile_overlayer_lowered:
.L_overlay_start_2:
0x71: {  	(tag) =	ssettag $0x2  }
0x72: {  	s0 =	rddreg [dreg:$0x0];
	s2 =	stileid.u32  }
0x73: {  	s1 =	rddreg [dreg:$0x1];
	p0 =	sne.s32 s2, $0x0  }
0x74: {  	s3 =	rddreg [dreg:$0x2];
	[bflag:$0x3] =	sbarrier.arrive $0xFFFF;
	s2 =	simm.s32 @!p0 $0x1C06  }
0x75: {  	[timem:s3], [sflag:s2] =	dma.local @!p0 [hbm:s0], s1  }
0x76: {  	s0 =	simm.s32 @!p0 $0x6  }
0x77: {  	_ =	swait.ge @!p0 [sflag:s0], s1  }
0x78: {  	s1 =	ssub.s32 @!p0 $0x0, s1;
	[sflag:s0] =	ssyncset.done @!p0 $0x0  }
0x79: {  	[sflag:s0] =	ssyncadd.s32 @!p0 s1  }
0x7a: {  	[bflag:$0x3] =	sbarrier.arrive $0xFFFF  }
0x7b: {  	_ =	shalt  }

</sc_bundles>
